<compile_context>
chip_gen: v7x
topology: tpu7x:2x2x1
jax: 0.10.2.dev20260603
libtpu: 0.0.44.dev20260713+nightly
codegen_flags: <defaults>
</compile_context>

<pallas_src>
import functools

import jax
import jax.numpy as jnp
import numpy as np
from jax import lax
from jax.experimental import pallas as pl
from jax.experimental.pallas import tpu as pltpu
from jax.experimental.pallas import tpu_sc as plsc

_NC = 2
_NS = 16
_NW = _NC * _NS
_STEPS = 3
_LP = 128
_WS = 48
_C = 125
_Q = 5



def _pad_cols(x, width):
    n = x.shape[0]
    return jnp.concatenate([x, jnp.zeros((n, width - x.shape[1]), x.dtype)], axis=1)


def _dense_relu_pad(x, w, b):
    n, _ = x.shape

    def body(x_ref, w_ref, b_ref, o_ref):
        acc = jnp.dot(x_ref[...], w_ref[...], preferred_element_type=jnp.float32)
        o_ref[...] = _pad_cols(jnp.maximum(acc + b_ref[...], 0.0), _LP)

    return pl.pallas_call(
        body,
        out_shape=jax.ShapeDtypeStruct((n, _LP), jnp.float32),
    )(x, w, b)


def _edge_h(e_feat, eW1, eb1, tile):
    e, de = e_feat.shape
    d = eW1.shape[1]

    def body(ef_ref, w_ref, b_ref, o_ref):
        acc = jnp.dot(ef_ref[...], w_ref[...], preferred_element_type=jnp.float32)
        h = jnp.maximum(acc + b_ref[...], 0.0)
        ones = jnp.ones((tile, 1), jnp.float32)
        o_ref[...] = jnp.concatenate(
            [h, ones, jnp.zeros((tile, _LP - d - 1), jnp.float32)],
            axis=1)

    return pl.pallas_call(
        body,
        grid=(e // tile,),
        in_specs=[
            pl.BlockSpec((tile, de), lambda i: (i, 0)),
            pl.BlockSpec((de, d), lambda i: (0, 0)),
            pl.BlockSpec((1, d), lambda i: (0, 0)),
        ],
        out_specs=pl.BlockSpec((tile, _LP), lambda i: (i, 0)),
        out_shape=jax.ShapeDtypeStruct((e, _LP), jnp.float32),
    )(e_feat, eW1, eb1)


def _edge_messages(h_p, xs_p, t2aug, d, tile):
    e = h_p.shape[0]
    ka = t2aug.shape[0]

    ra_np = np.zeros((_LP, ka), np.float32)
    rb_np = np.zeros((_LP, ka), np.float32)
    eye_d = np.eye(d, dtype=np.float32)
    for k in range(d):
        ra_np[k, k * d:(k + 1) * d] = 1.0
        rb_np[:d, k * d:(k + 1) * d] = eye_d
    ra_np[d, d * d: d * d + d] = 1.0
    rb_np[:d, d * d: d * d + d] = eye_d
    ra = jnp.asarray(ra_np, dtype=jnp.bfloat16)
    rb = jnp.asarray(rb_np, dtype=jnp.bfloat16)

    def body(h_ref, xs_ref, ra_ref, rb_ref, t2_ref, o_ref):
        h16 = h_ref[...].astype(jnp.bfloat16)
        x16 = xs_ref[...].astype(jnp.bfloat16)
        he = jnp.dot(h16, ra_ref[...], preferred_element_type=jnp.float32)
        xt = jnp.dot(x16, rb_ref[...], preferred_element_type=jnp.float32)
        o_ref[...] = jnp.dot((he * xt).astype(jnp.bfloat16), t2_ref[...],
                             preferred_element_type=jnp.float32)

    return pl.pallas_call(
        body,
        grid=(e // tile,),
        in_specs=[
            pl.BlockSpec((tile, _LP), lambda i: (i, 0)),
            pl.BlockSpec((tile, _LP), lambda i: (i, 0)),
            pl.BlockSpec((_LP, ka), lambda i: (0, 0)),
            pl.BlockSpec((_LP, ka), lambda i: (0, 0)),
            pl.BlockSpec((ka, _LP), lambda i: (0, 0)),
        ],
        out_specs=pl.BlockSpec((tile, _LP), lambda i: (i, 0)),
        out_shape=jax.ShapeDtypeStruct((e, _LP), jnp.float32),
    )(h_p, xs_p, ra, rb, t2aug)


def _node_update(agg2, out_p, res_W, conv_bias, msg_W1, msg_W2, msg_b, init):
    n = out_p.shape[0]
    d = res_W.shape[0]
    with_init = init is not None

    def body(*refs):
        if with_init:
            (agg_ref, out_ref, rw_ref, cb_ref, w1_ref, w2_ref, mb_ref,
             init_ref, o_ref) = refs
        else:
            (agg_ref, out_ref, rw_ref, cb_ref, w1_ref, w2_ref, mb_ref,
             o_ref) = refs
        ov = out_ref[:, :d]
        agg = agg_ref[0, :, :d] + agg_ref[1, :, :d]
        m = agg + jnp.dot(ov, rw_ref[...], preferred_element_type=jnp.float32)
        m = jnp.maximum(m + cb_ref[...], 0.0)
        res = jnp.dot(m, w1_ref[...], preferred_element_type=jnp.float32)
        res = res + jnp.dot(ov, w2_ref[...], preferred_element_type=jnp.float32)
        res = res + mb_ref[...]
        if with_init:
            o_ref[...] = res + init_ref[...]
        else:
            o_ref[...] = _pad_cols(res, _LP)

    args = [agg2, out_p, res_W, conv_bias, msg_W1, msg_W2, msg_b]
    if with_init:
        args.append(init)
    width = d if with_init else _LP
    return pl.pallas_call(
        body,
        out_shape=jax.ShapeDtypeStruct((n, width), jnp.float32),
    )(*args)



def _make_gather(n, e, dtype):
    ew = e // _NW
    gq = 8
    batch = gq * _C
    g_outer = ew // batch
    j_chunks = ew // _C
    mesh = plsc.VectorSubcoreMesh(core_axis_name="c", subcore_axis_name="s")

    @functools.partial(
        pl.kernel,
        out_type=jax.ShapeDtypeStruct((e, _LP), dtype),
        mesh=mesh,
        compiler_params=pltpu.CompilerParams(use_tc_tiling_on_sc=True),
        scratch_types=[
            pltpu.VMEM((gq, _C), jnp.int32),
            pltpu.VMEM((batch, _LP), dtype),
            pltpu.SemaphoreType.DMA,
        ],
    )
    def gath(table_hbm, idx_hbm, out_hbm, idx_v, rows_v, sem):
        cid = lax.axis_index("c")
        sid = lax.axis_index("s")
        w = cid * _NS + sid

        def ibody(i, carry):
            pltpu.sync_copy(idx_hbm.at[w, pl.ds(i * gq, gq)], idx_v)
            handles = [
                pltpu.async_copy(
                    table_hbm.at[idx_v.at[q]],
                    rows_v.at[pl.ds(q * _C, _C)],
                    sem,
                )
                for q in range(gq)
            ]
            for hd in handles:
                hd.wait()
            pltpu.sync_copy(rows_v, out_hbm.at[pl.ds(w * ew + i * batch, batch)])
            return carry

        lax.fori_loop(0, g_outer, ibody, 0)

    return gath


def _make_scatter(n, e):
    ew = e // _NW
    batch = _Q * _C
    g_outer = ew // batch
    j_chunks = ew // _C
    rows_per_tile = n // _NS
    mesh = plsc.VectorSubcoreMesh(core_axis_name="c", subcore_axis_name="s")

    @functools.partial(
        pl.kernel,
        out_type=jax.ShapeDtypeStruct((_NC, n, _LP), jnp.float32),
        mesh=mesh,
        compiler_params=pltpu.CompilerParams(use_tc_tiling_on_sc=False),
        scratch_types=[
            pltpu.VMEM((j_chunks, _C), jnp.int32),
            pltpu.VMEM((batch, _WS), jnp.float32),
            pltpu.VMEM((rows_per_tile, _WS), jnp.float32),
            pltpu.VMEM_SHARED((n, _WS), jnp.float32),
        ],
    )
    def scat(msg_hbm, dst_hbm, zeros_hbm, out_hbm, idx_v, msg_v, stage_v, agg_sh):
        cid = lax.axis_index("c")
        sid = lax.axis_index("s")
        w = cid * _NS + sid
        r0 = sid * rows_per_tile
        pltpu.sync_copy(zeros_hbm.at[pl.ds(r0, rows_per_tile)], stage_v)
        pltpu.sync_copy(stage_v, agg_sh.at[pl.ds(r0, rows_per_tile)])
        plsc.subcore_barrier()
        pltpu.sync_copy(dst_hbm.at[w], idx_v)

        def ibody(i, carry):
            pltpu.sync_copy(
                msg_hbm.at[pl.ds(w * ew + i * batch, batch), pl.ds(0, _WS)],
                msg_v,
            )
            for q in range(_Q):
                pltpu.sync_copy(
                    msg_v.at[pl.ds(q * _C, _C)],
                    agg_sh.at[idx_v.at[i * _Q + q]],
                    add=True,
                )
            return carry

        lax.fori_loop(0, g_outer, ibody, 0)
        plsc.subcore_barrier()
        pltpu.sync_copy(agg_sh.at[pl.ds(r0, rows_per_tile)], stage_v)
        pltpu.sync_copy(
            stage_v,
            out_hbm.at[cid, pl.ds(r0, rows_per_tile), pl.ds(0, _WS)],
        )

    return scat



def kernel(n_feat, edge_index, e_feat, lin0_W, lin0_b, eW1, eb1, eW2, eb2,
           res_W, conv_bias, msg_W, msg_b):
    n, d = n_feat.shape
    e = e_feat.shape[0]

    ew = e // _NW
    j_chunks = ew // _C
    assert ew * _NW == e and j_chunks * _C == ew and ew % (_Q * _C) == 0
    assert n % _NS == 0

    src3 = edge_index[0].reshape(_NW, j_chunks, _C)
    dst3 = edge_index[1].reshape(_NW, j_chunks, _C)

    ka = -(-(d * d + d) // _LP) * _LP
    t2aug = jnp.zeros((ka, _LP), jnp.float32)
    t2aug = t2aug.at[: d * d, :d].set(eW2.reshape(d * d, d))
    t2aug = t2aug.at[d * d: d * d + d, :d].set(eb2.reshape(d, d))

    t2aug16 = t2aug.astype(jnp.bfloat16)

    w1 = msg_W[:d]
    w2 = msg_W[d:]
    zeros_n = jnp.zeros((n, _WS), jnp.float32)

    gather = _make_gather(n, e, jnp.float32)
    scatter = _make_scatter(n, e)

    out_p = _dense_relu_pad(n_feat, lin0_W, lin0_b.reshape(1, d))
    h_p = _edge_h(e_feat, eW1, eb1.reshape(1, d), tile=8000)

    for step in range(_STEPS):
        xs_p = gather(out_p, src3)
        msg_p = _edge_messages(h_p, xs_p, t2aug16, d, tile=1600)
        agg2 = scatter(msg_p, dst3, zeros_n)
        out_p = _node_update(
            agg2, out_p, res_W, conv_bias.reshape(1, d), w1, w2,
            msg_b.reshape(1, d),
            n_feat if step == _STEPS - 1 else None,
        )
    return out_p

# --- scband reference (transcript-rebuilt; emitter-appended) ---
"""Pipeline reference for scband-gather-model-1529008357939 (READ-ONLY COPY).

The authoritative reference and input builder live on the scoring server;
editing this copy changes nothing except your own understanding.
"""

import jax, jax.numpy as jnp
import numpy as np

N = 10000
E = 160000
D = 42
DE = 16
STEPS = 3


def setup_inputs(seed: int = 0) -> dict:
    key = jax.random.key(seed)
    ks = jax.random.split(key, 14)
    n_feat = jax.random.normal(ks[0], (N, D), dtype=jnp.float32)
    edge_index = jax.random.randint(ks[1], (2, E), 0, N, dtype=jnp.int32)
    e_feat = jax.random.normal(ks[2], (E, DE), dtype=jnp.float32)
    # lin0: Linear(D, D)
    lin0_W = jax.random.normal(ks[3], (D, D), dtype=jnp.float32) / np.sqrt(D)
    lin0_b = jnp.zeros((D,), dtype=jnp.float32)
    # edge network: Linear(DE, D) -> ReLU -> Linear(D, D*D)
    eW1 = jax.random.normal(ks[4], (DE, D), dtype=jnp.float32) / np.sqrt(DE)
    eb1 = jnp.zeros((D,), dtype=jnp.float32)
    eW2 = jax.random.normal(ks[5], (D, D * D), dtype=jnp.float32) * (0.1 / np.sqrt(D))
    eb2 = jnp.zeros((D * D,), dtype=jnp.float32)
    # NNConv residual fc (no bias) and conv bias
    res_W = jax.random.normal(ks[6], (D, D), dtype=jnp.float32) / np.sqrt(D)
    conv_bias = jnp.zeros((D,), dtype=jnp.float32)
    # message_layer: Linear(2D, D)
    msg_W = jax.random.normal(ks[7], (2 * D, D), dtype=jnp.float32) / np.sqrt(2 * D)
    msg_b = jnp.zeros((D,), dtype=jnp.float32)
    return {
        "n_feat": n_feat,
        "edge_index": edge_index,
        "e_feat": e_feat,
        "lin0_W": lin0_W,
        "lin0_b": lin0_b,
        "eW1": eW1,
        "eb1": eb1,
        "eW2": eW2,
        "eb2": eb2,
        "res_W": res_W,
        "conv_bias": conv_bias,
        "msg_W": msg_W,
        "msg_b": msg_b,
    }


def reference(n_feat, edge_index, e_feat, lin0_W, lin0_b, eW1, eb1, eW2, eb2,
              res_W, conv_bias, msg_W, msg_b):
    src = edge_index[0]
    dst = edge_index[1]
    init = n_feat
    out = jax.nn.relu(n_feat @ lin0_W + lin0_b)
    for _ in range(STEPS):
        # NNConv: per-edge weight matrix from edge features
        h = jax.nn.relu(e_feat @ eW1 + eb1)
        We = (h @ eW2 + eb2).reshape(E, D, D)
        # message: x_src @ We per edge, sum-aggregate at dst
        msg = jnp.einsum('ei,eio->eo', out[src], We)
        agg = jax.ops.segment_sum(msg, dst, num_segments=N)
        # residual fc + bias, then relu (torch.relu(self.conv(...)))
        m = jax.nn.relu(agg + out @ res_W + conv_bias)
        out = jnp.concatenate([m, out], axis=1) @ msg_W + msg_b
    return out + init

if __name__ == "__main__":
    import jax
    _d = setup_inputs()
    print(jax.jit(kernel)(*tuple(_d.values())))

</pallas_src>

<mosaic_0001>
#map = affine_map<(d0, d1) -> (0, 0)>
#map1 = affine_map<(d0, d1) -> (0, 0, 0)>
module attributes {stable_mosaic.version = 14 : i64} {
  func.func @gath(%arg0: i32, %arg1: i32, %arg2: memref<10000x128xf32, #tpu.memory_space<hbm>>, %arg3: memref<32x40x125xi32, #tpu.memory_space<hbm>>, %arg4: memref<160000x128xf32, #tpu.memory_space<hbm>>, %arg5: memref<8x125xi32, #tpu.memory_space<vmem>>, %arg6: memref<1000x128xf32, #tpu.memory_space<vmem>>, %arg7: memref<!tpu.dma_semaphore, #tpu.memory_space<semaphore_mem>>) attributes {dimension_semantics = [#tpu.dimension_semantics<core_parallel>, #tpu.dimension_semantics<subcore_parallel>], iteration_bounds = array<i64: 2, 16>, scalar_prefetch = 0 : i64, scratch_operands = 3 : i64, tpu.core_type = #tpu.core_type<sc_vector_subcore>, window_params = [{transform_indices = #map}, {transform_indices = #map1}, {transform_indices = #map}]} {
    %mul3A = arith.constant 16 : i32
    %mul3A_0 = arith.muli %arg0, %mul3A : i32
    %add3A = arith.addi %mul3A_0, %arg1 : i32
    %scan3A = arith.constant 0 : i32
    %scan3A_1 = arith.constant 0 : i32
    %scan3A_2 = arith.constant 5 : i32
    %scan3A_3 = arith.addi %scan3A_1, %scan3A_2 : i32
    %scan3A_4 = arith.constant 1 : i32
    scf.for %scan3A_6 = %scan3A_1 to %scan3A_3 step %scan3A_4  : i32 {
      %mul3A_7 = arith.constant 8 : i32
      %mul3A_8 = arith.muli %scan3A_6, %mul3A_7 : i32
      "tpu.region"() ({
        %run_scoped3A = tpu.sem_alloc : memref<!tpu.dma_semaphore, #tpu.memory_space<semaphore_mem>>
        %dma_start3A_172 = arith.constant 0 : i32
        %dma_start3A_173 = tpu.memref_slice %arg3[%add3A, %mul3A_8, %dma_start3A_172] : memref<32x40x125xi32, #tpu.memory_space<hbm>> -> memref<1x8x125xi32, #tpu.memory_space<hbm>>
        %dma_start3A_174 = tpu.memref_squeeze %dma_start3A_173 : memref<1x8x125xi32, #tpu.memory_space<hbm>> -> memref<8x125xi32, #tpu.memory_space<hbm>>
        %dma_start3A_175 = arith.constant 0 : i32
        %dma_start3A_176 = tpu.memref_slice %arg3[%add3A, %mul3A_8, %dma_start3A_175] : memref<32x40x125xi32, #tpu.memory_space<hbm>> -> memref<1x8x125xi32, #tpu.memory_space<hbm>>
        %dma_start3A_177 = tpu.memref_squeeze %dma_start3A_176 : memref<1x8x125xi32, #tpu.memory_space<hbm>> -> memref<8x125xi32, #tpu.memory_space<hbm>>
        tpu.enqueue_dma source(%dma_start3A_177 : memref<8x125xi32, #tpu.memory_space<hbm>>) target(%arg5 : memref<8x125xi32, #tpu.memory_space<vmem>>) target_semaphore(%run_scoped3A : memref<!tpu.dma_semaphore, #tpu.memory_space<semaphore_mem>>)
        %dma_wait3A_178 = arith.constant 0 : i32
        %dma_wait3A_179 = tpu.memref_slice %arg3[%add3A, %mul3A_8, %dma_wait3A_178] : memref<32x40x125xi32, #tpu.memory_space<hbm>> -> memref<1x8x125xi32, #tpu.memory_space<hbm>>
        %dma_wait3A_180 = tpu.memref_squeeze %dma_wait3A_179 : memref<1x8x125xi32, #tpu.memory_space<hbm>> -> memref<8x125xi32, #tpu.memory_space<hbm>>
        %dma_wait3A_181 = arith.constant 0 : i32
        %dma_wait3A_182 = tpu.memref_slice %arg3[%add3A, %mul3A_8, %dma_wait3A_181] : memref<32x40x125xi32, #tpu.memory_space<hbm>> -> memref<1x8x125xi32, #tpu.memory_space<hbm>>
        %dma_wait3A_183 = tpu.memref_squeeze %dma_wait3A_182 : memref<1x8x125xi32, #tpu.memory_space<hbm>> -> memref<8x125xi32, #tpu.memory_space<hbm>>
        tpu.wait_dma2 semaphore(%run_scoped3A : memref<!tpu.dma_semaphore, #tpu.memory_space<semaphore_mem>>) src(%dma_wait3A_183 : memref<8x125xi32, #tpu.memory_space<hbm>>) dst(%arg5 : memref<8x125xi32, #tpu.memory_space<vmem>>)
        tpu.yield
      }) : () -> ()
      %dma_start3A = arith.constant 0 : i32
      %dma_start3A_9 = arith.constant 0 : i32
      %dma_start3A_10 = arith.constant 0 : i32
      %dma_start3A_11 = tpu.memref_slice %arg6[%dma_start3A_9, %dma_start3A_10] : memref<1000x128xf32, #tpu.memory_space<vmem>> -> memref<125x128xf32, #tpu.memory_space<vmem>>
      %dma_start3A_12 = arith.constant 0 : i32
      %dma_start3A_13 = tpu.memref_slice %arg5[%dma_start3A, %dma_start3A_12] : memref<8x125xi32, #tpu.memory_space<vmem>> -> memref<1x125xi32, #tpu.memory_space<vmem>>
      %dma_start3A_14 = tpu.memref_squeeze %dma_start3A_13 : memref<1x125xi32, #tpu.memory_space<vmem>> -> memref<125xi32, #tpu.memory_space<vmem>>
      %dma_start3A_15 = arith.constant 0 : i32
      %dma_start3A_16 = arith.constant 0 : i32
      %dma_start3A_17 = tpu.memref_slice %arg2[%dma_start3A_15, %dma_start3A_16] : memref<10000x128xf32, #tpu.memory_space<hbm>> -> memref<10000x128xf32, #tpu.memory_space<hbm>>
      tpu.enqueue_indirect_dma source(%dma_start3A_17 : memref<10000x128xf32, #tpu.memory_space<hbm>>) target(%dma_start3A_11 : memref<125x128xf32, #tpu.memory_space<vmem>>) offsets(%dma_start3A_14 : memref<125xi32, #tpu.memory_space<vmem>>) semaphore(%arg7 : memref<!tpu.dma_semaphore, #tpu.memory_space<semaphore_mem>>)
      %dma_start3A_18 = arith.constant 1 : i32
      %dma_start3A_19 = arith.constant 125 : i32
      %dma_start3A_20 = arith.constant 0 : i32
      %dma_start3A_21 = tpu.memref_slice %arg6[%dma_start3A_19, %dma_start3A_20] : memref<1000x128xf32, #tpu.memory_space<vmem>> -> memref<125x128xf32, #tpu.memory_space<vmem>>
      %dma_start3A_22 = arith.constant 0 : i32
      %dma_start3A_23 = tpu.memref_slice %arg5[%dma_start3A_18, %dma_start3A_22] : memref<8x125xi32, #tpu.memory_space<vmem>> -> memref<1x125xi32, #tpu.memory_space<vmem>>
      %dma_start3A_24 = tpu.memref_squeeze %dma_start3A_23 : memref<1x125xi32, #tpu.memory_space<vmem>> -> memref<125xi32, #tpu.memory_space<vmem>>
      %dma_start3A_25 = arith.constant 0 : i32
      %dma_start3A_26 = arith.constant 0 : i32
      %dma_start3A_27 = tpu.memref_slice %arg2[%dma_start3A_25, %dma_start3A_26] : memref<10000x128xf32, #tpu.memory_space<hbm>> -> memref<10000x128xf32, #tpu.memory_space<hbm>>
      tpu.enqueue_indirect_dma source(%dma_start3A_27 : memref<10000x128xf32, #tpu.memory_space<hbm>>) target(%dma_start3A_21 : memref<125x128xf32, #tpu.memory_space<vmem>>) offsets(%dma_start3A_24 : memref<125xi32, #tpu.memory_space<vmem>>) semaphore(%arg7 : memref<!tpu.dma_semaphore, #tpu.memory_space<semaphore_mem>>)
      %dma_start3A_28 = arith.constant 2 : i32
      %dma_start3A_29 = arith.constant 250 : i32
      %dma_start3A_30 = arith.constant 0 : i32
      %dma_start3A_31 = tpu.memref_slice %arg6[%dma_start3A_29, %dma_start3A_30] : memref<1000x128xf32, #tpu.memory_space<vmem>> -> memref<125x128xf32, #tpu.memory_space<vmem>>
      %dma_start3A_32 = arith.constant 0 : i32
      %dma_start3A_33 = tpu.memref_slice %arg5[%dma_start3A_28, %dma_start3A_32] : memref<8x125xi32, #tpu.memory_space<vmem>> -> memref<1x125xi32, #tpu.memory_space<vmem>>
      %dma_start3A_34 = tpu.memref_squeeze %dma_start3A_33 : memref<1x125xi32, #tpu.memory_space<vmem>> -> memref<125xi32, #tpu.memory_space<vmem>>
      %dma_start3A_35 = arith.constant 0 : i32
      %dma_start3A_36 = arith.constant 0 : i32
      %dma_start3A_37 = tpu.memref_slice %arg2[%dma_start3A_35, %dma_start3A_36] : memref<10000x128xf32, #tpu.memory_space<hbm>> -> memref<10000x128xf32, #tpu.memory_space<hbm>>
      tpu.enqueue_indirect_dma source(%dma_start3A_37 : memref<10000x128xf32, #tpu.memory_space<hbm>>) target(%dma_start3A_31 : memref<125x128xf32, #tpu.memory_space<vmem>>) offsets(%dma_start3A_34 : memref<125xi32, #tpu.memory_space<vmem>>) semaphore(%arg7 : memref<!tpu.dma_semaphore, #tpu.memory_space<semaphore_mem>>)
      %dma_start3A_38 = arith.constant 3 : i32
      %dma_start3A_39 = arith.constant 375 : i32
      %dma_start3A_40 = arith.constant 0 : i32
      %dma_start3A_41 = tpu.memref_slice %arg6[%dma_start3A_39, %dma_start3A_40] : memref<1000x128xf32, #tpu.memory_space<vmem>> -> memref<125x128xf32, #tpu.memory_space<vmem>>
      %dma_start3A_42 = arith.constant 0 : i32
      %dma_start3A_43 = tpu.memref_slice %arg5[%dma_start3A_38, %dma_start3A_42] : memref<8x125xi32, #tpu.memory_space<vmem>> -> memref<1x125xi32, #tpu.memory_space<vmem>>
      %dma_start3A_44 = tpu.memref_squeeze %dma_start3A_43 : memref<1x125xi32, #tpu.memory_space<vmem>> -> memref<125xi32, #tpu.memory_space<vmem>>
      %dma_start3A_45 = arith.constant 0 : i32
      %dma_start3A_46 = arith.constant 0 : i32
      %dma_start3A_47 = tpu.memref_slice %arg2[%dma_start3A_45, %dma_start3A_46] : memref<10000x128xf32, #tpu.memory_space<hbm>> -> memref<10000x128xf32, #tpu.memory_space<hbm>>
      tpu.enqueue_indirect_dma source(%dma_start3A_47 : memref<10000x128xf32, #tpu.memory_space<hbm>>) target(%dma_start3A_41 : memref<125x128xf32, #tpu.memory_space<vmem>>) offsets(%dma_start3A_44 : memref<125xi32, #tpu.memory_space<vmem>>) semaphore(%arg7 : memref<!tpu.dma_semaphore, #tpu.memory_space<semaphore_mem>>)
      %dma_start3A_48 = arith.constant 4 : i32
      %dma_start3A_49 = arith.constant 500 : i32
      %dma_start3A_50 = arith.constant 0 : i32
      %dma_start3A_51 = tpu.memref_slice %arg6[%dma_start3A_49, %dma_start3A_50] : memref<1000x128xf32, #tpu.memory_space<vmem>> -> memref<125x128xf32, #tpu.memory_space<vmem>>
      %dma_start3A_52 = arith.constant 0 : i32
      %dma_start3A_53 = tpu.memref_slice %arg5[%dma_start3A_48, %dma_start3A_52] : memref<8x125xi32, #tpu.memory_space<vmem>> -> memref<1x125xi32, #tpu.memory_space<vmem>>
      %dma_start3A_54 = tpu.memref_squeeze %dma_start3A_53 : memref<1x125xi32, #tpu.memory_space<vmem>> -> memref<125xi32, #tpu.memory_space<vmem>>
      %dma_start3A_55 = arith.constant 0 : i32
      %dma_start3A_56 = arith.constant 0 : i32
      %dma_start3A_57 = tpu.memref_slice %arg2[%dma_start3A_55, %dma_start3A_56] : memref<10000x128xf32, #tpu.memory_space<hbm>> -> memref<10000x128xf32, #tpu.memory_space<hbm>>
      tpu.enqueue_indirect_dma source(%dma_start3A_57 : memref<10000x128xf32, #tpu.memory_space<hbm>>) target(%dma_start3A_51 : memref<125x128xf32, #tpu.memory_space<vmem>>) offsets(%dma_start3A_54 : memref<125xi32, #tpu.memory_space<vmem>>) semaphore(%arg7 : memref<!tpu.dma_semaphore, #tpu.memory_space<semaphore_mem>>)
      %dma_start3A_58 = arith.constant 5 : i32
      %dma_start3A_59 = arith.constant 625 : i32
      %dma_start3A_60 = arith.constant 0 : i32
      %dma_start3A_61 = tpu.memref_slice %arg6[%dma_start3A_59, %dma_start3A_60] : memref<1000x128xf32, #tpu.memory_space<vmem>> -> memref<125x128xf32, #tpu.memory_space<vmem>>
      %dma_start3A_62 = arith.constant 0 : i32
      %dma_start3A_63 = tpu.memref_slice %arg5[%dma_start3A_58, %dma_start3A_62] : memref<8x125xi32, #tpu.memory_space<vmem>> -> memref<1x125xi32, #tpu.memory_space<vmem>>
      %dma_start3A_64 = tpu.memref_squeeze %dma_start3A_63 : memref<1x125xi32, #tpu.memory_space<vmem>> -> memref<125xi32, #tpu.memory_space<vmem>>
      %dma_start3A_65 = arith.constant 0 : i32
      %dma_start3A_66 = arith.constant 0 : i32
      %dma_start3A_67 = tpu.memref_slice %arg2[%dma_start3A_65, %dma_start3A_66] : memref<10000x128xf32, #tpu.memory_space<hbm>> -> memref<10000x128xf32, #tpu.memory_space<hbm>>
      tpu.enqueue_indirect_dma source(%dma_start3A_67 : memref<10000x128xf32, #tpu.memory_space<hbm>>) target(%dma_start3A_61 : memref<125x128xf32, #tpu.memory_space<vmem>>) offsets(%dma_start3A_64 : memref<125xi32, #tpu.memory_space<vmem>>) semaphore(%arg7 : memref<!tpu.dma_semaphore, #tpu.memory_space<semaphore_mem>>)
      %dma_start3A_68 = arith.constant 6 : i32
      %dma_start3A_69 = arith.constant 750 : i32
      %dma_start3A_70 = arith.constant 0 : i32
      %dma_start3A_71 = tpu.memref_slice %arg6[%dma_start3A_69, %dma_start3A_70] : memref<1000x128xf32, #tpu.memory_space<vmem>> -> memref<125x128xf32, #tpu.memory_space<vmem>>
      %dma_start3A_72 = arith.constant 0 : i32
      %dma_start3A_73 = tpu.memref_slice %arg5[%dma_start3A_68, %dma_start3A_72] : memref<8x125xi32, #tpu.memory_space<vmem>> -> memref<1x125xi32, #tpu.memory_space<vmem>>
      %dma_start3A_74 = tpu.memref_squeeze %dma_start3A_73 : memref<1x125xi32, #tpu.memory_space<vmem>> -> memref<125xi32, #tpu.memory_space<vmem>>
      %dma_start3A_75 = arith.constant 0 : i32
      %dma_start3A_76 = arith.constant 0 : i32
      %dma_start3A_77 = tpu.memref_slice %arg2[%dma_start3A_75, %dma_start3A_76] : memref<10000x128xf32, #tpu.memory_space<hbm>> -> memref<10000x128xf32, #tpu.memory_space<hbm>>
      tpu.enqueue_indirect_dma source(%dma_start3A_77 : memref<10000x128xf32, #tpu.memory_space<hbm>>) target(%dma_start3A_71 : memref<125x128xf32, #tpu.memory_space<vmem>>) offsets(%dma_start3A_74 : memref<125xi32, #tpu.memory_space<vmem>>) semaphore(%arg7 : memref<!tpu.dma_semaphore, #tpu.memory_space<semaphore_mem>>)
      %dma_start3A_78 = arith.constant 7 : i32
      %dma_start3A_79 = arith.constant 875 : i32
      %dma_start3A_80 = arith.constant 0 : i32
      %dma_start3A_81 = tpu.memref_slice %arg6[%dma_start3A_79, %dma_start3A_80] : memref<1000x128xf32, #tpu.memory_space<vmem>> -> memref<125x128xf32, #tpu.memory_space<vmem>>
      %dma_start3A_82 = arith.constant 0 : i32
      %dma_start3A_83 = tpu.memref_slice %arg5[%dma_start3A_78, %dma_start3A_82] : memref<8x125xi32, #tpu.memory_space<vmem>> -> memref<1x125xi32, #tpu.memory_space<vmem>>
      %dma_start3A_84 = tpu.memref_squeeze %dma_start3A_83 : memref<1x125xi32, #tpu.memory_space<vmem>> -> memref<125xi32, #tpu.memory_space<vmem>>
      %dma_start3A_85 = arith.constant 0 : i32
      %dma_start3A_86 = arith.constant 0 : i32
      %dma_start3A_87 = tpu.memref_slice %arg2[%dma_start3A_85, %dma_start3A_86] : memref<10000x128xf32, #tpu.memory_space<hbm>> -> memref<10000x128xf32, #tpu.memory_space<hbm>>
      tpu.enqueue_indirect_dma source(%dma_start3A_87 : memref<10000x128xf32, #tpu.memory_space<hbm>>) target(%dma_start3A_81 : memref<125x128xf32, #tpu.memory_space<vmem>>) offsets(%dma_start3A_84 : memref<125xi32, #tpu.memory_space<vmem>>) semaphore(%arg7 : memref<!tpu.dma_semaphore, #tpu.memory_space<semaphore_mem>>)
      %dma_wait3A = arith.constant 0 : i32
      %dma_wait3A_88 = arith.constant 0 : i32
      %dma_wait3A_89 = arith.constant 0 : i32
      %dma_wait3A_90 = tpu.memref_slice %arg6[%dma_wait3A_88, %dma_wait3A_89] : memref<1000x128xf32, #tpu.memory_space<vmem>> -> memref<125x128xf32, #tpu.memory_space<vmem>>
      %dma_wait3A_91 = arith.constant 0 : i32
      %dma_wait3A_92 = tpu.memref_slice %arg5[%dma_wait3A, %dma_wait3A_91] : memref<8x125xi32, #tpu.memory_space<vmem>> -> memref<1x125xi32, #tpu.memory_space<vmem>>
      %dma_wait3A_93 = tpu.memref_squeeze %dma_wait3A_92 : memref<1x125xi32, #tpu.memory_space<vmem>> -> memref<125xi32, #tpu.memory_space<vmem>>
      %dma_wait3A_94 = arith.constant 0 : i32
      %dma_wait3A_95 = arith.constant 0 : i32
      %dma_wait3A_96 = tpu.memref_slice %arg2[%dma_wait3A_94, %dma_wait3A_95] : memref<10000x128xf32, #tpu.memory_space<hbm>> -> memref<10000x128xf32, #tpu.memory_space<hbm>>
      tpu.wait_indirect_dma semaphore(%arg7 : memref<!tpu.dma_semaphore, #tpu.memory_space<semaphore_mem>>) src(%dma_wait3A_96 : memref<10000x128xf32, #tpu.memory_space<hbm>>) dst(%dma_wait3A_90 : memref<125x128xf32, #tpu.memory_space<vmem>>)
      %dma_wait3A_97 = arith.constant 1 : i32
      %dma_wait3A_98 = arith.constant 125 : i32
      %dma_wait3A_99 = arith.constant 0 : i32
      %dma_wait3A_100 = tpu.memref_slice %arg6[%dma_wait3A_98, %dma_wait3A_99] : memref<1000x128xf32, #tpu.memory_space<vmem>> -> memref<125x128xf32, #tpu.memory_space<vmem>>
      %dma_wait3A_101 = arith.constant 0 : i32
      %dma_wait3A_102 = tpu.memref_slice %arg5[%dma_wait3A_97, %dma_wait3A_101] : memref<8x125xi32, #tpu.memory_space<vmem>> -> memref<1x125xi32, #tpu.memory_space<vmem>>
      %dma_wait3A_103 = tpu.memref_squeeze %dma_wait3A_102 : memref<1x125xi32, #tpu.memory_space<vmem>> -> memref<125xi32, #tpu.memory_space<vmem>>
      %dma_wait3A_104 = arith.constant 0 : i32
      %dma_wait3A_105 = arith.constant 0 : i32
      %dma_wait3A_106 = tpu.memref_slice %arg2[%dma_wait3A_104, %dma_wait3A_105] : memref<10000x128xf32, #tpu.memory_space<hbm>> -> memref<10000x128xf32, #tpu.memory_space<hbm>>
      tpu.wait_indirect_dma semaphore(%arg7 : memref<!tpu.dma_semaphore, #tpu.memory_space<semaphore_mem>>) src(%dma_wait3A_106 : memref<10000x128xf32, #tpu.memory_space<hbm>>) dst(%dma_wait3A_100 : memref<125x128xf32, #tpu.memory_space<vmem>>)
      %dma_wait3A_107 = arith.constant 2 : i32
      %dma_wait3A_108 = arith.constant 250 : i32
      %dma_wait3A_109 = arith.constant 0 : i32
      %dma_wait3A_110 = tpu.memref_slice %arg6[%dma_wait3A_108, %dma_wait3A_109] : memref<1000x128xf32, #tpu.memory_space<vmem>> -> memref<125x128xf32, #tpu.memory_space<vmem>>
      %dma_wait3A_111 = arith.constant 0 : i32
      %dma_wait3A_112 = tpu.memref_slice %arg5[%dma_wait3A_107, %dma_wait3A_111] : memref<8x125xi32, #tpu.memory_space<vmem>> -> memref<1x125xi32, #tpu.memory_space<vmem>>
      %dma_wait3A_113 = tpu.memref_squeeze %dma_wait3A_112 : memref<1x125xi32, #tpu.memory_space<vmem>> -> memref<125xi32, #tpu.memory_space<vmem>>
      %dma_wait3A_114 = arith.constant 0 : i32
      %dma_wait3A_115 = arith.constant 0 : i32
      %dma_wait3A_116 = tpu.memref_slice %arg2[%dma_wait3A_114, %dma_wait3A_115] : memref<10000x128xf32, #tpu.memory_space<hbm>> -> memref<10000x128xf32, #tpu.memory_space<hbm>>
      tpu.wait_indirect_dma semaphore(%arg7 : memref<!tpu.dma_semaphore, #tpu.memory_space<semaphore_mem>>) src(%dma_wait3A_116 : memref<10000x128xf32, #tpu.memory_space<hbm>>) dst(%dma_wait3A_110 : memref<125x128xf32, #tpu.memory_space<vmem>>)
      %dma_wait3A_117 = arith.constant 3 : i32
      %dma_wait3A_118 = arith.constant 375 : i32
      %dma_wait3A_119 = arith.constant 0 : i32
      %dma_wait3A_120 = tpu.memref_slice %arg6[%dma_wait3A_118, %dma_wait3A_119] : memref<1000x128xf32, #tpu.memory_space<vmem>> -> memref<125x128xf32, #tpu.memory_space<vmem>>
      %dma_wait3A_121 = arith.constant 0 : i32
      %dma_wait3A_122 = tpu.memref_slice %arg5[%dma_wait3A_117, %dma_wait3A_121] : memref<8x125xi32, #tpu.memory_space<vmem>> -> memref<1x125xi32, #tpu.memory_space<vmem>>
      %dma_wait3A_123 = tpu.memref_squeeze %dma_wait3A_122 : memref<1x125xi32, #tpu.memory_space<vmem>> -> memref<125xi32, #tpu.memory_space<vmem>>
      %dma_wait3A_124 = arith.constant 0 : i32
      %dma_wait3A_125 = arith.constant 0 : i32
      %dma_wait3A_126 = tpu.memref_slice %arg2[%dma_wait3A_124, %dma_wait3A_125] : memref<10000x128xf32, #tpu.memory_space<hbm>> -> memref<10000x128xf32, #tpu.memory_space<hbm>>
      tpu.wait_indirect_dma semaphore(%arg7 : memref<!tpu.dma_semaphore, #tpu.memory_space<semaphore_mem>>) src(%dma_wait3A_126 : memref<10000x128xf32, #tpu.memory_space<hbm>>) dst(%dma_wait3A_120 : memref<125x128xf32, #tpu.memory_space<vmem>>)
      %dma_wait3A_127 = arith.constant 4 : i32
      %dma_wait3A_128 = arith.constant 500 : i32
      %dma_wait3A_129 = arith.constant 0 : i32
      %dma_wait3A_130 = tpu.memref_slice %arg6[%dma_wait3A_128, %dma_wait3A_129] : memref<1000x128xf32, #tpu.memory_space<vmem>> -> memref<125x128xf32, #tpu.memory_space<vmem>>
      %dma_wait3A_131 = arith.constant 0 : i32
      %dma_wait3A_132 = tpu.memref_slice %arg5[%dma_wait3A_127, %dma_wait3A_131] : memref<8x125xi32, #tpu.memory_space<vmem>> -> memref<1x125xi32, #tpu.memory_space<vmem>>
      %dma_wait3A_133 = tpu.memref_squeeze %dma_wait3A_132 : memref<1x125xi32, #tpu.memory_space<vmem>> -> memref<125xi32, #tpu.memory_space<vmem>>
      %dma_wait3A_134 = arith.constant 0 : i32
      %dma_wait3A_135 = arith.constant 0 : i32
      %dma_wait3A_136 = tpu.memref_slice %arg2[%dma_wait3A_134, %dma_wait3A_135] : memref<10000x128xf32, #tpu.memory_space<hbm>> -> memref<10000x128xf32, #tpu.memory_space<hbm>>
      tpu.wait_indirect_dma semaphore(%arg7 : memref<!tpu.dma_semaphore, #tpu.memory_space<semaphore_mem>>) src(%dma_wait3A_136 : memref<10000x128xf32, #tpu.memory_space<hbm>>) dst(%dma_wait3A_130 : memref<125x128xf32, #tpu.memory_space<vmem>>)
      %dma_wait3A_137 = arith.constant 5 : i32
      %dma_wait3A_138 = arith.constant 625 : i32
      %dma_wait3A_139 = arith.constant 0 : i32
      %dma_wait3A_140 = tpu.memref_slice %arg6[%dma_wait3A_138, %dma_wait3A_139] : memref<1000x128xf32, #tpu.memory_space<vmem>> -> memref<125x128xf32, #tpu.memory_space<vmem>>
      %dma_wait3A_141 = arith.constant 0 : i32
      %dma_wait3A_142 = tpu.memref_slice %arg5[%dma_wait3A_137, %dma_wait3A_141] : memref<8x125xi32, #tpu.memory_space<vmem>> -> memref<1x125xi32, #tpu.memory_space<vmem>>
      %dma_wait3A_143 = tpu.memref_squeeze %dma_wait3A_142 : memref<1x125xi32, #tpu.memory_space<vmem>> -> memref<125xi32, #tpu.memory_space<vmem>>
      %dma_wait3A_144 = arith.constant 0 : i32
      %dma_wait3A_145 = arith.constant 0 : i32
      %dma_wait3A_146 = tpu.memref_slice %arg2[%dma_wait3A_144, %dma_wait3A_145] : memref<10000x128xf32, #tpu.memory_space<hbm>> -> memref<10000x128xf32, #tpu.memory_space<hbm>>
      tpu.wait_indirect_dma semaphore(%arg7 : memref<!tpu.dma_semaphore, #tpu.memory_space<semaphore_mem>>) src(%dma_wait3A_146 : memref<10000x128xf32, #tpu.memory_space<hbm>>) dst(%dma_wait3A_140 : memref<125x128xf32, #tpu.memory_space<vmem>>)
      %dma_wait3A_147 = arith.constant 6 : i32
      %dma_wait3A_148 = arith.constant 750 : i32
      %dma_wait3A_149 = arith.constant 0 : i32
      %dma_wait3A_150 = tpu.memref_slice %arg6[%dma_wait3A_148, %dma_wait3A_149] : memref<1000x128xf32, #tpu.memory_space<vmem>> -> memref<125x128xf32, #tpu.memory_space<vmem>>
      %dma_wait3A_151 = arith.constant 0 : i32
      %dma_wait3A_152 = tpu.memref_slice %arg5[%dma_wait3A_147, %dma_wait3A_151] : memref<8x125xi32, #tpu.memory_space<vmem>> -> memref<1x125xi32, #tpu.memory_space<vmem>>
      %dma_wait3A_153 = tpu.memref_squeeze %dma_wait3A_152 : memref<1x125xi32, #tpu.memory_space<vmem>> -> memref<125xi32, #tpu.memory_space<vmem>>
      %dma_wait3A_154 = arith.constant 0 : i32
      %dma_wait3A_155 = arith.constant 0 : i32
      %dma_wait3A_156 = tpu.memref_slice %arg2[%dma_wait3A_154, %dma_wait3A_155] : memref<10000x128xf32, #tpu.memory_space<hbm>> -> memref<10000x128xf32, #tpu.memory_space<hbm>>
      tpu.wait_indirect_dma semaphore(%arg7 : memref<!tpu.dma_semaphore, #tpu.memory_space<semaphore_mem>>) src(%dma_wait3A_156 : memref<10000x128xf32, #tpu.memory_space<hbm>>) dst(%dma_wait3A_150 : memref<125x128xf32, #tpu.memory_space<vmem>>)
      %dma_wait3A_157 = arith.constant 7 : i32
      %dma_wait3A_158 = arith.constant 875 : i32
      %dma_wait3A_159 = arith.constant 0 : i32
      %dma_wait3A_160 = tpu.memref_slice %arg6[%dma_wait3A_158, %dma_wait3A_159] : memref<1000x128xf32, #tpu.memory_space<vmem>> -> memref<125x128xf32, #tpu.memory_space<vmem>>
      %dma_wait3A_161 = arith.constant 0 : i32
      %dma_wait3A_162 = tpu.memref_slice %arg5[%dma_wait3A_157, %dma_wait3A_161] : memref<8x125xi32, #tpu.memory_space<vmem>> -> memref<1x125xi32, #tpu.memory_space<vmem>>
      %dma_wait3A_163 = tpu.memref_squeeze %dma_wait3A_162 : memref<1x125xi32, #tpu.memory_space<vmem>> -> memref<125xi32, #tpu.memory_space<vmem>>
      %dma_wait3A_164 = arith.constant 0 : i32
      %dma_wait3A_165 = arith.constant 0 : i32
      %dma_wait3A_166 = tpu.memref_slice %arg2[%dma_wait3A_164, %dma_wait3A_165] : memref<10000x128xf32, #tpu.memory_space<hbm>> -> memref<10000x128xf32, #tpu.memory_space<hbm>>
      tpu.wait_indirect_dma semaphore(%arg7 : memref<!tpu.dma_semaphore, #tpu.memory_space<semaphore_mem>>) src(%dma_wait3A_166 : memref<10000x128xf32, #tpu.memory_space<hbm>>) dst(%dma_wait3A_160 : memref<125x128xf32, #tpu.memory_space<vmem>>)
      %mul3A_167 = arith.constant 5000 : i32
      %mul3A_168 = arith.muli %add3A, %mul3A_167 : i32
      %mul3A_169 = arith.constant 1000 : i32
      %mul3A_170 = arith.muli %scan3A_6, %mul3A_169 : i32
      %add3A_171 = arith.addi %mul3A_168, %mul3A_170 : i32
      "tpu.region"() ({
        %run_scoped3A = tpu.sem_alloc : memref<!tpu.dma_semaphore, #tpu.memory_space<semaphore_mem>>
        %dma_start3A_172 = arith.constant 0 : i32
        %dma_start3A_173 = tpu.memref_slice %arg4[%add3A_171, %dma_start3A_172] : memref<160000x128xf32, #tpu.memory_space<hbm>> -> memref<1000x128xf32, #tpu.memory_space<hbm>>
        %dma_start3A_174 = arith.constant 0 : i32
        %dma_start3A_175 = tpu.memref_slice %arg4[%add3A_171, %dma_start3A_174] : memref<160000x128xf32, #tpu.memory_space<hbm>> -> memref<1000x128xf32, #tpu.memory_space<hbm>>
        tpu.enqueue_dma source(%arg6 : memref<1000x128xf32, #tpu.memory_space<vmem>>) target(%dma_start3A_175 : memref<1000x128xf32, #tpu.memory_space<hbm>>) target_semaphore(%run_scoped3A : memref<!tpu.dma_semaphore, #tpu.memory_space<semaphore_mem>>)
        %dma_wait3A_176 = arith.constant 0 : i32
        %dma_wait3A_177 = tpu.memref_slice %arg4[%add3A_171, %dma_wait3A_176] : memref<160000x128xf32, #tpu.memory_space<hbm>> -> memref<1000x128xf32, #tpu.memory_space<hbm>>
        %dma_wait3A_178 = arith.constant 0 : i32
        %dma_wait3A_179 = tpu.memref_slice %arg4[%add3A_171, %dma_wait3A_178] : memref<160000x128xf32, #tpu.memory_space<hbm>> -> memref<1000x128xf32, #tpu.memory_space<hbm>>
        tpu.wait_dma2 semaphore(%run_scoped3A : memref<!tpu.dma_semaphore, #tpu.memory_space<semaphore_mem>>) src(%arg6 : memref<1000x128xf32, #tpu.memory_space<vmem>>) dst(%dma_wait3A_179 : memref<1000x128xf32, #tpu.memory_space<hbm>>)
        tpu.yield
      }) : () -> ()
    }
    %scan3A_5 = arith.constant 5 : i32
    return
  }
}

#map = affine_map<(d0, d1) -> (0, 0)>
#map1 = affine_map<(d0, d1) -> (0, 0, 0)>
module attributes {stable_mosaic.version = 14 : i64} {
  func.func @gath(%arg0: i32, %arg1: i32, %arg2: memref<10000x128xf32, #tpu.memory_space<hbm>>, %arg3: memref<32x40x125xi32, #tpu.memory_space<hbm>>, %arg4: memref<160000x128xf32, #tpu.memory_space<hbm>>, %arg5: memref<8x125xi32, #tpu.memory_space<vmem>>, %arg6: memref<1000x128xf32, #tpu.memory_space<vmem>>, %arg7: memref<!tpu.dma_semaphore, #tpu.memory_space<semaphore_mem>>) attributes {dimension_semantics = [#tpu.dimension_semantics<core_parallel>, #tpu.dimension_semantics<subcore_parallel>], iteration_bounds = array<i64: 2, 16>, scalar_prefetch = 0 : i64, scratch_operands = 3 : i64, tpu.core_type = #tpu.core_type<sc_vector_subcore>, window_params = [{transform_indices = #map}, {transform_indices = #map1}, {transform_indices = #map}]} {
    %mul3A = arith.constant 16 : i32
    %mul3A_0 = arith.muli %arg0, %mul3A : i32
    %add3A = arith.addi %mul3A_0, %arg1 : i32
    %scan3A = arith.constant 0 : i32
    %scan3A_1 = arith.constant 0 : i32
    %scan3A_2 = arith.constant 5 : i32
    %scan3A_3 = arith.addi %scan3A_1, %scan3A_2 : i32
    %scan3A_4 = arith.constant 1 : i32
    scf.for %scan3A_6 = %scan3A_1 to %scan3A_3 step %scan3A_4  : i32 {
      %mul3A_7 = arith.constant 8 : i32
      %mul3A_8 = arith.muli %scan3A_6, %mul3A_7 : i32
      "tpu.region"() ({
        %run_scoped3A = tpu.sem_alloc : memref<!tpu.dma_semaphore, #tpu.memory_space<semaphore_mem>>
        %dma_start3A_172 = arith.constant 0 : i32
        %dma_start3A_173 = tpu.memref_slice %arg3[%add3A, %mul3A_8, %dma_start3A_172] : memref<32x40x125xi32, #tpu.memory_space<hbm>> -> memref<1x8x125xi32, #tpu.memory_space<hbm>>
        %dma_start3A_174 = tpu.memref_squeeze %dma_start3A_173 : memref<1x8x125xi32, #tpu.memory_space<hbm>> -> memref<8x125xi32, #tpu.memory_space<hbm>>
        %dma_start3A_175 = arith.constant 0 : i32
        %dma_start3A_176 = tpu.memref_slice %arg3[%add3A, %mul3A_8, %dma_start3A_175] : memref<32x40x125xi32, #tpu.memory_space<hbm>> -> memref<1x8x125xi32, #tpu.memory_space<hbm>>
        %dma_start3A_177 = tpu.memref_squeeze %dma_start3A_176 : memref<1x8x125xi32, #tpu.memory_space<hbm>> -> memref<8x125xi32, #tpu.memory_space<hbm>>
        tpu.enqueue_dma source(%dma_start3A_177 : memref<8x125xi32, #tpu.memory_space<hbm>>) target(%arg5 : memref<8x125xi32, #tpu.memory_space<vmem>>) target_semaphore(%run_scoped3A : memref<!tpu.dma_semaphore, #tpu.memory_space<semaphore_mem>>)
        %dma_wait3A_178 = arith.constant 0 : i32
        %dma_wait3A_179 = tpu.memref_slice %arg3[%add3A, %mul3A_8, %dma_wait3A_178] : memref<32x40x125xi32, #tpu.memory_space<hbm>> -> memref<1x8x125xi32, #tpu.memory_space<hbm>>
        %dma_wait3A_180 = tpu.memref_squeeze %dma_wait3A_179 : memref<1x8x125xi32, #tpu.memory_space<hbm>> -> memref<8x125xi32, #tpu.memory_space<hbm>>
        %dma_wait3A_181 = arith.constant 0 : i32
        %dma_wait3A_182 = tpu.memref_slice %arg3[%add3A, %mul3A_8, %dma_wait3A_181] : memref<32x40x125xi32, #tpu.memory_space<hbm>> -> memref<1x8x125xi32, #tpu.memory_space<hbm>>
        %dma_wait3A_183 = tpu.memref_squeeze %dma_wait3A_182 : memref<1x8x125xi32, #tpu.memory_space<hbm>> -> memref<8x125xi32, #tpu.memory_space<hbm>>
        tpu.wait_dma2 semaphore(%run_scoped3A : memref<!tpu.dma_semaphore, #tpu.memory_space<semaphore_mem>>) src(%dma_wait3A_183 : memref<8x125xi32, #tpu.memory_space<hbm>>) dst(%arg5 : memref<8x125xi32, #tpu.memory_space<vmem>>)
        tpu.yield
      }) : () -> ()
      %dma_start3A = arith.constant 0 : i32
      %dma_start3A_9 = arith.constant 0 : i32
      %dma_start3A_10 = arith.constant 0 : i32
      %dma_start3A_11 = tpu.memref_slice %arg6[%dma_start3A_9, %dma_start3A_10] : memref<1000x128xf32, #tpu.memory_space<vmem>> -> memref<125x128xf32, #tpu.memory_space<vmem>>
      %dma_start3A_12 = arith.constant 0 : i32
      %dma_start3A_13 = tpu.memref_slice %arg5[%dma_start3A, %dma_start3A_12] : memref<8x125xi32, #tpu.memory_space<vmem>> -> memref<1x125xi32, #tpu.memory_space<vmem>>
      %dma_start3A_14 = tpu.memref_squeeze %dma_start3A_13 : memref<1x125xi32, #tpu.memory_space<vmem>> -> memref<125xi32, #tpu.memory_space<vmem>>
      %dma_start3A_15 = arith.constant 0 : i32
      %dma_start3A_16 = arith.constant 0 : i32
      %dma_start3A_17 = tpu.memref_slice %arg2[%dma_start3A_15, %dma_start3A_16] : memref<10000x128xf32, #tpu.memory_space<hbm>> -> memref<10000x128xf32, #tpu.memory_space<hbm>>
      tpu.enqueue_indirect_dma source(%dma_start3A_17 : memref<10000x128xf32, #tpu.memory_space<hbm>>) target(%dma_start3A_11 : memref<125x128xf32, #tpu.memory_space<vmem>>) offsets(%dma_start3A_14 : memref<125xi32, #tpu.memory_space<vmem>>) semaphore(%arg7 : memref<!tpu.dma_semaphore, #tpu.memory_space<semaphore_mem>>)
      %dma_start3A_18 = arith.constant 1 : i32
      %dma_start3A_19 = arith.constant 125 : i32
      %dma_start3A_20 = arith.constant 0 : i32
      %dma_start3A_21 = tpu.memref_slice %arg6[%dma_start3A_19, %dma_start3A_20] : memref<1000x128xf32, #tpu.memory_space<vmem>> -> memref<125x128xf32, #tpu.memory_space<vmem>>
      %dma_start3A_22 = arith.constant 0 : i32
      %dma_start3A_23 = tpu.memref_slice %arg5[%dma_start3A_18, %dma_start3A_22] : memref<8x125xi32, #tpu.memory_space<vmem>> -> memref<1x125xi32, #tpu.memory_space<vmem>>
      %dma_start3A_24 = tpu.memref_squeeze %dma_start3A_23 : memref<1x125xi32, #tpu.memory_space<vmem>> -> memref<125xi32, #tpu.memory_space<vmem>>
      %dma_start3A_25 = arith.constant 0 : i32
      %dma_start3A_26 = arith.constant 0 : i32
      %dma_start3A_27 = tpu.memref_slice %arg2[%dma_start3A_25, %dma_start3A_26] : memref<10000x128xf32, #tpu.memory_space<hbm>> -> memref<10000x128xf32, #tpu.memory_space<hbm>>
      tpu.enqueue_indirect_dma source(%dma_start3A_27 : memref<10000x128xf32, #tpu.memory_space<hbm>>) target(%dma_start3A_21 : memref<125x128xf32, #tpu.memory_space<vmem>>) offsets(%dma_start3A_24 : memref<125xi32, #tpu.memory_space<vmem>>) semaphore(%arg7 : memref<!tpu.dma_semaphore, #tpu.memory_space<semaphore_mem>>)
      %dma_start3A_28 = arith.constant 2 : i32
      %dma_start3A_29 = arith.constant 250 : i32
      %dma_start3A_30 = arith.constant 0 : i32
      %dma_start3A_31 = tpu.memref_slice %arg6[%dma_start3A_29, %dma_start3A_30] : memref<1000x128xf32, #tpu.memory_space<vmem>> -> memref<125x128xf32, #tpu.memory_space<vmem>>
      %dma_start3A_32 = arith.constant 0 : i32
      %dma_start3A_33 = tpu.memref_slice %arg5[%dma_start3A_28, %dma_start3A_32] : memref<8x125xi32, #tpu.memory_space<vmem>> -> memref<1x125xi32, #tpu.memory_space<vmem>>
      %dma_start3A_34 = tpu.memref_squeeze %dma_start3A_33 : memref<1x125xi32, #tpu.memory_space<vmem>> -> memref<125xi32, #tpu.memory_space<vmem>>
      %dma_start3A_35 = arith.constant 0 : i32
      %dma_start3A_36 = arith.constant 0 : i32
      %dma_start3A_37 = tpu.memref_slice %arg2[%dma_start3A_35, %dma_start3A_36] : memref<10000x128xf32, #tpu.memory_space<hbm>> -> memref<10000x128xf32, #tpu.memory_space<hbm>>
      tpu.enqueue_indirect_dma source(%dma_start3A_37 : memref<10000x128xf32, #tpu.memory_space<hbm>>) target(%dma_start3A_31 : memref<125x128xf32, #tpu.memory_space<vmem>>) offsets(%dma_start3A_34 : memref<125xi32, #tpu.memory_space<vmem>>) semaphore(%arg7 : memref<!tpu.dma_semaphore, #tpu.memory_space<semaphore_mem>>)
      %dma_start3A_38 = arith.constant 3 : i32
      %dma_start3A_39 = arith.constant 375 : i32
      %dma_start3A_40 = arith.constant 0 : i32
      %dma_start3A_41 = tpu.memref_slice %arg6[%dma_start3A_39, %dma_start3A_40] : memref<1000x128xf32, #tpu.memory_space<vmem>> -> memref<125x128xf32, #tpu.memory_space<vmem>>
      %dma_start3A_42 = arith.constant 0 : i32
      %dma_start3A_43 = tpu.memref_slice %arg5[%dma_start3A_38, %dma_start3A_42] : memref<8x125xi32, #tpu.memory_space<vmem>> -> memref<1x125xi32, #tpu.memory_space<vmem>>
      %dma_start3A_44 = tpu.memref_squeeze %dma_start3A_43 : memref<1x125xi32, #tpu.memory_space<vmem>> -> memref<125xi32, #tpu.memory_space<vmem>>
      %dma_start3A_45 = arith.constant 0 : i32
      %dma_start3A_46 = arith.constant 0 : i32
      %dma_start3A_47 = tpu.memref_slice %arg2[%dma_start3A_45, %dma_start3A_46] : memref<10000x128xf32, #tpu.memory_space<hbm>> -> memref<10000x128xf32, #tpu.memory_space<hbm>>
      tpu.enqueue_indirect_dma source(%dma_start3A_47 : memref<10000x128xf32, #tpu.memory_space<hbm>>) target(%dma_start3A_41 : memref<125x128xf32, #tpu.memory_space<vmem>>) offsets(%dma_start3A_44 : memref<125xi32, #tpu.memory_space<vmem>>) semaphore(%arg7 : memref<!tpu.dma_semaphore, #tpu.memory_space<semaphore_mem>>)
      %dma_start3A_48 = arith.constant 4 : i32
      %dma_start3A_49 = arith.constant 500 : i32
      %dma_start3A_50 = arith.constant 0 : i32
      %dma_start3A_51 = tpu.memref_slice %arg6[%dma_start3A_49, %dma_start3A_50] : memref<1000x128xf32, #tpu.memory_space<vmem>> -> memref<125x128xf32, #tpu.memory_space<vmem>>
      %dma_start3A_52 = arith.constant 0 : i32
      %dma_start3A_53 = tpu.memref_slice %arg5[%dma_start3A_48, %dma_start3A_52] : memref<8x125xi32, #tpu.memory_space<vmem>> -> memref<1x125xi32, #tpu.memory_space<vmem>>
      %dma_start3A_54 = tpu.memref_squeeze %dma_start3A_53 : memref<1x125xi32, #tpu.memory_space<vmem>> -> memref<125xi32, #tpu.memory_space<vmem>>
      %dma_start3A_55 = arith.constant 0 : i32
      %dma_start3A_56 = arith.constant 0 : i32
      %dma_start3A_57 = tpu.memref_slice %arg2[%dma_start3A_55, %dma_start3A_56] : memref<10000x128xf32, #tpu.memory_space<hbm>> -> memref<10000x128xf32, #tpu.memory_space<hbm>>
      tpu.enqueue_indirect_dma source(%dma_start3A_57 : memref<10000x128xf32, #tpu.memory_space<hbm>>) target(%dma_start3A_51 : memref<125x128xf32, #tpu.memory_space<vmem>>) offsets(%dma_start3A_54 : memref<125xi32, #tpu.memory_space<vmem>>) semaphore(%arg7 : memref<!tpu.dma_semaphore, #tpu.memory_space<semaphore_mem>>)
      %dma_start3A_58 = arith.constant 5 : i32
      %dma_start3A_59 = arith.constant 625 : i32
      %dma_start3A_60 = arith.constant 0 : i32
      %dma_start3A_61 = tpu.memref_slice %arg6[%dma_start3A_59, %dma_start3A_60] : memref<1000x128xf32, #tpu.memory_space<vmem>> -> memref<125x128xf32, #tpu.memory_space<vmem>>
      %dma_start3A_62 = arith.constant 0 : i32
      %dma_start3A_63 = tpu.memref_slice %arg5[%dma_start3A_58, %dma_start3A_62] : memref<8x125xi32, #tpu.memory_space<vmem>> -> memref<1x125xi32, #tpu.memory_space<vmem>>
      %dma_start3A_64 = tpu.memref_squeeze %dma_start3A_63 : memref<1x125xi32, #tpu.memory_space<vmem>> -> memref<125xi32, #tpu.memory_space<vmem>>
      %dma_start3A_65 = arith.constant 0 : i32
      %dma_start3A_66 = arith.constant 0 : i32
      %dma_start3A_67 = tpu.memref_slice %arg2[%dma_start3A_65, %dma_start3A_66] : memref<10000x128xf32, #tpu.memory_space<hbm>> -> memref<10000x128xf32, #tpu.memory_space<hbm>>
      tpu.enqueue_indirect_dma source(%dma_start3A_67 : memref<10000x128xf32, #tpu.memory_space<hbm>>) target(%dma_start3A_61 : memref<125x128xf32, #tpu.memory_space<vmem>>) offsets(%dma_start3A_64 : memref<125xi32, #tpu.memory_space<vmem>>) semaphore(%arg7 : memref<!tpu.dma_semaphore, #tpu.memory_space<semaphore_mem>>)
      %dma_start3A_68 = arith.constant 6 : i32
      %dma_start3A_69 = arith.constant 750 : i32
      %dma_start3A_70 = arith.constant 0 : i32
      %dma_start3A_71 = tpu.memref_slice %arg6[%dma_start3A_69, %dma_start3A_70] : memref<1000x128xf32, #tpu.memory_space<vmem>> -> memref<125x128xf32, #tpu.memory_space<vmem>>
      %dma_start3A_72 = arith.constant 0 : i32
      %dma_start3A_73 = tpu.memref_slice %arg5[%dma_start3A_68, %dma_start3A_72] : memref<8x125xi32, #tpu.memory_space<vmem>> -> memref<1x125xi32, #tpu.memory_space<vmem>>
      %dma_start3A_74 = tpu.memref_squeeze %dma_start3A_73 : memref<1x125xi32, #tpu.memory_space<vmem>> -> memref<125xi32, #tpu.memory_space<vmem>>
      %dma_start3A_75 = arith.constant 0 : i32
      %dma_start3A_76 = arith.constant 0 : i32
      %dma_start3A_77 = tpu.memref_slice %arg2[%dma_start3A_75, %dma_start3A_76] : memref<10000x128xf32, #tpu.memory_space<hbm>> -> memref<10000x128xf32, #tpu.memory_space<hbm>>
      tpu.enqueue_indirect_dma source(%dma_start3A_77 : memref<10000x128xf32, #tpu.memory_space<hbm>>) target(%dma_start3A_71 : memref<125x128xf32, #tpu.memory_space<vmem>>) offsets(%dma_start3A_74 : memref<125xi32, #tpu.memory_space<vmem>>) semaphore(%arg7 : memref<!tpu.dma_semaphore, #tpu.memory_space<semaphore_mem>>)
      %dma_start3A_78 = arith.constant 7 : i32
      %dma_start3A_79 = arith.constant 875 : i32
      %dma_start3A_80 = arith.constant 0 : i32
      %dma_start3A_81 = tpu.memref_slice %arg6[%dma_start3A_79, %dma_start3A_80] : memref<1000x128xf32, #tpu.memory_space<vmem>> -> memref<125x128xf32, #tpu.memory_space<vmem>>
      %dma_start3A_82 = arith.constant 0 : i32
      %dma_start3A_83 = tpu.memref_slice %arg5[%dma_start3A_78, %dma_start3A_82] : memref<8x125xi32, #tpu.memory_space<vmem>> -> memref<1x125xi32, #tpu.memory_space<vmem>>
      %dma_start3A_84 = tpu.memref_squeeze %dma_start3A_83 : memref<1x125xi32, #tpu.memory_space<vmem>> -> memref<125xi32, #tpu.memory_space<vmem>>
      %dma_start3A_85 = arith.constant 0 : i32
      %dma_start3A_86 = arith.constant 0 : i32
      %dma_start3A_87 = tpu.memref_slice %arg2[%dma_start3A_85, %dma_start3A_86] : memref<10000x128xf32, #tpu.memory_space<hbm>> -> memref<10000x128xf32, #tpu.memory_space<hbm>>
      tpu.enqueue_indirect_dma source(%dma_start3A_87 : memref<10000x128xf32, #tpu.memory_space<hbm>>) target(%dma_start3A_81 : memref<125x128xf32, #tpu.memory_space<vmem>>) offsets(%dma_start3A_84 : memref<125xi32, #tpu.memory_space<vmem>>) semaphore(%arg7 : memref<!tpu.dma_semaphore, #tpu.memory_space<semaphore_mem>>)
      %dma_wait3A = arith.constant 0 : i32
      %dma_wait3A_88 = arith.constant 0 : i32
      %dma_wait3A_89 = arith.constant 0 : i32
      %dma_wait3A_90 = tpu.memref_slice %arg6[%dma_wait3A_88, %dma_wait3A_89] : memref<1000x128xf32, #tpu.memory_space<vmem>> -> memref<125x128xf32, #tpu.memory_space<vmem>>
      %dma_wait3A_91 = arith.constant 0 : i32
      %dma_wait3A_92 = tpu.memref_slice %arg5[%dma_wait3A, %dma_wait3A_91] : memref<8x125xi32, #tpu.memory_space<vmem>> -> memref<1x125xi32, #tpu.memory_space<vmem>>
      %dma_wait3A_93 = tpu.memref_squeeze %dma_wait3A_92 : memref<1x125xi32, #tpu.memory_space<vmem>> -> memref<125xi32, #tpu.memory_space<vmem>>
      %dma_wait3A_94 = arith.constant 0 : i32
      %dma_wait3A_95 = arith.constant 0 : i32
      %dma_wait3A_96 = tpu.memref_slice %arg2[%dma_wait3A_94, %dma_wait3A_95] : memref<10000x128xf32, #tpu.memory_space<hbm>> -> memref<10000x128xf32, #tpu.memory_space<hbm>>
      tpu.wait_indirect_dma semaphore(%arg7 : memref<!tpu.dma_semaphore, #tpu.memory_space<semaphore_mem>>) src(%dma_wait3A_96 : memref<10000x128xf32, #tpu.memory_space<hbm>>) dst(%dma_wait3A_90 : memref<125x128xf32, #tpu.memory_space<vmem>>)
      %dma_wait3A_97 = arith.constant 1 : i32
      %dma_wait3A_98 = arith.constant 125 : i32
      %dma_wait3A_99 = arith.constant 0 : i32
      %dma_wait3A_100 = tpu.memref_slice %arg6[%dma_wait3A_98, %dma_wait3A_99] : memref<1000x128xf32, #tpu.memory_space<vmem>> -> memref<125x128xf32, #tpu.memory_space<vmem>>
      %dma_wait3A_101 = arith.constant 0 : i32
      %dma_wait3A_102 = tpu.memref_slice %arg5[%dma_wait3A_97, %dma_wait3A_101] : memref<8x125xi32, #tpu.memory_space<vmem>> -> memref<1x125xi32, #tpu.memory_space<vmem>>
      %dma_wait3A_103 = tpu.memref_squeeze %dma_wait3A_102 : memref<1x125xi32, #tpu.memory_space<vmem>> -> memref<125xi32, #tpu.memory_space<vmem>>
      %dma_wait3A_104 = arith.constant 0 : i32
      %dma_wait3A_105 = arith.constant 0 : i32
      %dma_wait3A_106 = tpu.memref_slice %arg2[%dma_wait3A_104, %dma_wait3A_105] : memref<10000x128xf32, #tpu.memory_space<hbm>> -> memref<10000x128xf32, #tpu.memory_space<hbm>>
      tpu.wait_indirect_dma semaphore(%arg7 : memref<!tpu.dma_semaphore, #tpu.memory_space<semaphore_mem>>) src(%dma_wait3A_106 : memref<10000x128xf32, #tpu.memory_space<hbm>>) dst(%dma_wait3A_100 : memref<125x128xf32, #tpu.memory_space<vmem>>)
      %dma_wait3A_107 = arith.constant 2 : i32
      %dma_wait3A_108 = arith.constant 250 : i32
      %dma_wait3A_109 = arith.constant 0 : i32
      %dma_wait3A_110 = tpu.memref_slice %arg6[%dma_wait3A_108, %dma_wait3A_109] : memref<1000x128xf32, #tpu.memory_space<vmem>> -> memref<125x128xf32, #tpu.memory_space<vmem>>
      %dma_wait3A_111 = arith.constant 0 : i32
      %dma_wait3A_112 = tpu.memref_slice %arg5[%dma_wait3A_107, %dma_wait3A_111] : memref<8x125xi32, #tpu.memory_space<vmem>> -> memref<1x125xi32, #tpu.memory_space<vmem>>
      %dma_wait3A_113 = tpu.memref_squeeze %dma_wait3A_112 : memref<1x125xi32, #tpu.memory_space<vmem>> -> memref<125xi32, #tpu.memory_space<vmem>>
      %dma_wait3A_114 = arith.constant 0 : i32
      %dma_wait3A_115 = arith.constant 0 : i32
      %dma_wait3A_116 = tpu.memref_slice %arg2[%dma_wait3A_114, %dma_wait3A_115] : memref<10000x128xf32, #tpu.memory_space<hbm>> -> memref<10000x128xf32, #tpu.memory_space<hbm>>
      tpu.wait_indirect_dma semaphore(%arg7 : memref<!tpu.dma_semaphore, #tpu.memory_space<semaphore_mem>>) src(%dma_wait3A_116 : memref<10000x128xf32, #tpu.memory_space<hbm>>) dst(%dma_wait3A_110 : memref<125x128xf32, #tpu.memory_space<vmem>>)
      %dma_wait3A_117 = arith.constant 3 : i32
      %dma_wait3A_118 = arith.constant 375 : i32
      %dma_wait3A_119 = arith.constant 0 : i32
      %dma_wait3A_120 = tpu.memref_slice %arg6[%dma_wait3A_118, %dma_wait3A_119] : memref<1000x128xf32, #tpu.memory_space<vmem>> -> memref<125x128xf32, #tpu.memory_space<vmem>>
      %dma_wait3A_121 = arith.constant 0 : i32
      %dma_wait3A_122 = tpu.memref_slice %arg5[%dma_wait3A_117, %dma_wait3A_121] : memref<8x125xi32, #tpu.memory_space<vmem>> -> memref<1x125xi32, #tpu.memory_space<vmem>>
      %dma_wait3A_123 = tpu.memref_squeeze %dma_wait3A_122 : memref<1x125xi32, #tpu.memory_space<vmem>> -> memref<125xi32, #tpu.memory_space<vmem>>
      %dma_wait3A_124 = arith.constant 0 : i32
      %dma_wait3A_125 = arith.constant 0 : i32
      %dma_wait3A_126 = tpu.memref_slice %arg2[%dma_wait3A_124, %dma_wait3A_125] : memref<10000x128xf32, #tpu.memory_space<hbm>> -> memref<10000x128xf32, #tpu.memory_space<hbm>>
      tpu.wait_indirect_dma semaphore(%arg7 : memref<!tpu.dma_semaphore, #tpu.memory_space<semaphore_mem>>) src(%dma_wait3A_126 : memref<10000x128xf32, #tpu.memory_space<hbm>>) dst(%dma_wait3A_120 : memref<125x128xf32, #tpu.memory_space<vmem>>)
      %dma_wait3A_127 = arith.constant 4 : i32
      %dma_wait3A_128 = arith.constant 500 : i32
      %dma_wait3A_129 = arith.constant 0 : i32
      %dma_wait3A_130 = tpu.memref_slice %arg6[%dma_wait3A_128, %dma_wait3A_129] : memref<1000x128xf32, #tpu.memory_space<vmem>> -> memref<125x128xf32, #tpu.memory_space<vmem>>
      %dma_wait3A_131 = arith.constant 0 : i32
      %dma_wait3A_132 = tpu.memref_slice %arg5[%dma_wait3A_127, %dma_wait3A_131] : memref<8x125xi32, #tpu.memory_space<vmem>> -> memref<1x125xi32, #tpu.memory_space<vmem>>
      %dma_wait3A_133 = tpu.memref_squeeze %dma_wait3A_132 : memref<1x125xi32, #tpu.memory_space<vmem>> -> memref<125xi32, #tpu.memory_space<vmem>>
      %dma_wait3A_134 = arith.constant 0 : i32
      %dma_wait3A_135 = arith.constant 0 : i32
      %dma_wait3A_136 = tpu.memref_slice %arg2[%dma_wait3A_134, %dma_wait3A_135] : memref<10000x128xf32, #tpu.memory_space<hbm>> -> memref<10000x128xf32, #tpu.memory_space<hbm>>
      tpu.wait_indirect_dma semaphore(%arg7 : memref<!tpu.dma_semaphore, #tpu.memory_space<semaphore_mem>>) src(%dma_wait3A_136 : memref<10000x128xf32, #tpu.memory_space<hbm>>) dst(%dma_wait3A_130 : memref<125x128xf32, #tpu.memory_space<vmem>>)
      %dma_wait3A_137 = arith.constant 5 : i32
      %dma_wait3A_138 = arith.constant 625 : i32
      %dma_wait3A_139 = arith.constant 0 : i32
      %dma_wait3A_140 = tpu.memref_slice %arg6[%dma_wait3A_138, %dma_wait3A_139] : memref<1000x128xf32, #tpu.memory_space<vmem>> -> memref<125x128xf32, #tpu.memory_space<vmem>>
      %dma_wait3A_141 = arith.constant 0 : i32
      %dma_wait3A_142 = tpu.memref_slice %arg5[%dma_wait3A_137, %dma_wait3A_141] : memref<8x125xi32, #tpu.memory_space<vmem>> -> memref<1x125xi32, #tpu.memory_space<vmem>>
      %dma_wait3A_143 = tpu.memref_squeeze %dma_wait3A_142 : memref<1x125xi32, #tpu.memory_space<vmem>> -> memref<125xi32, #tpu.memory_space<vmem>>
      %dma_wait3A_144 = arith.constant 0 : i32
      %dma_wait3A_145 = arith.constant 0 : i32
      %dma_wait3A_146 = tpu.memref_slice %arg2[%dma_wait3A_144, %dma_wait3A_145] : memref<10000x128xf32, #tpu.memory_space<hbm>> -> memref<10000x128xf32, #tpu.memory_space<hbm>>
      tpu.wait_indirect_dma semaphore(%arg7 : memref<!tpu.dma_semaphore, #tpu.memory_space<semaphore_mem>>) src(%dma_wait3A_146 : memref<10000x128xf32, #tpu.memory_space<hbm>>) dst(%dma_wait3A_140 : memref<125x128xf32, #tpu.memory_space<vmem>>)
      %dma_wait3A_147 = arith.constant 6 : i32
      %dma_wait3A_148 = arith.constant 750 : i32
      %dma_wait3A_149 = arith.constant 0 : i32
      %dma_wait3A_150 = tpu.memref_slice %arg6[%dma_wait3A_148, %dma_wait3A_149] : memref<1000x128xf32, #tpu.memory_space<vmem>> -> memref<125x128xf32, #tpu.memory_space<vmem>>
      %dma_wait3A_151 = arith.constant 0 : i32
      %dma_wait3A_152 = tpu.memref_slice %arg5[%dma_wait3A_147, %dma_wait3A_151] : memref<8x125xi32, #tpu.memory_space<vmem>> -> memref<1x125xi32, #tpu.memory_space<vmem>>
      %dma_wait3A_153 = tpu.memref_squeeze %dma_wait3A_152 : memref<1x125xi32, #tpu.memory_space<vmem>> -> memref<125xi32, #tpu.memory_space<vmem>>
      %dma_wait3A_154 = arith.constant 0 : i32
      %dma_wait3A_155 = arith.constant 0 : i32
      %dma_wait3A_156 = tpu.memref_slice %arg2[%dma_wait3A_154, %dma_wait3A_155] : memref<10000x128xf32, #tpu.memory_space<hbm>> -> memref<10000x128xf32, #tpu.memory_space<hbm>>
      tpu.wait_indirect_dma semaphore(%arg7 : memref<!tpu.dma_semaphore, #tpu.memory_space<semaphore_mem>>) src(%dma_wait3A_156 : memref<10000x128xf32, #tpu.memory_space<hbm>>) dst(%dma_wait3A_150 : memref<125x128xf32, #tpu.memory_space<vmem>>)
      %dma_wait3A_157 = arith.constant 7 : i32
      %dma_wait3A_158 = arith.constant 875 : i32
      %dma_wait3A_159 = arith.constant 0 : i32
      %dma_wait3A_160 = tpu.memref_slice %arg6[%dma_wait3A_158, %dma_wait3A_159] : memref<1000x128xf32, #tpu.memory_space<vmem>> -> memref<125x128xf32, #tpu.memory_space<vmem>>
      %dma_wait3A_161 = arith.constant 0 : i32
      %dma_wait3A_162 = tpu.memref_slice %arg5[%dma_wait3A_157, %dma_wait3A_161] : memref<8x125xi32, #tpu.memory_space<vmem>> -> memref<1x125xi32, #tpu.memory_space<vmem>>
      %dma_wait3A_163 = tpu.memref_squeeze %dma_wait3A_162 : memref<1x125xi32, #tpu.memory_space<vmem>> -> memref<125xi32, #tpu.memory_space<vmem>>
      %dma_wait3A_164 = arith.constant 0 : i32
      %dma_wait3A_165 = arith.constant 0 : i32
      %dma_wait3A_166 = tpu.memref_slice %arg2[%dma_wait3A_164, %dma_wait3A_165] : memref<10000x128xf32, #tpu.memory_space<hbm>> -> memref<10000x128xf32, #tpu.memory_space<hbm>>
      tpu.wait_indirect_dma semaphore(%arg7 : memref<!tpu.dma_semaphore, #tpu.memory_space<semaphore_mem>>) src(%dma_wait3A_166 : memref<10000x128xf32, #tpu.memory_space<hbm>>) dst(%dma_wait3A_160 : memref<125x128xf32, #tpu.memory_space<vmem>>)
      %mul3A_167 = arith.constant 5000 : i32
      %mul3A_168 = arith.muli %add3A, %mul3A_167 : i32
      %mul3A_169 = arith.constant 1000 : i32
      %mul3A_170 = arith.muli %scan3A_6, %mul3A_169 : i32
      %add3A_171 = arith.addi %mul3A_168, %mul3A_170 : i32
      "tpu.region"() ({
        %run_scoped3A = tpu.sem_alloc : memref<!tpu.dma_semaphore, #tpu.memory_space<semaphore_mem>>
        %dma_start3A_172 = arith.constant 0 : i32
        %dma_start3A_173 = tpu.memref_slice %arg4[%add3A_171, %dma_start3A_172] : memref<160000x128xf32, #tpu.memory_space<hbm>> -> memref<1000x128xf32, #tpu.memory_space<hbm>>
        %dma_start3A_174 = arith.constant 0 : i32
        %dma_start3A_175 = tpu.memref_slice %arg4[%add3A_171, %dma_start3A_174] : memref<160000x128xf32, #tpu.memory_space<hbm>> -> memref<1000x128xf32, #tpu.memory_space<hbm>>
        tpu.enqueue_dma source(%arg6 : memref<1000x128xf32, #tpu.memory_space<vmem>>) target(%dma_start3A_175 : memref<1000x128xf32, #tpu.memory_space<hbm>>) target_semaphore(%run_scoped3A : memref<!tpu.dma_semaphore, #tpu.memory_space<semaphore_mem>>)
        %dma_wait3A_176 = arith.constant 0 : i32
        %dma_wait3A_177 = tpu.memref_slice %arg4[%add3A_171, %dma_wait3A_176] : memref<160000x128xf32, #tpu.memory_space<hbm>> -> memref<1000x128xf32, #tpu.memory_space<hbm>>
        %dma_wait3A_178 = arith.constant 0 : i32
        %dma_wait3A_179 = tpu.memref_slice %arg4[%add3A_171, %dma_wait3A_178] : memref<160000x128xf32, #tpu.memory_space<hbm>> -> memref<1000x128xf32, #tpu.memory_space<hbm>>
        tpu.wait_dma2 semaphore(%run_scoped3A : memref<!tpu.dma_semaphore, #tpu.memory_space<semaphore_mem>>) src(%arg6 : memref<1000x128xf32, #tpu.memory_space<vmem>>) dst(%dma_wait3A_179 : memref<1000x128xf32, #tpu.memory_space<hbm>>)
        tpu.yield
      }) : () -> ()
    }
    %scan3A_5 = arith.constant 5 : i32
    return
  }
}

#map = affine_map<(d0, d1) -> (0, 0)>
#map1 = affine_map<(d0, d1) -> (0, 0, 0)>
module attributes {stable_mosaic.version = 14 : i64} {
  func.func @scat(%arg0: i32, %arg1: i32, %arg2: memref<160000x128xf32, #tpu.memory_space<hbm>>, %arg3: memref<32x40x125xi32, #tpu.memory_space<hbm>>, %arg4: memref<10000x48xf32, #tpu.memory_space<hbm>>, %arg5: memref<2x10000x128xf32, #tpu.memory_space<hbm>>, %arg6: memref<40x125xi32, #tpu.memory_space<vmem>>, %arg7: memref<625x48xf32, #tpu.memory_space<vmem>>, %arg8: memref<625x48xf32, #tpu.memory_space<vmem>>, %arg9: memref<10000x48xf32, #tpu.memory_space<vmem_shared>>) attributes {dimension_semantics = [#tpu.dimension_semantics<core_parallel>, #tpu.dimension_semantics<subcore_parallel>], iteration_bounds = array<i64: 2, 16>, scalar_prefetch = 0 : i64, scratch_operands = 4 : i64, tpu.core_type = #tpu.core_type<sc_vector_subcore>, window_params = [{transform_indices = #map}, {transform_indices = #map1}, {transform_indices = #map}, {transform_indices = #map1}]} {
    %mul3A = arith.constant 16 : i32
    %mul3A_0 = arith.muli %arg0, %mul3A : i32
    %add3A = arith.addi %mul3A_0, %arg1 : i32
    %mul3A_1 = arith.constant 625 : i32
    %mul3A_2 = arith.muli %arg1, %mul3A_1 : i32
    "tpu.region"() ({
      %run_scoped3A = tpu.sem_alloc : memref<!tpu.dma_semaphore, #tpu.memory_space<semaphore_mem>>
      %dma_start3A = arith.constant 0 : i32
      %dma_start3A_9 = tpu.memref_slice %arg4[%mul3A_2, %dma_start3A] : memref<10000x48xf32, #tpu.memory_space<hbm>> -> memref<625x48xf32, #tpu.memory_space<hbm>>
      %dma_start3A_10 = arith.constant 0 : i32
      %dma_start3A_11 = tpu.memref_slice %arg4[%mul3A_2, %dma_start3A_10] : memref<10000x48xf32, #tpu.memory_space<hbm>> -> memref<625x48xf32, #tpu.memory_space<hbm>>
      tpu.enqueue_dma source(%dma_start3A_11 : memref<625x48xf32, #tpu.memory_space<hbm>>) target(%arg8 : memref<625x48xf32, #tpu.memory_space<vmem>>) target_semaphore(%run_scoped3A : memref<!tpu.dma_semaphore, #tpu.memory_space<semaphore_mem>>)
      %dma_wait3A = arith.constant 0 : i32
      %dma_wait3A_12 = tpu.memref_slice %arg4[%mul3A_2, %dma_wait3A] : memref<10000x48xf32, #tpu.memory_space<hbm>> -> memref<625x48xf32, #tpu.memory_space<hbm>>
      %dma_wait3A_13 = arith.constant 0 : i32
      %dma_wait3A_14 = tpu.memref_slice %arg4[%mul3A_2, %dma_wait3A_13] : memref<10000x48xf32, #tpu.memory_space<hbm>> -> memref<625x48xf32, #tpu.memory_space<hbm>>
      tpu.wait_dma2 semaphore(%run_scoped3A : memref<!tpu.dma_semaphore, #tpu.memory_space<semaphore_mem>>) src(%dma_wait3A_14 : memref<625x48xf32, #tpu.memory_space<hbm>>) dst(%arg8 : memref<625x48xf32, #tpu.memory_space<vmem>>)
      tpu.yield
    }) : () -> ()
    "tpu.region"() ({
      %run_scoped3A = tpu.sem_alloc : memref<!tpu.dma_semaphore, #tpu.memory_space<semaphore_mem>>
      %dma_start3A = arith.constant 0 : i32
      %dma_start3A_9 = tpu.memref_slice %arg9[%mul3A_2, %dma_start3A] : memref<10000x48xf32, #tpu.memory_space<vmem_shared>> -> memref<625x48xf32, #tpu.memory_space<vmem_shared>>
      %dma_start3A_10 = arith.constant 0 : i32
      %dma_start3A_11 = tpu.memref_slice %arg9[%mul3A_2, %dma_start3A_10] : memref<10000x48xf32, #tpu.memory_space<vmem_shared>> -> memref<625x48xf32, #tpu.memory_space<vmem_shared>>
      tpu.enqueue_dma source(%arg8 : memref<625x48xf32, #tpu.memory_space<vmem>>) target(%dma_start3A_11 : memref<625x48xf32, #tpu.memory_space<vmem_shared>>) target_semaphore(%run_scoped3A : memref<!tpu.dma_semaphore, #tpu.memory_space<semaphore_mem>>)
      %dma_wait3A = arith.constant 0 : i32
      %dma_wait3A_12 = tpu.memref_slice %arg9[%mul3A_2, %dma_wait3A] : memref<10000x48xf32, #tpu.memory_space<vmem_shared>> -> memref<625x48xf32, #tpu.memory_space<vmem_shared>>
      %dma_wait3A_13 = arith.constant 0 : i32
      %dma_wait3A_14 = tpu.memref_slice %arg9[%mul3A_2, %dma_wait3A_13] : memref<10000x48xf32, #tpu.memory_space<vmem_shared>> -> memref<625x48xf32, #tpu.memory_space<vmem_shared>>
      tpu.wait_dma2 semaphore(%run_scoped3A : memref<!tpu.dma_semaphore, #tpu.memory_space<semaphore_mem>>) src(%arg8 : memref<625x48xf32, #tpu.memory_space<vmem>>) dst(%dma_wait3A_14 : memref<625x48xf32, #tpu.memory_space<vmem_shared>>)
      tpu.yield
    }) : () -> ()
    %barrier3A = arith.constant 0 : index
    tpu.barrier barrier_id(%barrier3A)
    "tpu.region"() ({
      %run_scoped3A = tpu.sem_alloc : memref<!tpu.dma_semaphore, #tpu.memory_space<semaphore_mem>>
      %dma_start3A = arith.constant 0 : i32
      %dma_start3A_9 = arith.constant 0 : i32
      %dma_start3A_10 = tpu.memref_slice %arg3[%add3A, %dma_start3A, %dma_start3A_9] : memref<32x40x125xi32, #tpu.memory_space<hbm>> -> memref<1x40x125xi32, #tpu.memory_space<hbm>>
      %dma_start3A_11 = tpu.memref_squeeze %dma_start3A_10 : memref<1x40x125xi32, #tpu.memory_space<hbm>> -> memref<40x125xi32, #tpu.memory_space<hbm>>
      %dma_start3A_12 = arith.constant 0 : i32
      %dma_start3A_13 = arith.constant 0 : i32
      %dma_start3A_14 = tpu.memref_slice %arg3[%add3A, %dma_start3A_12, %dma_start3A_13] : memref<32x40x125xi32, #tpu.memory_space<hbm>> -> memref<1x40x125xi32, #tpu.memory_space<hbm>>
      %dma_start3A_15 = tpu.memref_squeeze %dma_start3A_14 : memref<1x40x125xi32, #tpu.memory_space<hbm>> -> memref<40x125xi32, #tpu.memory_space<hbm>>
      tpu.enqueue_dma source(%dma_start3A_15 : memref<40x125xi32, #tpu.memory_space<hbm>>) target(%arg6 : memref<40x125xi32, #tpu.memory_space<vmem>>) target_semaphore(%run_scoped3A : memref<!tpu.dma_semaphore, #tpu.memory_space<semaphore_mem>>)
      %dma_wait3A = arith.constant 0 : i32
      %dma_wait3A_16 = arith.constant 0 : i32
      %dma_wait3A_17 = tpu.memref_slice %arg3[%add3A, %dma_wait3A, %dma_wait3A_16] : memref<32x40x125xi32, #tpu.memory_space<hbm>> -> memref<1x40x125xi32, #tpu.memory_space<hbm>>
      %dma_wait3A_18 = tpu.memref_squeeze %dma_wait3A_17 : memref<1x40x125xi32, #tpu.memory_space<hbm>> -> memref<40x125xi32, #tpu.memory_space<hbm>>
      %dma_wait3A_19 = arith.constant 0 : i32
      %dma_wait3A_20 = arith.constant 0 : i32
      %dma_wait3A_21 = tpu.memref_slice %arg3[%add3A, %dma_wait3A_19, %dma_wait3A_20] : memref<32x40x125xi32, #tpu.memory_space<hbm>> -> memref<1x40x125xi32, #tpu.memory_space<hbm>>
      %dma_wait3A_22 = tpu.memref_squeeze %dma_wait3A_21 : memref<1x40x125xi32, #tpu.memory_space<hbm>> -> memref<40x125xi32, #tpu.memory_space<hbm>>
      tpu.wait_dma2 semaphore(%run_scoped3A : memref<!tpu.dma_semaphore, #tpu.memory_space<semaphore_mem>>) src(%dma_wait3A_22 : memref<40x125xi32, #tpu.memory_space<hbm>>) dst(%arg6 : memref<40x125xi32, #tpu.memory_space<vmem>>)
      tpu.yield
    }) : () -> ()
    %scan3A = arith.constant 0 : i32
    %scan3A_3 = arith.constant 0 : i32
    %scan3A_4 = arith.constant 8 : i32
    %scan3A_5 = arith.addi %scan3A_3, %scan3A_4 : i32
    %scan3A_6 = arith.constant 1 : i32
    scf.for %scan3A_9 = %scan3A_3 to %scan3A_5 step %scan3A_6  : i32 {
      %mul3A_10 = arith.constant 5000 : i32
      %mul3A_11 = arith.muli %add3A, %mul3A_10 : i32
      %mul3A_12 = arith.constant 625 : i32
      %mul3A_13 = arith.muli %scan3A_9, %mul3A_12 : i32
      %add3A_14 = arith.addi %mul3A_11, %mul3A_13 : i32
      "tpu.region"() ({
        %run_scoped3A = tpu.sem_alloc : memref<!tpu.dma_semaphore, #tpu.memory_space<semaphore_mem>>
        %dma_start3A = arith.constant 0 : i32
        %dma_start3A_35 = tpu.memref_slice %arg2[%add3A_14, %dma_start3A] : memref<160000x128xf32, #tpu.memory_space<hbm>> -> memref<625x48xf32, #tpu.memory_space<hbm>>
        %dma_start3A_36 = arith.constant 0 : i32
        %dma_start3A_37 = tpu.memref_slice %arg2[%add3A_14, %dma_start3A_36] : memref<160000x128xf32, #tpu.memory_space<hbm>> -> memref<625x48xf32, #tpu.memory_space<hbm>>
        tpu.enqueue_dma source(%dma_start3A_37 : memref<625x48xf32, #tpu.memory_space<hbm>>) target(%arg7 : memref<625x48xf32, #tpu.memory_space<vmem>>) target_semaphore(%run_scoped3A : memref<!tpu.dma_semaphore, #tpu.memory_space<semaphore_mem>>)
        %dma_wait3A = arith.constant 0 : i32
        %dma_wait3A_38 = tpu.memref_slice %arg2[%add3A_14, %dma_wait3A] : memref<160000x128xf32, #tpu.memory_space<hbm>> -> memref<625x48xf32, #tpu.memory_space<hbm>>
        %dma_wait3A_39 = arith.constant 0 : i32
        %dma_wait3A_40 = tpu.memref_slice %arg2[%add3A_14, %dma_wait3A_39] : memref<160000x128xf32, #tpu.memory_space<hbm>> -> memref<625x48xf32, #tpu.memory_space<hbm>>
        tpu.wait_dma2 semaphore(%run_scoped3A : memref<!tpu.dma_semaphore, #tpu.memory_space<semaphore_mem>>) src(%dma_wait3A_40 : memref<625x48xf32, #tpu.memory_space<hbm>>) dst(%arg7 : memref<625x48xf32, #tpu.memory_space<vmem>>)
        tpu.yield
      }) : () -> ()
      %mul3A_15 = arith.constant 5 : i32
      %mul3A_16 = arith.muli %scan3A_9, %mul3A_15 : i32
      %add3A_17 = arith.constant 0 : i32
      %add3A_18 = arith.addi %mul3A_16, %add3A_17 : i32
      "tpu.region"() ({
        %run_scoped3A = tpu.sem_alloc : memref<!tpu.dma_semaphore, #tpu.memory_space<semaphore_mem>>
        %dma_start3A = arith.constant 0 : i32
        %dma_start3A_35 = arith.constant 0 : i32
        %dma_start3A_36 = tpu.memref_slice %arg7[%dma_start3A, %dma_start3A_35] : memref<625x48xf32, #tpu.memory_space<vmem>> -> memref<125x48xf32, #tpu.memory_space<vmem>>
        %dma_start3A_37 = arith.constant 0 : i32
        %dma_start3A_38 = tpu.memref_slice %arg6[%add3A_18, %dma_start3A_37] : memref<40x125xi32, #tpu.memory_space<vmem>> -> memref<1x125xi32, #tpu.memory_space<vmem>>
        %dma_start3A_39 = tpu.memref_squeeze %dma_start3A_38 : memref<1x125xi32, #tpu.memory_space<vmem>> -> memref<125xi32, #tpu.memory_space<vmem>>
        %dma_start3A_40 = arith.constant 0 : i32
        %dma_start3A_41 = arith.constant 0 : i32
        %dma_start3A_42 = tpu.memref_slice %arg9[%dma_start3A_40, %dma_start3A_41] : memref<10000x48xf32, #tpu.memory_space<vmem_shared>> -> memref<10000x48xf32, #tpu.memory_space<vmem_shared>>
        tpu.enqueue_indirect_dma source(%dma_start3A_36 : memref<125x48xf32, #tpu.memory_space<vmem>>) target(%dma_start3A_42 : memref<10000x48xf32, #tpu.memory_space<vmem_shared>>) offsets(%dma_start3A_39 : memref<125xi32, #tpu.memory_space<vmem>>) semaphore(%run_scoped3A : memref<!tpu.dma_semaphore, #tpu.memory_space<semaphore_mem>>) {add = true}
        %dma_wait3A = arith.constant 0 : i32
        %dma_wait3A_43 = arith.constant 0 : i32
        %dma_wait3A_44 = tpu.memref_slice %arg7[%dma_wait3A, %dma_wait3A_43] : memref<625x48xf32, #tpu.memory_space<vmem>> -> memref<125x48xf32, #tpu.memory_space<vmem>>
        %dma_wait3A_45 = arith.constant 0 : i32
        %dma_wait3A_46 = tpu.memref_slice %arg6[%add3A_18, %dma_wait3A_45] : memref<40x125xi32, #tpu.memory_space<vmem>> -> memref<1x125xi32, #tpu.memory_space<vmem>>
        %dma_wait3A_47 = tpu.memref_squeeze %dma_wait3A_46 : memref<1x125xi32, #tpu.memory_space<vmem>> -> memref<125xi32, #tpu.memory_space<vmem>>
        %dma_wait3A_48 = arith.constant 0 : i32
        %dma_wait3A_49 = arith.constant 0 : i32
        %dma_wait3A_50 = tpu.memref_slice %arg9[%dma_wait3A_48, %dma_wait3A_49] : memref<10000x48xf32, #tpu.memory_space<vmem_shared>> -> memref<10000x48xf32, #tpu.memory_space<vmem_shared>>
        tpu.wait_indirect_dma semaphore(%run_scoped3A : memref<!tpu.dma_semaphore, #tpu.memory_space<semaphore_mem>>) src(%dma_wait3A_44 : memref<125x48xf32, #tpu.memory_space<vmem>>) dst(%dma_wait3A_50 : memref<10000x48xf32, #tpu.memory_space<vmem_shared>>)
        tpu.yield
      }) : () -> ()
      %mul3A_19 = arith.constant 5 : i32
      %mul3A_20 = arith.muli %scan3A_9, %mul3A_19 : i32
      %add3A_21 = arith.constant 1 : i32
      %add3A_22 = arith.addi %mul3A_20, %add3A_21 : i32
      "tpu.region"() ({
        %run_scoped3A = tpu.sem_alloc : memref<!tpu.dma_semaphore, #tpu.memory_space<semaphore_mem>>
        %dma_start3A = arith.constant 125 : i32
        %dma_start3A_35 = arith.constant 0 : i32
        %dma_start3A_36 = tpu.memref_slice %arg7[%dma_start3A, %dma_start3A_35] : memref<625x48xf32, #tpu.memory_space<vmem>> -> memref<125x48xf32, #tpu.memory_space<vmem>>
        %dma_start3A_37 = arith.constant 0 : i32
        %dma_start3A_38 = tpu.memref_slice %arg6[%add3A_22, %dma_start3A_37] : memref<40x125xi32, #tpu.memory_space<vmem>> -> memref<1x125xi32, #tpu.memory_space<vmem>>
        %dma_start3A_39 = tpu.memref_squeeze %dma_start3A_38 : memref<1x125xi32, #tpu.memory_space<vmem>> -> memref<125xi32, #tpu.memory_space<vmem>>
        %dma_start3A_40 = arith.constant 0 : i32
        %dma_start3A_41 = arith.constant 0 : i32
        %dma_start3A_42 = tpu.memref_slice %arg9[%dma_start3A_40, %dma_start3A_41] : memref<10000x48xf32, #tpu.memory_space<vmem_shared>> -> memref<10000x48xf32, #tpu.memory_space<vmem_shared>>
        tpu.enqueue_indirect_dma source(%dma_start3A_36 : memref<125x48xf32, #tpu.memory_space<vmem>>) target(%dma_start3A_42 : memref<10000x48xf32, #tpu.memory_space<vmem_shared>>) offsets(%dma_start3A_39 : memref<125xi32, #tpu.memory_space<vmem>>) semaphore(%run_scoped3A : memref<!tpu.dma_semaphore, #tpu.memory_space<semaphore_mem>>) {add = true}
        %dma_wait3A = arith.constant 125 : i32
        %dma_wait3A_43 = arith.constant 0 : i32
        %dma_wait3A_44 = tpu.memref_slice %arg7[%dma_wait3A, %dma_wait3A_43] : memref<625x48xf32, #tpu.memory_space<vmem>> -> memref<125x48xf32, #tpu.memory_space<vmem>>
        %dma_wait3A_45 = arith.constant 0 : i32
        %dma_wait3A_46 = tpu.memref_slice %arg6[%add3A_22, %dma_wait3A_45] : memref<40x125xi32, #tpu.memory_space<vmem>> -> memref<1x125xi32, #tpu.memory_space<vmem>>
        %dma_wait3A_47 = tpu.memref_squeeze %dma_wait3A_46 : memref<1x125xi32, #tpu.memory_space<vmem>> -> memref<125xi32, #tpu.memory_space<vmem>>
        %dma_wait3A_48 = arith.constant 0 : i32
        %dma_wait3A_49 = arith.constant 0 : i32
        %dma_wait3A_50 = tpu.memref_slice %arg9[%dma_wait3A_48, %dma_wait3A_49] : memref<10000x48xf32, #tpu.memory_space<vmem_shared>> -> memref<10000x48xf32, #tpu.memory_space<vmem_shared>>
        tpu.wait_indirect_dma semaphore(%run_scoped3A : memref<!tpu.dma_semaphore, #tpu.memory_space<semaphore_mem>>) src(%dma_wait3A_44 : memref<125x48xf32, #tpu.memory_space<vmem>>) dst(%dma_wait3A_50 : memref<10000x48xf32, #tpu.memory_space<vmem_shared>>)
        tpu.yield
      }) : () -> ()
      %mul3A_23 = arith.constant 5 : i32
      %mul3A_24 = arith.muli %scan3A_9, %mul3A_23 : i32
      %add3A_25 = arith.constant 2 : i32
      %add3A_26 = arith.addi %mul3A_24, %add3A_25 : i32
      "tpu.region"() ({
        %run_scoped3A = tpu.sem_alloc : memref<!tpu.dma_semaphore, #tpu.memory_space<semaphore_mem>>
        %dma_start3A = arith.constant 250 : i32
        %dma_start3A_35 = arith.constant 0 : i32
        %dma_start3A_36 = tpu.memref_slice %arg7[%dma_start3A, %dma_start3A_35] : memref<625x48xf32, #tpu.memory_space<vmem>> -> memref<125x48xf32, #tpu.memory_space<vmem>>
        %dma_start3A_37 = arith.constant 0 : i32
        %dma_start3A_38 = tpu.memref_slice %arg6[%add3A_26, %dma_start3A_37] : memref<40x125xi32, #tpu.memory_space<vmem>> -> memref<1x125xi32, #tpu.memory_space<vmem>>
        %dma_start3A_39 = tpu.memref_squeeze %dma_start3A_38 : memref<1x125xi32, #tpu.memory_space<vmem>> -> memref<125xi32, #tpu.memory_space<vmem>>
        %dma_start3A_40 = arith.constant 0 : i32
        %dma_start3A_41 = arith.constant 0 : i32
        %dma_start3A_42 = tpu.memref_slice %arg9[%dma_start3A_40, %dma_start3A_41] : memref<10000x48xf32, #tpu.memory_space<vmem_shared>> -> memref<10000x48xf32, #tpu.memory_space<vmem_shared>>
        tpu.enqueue_indirect_dma source(%dma_start3A_36 : memref<125x48xf32, #tpu.memory_space<vmem>>) target(%dma_start3A_42 : memref<10000x48xf32, #tpu.memory_space<vmem_shared>>) offsets(%dma_start3A_39 : memref<125xi32, #tpu.memory_space<vmem>>) semaphore(%run_scoped3A : memref<!tpu.dma_semaphore, #tpu.memory_space<semaphore_mem>>) {add = true}
        %dma_wait3A = arith.constant 250 : i32
        %dma_wait3A_43 = arith.constant 0 : i32
        %dma_wait3A_44 = tpu.memref_slice %arg7[%dma_wait3A, %dma_wait3A_43] : memref<625x48xf32, #tpu.memory_space<vmem>> -> memref<125x48xf32, #tpu.memory_space<vmem>>
        %dma_wait3A_45 = arith.constant 0 : i32
        %dma_wait3A_46 = tpu.memref_slice %arg6[%add3A_26, %dma_wait3A_45] : memref<40x125xi32, #tpu.memory_space<vmem>> -> memref<1x125xi32, #tpu.memory_space<vmem>>
        %dma_wait3A_47 = tpu.memref_squeeze %dma_wait3A_46 : memref<1x125xi32, #tpu.memory_space<vmem>> -> memref<125xi32, #tpu.memory_space<vmem>>
        %dma_wait3A_48 = arith.constant 0 : i32
        %dma_wait3A_49 = arith.constant 0 : i32
        %dma_wait3A_50 = tpu.memref_slice %arg9[%dma_wait3A_48, %dma_wait3A_49] : memref<10000x48xf32, #tpu.memory_space<vmem_shared>> -> memref<10000x48xf32, #tpu.memory_space<vmem_shared>>
        tpu.wait_indirect_dma semaphore(%run_scoped3A : memref<!tpu.dma_semaphore, #tpu.memory_space<semaphore_mem>>) src(%dma_wait3A_44 : memref<125x48xf32, #tpu.memory_space<vmem>>) dst(%dma_wait3A_50 : memref<10000x48xf32, #tpu.memory_space<vmem_shared>>)
        tpu.yield
      }) : () -> ()
      %mul3A_27 = arith.constant 5 : i32
      %mul3A_28 = arith.muli %scan3A_9, %mul3A_27 : i32
      %add3A_29 = arith.constant 3 : i32
      %add3A_30 = arith.addi %mul3A_28, %add3A_29 : i32
      "tpu.region"() ({
        %run_scoped3A = tpu.sem_alloc : memref<!tpu.dma_semaphore, #tpu.memory_space<semaphore_mem>>
        %dma_start3A = arith.constant 375 : i32
        %dma_start3A_35 = arith.constant 0 : i32
        %dma_start3A_36 = tpu.memref_slice %arg7[%dma_start3A, %dma_start3A_35] : memref<625x48xf32, #tpu.memory_space<vmem>> -> memref<125x48xf32, #tpu.memory_space<vmem>>
        %dma_start3A_37 = arith.constant 0 : i32
        %dma_start3A_38 = tpu.memref_slice %arg6[%add3A_30, %dma_start3A_37] : memref<40x125xi32, #tpu.memory_space<vmem>> -> memref<1x125xi32, #tpu.memory_space<vmem>>
        %dma_start3A_39 = tpu.memref_squeeze %dma_start3A_38 : memref<1x125xi32, #tpu.memory_space<vmem>> -> memref<125xi32, #tpu.memory_space<vmem>>
        %dma_start3A_40 = arith.constant 0 : i32
        %dma_start3A_41 = arith.constant 0 : i32
        %dma_start3A_42 = tpu.memref_slice %arg9[%dma_start3A_40, %dma_start3A_41] : memref<10000x48xf32, #tpu.memory_space<vmem_shared>> -> memref<10000x48xf32, #tpu.memory_space<vmem_shared>>
        tpu.enqueue_indirect_dma source(%dma_start3A_36 : memref<125x48xf32, #tpu.memory_space<vmem>>) target(%dma_start3A_42 : memref<10000x48xf32, #tpu.memory_space<vmem_shared>>) offsets(%dma_start3A_39 : memref<125xi32, #tpu.memory_space<vmem>>) semaphore(%run_scoped3A : memref<!tpu.dma_semaphore, #tpu.memory_space<semaphore_mem>>) {add = true}
        %dma_wait3A = arith.constant 375 : i32
        %dma_wait3A_43 = arith.constant 0 : i32
        %dma_wait3A_44 = tpu.memref_slice %arg7[%dma_wait3A, %dma_wait3A_43] : memref<625x48xf32, #tpu.memory_space<vmem>> -> memref<125x48xf32, #tpu.memory_space<vmem>>
        %dma_wait3A_45 = arith.constant 0 : i32
        %dma_wait3A_46 = tpu.memref_slice %arg6[%add3A_30, %dma_wait3A_45] : memref<40x125xi32, #tpu.memory_space<vmem>> -> memref<1x125xi32, #tpu.memory_space<vmem>>
        %dma_wait3A_47 = tpu.memref_squeeze %dma_wait3A_46 : memref<1x125xi32, #tpu.memory_space<vmem>> -> memref<125xi32, #tpu.memory_space<vmem>>
        %dma_wait3A_48 = arith.constant 0 : i32
        %dma_wait3A_49 = arith.constant 0 : i32
        %dma_wait3A_50 = tpu.memref_slice %arg9[%dma_wait3A_48, %dma_wait3A_49] : memref<10000x48xf32, #tpu.memory_space<vmem_shared>> -> memref<10000x48xf32, #tpu.memory_space<vmem_shared>>
        tpu.wait_indirect_dma semaphore(%run_scoped3A : memref<!tpu.dma_semaphore, #tpu.memory_space<semaphore_mem>>) src(%dma_wait3A_44 : memref<125x48xf32, #tpu.memory_space<vmem>>) dst(%dma_wait3A_50 : memref<10000x48xf32, #tpu.memory_space<vmem_shared>>)
        tpu.yield
      }) : () -> ()
      %mul3A_31 = arith.constant 5 : i32
      %mul3A_32 = arith.muli %scan3A_9, %mul3A_31 : i32
      %add3A_33 = arith.constant 4 : i32
      %add3A_34 = arith.addi %mul3A_32, %add3A_33 : i32
      "tpu.region"() ({
        %run_scoped3A = tpu.sem_alloc : memref<!tpu.dma_semaphore, #tpu.memory_space<semaphore_mem>>
        %dma_start3A = arith.constant 500 : i32
        %dma_start3A_35 = arith.constant 0 : i32
        %dma_start3A_36 = tpu.memref_slice %arg7[%dma_start3A, %dma_start3A_35] : memref<625x48xf32, #tpu.memory_space<vmem>> -> memref<125x48xf32, #tpu.memory_space<vmem>>
        %dma_start3A_37 = arith.constant 0 : i32
        %dma_start3A_38 = tpu.memref_slice %arg6[%add3A_34, %dma_start3A_37] : memref<40x125xi32, #tpu.memory_space<vmem>> -> memref<1x125xi32, #tpu.memory_space<vmem>>
        %dma_start3A_39 = tpu.memref_squeeze %dma_start3A_38 : memref<1x125xi32, #tpu.memory_space<vmem>> -> memref<125xi32, #tpu.memory_space<vmem>>
        %dma_start3A_40 = arith.constant 0 : i32
        %dma_start3A_41 = arith.constant 0 : i32
        %dma_start3A_42 = tpu.memref_slice %arg9[%dma_start3A_40, %dma_start3A_41] : memref<10000x48xf32, #tpu.memory_space<vmem_shared>> -> memref<10000x48xf32, #tpu.memory_space<vmem_shared>>
        tpu.enqueue_indirect_dma source(%dma_start3A_36 : memref<125x48xf32, #tpu.memory_space<vmem>>) target(%dma_start3A_42 : memref<10000x48xf32, #tpu.memory_space<vmem_shared>>) offsets(%dma_start3A_39 : memref<125xi32, #tpu.memory_space<vmem>>) semaphore(%run_scoped3A : memref<!tpu.dma_semaphore, #tpu.memory_space<semaphore_mem>>) {add = true}
        %dma_wait3A = arith.constant 500 : i32
        %dma_wait3A_43 = arith.constant 0 : i32
        %dma_wait3A_44 = tpu.memref_slice %arg7[%dma_wait3A, %dma_wait3A_43] : memref<625x48xf32, #tpu.memory_space<vmem>> -> memref<125x48xf32, #tpu.memory_space<vmem>>
        %dma_wait3A_45 = arith.constant 0 : i32
        %dma_wait3A_46 = tpu.memref_slice %arg6[%add3A_34, %dma_wait3A_45] : memref<40x125xi32, #tpu.memory_space<vmem>> -> memref<1x125xi32, #tpu.memory_space<vmem>>
        %dma_wait3A_47 = tpu.memref_squeeze %dma_wait3A_46 : memref<1x125xi32, #tpu.memory_space<vmem>> -> memref<125xi32, #tpu.memory_space<vmem>>
        %dma_wait3A_48 = arith.constant 0 : i32
        %dma_wait3A_49 = arith.constant 0 : i32
        %dma_wait3A_50 = tpu.memref_slice %arg9[%dma_wait3A_48, %dma_wait3A_49] : memref<10000x48xf32, #tpu.memory_space<vmem_shared>> -> memref<10000x48xf32, #tpu.memory_space<vmem_shared>>
        tpu.wait_indirect_dma semaphore(%run_scoped3A : memref<!tpu.dma_semaphore, #tpu.memory_space<semaphore_mem>>) src(%dma_wait3A_44 : memref<125x48xf32, #tpu.memory_space<vmem>>) dst(%dma_wait3A_50 : memref<10000x48xf32, #tpu.memory_space<vmem_shared>>)
        tpu.yield
      }) : () -> ()
    }
    %scan3A_7 = arith.constant 8 : i32
    %barrier3A_8 = arith.constant 0 : index
    tpu.barrier barrier_id(%barrier3A_8)
    "tpu.region"() ({
      %run_scoped3A = tpu.sem_alloc : memref<!tpu.dma_semaphore, #tpu.memory_space<semaphore_mem>>
      %dma_start3A = arith.constant 0 : i32
      %dma_start3A_9 = tpu.memref_slice %arg9[%mul3A_2, %dma_start3A] : memref<10000x48xf32, #tpu.memory_space<vmem_shared>> -> memref<625x48xf32, #tpu.memory_space<vmem_shared>>
      %dma_start3A_10 = arith.constant 0 : i32
      %dma_start3A_11 = tpu.memref_slice %arg9[%mul3A_2, %dma_start3A_10] : memref<10000x48xf32, #tpu.memory_space<vmem_shared>> -> memref<625x48xf32, #tpu.memory_space<vmem_shared>>
      tpu.enqueue_dma source(%dma_start3A_11 : memref<625x48xf32, #tpu.memory_space<vmem_shared>>) target(%arg8 : memref<625x48xf32, #tpu.memory_space<vmem>>) target_semaphore(%run_scoped3A : memref<!tpu.dma_semaphore, #tpu.memory_space<semaphore_mem>>)
      %dma_wait3A = arith.constant 0 : i32
      %dma_wait3A_12 = tpu.memref_slice %arg9[%mul3A_2, %dma_wait3A] : memref<10000x48xf32, #tpu.memory_space<vmem_shared>> -> memref<625x48xf32, #tpu.memory_space<vmem_shared>>
      %dma_wait3A_13 = arith.constant 0 : i32
      %dma_wait3A_14 = tpu.memref_slice %arg9[%mul3A_2, %dma_wait3A_13] : memref<10000x48xf32, #tpu.memory_space<vmem_shared>> -> memref<625x48xf32, #tpu.memory_space<vmem_shared>>
      tpu.wait_dma2 semaphore(%run_scoped3A : memref<!tpu.dma_semaphore, #tpu.memory_space<semaphore_mem>>) src(%dma_wait3A_14 : memref<625x48xf32, #tpu.memory_space<vmem_shared>>) dst(%arg8 : memref<625x48xf32, #tpu.memory_space<vmem>>)
      tpu.yield
    }) : () -> ()
    "tpu.region"() ({
      %run_scoped3A = tpu.sem_alloc : memref<!tpu.dma_semaphore, #tpu.memory_space<semaphore_mem>>
      %dma_start3A = arith.constant 0 : i32
      %dma_start3A_9 = tpu.memref_slice %arg5[%arg0, %mul3A_2, %dma_start3A] : memref<2x10000x128xf32, #tpu.memory_space<hbm>> -> memref<1x625x48xf32, #tpu.memory_space<hbm>>
      %dma_start3A_10 = tpu.memref_squeeze %dma_start3A_9 : memref<1x625x48xf32, #tpu.memory_space<hbm>> -> memref<625x48xf32, #tpu.memory_space<hbm>>
      %dma_start3A_11 = arith.constant 0 : i32
      %dma_start3A_12 = tpu.memref_slice %arg5[%arg0, %mul3A_2, %dma_start3A_11] : memref<2x10000x128xf32, #tpu.memory_space<hbm>> -> memref<1x625x48xf32, #tpu.memory_space<hbm>>
      %dma_start3A_13 = tpu.memref_squeeze %dma_start3A_12 : memref<1x625x48xf32, #tpu.memory_space<hbm>> -> memref<625x48xf32, #tpu.memory_space<hbm>>
      tpu.enqueue_dma source(%arg8 : memref<625x48xf32, #tpu.memory_space<vmem>>) target(%dma_start3A_13 : memref<625x48xf32, #tpu.memory_space<hbm>>) target_semaphore(%run_scoped3A : memref<!tpu.dma_semaphore, #tpu.memory_space<semaphore_mem>>)
      %dma_wait3A = arith.constant 0 : i32
      %dma_wait3A_14 = tpu.memref_slice %arg5[%arg0, %mul3A_2, %dma_wait3A] : memref<2x10000x128xf32, #tpu.memory_space<hbm>> -> memref<1x625x48xf32, #tpu.memory_space<hbm>>
      %dma_wait3A_15 = tpu.memref_squeeze %dma_wait3A_14 : memref<1x625x48xf32, #tpu.memory_space<hbm>> -> memref<625x48xf32, #tpu.memory_space<hbm>>
      %dma_wait3A_16 = arith.constant 0 : i32
      %dma_wait3A_17 = tpu.memref_slice %arg5[%arg0, %mul3A_2, %dma_wait3A_16] : memref<2x10000x128xf32, #tpu.memory_space<hbm>> -> memref<1x625x48xf32, #tpu.memory_space<hbm>>
      %dma_wait3A_18 = tpu.memref_squeeze %dma_wait3A_17 : memref<1x625x48xf32, #tpu.memory_space<hbm>> -> memref<625x48xf32, #tpu.memory_space<hbm>>
      tpu.wait_dma2 semaphore(%run_scoped3A : memref<!tpu.dma_semaphore, #tpu.memory_space<semaphore_mem>>) src(%arg8 : memref<625x48xf32, #tpu.memory_space<vmem>>) dst(%dma_wait3A_18 : memref<625x48xf32, #tpu.memory_space<hbm>>)
      tpu.yield
    }) : () -> ()
    return
  }
}

#map = affine_map<(d0, d1) -> (0, 0)>
#map1 = affine_map<(d0, d1) -> (0, 0, 0)>
module attributes {stable_mosaic.version = 14 : i64} {
  func.func @scat(%arg0: i32, %arg1: i32, %arg2: memref<160000x128xf32, #tpu.memory_space<hbm>>, %arg3: memref<32x40x125xi32, #tpu.memory_space<hbm>>, %arg4: memref<10000x48xf32, #tpu.memory_space<hbm>>, %arg5: memref<2x10000x128xf32, #tpu.memory_space<hbm>>, %arg6: memref<40x125xi32, #tpu.memory_space<vmem>>, %arg7: memref<625x48xf32, #tpu.memory_space<vmem>>, %arg8: memref<625x48xf32, #tpu.memory_space<vmem>>, %arg9: memref<10000x48xf32, #tpu.memory_space<vmem_shared>>) attributes {dimension_semantics = [#tpu.dimension_semantics<core_parallel>, #tpu.dimension_semantics<subcore_parallel>], iteration_bounds = array<i64: 2, 16>, scalar_prefetch = 0 : i64, scratch_operands = 4 : i64, tpu.core_type = #tpu.core_type<sc_vector_subcore>, window_params = [{transform_indices = #map}, {transform_indices = #map1}, {transform_indices = #map}, {transform_indices = #map1}]} {
    %mul3A = arith.constant 16 : i32
    %mul3A_0 = arith.muli %arg0, %mul3A : i32
    %add3A = arith.addi %mul3A_0, %arg1 : i32
    %mul3A_1 = arith.constant 625 : i32
    %mul3A_2 = arith.muli %arg1, %mul3A_1 : i32
    "tpu.region"() ({
      %run_scoped3A = tpu.sem_alloc : memref<!tpu.dma_semaphore, #tpu.memory_space<semaphore_mem>>
      %dma_start3A = arith.constant 0 : i32
      %dma_start3A_9 = tpu.memref_slice %arg4[%mul3A_2, %dma_start3A] : memref<10000x48xf32, #tpu.memory_space<hbm>> -> memref<625x48xf32, #tpu.memory_space<hbm>>
      %dma_start3A_10 = arith.constant 0 : i32
      %dma_start3A_11 = tpu.memref_slice %arg4[%mul3A_2, %dma_start3A_10] : memref<10000x48xf32, #tpu.memory_space<hbm>> -> memref<625x48xf32, #tpu.memory_space<hbm>>
      tpu.enqueue_dma source(%dma_start3A_11 : memref<625x48xf32, #tpu.memory_space<hbm>>) target(%arg8 : memref<625x48xf32, #tpu.memory_space<vmem>>) target_semaphore(%run_scoped3A : memref<!tpu.dma_semaphore, #tpu.memory_space<semaphore_mem>>)
      %dma_wait3A = arith.constant 0 : i32
      %dma_wait3A_12 = tpu.memref_slice %arg4[%mul3A_2, %dma_wait3A] : memref<10000x48xf32, #tpu.memory_space<hbm>> -> memref<625x48xf32, #tpu.memory_space<hbm>>
      %dma_wait3A_13 = arith.constant 0 : i32
      %dma_wait3A_14 = tpu.memref_slice %arg4[%mul3A_2, %dma_wait3A_13] : memref<10000x48xf32, #tpu.memory_space<hbm>> -> memref<625x48xf32, #tpu.memory_space<hbm>>
      tpu.wait_dma2 semaphore(%run_scoped3A : memref<!tpu.dma_semaphore, #tpu.memory_space<semaphore_mem>>) src(%dma_wait3A_14 : memref<625x48xf32, #tpu.memory_space<hbm>>) dst(%arg8 : memref<625x48xf32, #tpu.memory_space<vmem>>)
      tpu.yield
    }) : () -> ()
    "tpu.region"() ({
      %run_scoped3A = tpu.sem_alloc : memref<!tpu.dma_semaphore, #tpu.memory_space<semaphore_mem>>
      %dma_start3A = arith.constant 0 : i32
      %dma_start3A_9 = tpu.memref_slice %arg9[%mul3A_2, %dma_start3A] : memref<10000x48xf32, #tpu.memory_space<vmem_shared>> -> memref<625x48xf32, #tpu.memory_space<vmem_shared>>
      %dma_start3A_10 = arith.constant 0 : i32
      %dma_start3A_11 = tpu.memref_slice %arg9[%mul3A_2, %dma_start3A_10] : memref<10000x48xf32, #tpu.memory_space<vmem_shared>> -> memref<625x48xf32, #tpu.memory_space<vmem_shared>>
      tpu.enqueue_dma source(%arg8 : memref<625x48xf32, #tpu.memory_space<vmem>>) target(%dma_start3A_11 : memref<625x48xf32, #tpu.memory_space<vmem_shared>>) target_semaphore(%run_scoped3A : memref<!tpu.dma_semaphore, #tpu.memory_space<semaphore_mem>>)
      %dma_wait3A = arith.constant 0 : i32
      %dma_wait3A_12 = tpu.memref_slice %arg9[%mul3A_2, %dma_wait3A] : memref<10000x48xf32, #tpu.memory_space<vmem_shared>> -> memref<625x48xf32, #tpu.memory_space<vmem_shared>>
      %dma_wait3A_13 = arith.constant 0 : i32
      %dma_wait3A_14 = tpu.memref_slice %arg9[%mul3A_2, %dma_wait3A_13] : memref<10000x48xf32, #tpu.memory_space<vmem_shared>> -> memref<625x48xf32, #tpu.memory_space<vmem_shared>>
      tpu.wait_dma2 semaphore(%run_scoped3A : memref<!tpu.dma_semaphore, #tpu.memory_space<semaphore_mem>>) src(%arg8 : memref<625x48xf32, #tpu.memory_space<vmem>>) dst(%dma_wait3A_14 : memref<625x48xf32, #tpu.memory_space<vmem_shared>>)
      tpu.yield
    }) : () -> ()
    %barrier3A = arith.constant 0 : index
    tpu.barrier barrier_id(%barrier3A)
    "tpu.region"() ({
      %run_scoped3A = tpu.sem_alloc : memref<!tpu.dma_semaphore, #tpu.memory_space<semaphore_mem>>
      %dma_start3A = arith.constant 0 : i32
      %dma_start3A_9 = arith.constant 0 : i32
      %dma_start3A_10 = tpu.memref_slice %arg3[%add3A, %dma_start3A, %dma_start3A_9] : memref<32x40x125xi32, #tpu.memory_space<hbm>> -> memref<1x40x125xi32, #tpu.memory_space<hbm>>
      %dma_start3A_11 = tpu.memref_squeeze %dma_start3A_10 : memref<1x40x125xi32, #tpu.memory_space<hbm>> -> memref<40x125xi32, #tpu.memory_space<hbm>>
      %dma_start3A_12 = arith.constant 0 : i32
      %dma_start3A_13 = arith.constant 0 : i32
      %dma_start3A_14 = tpu.memref_slice %arg3[%add3A, %dma_start3A_12, %dma_start3A_13] : memref<32x40x125xi32, #tpu.memory_space<hbm>> -> memref<1x40x125xi32, #tpu.memory_space<hbm>>
      %dma_start3A_15 = tpu.memref_squeeze %dma_start3A_14 : memref<1x40x125xi32, #tpu.memory_space<hbm>> -> memref<40x125xi32, #tpu.memory_space<hbm>>
      tpu.enqueue_dma source(%dma_start3A_15 : memref<40x125xi32, #tpu.memory_space<hbm>>) target(%arg6 : memref<40x125xi32, #tpu.memory_space<vmem>>) target_semaphore(%run_scoped3A : memref<!tpu.dma_semaphore, #tpu.memory_space<semaphore_mem>>)
      %dma_wait3A = arith.constant 0 : i32
      %dma_wait3A_16 = arith.constant 0 : i32
      %dma_wait3A_17 = tpu.memref_slice %arg3[%add3A, %dma_wait3A, %dma_wait3A_16] : memref<32x40x125xi32, #tpu.memory_space<hbm>> -> memref<1x40x125xi32, #tpu.memory_space<hbm>>
      %dma_wait3A_18 = tpu.memref_squeeze %dma_wait3A_17 : memref<1x40x125xi32, #tpu.memory_space<hbm>> -> memref<40x125xi32, #tpu.memory_space<hbm>>
      %dma_wait3A_19 = arith.constant 0 : i32
      %dma_wait3A_20 = arith.constant 0 : i32
      %dma_wait3A_21 = tpu.memref_slice %arg3[%add3A, %dma_wait3A_19, %dma_wait3A_20] : memref<32x40x125xi32, #tpu.memory_space<hbm>> -> memref<1x40x125xi32, #tpu.memory_space<hbm>>
      %dma_wait3A_22 = tpu.memref_squeeze %dma_wait3A_21 : memref<1x40x125xi32, #tpu.memory_space<hbm>> -> memref<40x125xi32, #tpu.memory_space<hbm>>
      tpu.wait_dma2 semaphore(%run_scoped3A : memref<!tpu.dma_semaphore, #tpu.memory_space<semaphore_mem>>) src(%dma_wait3A_22 : memref<40x125xi32, #tpu.memory_space<hbm>>) dst(%arg6 : memref<40x125xi32, #tpu.memory_space<vmem>>)
      tpu.yield
    }) : () -> ()
    %scan3A = arith.constant 0 : i32
    %scan3A_3 = arith.constant 0 : i32
    %scan3A_4 = arith.constant 8 : i32
    %scan3A_5 = arith.addi %scan3A_3, %scan3A_4 : i32
    %scan3A_6 = arith.constant 1 : i32
    scf.for %scan3A_9 = %scan3A_3 to %scan3A_5 step %scan3A_6  : i32 {
      %mul3A_10 = arith.constant 5000 : i32
      %mul3A_11 = arith.muli %add3A, %mul3A_10 : i32
      %mul3A_12 = arith.constant 625 : i32
      %mul3A_13 = arith.muli %scan3A_9, %mul3A_12 : i32
      %add3A_14 = arith.addi %mul3A_11, %mul3A_13 : i32
      "tpu.region"() ({
        %run_scoped3A = tpu.sem_alloc : memref<!tpu.dma_semaphore, #tpu.memory_space<semaphore_mem>>
        %dma_start3A = arith.constant 0 : i32
        %dma_start3A_35 = tpu.memref_slice %arg2[%add3A_14, %dma_start3A] : memref<160000x128xf32, #tpu.memory_space<hbm>> -> memref<625x48xf32, #tpu.memory_space<hbm>>
        %dma_start3A_36 = arith.constant 0 : i32
        %dma_start3A_37 = tpu.memref_slice %arg2[%add3A_14, %dma_start3A_36] : memref<160000x128xf32, #tpu.memory_space<hbm>> -> memref<625x48xf32, #tpu.memory_space<hbm>>
        tpu.enqueue_dma source(%dma_start3A_37 : memref<625x48xf32, #tpu.memory_space<hbm>>) target(%arg7 : memref<625x48xf32, #tpu.memory_space<vmem>>) target_semaphore(%run_scoped3A : memref<!tpu.dma_semaphore, #tpu.memory_space<semaphore_mem>>)
        %dma_wait3A = arith.constant 0 : i32
        %dma_wait3A_38 = tpu.memref_slice %arg2[%add3A_14, %dma_wait3A] : memref<160000x128xf32, #tpu.memory_space<hbm>> -> memref<625x48xf32, #tpu.memory_space<hbm>>
        %dma_wait3A_39 = arith.constant 0 : i32
        %dma_wait3A_40 = tpu.memref_slice %arg2[%add3A_14, %dma_wait3A_39] : memref<160000x128xf32, #tpu.memory_space<hbm>> -> memref<625x48xf32, #tpu.memory_space<hbm>>
        tpu.wait_dma2 semaphore(%run_scoped3A : memref<!tpu.dma_semaphore, #tpu.memory_space<semaphore_mem>>) src(%dma_wait3A_40 : memref<625x48xf32, #tpu.memory_space<hbm>>) dst(%arg7 : memref<625x48xf32, #tpu.memory_space<vmem>>)
        tpu.yield
      }) : () -> ()
      %mul3A_15 = arith.constant 5 : i32
      %mul3A_16 = arith.muli %scan3A_9, %mul3A_15 : i32
      %add3A_17 = arith.constant 0 : i32
      %add3A_18 = arith.addi %mul3A_16, %add3A_17 : i32
      "tpu.region"() ({
        %run_scoped3A = tpu.sem_alloc : memref<!tpu.dma_semaphore, #tpu.memory_space<semaphore_mem>>
        %dma_start3A = arith.constant 0 : i32
        %dma_start3A_35 = arith.constant 0 : i32
        %dma_start3A_36 = tpu.memref_slice %arg7[%dma_start3A, %dma_start3A_35] : memref<625x48xf32, #tpu.memory_space<vmem>> -> memref<125x48xf32, #tpu.memory_space<vmem>>
        %dma_start3A_37 = arith.constant 0 : i32
        %dma_start3A_38 = tpu.memref_slice %arg6[%add3A_18, %dma_start3A_37] : memref<40x125xi32, #tpu.memory_space<vmem>> -> memref<1x125xi32, #tpu.memory_space<vmem>>
        %dma_start3A_39 = tpu.memref_squeeze %dma_start3A_38 : memref<1x125xi32, #tpu.memory_space<vmem>> -> memref<125xi32, #tpu.memory_space<vmem>>
        %dma_start3A_40 = arith.constant 0 : i32
        %dma_start3A_41 = arith.constant 0 : i32
        %dma_start3A_42 = tpu.memref_slice %arg9[%dma_start3A_40, %dma_start3A_41] : memref<10000x48xf32, #tpu.memory_space<vmem_shared>> -> memref<10000x48xf32, #tpu.memory_space<vmem_shared>>
        tpu.enqueue_indirect_dma source(%dma_start3A_36 : memref<125x48xf32, #tpu.memory_space<vmem>>) target(%dma_start3A_42 : memref<10000x48xf32, #tpu.memory_space<vmem_shared>>) offsets(%dma_start3A_39 : memref<125xi32, #tpu.memory_space<vmem>>) semaphore(%run_scoped3A : memref<!tpu.dma_semaphore, #tpu.memory_space<semaphore_mem>>) {add = true}
        %dma_wait3A = arith.constant 0 : i32
        %dma_wait3A_43 = arith.constant 0 : i32
        %dma_wait3A_44 = tpu.memref_slice %arg7[%dma_wait3A, %dma_wait3A_43] : memref<625x48xf32, #tpu.memory_space<vmem>> -> memref<125x48xf32, #tpu.memory_space<vmem>>
        %dma_wait3A_45 = arith.constant 0 : i32
        %dma_wait3A_46 = tpu.memref_slice %arg6[%add3A_18, %dma_wait3A_45] : memref<40x125xi32, #tpu.memory_space<vmem>> -> memref<1x125xi32, #tpu.memory_space<vmem>>
        %dma_wait3A_47 = tpu.memref_squeeze %dma_wait3A_46 : memref<1x125xi32, #tpu.memory_space<vmem>> -> memref<125xi32, #tpu.memory_space<vmem>>
        %dma_wait3A_48 = arith.constant 0 : i32
        %dma_wait3A_49 = arith.constant 0 : i32
        %dma_wait3A_50 = tpu.memref_slice %arg9[%dma_wait3A_48, %dma_wait3A_49] : memref<10000x48xf32, #tpu.memory_space<vmem_shared>> -> memref<10000x48xf32, #tpu.memory_space<vmem_shared>>
        tpu.wait_indirect_dma semaphore(%run_scoped3A : memref<!tpu.dma_semaphore, #tpu.memory_space<semaphore_mem>>) src(%dma_wait3A_44 : memref<125x48xf32, #tpu.memory_space<vmem>>) dst(%dma_wait3A_50 : memref<10000x48xf32, #tpu.memory_space<vmem_shared>>)
        tpu.yield
      }) : () -> ()
      %mul3A_19 = arith.constant 5 : i32
      %mul3A_20 = arith.muli %scan3A_9, %mul3A_19 : i32
      %add3A_21 = arith.constant 1 : i32
      %add3A_22 = arith.addi %mul3A_20, %add3A_21 : i32
      "tpu.region"() ({
        %run_scoped3A = tpu.sem_alloc : memref<!tpu.dma_semaphore, #tpu.memory_space<semaphore_mem>>
        %dma_start3A = arith.constant 125 : i32
        %dma_start3A_35 = arith.constant 0 : i32
        %dma_start3A_36 = tpu.memref_slice %arg7[%dma_start3A, %dma_start3A_35] : memref<625x48xf32, #tpu.memory_space<vmem>> -> memref<125x48xf32, #tpu.memory_space<vmem>>
        %dma_start3A_37 = arith.constant 0 : i32
        %dma_start3A_38 = tpu.memref_slice %arg6[%add3A_22, %dma_start3A_37] : memref<40x125xi32, #tpu.memory_space<vmem>> -> memref<1x125xi32, #tpu.memory_space<vmem>>
        %dma_start3A_39 = tpu.memref_squeeze %dma_start3A_38 : memref<1x125xi32, #tpu.memory_space<vmem>> -> memref<125xi32, #tpu.memory_space<vmem>>
        %dma_start3A_40 = arith.constant 0 : i32
        %dma_start3A_41 = arith.constant 0 : i32
        %dma_start3A_42 = tpu.memref_slice %arg9[%dma_start3A_40, %dma_start3A_41] : memref<10000x48xf32, #tpu.memory_space<vmem_shared>> -> memref<10000x48xf32, #tpu.memory_space<vmem_shared>>
        tpu.enqueue_indirect_dma source(%dma_start3A_36 : memref<125x48xf32, #tpu.memory_space<vmem>>) target(%dma_start3A_42 : memref<10000x48xf32, #tpu.memory_space<vmem_shared>>) offsets(%dma_start3A_39 : memref<125xi32, #tpu.memory_space<vmem>>) semaphore(%run_scoped3A : memref<!tpu.dma_semaphore, #tpu.memory_space<semaphore_mem>>) {add = true}
        %dma_wait3A = arith.constant 125 : i32
        %dma_wait3A_43 = arith.constant 0 : i32
        %dma_wait3A_44 = tpu.memref_slice %arg7[%dma_wait3A, %dma_wait3A_43] : memref<625x48xf32, #tpu.memory_space<vmem>> -> memref<125x48xf32, #tpu.memory_space<vmem>>
        %dma_wait3A_45 = arith.constant 0 : i32
        %dma_wait3A_46 = tpu.memref_slice %arg6[%add3A_22, %dma_wait3A_45] : memref<40x125xi32, #tpu.memory_space<vmem>> -> memref<1x125xi32, #tpu.memory_space<vmem>>
        %dma_wait3A_47 = tpu.memref_squeeze %dma_wait3A_46 : memref<1x125xi32, #tpu.memory_space<vmem>> -> memref<125xi32, #tpu.memory_space<vmem>>
        %dma_wait3A_48 = arith.constant 0 : i32
        %dma_wait3A_49 = arith.constant 0 : i32
        %dma_wait3A_50 = tpu.memref_slice %arg9[%dma_wait3A_48, %dma_wait3A_49] : memref<10000x48xf32, #tpu.memory_space<vmem_shared>> -> memref<10000x48xf32, #tpu.memory_space<vmem_shared>>
        tpu.wait_indirect_dma semaphore(%run_scoped3A : memref<!tpu.dma_semaphore, #tpu.memory_space<semaphore_mem>>) src(%dma_wait3A_44 : memref<125x48xf32, #tpu.memory_space<vmem>>) dst(%dma_wait3A_50 : memref<10000x48xf32, #tpu.memory_space<vmem_shared>>)
        tpu.yield
      }) : () -> ()
      %mul3A_23 = arith.constant 5 : i32
      %mul3A_24 = arith.muli %scan3A_9, %mul3A_23 : i32
      %add3A_25 = arith.constant 2 : i32
      %add3A_26 = arith.addi %mul3A_24, %add3A_25 : i32
      "tpu.region"() ({
        %run_scoped3A = tpu.sem_alloc : memref<!tpu.dma_semaphore, #tpu.memory_space<semaphore_mem>>
        %dma_start3A = arith.constant 250 : i32
        %dma_start3A_35 = arith.constant 0 : i32
        %dma_start3A_36 = tpu.memref_slice %arg7[%dma_start3A, %dma_start3A_35] : memref<625x48xf32, #tpu.memory_space<vmem>> -> memref<125x48xf32, #tpu.memory_space<vmem>>
        %dma_start3A_37 = arith.constant 0 : i32
        %dma_start3A_38 = tpu.memref_slice %arg6[%add3A_26, %dma_start3A_37] : memref<40x125xi32, #tpu.memory_space<vmem>> -> memref<1x125xi32, #tpu.memory_space<vmem>>
        %dma_start3A_39 = tpu.memref_squeeze %dma_start3A_38 : memref<1x125xi32, #tpu.memory_space<vmem>> -> memref<125xi32, #tpu.memory_space<vmem>>
        %dma_start3A_40 = arith.constant 0 : i32
        %dma_start3A_41 = arith.constant 0 : i32
        %dma_start3A_42 = tpu.memref_slice %arg9[%dma_start3A_40, %dma_start3A_41] : memref<10000x48xf32, #tpu.memory_space<vmem_shared>> -> memref<10000x48xf32, #tpu.memory_space<vmem_shared>>
        tpu.enqueue_indirect_dma source(%dma_start3A_36 : memref<125x48xf32, #tpu.memory_space<vmem>>) target(%dma_start3A_42 : memref<10000x48xf32, #tpu.memory_space<vmem_shared>>) offsets(%dma_start3A_39 : memref<125xi32, #tpu.memory_space<vmem>>) semaphore(%run_scoped3A : memref<!tpu.dma_semaphore, #tpu.memory_space<semaphore_mem>>) {add = true}
        %dma_wait3A = arith.constant 250 : i32
        %dma_wait3A_43 = arith.constant 0 : i32
        %dma_wait3A_44 = tpu.memref_slice %arg7[%dma_wait3A, %dma_wait3A_43] : memref<625x48xf32, #tpu.memory_space<vmem>> -> memref<125x48xf32, #tpu.memory_space<vmem>>
        %dma_wait3A_45 = arith.constant 0 : i32
        %dma_wait3A_46 = tpu.memref_slice %arg6[%add3A_26, %dma_wait3A_45] : memref<40x125xi32, #tpu.memory_space<vmem>> -> memref<1x125xi32, #tpu.memory_space<vmem>>
        %dma_wait3A_47 = tpu.memref_squeeze %dma_wait3A_46 : memref<1x125xi32, #tpu.memory_space<vmem>> -> memref<125xi32, #tpu.memory_space<vmem>>
        %dma_wait3A_48 = arith.constant 0 : i32
        %dma_wait3A_49 = arith.constant 0 : i32
        %dma_wait3A_50 = tpu.memref_slice %arg9[%dma_wait3A_48, %dma_wait3A_49] : memref<10000x48xf32, #tpu.memory_space<vmem_shared>> -> memref<10000x48xf32, #tpu.memory_space<vmem_shared>>
        tpu.wait_indirect_dma semaphore(%run_scoped3A : memref<!tpu.dma_semaphore, #tpu.memory_space<semaphore_mem>>) src(%dma_wait3A_44 : memref<125x48xf32, #tpu.memory_space<vmem>>) dst(%dma_wait3A_50 : memref<10000x48xf32, #tpu.memory_space<vmem_shared>>)
        tpu.yield
      }) : () -> ()
      %mul3A_27 = arith.constant 5 : i32
      %mul3A_28 = arith.muli %scan3A_9, %mul3A_27 : i32
      %add3A_29 = arith.constant 3 : i32
      %add3A_30 = arith.addi %mul3A_28, %add3A_29 : i32
      "tpu.region"() ({
        %run_scoped3A = tpu.sem_alloc : memref<!tpu.dma_semaphore, #tpu.memory_space<semaphore_mem>>
        %dma_start3A = arith.constant 375 : i32
        %dma_start3A_35 = arith.constant 0 : i32
        %dma_start3A_36 = tpu.memref_slice %arg7[%dma_start3A, %dma_start3A_35] : memref<625x48xf32, #tpu.memory_space<vmem>> -> memref<125x48xf32, #tpu.memory_space<vmem>>
        %dma_start3A_37 = arith.constant 0 : i32
        %dma_start3A_38 = tpu.memref_slice %arg6[%add3A_30, %dma_start3A_37] : memref<40x125xi32, #tpu.memory_space<vmem>> -> memref<1x125xi32, #tpu.memory_space<vmem>>
        %dma_start3A_39 = tpu.memref_squeeze %dma_start3A_38 : memref<1x125xi32, #tpu.memory_space<vmem>> -> memref<125xi32, #tpu.memory_space<vmem>>
        %dma_start3A_40 = arith.constant 0 : i32
        %dma_start3A_41 = arith.constant 0 : i32
        %dma_start3A_42 = tpu.memref_slice %arg9[%dma_start3A_40, %dma_start3A_41] : memref<10000x48xf32, #tpu.memory_space<vmem_shared>> -> memref<10000x48xf32, #tpu.memory_space<vmem_shared>>
        tpu.enqueue_indirect_dma source(%dma_start3A_36 : memref<125x48xf32, #tpu.memory_space<vmem>>) target(%dma_start3A_42 : memref<10000x48xf32, #tpu.memory_space<vmem_shared>>) offsets(%dma_start3A_39 : memref<125xi32, #tpu.memory_space<vmem>>) semaphore(%run_scoped3A : memref<!tpu.dma_semaphore, #tpu.memory_space<semaphore_mem>>) {add = true}
        %dma_wait3A = arith.constant 375 : i32
        %dma_wait3A_43 = arith.constant 0 : i32
        %dma_wait3A_44 = tpu.memref_slice %arg7[%dma_wait3A, %dma_wait3A_43] : memref<625x48xf32, #tpu.memory_space<vmem>> -> memref<125x48xf32, #tpu.memory_space<vmem>>
        %dma_wait3A_45 = arith.constant 0 : i32
        %dma_wait3A_46 = tpu.memref_slice %arg6[%add3A_30, %dma_wait3A_45] : memref<40x125xi32, #tpu.memory_space<vmem>> -> memref<1x125xi32, #tpu.memory_space<vmem>>
        %dma_wait3A_47 = tpu.memref_squeeze %dma_wait3A_46 : memref<1x125xi32, #tpu.memory_space<vmem>> -> memref<125xi32, #tpu.memory_space<vmem>>
        %dma_wait3A_48 = arith.constant 0 : i32
        %dma_wait3A_49 = arith.constant 0 : i32
        %dma_wait3A_50 = tpu.memref_slice %arg9[%dma_wait3A_48, %dma_wait3A_49] : memref<10000x48xf32, #tpu.memory_space<vmem_shared>> -> memref<10000x48xf32, #tpu.memory_space<vmem_shared>>
        tpu.wait_indirect_dma semaphore(%run_scoped3A : memref<!tpu.dma_semaphore, #tpu.memory_space<semaphore_mem>>) src(%dma_wait3A_44 : memref<125x48xf32, #tpu.memory_space<vmem>>) dst(%dma_wait3A_50 : memref<10000x48xf32, #tpu.memory_space<vmem_shared>>)
        tpu.yield
      }) : () -> ()
      %mul3A_31 = arith.constant 5 : i32
      %mul3A_32 = arith.muli %scan3A_9, %mul3A_31 : i32
      %add3A_33 = arith.constant 4 : i32
      %add3A_34 = arith.addi %mul3A_32, %add3A_33 : i32
      "tpu.region"() ({
        %run_scoped3A = tpu.sem_alloc : memref<!tpu.dma_semaphore, #tpu.memory_space<semaphore_mem>>
        %dma_start3A = arith.constant 500 : i32
        %dma_start3A_35 = arith.constant 0 : i32
        %dma_start3A_36 = tpu.memref_slice %arg7[%dma_start3A, %dma_start3A_35] : memref<625x48xf32, #tpu.memory_space<vmem>> -> memref<125x48xf32, #tpu.memory_space<vmem>>
        %dma_start3A_37 = arith.constant 0 : i32
        %dma_start3A_38 = tpu.memref_slice %arg6[%add3A_34, %dma_start3A_37] : memref<40x125xi32, #tpu.memory_space<vmem>> -> memref<1x125xi32, #tpu.memory_space<vmem>>
        %dma_start3A_39 = tpu.memref_squeeze %dma_start3A_38 : memref<1x125xi32, #tpu.memory_space<vmem>> -> memref<125xi32, #tpu.memory_space<vmem>>
        %dma_start3A_40 = arith.constant 0 : i32
        %dma_start3A_41 = arith.constant 0 : i32
        %dma_start3A_42 = tpu.memref_slice %arg9[%dma_start3A_40, %dma_start3A_41] : memref<10000x48xf32, #tpu.memory_space<vmem_shared>> -> memref<10000x48xf32, #tpu.memory_space<vmem_shared>>
        tpu.enqueue_indirect_dma source(%dma_start3A_36 : memref<125x48xf32, #tpu.memory_space<vmem>>) target(%dma_start3A_42 : memref<10000x48xf32, #tpu.memory_space<vmem_shared>>) offsets(%dma_start3A_39 : memref<125xi32, #tpu.memory_space<vmem>>) semaphore(%run_scoped3A : memref<!tpu.dma_semaphore, #tpu.memory_space<semaphore_mem>>) {add = true}
        %dma_wait3A = arith.constant 500 : i32
        %dma_wait3A_43 = arith.constant 0 : i32
        %dma_wait3A_44 = tpu.memref_slice %arg7[%dma_wait3A, %dma_wait3A_43] : memref<625x48xf32, #tpu.memory_space<vmem>> -> memref<125x48xf32, #tpu.memory_space<vmem>>
        %dma_wait3A_45 = arith.constant 0 : i32
        %dma_wait3A_46 = tpu.memref_slice %arg6[%add3A_34, %dma_wait3A_45] : memref<40x125xi32, #tpu.memory_space<vmem>> -> memref<1x125xi32, #tpu.memory_space<vmem>>
        %dma_wait3A_47 = tpu.memref_squeeze %dma_wait3A_46 : memref<1x125xi32, #tpu.memory_space<vmem>> -> memref<125xi32, #tpu.memory_space<vmem>>
        %dma_wait3A_48 = arith.constant 0 : i32
        %dma_wait3A_49 = arith.constant 0 : i32
        %dma_wait3A_50 = tpu.memref_slice %arg9[%dma_wait3A_48, %dma_wait3A_49] : memref<10000x48xf32, #tpu.memory_space<vmem_shared>> -> memref<10000x48xf32, #tpu.memory_space<vmem_shared>>
        tpu.wait_indirect_dma semaphore(%run_scoped3A : memref<!tpu.dma_semaphore, #tpu.memory_space<semaphore_mem>>) src(%dma_wait3A_44 : memref<125x48xf32, #tpu.memory_space<vmem>>) dst(%dma_wait3A_50 : memref<10000x48xf32, #tpu.memory_space<vmem_shared>>)
        tpu.yield
      }) : () -> ()
    }
    %scan3A_7 = arith.constant 8 : i32
    %barrier3A_8 = arith.constant 0 : index
    tpu.barrier barrier_id(%barrier3A_8)
    "tpu.region"() ({
      %run_scoped3A = tpu.sem_alloc : memref<!tpu.dma_semaphore, #tpu.memory_space<semaphore_mem>>
      %dma_start3A = arith.constant 0 : i32
      %dma_start3A_9 = tpu.memref_slice %arg9[%mul3A_2, %dma_start3A] : memref<10000x48xf32, #tpu.memory_space<vmem_shared>> -> memref<625x48xf32, #tpu.memory_space<vmem_shared>>
      %dma_start3A_10 = arith.constant 0 : i32
      %dma_start3A_11 = tpu.memref_slice %arg9[%mul3A_2, %dma_start3A_10] : memref<10000x48xf32, #tpu.memory_space<vmem_shared>> -> memref<625x48xf32, #tpu.memory_space<vmem_shared>>
      tpu.enqueue_dma source(%dma_start3A_11 : memref<625x48xf32, #tpu.memory_space<vmem_shared>>) target(%arg8 : memref<625x48xf32, #tpu.memory_space<vmem>>) target_semaphore(%run_scoped3A : memref<!tpu.dma_semaphore, #tpu.memory_space<semaphore_mem>>)
      %dma_wait3A = arith.constant 0 : i32
      %dma_wait3A_12 = tpu.memref_slice %arg9[%mul3A_2, %dma_wait3A] : memref<10000x48xf32, #tpu.memory_space<vmem_shared>> -> memref<625x48xf32, #tpu.memory_space<vmem_shared>>
      %dma_wait3A_13 = arith.constant 0 : i32
      %dma_wait3A_14 = tpu.memref_slice %arg9[%mul3A_2, %dma_wait3A_13] : memref<10000x48xf32, #tpu.memory_space<vmem_shared>> -> memref<625x48xf32, #tpu.memory_space<vmem_shared>>
      tpu.wait_dma2 semaphore(%run_scoped3A : memref<!tpu.dma_semaphore, #tpu.memory_space<semaphore_mem>>) src(%dma_wait3A_14 : memref<625x48xf32, #tpu.memory_space<vmem_shared>>) dst(%arg8 : memref<625x48xf32, #tpu.memory_space<vmem>>)
      tpu.yield
    }) : () -> ()
    "tpu.region"() ({
      %run_scoped3A = tpu.sem_alloc : memref<!tpu.dma_semaphore, #tpu.memory_space<semaphore_mem>>
      %dma_start3A = arith.constant 0 : i32
      %dma_start3A_9 = tpu.memref_slice %arg5[%arg0, %mul3A_2, %dma_start3A] : memref<2x10000x128xf32, #tpu.memory_space<hbm>> -> memref<1x625x48xf32, #tpu.memory_space<hbm>>
      %dma_start3A_10 = tpu.memref_squeeze %dma_start3A_9 : memref<1x625x48xf32, #tpu.memory_space<hbm>> -> memref<625x48xf32, #tpu.memory_space<hbm>>
      %dma_start3A_11 = arith.constant 0 : i32
      %dma_start3A_12 = tpu.memref_slice %arg5[%arg0, %mul3A_2, %dma_start3A_11] : memref<2x10000x128xf32, #tpu.memory_space<hbm>> -> memref<1x625x48xf32, #tpu.memory_space<hbm>>
      %dma_start3A_13 = tpu.memref_squeeze %dma_start3A_12 : memref<1x625x48xf32, #tpu.memory_space<hbm>> -> memref<625x48xf32, #tpu.memory_space<hbm>>
      tpu.enqueue_dma source(%arg8 : memref<625x48xf32, #tpu.memory_space<vmem>>) target(%dma_start3A_13 : memref<625x48xf32, #tpu.memory_space<hbm>>) target_semaphore(%run_scoped3A : memref<!tpu.dma_semaphore, #tpu.memory_space<semaphore_mem>>)
      %dma_wait3A = arith.constant 0 : i32
      %dma_wait3A_14 = tpu.memref_slice %arg5[%arg0, %mul3A_2, %dma_wait3A] : memref<2x10000x128xf32, #tpu.memory_space<hbm>> -> memref<1x625x48xf32, #tpu.memory_space<hbm>>
      %dma_wait3A_15 = tpu.memref_squeeze %dma_wait3A_14 : memref<1x625x48xf32, #tpu.memory_space<hbm>> -> memref<625x48xf32, #tpu.memory_space<hbm>>
      %dma_wait3A_16 = arith.constant 0 : i32
      %dma_wait3A_17 = tpu.memref_slice %arg5[%arg0, %mul3A_2, %dma_wait3A_16] : memref<2x10000x128xf32, #tpu.memory_space<hbm>> -> memref<1x625x48xf32, #tpu.memory_space<hbm>>
      %dma_wait3A_18 = tpu.memref_squeeze %dma_wait3A_17 : memref<1x625x48xf32, #tpu.memory_space<hbm>> -> memref<625x48xf32, #tpu.memory_space<hbm>>
      tpu.wait_dma2 semaphore(%run_scoped3A : memref<!tpu.dma_semaphore, #tpu.memory_space<semaphore_mem>>) src(%arg8 : memref<625x48xf32, #tpu.memory_space<vmem>>) dst(%dma_wait3A_18 : memref<625x48xf32, #tpu.memory_space<hbm>>)
      tpu.yield
    }) : () -> ()
    return
  }
}

#map = affine_map<(d0, d1) -> (0, 0)>
#map1 = affine_map<(d0, d1) -> (0, 0, 0)>
module attributes {stable_mosaic.version = 14 : i64} {
  func.func @gath(%arg0: i32, %arg1: i32, %arg2: memref<10000x128xf32, #tpu.memory_space<hbm>>, %arg3: memref<32x40x125xi32, #tpu.memory_space<hbm>>, %arg4: memref<160000x128xf32, #tpu.memory_space<hbm>>, %arg5: memref<8x125xi32, #tpu.memory_space<vmem>>, %arg6: memref<1000x128xf32, #tpu.memory_space<vmem>>, %arg7: memref<!tpu.dma_semaphore, #tpu.memory_space<semaphore_mem>>) attributes {dimension_semantics = [#tpu.dimension_semantics<core_parallel>, #tpu.dimension_semantics<subcore_parallel>], iteration_bounds = array<i64: 2, 16>, scalar_prefetch = 0 : i64, scratch_operands = 3 : i64, tpu.core_type = #tpu.core_type<sc_vector_subcore>, window_params = [{transform_indices = #map}, {transform_indices = #map1}, {transform_indices = #map}]} {
    %mul3A = arith.constant 16 : i32
    %mul3A_0 = arith.muli %arg0, %mul3A : i32
    %add3A = arith.addi %mul3A_0, %arg1 : i32
    %scan3A = arith.constant 0 : i32
    %scan3A_1 = arith.constant 0 : i32
    %scan3A_2 = arith.constant 5 : i32
    %scan3A_3 = arith.addi %scan3A_1, %scan3A_2 : i32
    %scan3A_4 = arith.constant 1 : i32
    scf.for %scan3A_6 = %scan3A_1 to %scan3A_3 step %scan3A_4  : i32 {
      %mul3A_7 = arith.constant 8 : i32
      %mul3A_8 = arith.muli %scan3A_6, %mul3A_7 : i32
      "tpu.region"() ({
        %run_scoped3A = tpu.sem_alloc : memref<!tpu.dma_semaphore, #tpu.memory_space<semaphore_mem>>
        %dma_start3A_172 = arith.constant 0 : i32
        %dma_start3A_173 = tpu.memref_slice %arg3[%add3A, %mul3A_8, %dma_start3A_172] : memref<32x40x125xi32, #tpu.memory_space<hbm>> -> memref<1x8x125xi32, #tpu.memory_space<hbm>>
        %dma_start3A_174 = tpu.memref_squeeze %dma_start3A_173 : memref<1x8x125xi32, #tpu.memory_space<hbm>> -> memref<8x125xi32, #tpu.memory_space<hbm>>
        %dma_start3A_175 = arith.constant 0 : i32
        %dma_start3A_176 = tpu.memref_slice %arg3[%add3A, %mul3A_8, %dma_start3A_175] : memref<32x40x125xi32, #tpu.memory_space<hbm>> -> memref<1x8x125xi32, #tpu.memory_space<hbm>>
        %dma_start3A_177 = tpu.memref_squeeze %dma_start3A_176 : memref<1x8x125xi32, #tpu.memory_space<hbm>> -> memref<8x125xi32, #tpu.memory_space<hbm>>
        tpu.enqueue_dma source(%dma_start3A_177 : memref<8x125xi32, #tpu.memory_space<hbm>>) target(%arg5 : memref<8x125xi32, #tpu.memory_space<vmem>>) target_semaphore(%run_scoped3A : memref<!tpu.dma_semaphore, #tpu.memory_space<semaphore_mem>>)
        %dma_wait3A_178 = arith.constant 0 : i32
        %dma_wait3A_179 = tpu.memref_slice %arg3[%add3A, %mul3A_8, %dma_wait3A_178] : memref<32x40x125xi32, #tpu.memory_space<hbm>> -> memref<1x8x125xi32, #tpu.memory_space<hbm>>
        %dma_wait3A_180 = tpu.memref_squeeze %dma_wait3A_179 : memref<1x8x125xi32, #tpu.memory_space<hbm>> -> memref<8x125xi32, #tpu.memory_space<hbm>>
        %dma_wait3A_181 = arith.constant 0 : i32
        %dma_wait3A_182 = tpu.memref_slice %arg3[%add3A, %mul3A_8, %dma_wait3A_181] : memref<32x40x125xi32, #tpu.memory_space<hbm>> -> memref<1x8x125xi32, #tpu.memory_space<hbm>>
        %dma_wait3A_183 = tpu.memref_squeeze %dma_wait3A_182 : memref<1x8x125xi32, #tpu.memory_space<hbm>> -> memref<8x125xi32, #tpu.memory_space<hbm>>
        tpu.wait_dma2 semaphore(%run_scoped3A : memref<!tpu.dma_semaphore, #tpu.memory_space<semaphore_mem>>) src(%dma_wait3A_183 : memref<8x125xi32, #tpu.memory_space<hbm>>) dst(%arg5 : memref<8x125xi32, #tpu.memory_space<vmem>>)
        tpu.yield
      }) : () -> ()
      %dma_start3A = arith.constant 0 : i32
      %dma_start3A_9 = arith.constant 0 : i32
      %dma_start3A_10 = arith.constant 0 : i32
      %dma_start3A_11 = tpu.memref_slice %arg6[%dma_start3A_9, %dma_start3A_10] : memref<1000x128xf32, #tpu.memory_space<vmem>> -> memref<125x128xf32, #tpu.memory_space<vmem>>
      %dma_start3A_12 = arith.constant 0 : i32
      %dma_start3A_13 = tpu.memref_slice %arg5[%dma_start3A, %dma_start3A_12] : memref<8x125xi32, #tpu.memory_space<vmem>> -> memref<1x125xi32, #tpu.memory_space<vmem>>
      %dma_start3A_14 = tpu.memref_squeeze %dma_start3A_13 : memref<1x125xi32, #tpu.memory_space<vmem>> -> memref<125xi32, #tpu.memory_space<vmem>>
      %dma_start3A_15 = arith.constant 0 : i32
      %dma_start3A_16 = arith.constant 0 : i32
      %dma_start3A_17 = tpu.memref_slice %arg2[%dma_start3A_15, %dma_start3A_16] : memref<10000x128xf32, #tpu.memory_space<hbm>> -> memref<10000x128xf32, #tpu.memory_space<hbm>>
      tpu.enqueue_indirect_dma source(%dma_start3A_17 : memref<10000x128xf32, #tpu.memory_space<hbm>>) target(%dma_start3A_11 : memref<125x128xf32, #tpu.memory_space<vmem>>) offsets(%dma_start3A_14 : memref<125xi32, #tpu.memory_space<vmem>>) semaphore(%arg7 : memref<!tpu.dma_semaphore, #tpu.memory_space<semaphore_mem>>)
      %dma_start3A_18 = arith.constant 1 : i32
      %dma_start3A_19 = arith.constant 125 : i32
      %dma_start3A_20 = arith.constant 0 : i32
      %dma_start3A_21 = tpu.memref_slice %arg6[%dma_start3A_19, %dma_start3A_20] : memref<1000x128xf32, #tpu.memory_space<vmem>> -> memref<125x128xf32, #tpu.memory_space<vmem>>
      %dma_start3A_22 = arith.constant 0 : i32
      %dma_start3A_23 = tpu.memref_slice %arg5[%dma_start3A_18, %dma_start3A_22] : memref<8x125xi32, #tpu.memory_space<vmem>> -> memref<1x125xi32, #tpu.memory_space<vmem>>
      %dma_start3A_24 = tpu.memref_squeeze %dma_start3A_23 : memref<1x125xi32, #tpu.memory_space<vmem>> -> memref<125xi32, #tpu.memory_space<vmem>>
      %dma_start3A_25 = arith.constant 0 : i32
      %dma_start3A_26 = arith.constant 0 : i32
      %dma_start3A_27 = tpu.memref_slice %arg2[%dma_start3A_25, %dma_start3A_26] : memref<10000x128xf32, #tpu.memory_space<hbm>> -> memref<10000x128xf32, #tpu.memory_space<hbm>>
      tpu.enqueue_indirect_dma source(%dma_start3A_27 : memref<10000x128xf32, #tpu.memory_space<hbm>>) target(%dma_start3A_21 : memref<125x128xf32, #tpu.memory_space<vmem>>) offsets(%dma_start3A_24 : memref<125xi32, #tpu.memory_space<vmem>>) semaphore(%arg7 : memref<!tpu.dma_semaphore, #tpu.memory_space<semaphore_mem>>)
      %dma_start3A_28 = arith.constant 2 : i32
      %dma_start3A_29 = arith.constant 250 : i32
      %dma_start3A_30 = arith.constant 0 : i32
      %dma_start3A_31 = tpu.memref_slice %arg6[%dma_start3A_29, %dma_start3A_30] : memref<1000x128xf32, #tpu.memory_space<vmem>> -> memref<125x128xf32, #tpu.memory_space<vmem>>
      %dma_start3A_32 = arith.constant 0 : i32
      %dma_start3A_33 = tpu.memref_slice %arg5[%dma_start3A_28, %dma_start3A_32] : memref<8x125xi32, #tpu.memory_space<vmem>> -> memref<1x125xi32, #tpu.memory_space<vmem>>
      %dma_start3A_34 = tpu.memref_squeeze %dma_start3A_33 : memref<1x125xi32, #tpu.memory_space<vmem>> -> memref<125xi32, #tpu.memory_space<vmem>>
      %dma_start3A_35 = arith.constant 0 : i32
      %dma_start3A_36 = arith.constant 0 : i32
      %dma_start3A_37 = tpu.memref_slice %arg2[%dma_start3A_35, %dma_start3A_36] : memref<10000x128xf32, #tpu.memory_space<hbm>> -> memref<10000x128xf32, #tpu.memory_space<hbm>>
      tpu.enqueue_indirect_dma source(%dma_start3A_37 : memref<10000x128xf32, #tpu.memory_space<hbm>>) target(%dma_start3A_31 : memref<125x128xf32, #tpu.memory_space<vmem>>) offsets(%dma_start3A_34 : memref<125xi32, #tpu.memory_space<vmem>>) semaphore(%arg7 : memref<!tpu.dma_semaphore, #tpu.memory_space<semaphore_mem>>)
      %dma_start3A_38 = arith.constant 3 : i32
      %dma_start3A_39 = arith.constant 375 : i32
      %dma_start3A_40 = arith.constant 0 : i32
      %dma_start3A_41 = tpu.memref_slice %arg6[%dma_start3A_39, %dma_start3A_40] : memref<1000x128xf32, #tpu.memory_space<vmem>> -> memref<125x128xf32, #tpu.memory_space<vmem>>
      %dma_start3A_42 = arith.constant 0 : i32
      %dma_start3A_43 = tpu.memref_slice %arg5[%dma_start3A_38, %dma_start3A_42] : memref<8x125xi32, #tpu.memory_space<vmem>> -> memref<1x125xi32, #tpu.memory_space<vmem>>
      %dma_start3A_44 = tpu.memref_squeeze %dma_start3A_43 : memref<1x125xi32, #tpu.memory_space<vmem>> -> memref<125xi32, #tpu.memory_space<vmem>>
      %dma_start3A_45 = arith.constant 0 : i32
      %dma_start3A_46 = arith.constant 0 : i32
      %dma_start3A_47 = tpu.memref_slice %arg2[%dma_start3A_45, %dma_start3A_46] : memref<10000x128xf32, #tpu.memory_space<hbm>> -> memref<10000x128xf32, #tpu.memory_space<hbm>>
      tpu.enqueue_indirect_dma source(%dma_start3A_47 : memref<10000x128xf32, #tpu.memory_space<hbm>>) target(%dma_start3A_41 : memref<125x128xf32, #tpu.memory_space<vmem>>) offsets(%dma_start3A_44 : memref<125xi32, #tpu.memory_space<vmem>>) semaphore(%arg7 : memref<!tpu.dma_semaphore, #tpu.memory_space<semaphore_mem>>)
      %dma_start3A_48 = arith.constant 4 : i32
      %dma_start3A_49 = arith.constant 500 : i32
      %dma_start3A_50 = arith.constant 0 : i32
      %dma_start3A_51 = tpu.memref_slice %arg6[%dma_start3A_49, %dma_start3A_50] : memref<1000x128xf32, #tpu.memory_space<vmem>> -> memref<125x128xf32, #tpu.memory_space<vmem>>
      %dma_start3A_52 = arith.constant 0 : i32
      %dma_start3A_53 = tpu.memref_slice %arg5[%dma_start3A_48, %dma_start3A_52] : memref<8x125xi32, #tpu.memory_space<vmem>> -> memref<1x125xi32, #tpu.memory_space<vmem>>
      %dma_start3A_54 = tpu.memref_squeeze %dma_start3A_53 : memref<1x125xi32, #tpu.memory_space<vmem>> -> memref<125xi32, #tpu.memory_space<vmem>>
      %dma_start3A_55 = arith.constant 0 : i32
      %dma_start3A_56 = arith.constant 0 : i32
      %dma_start3A_57 = tpu.memref_slice %arg2[%dma_start3A_55, %dma_start3A_56] : memref<10000x128xf32, #tpu.memory_space<hbm>> -> memref<10000x128xf32, #tpu.memory_space<hbm>>
      tpu.enqueue_indirect_dma source(%dma_start3A_57 : memref<10000x128xf32, #tpu.memory_space<hbm>>) target(%dma_start3A_51 : memref<125x128xf32, #tpu.memory_space<vmem>>) offsets(%dma_start3A_54 : memref<125xi32, #tpu.memory_space<vmem>>) semaphore(%arg7 : memref<!tpu.dma_semaphore, #tpu.memory_space<semaphore_mem>>)
      %dma_start3A_58 = arith.constant 5 : i32
      %dma_start3A_59 = arith.constant 625 : i32
      %dma_start3A_60 = arith.constant 0 : i32
      %dma_start3A_61 = tpu.memref_slice %arg6[%dma_start3A_59, %dma_start3A_60] : memref<1000x128xf32, #tpu.memory_space<vmem>> -> memref<125x128xf32, #tpu.memory_space<vmem>>
      %dma_start3A_62 = arith.constant 0 : i32
      %dma_start3A_63 = tpu.memref_slice %arg5[%dma_start3A_58, %dma_start3A_62] : memref<8x125xi32, #tpu.memory_space<vmem>> -> memref<1x125xi32, #tpu.memory_space<vmem>>
      %dma_start3A_64 = tpu.memref_squeeze %dma_start3A_63 : memref<1x125xi32, #tpu.memory_space<vmem>> -> memref<125xi32, #tpu.memory_space<vmem>>
      %dma_start3A_65 = arith.constant 0 : i32
      %dma_start3A_66 = arith.constant 0 : i32
      %dma_start3A_67 = tpu.memref_slice %arg2[%dma_start3A_65, %dma_start3A_66] : memref<10000x128xf32, #tpu.memory_space<hbm>> -> memref<10000x128xf32, #tpu.memory_space<hbm>>
      tpu.enqueue_indirect_dma source(%dma_start3A_67 : memref<10000x128xf32, #tpu.memory_space<hbm>>) target(%dma_start3A_61 : memref<125x128xf32, #tpu.memory_space<vmem>>) offsets(%dma_start3A_64 : memref<125xi32, #tpu.memory_space<vmem>>) semaphore(%arg7 : memref<!tpu.dma_semaphore, #tpu.memory_space<semaphore_mem>>)
      %dma_start3A_68 = arith.constant 6 : i32
      %dma_start3A_69 = arith.constant 750 : i32
      %dma_start3A_70 = arith.constant 0 : i32
      %dma_start3A_71 = tpu.memref_slice %arg6[%dma_start3A_69, %dma_start3A_70] : memref<1000x128xf32, #tpu.memory_space<vmem>> -> memref<125x128xf32, #tpu.memory_space<vmem>>
      %dma_start3A_72 = arith.constant 0 : i32
      %dma_start3A_73 = tpu.memref_slice %arg5[%dma_start3A_68, %dma_start3A_72] : memref<8x125xi32, #tpu.memory_space<vmem>> -> memref<1x125xi32, #tpu.memory_space<vmem>>
      %dma_start3A_74 = tpu.memref_squeeze %dma_start3A_73 : memref<1x125xi32, #tpu.memory_space<vmem>> -> memref<125xi32, #tpu.memory_space<vmem>>
      %dma_start3A_75 = arith.constant 0 : i32
      %dma_start3A_76 = arith.constant 0 : i32
      %dma_start3A_77 = tpu.memref_slice %arg2[%dma_start3A_75, %dma_start3A_76] : memref<10000x128xf32, #tpu.memory_space<hbm>> -> memref<10000x128xf32, #tpu.memory_space<hbm>>
      tpu.enqueue_indirect_dma source(%dma_start3A_77 : memref<10000x128xf32, #tpu.memory_space<hbm>>) target(%dma_start3A_71 : memref<125x128xf32, #tpu.memory_space<vmem>>) offsets(%dma_start3A_74 : memref<125xi32, #tpu.memory_space<vmem>>) semaphore(%arg7 : memref<!tpu.dma_semaphore, #tpu.memory_space<semaphore_mem>>)
      %dma_start3A_78 = arith.constant 7 : i32
      %dma_start3A_79 = arith.constant 875 : i32
      %dma_start3A_80 = arith.constant 0 : i32
      %dma_start3A_81 = tpu.memref_slice %arg6[%dma_start3A_79, %dma_start3A_80] : memref<1000x128xf32, #tpu.memory_space<vmem>> -> memref<125x128xf32, #tpu.memory_space<vmem>>
      %dma_start3A_82 = arith.constant 0 : i32
      %dma_start3A_83 = tpu.memref_slice %arg5[%dma_start3A_78, %dma_start3A_82] : memref<8x125xi32, #tpu.memory_space<vmem>> -> memref<1x125xi32, #tpu.memory_space<vmem>>
      %dma_start3A_84 = tpu.memref_squeeze %dma_start3A_83 : memref<1x125xi32, #tpu.memory_space<vmem>> -> memref<125xi32, #tpu.memory_space<vmem>>
      %dma_start3A_85 = arith.constant 0 : i32
      %dma_start3A_86 = arith.constant 0 : i32
      %dma_start3A_87 = tpu.memref_slice %arg2[%dma_start3A_85, %dma_start3A_86] : memref<10000x128xf32, #tpu.memory_space<hbm>> -> memref<10000x128xf32, #tpu.memory_space<hbm>>
      tpu.enqueue_indirect_dma source(%dma_start3A_87 : memref<10000x128xf32, #tpu.memory_space<hbm>>) target(%dma_start3A_81 : memref<125x128xf32, #tpu.memory_space<vmem>>) offsets(%dma_start3A_84 : memref<125xi32, #tpu.memory_space<vmem>>) semaphore(%arg7 : memref<!tpu.dma_semaphore, #tpu.memory_space<semaphore_mem>>)
      %dma_wait3A = arith.constant 0 : i32
      %dma_wait3A_88 = arith.constant 0 : i32
      %dma_wait3A_89 = arith.constant 0 : i32
      %dma_wait3A_90 = tpu.memref_slice %arg6[%dma_wait3A_88, %dma_wait3A_89] : memref<1000x128xf32, #tpu.memory_space<vmem>> -> memref<125x128xf32, #tpu.memory_space<vmem>>
      %dma_wait3A_91 = arith.constant 0 : i32
      %dma_wait3A_92 = tpu.memref_slice %arg5[%dma_wait3A, %dma_wait3A_91] : memref<8x125xi32, #tpu.memory_space<vmem>> -> memref<1x125xi32, #tpu.memory_space<vmem>>
      %dma_wait3A_93 = tpu.memref_squeeze %dma_wait3A_92 : memref<1x125xi32, #tpu.memory_space<vmem>> -> memref<125xi32, #tpu.memory_space<vmem>>
      %dma_wait3A_94 = arith.constant 0 : i32
      %dma_wait3A_95 = arith.constant 0 : i32
      %dma_wait3A_96 = tpu.memref_slice %arg2[%dma_wait3A_94, %dma_wait3A_95] : memref<10000x128xf32, #tpu.memory_space<hbm>> -> memref<10000x128xf32, #tpu.memory_space<hbm>>
      tpu.wait_indirect_dma semaphore(%arg7 : memref<!tpu.dma_semaphore, #tpu.memory_space<semaphore_mem>>) src(%dma_wait3A_96 : memref<10000x128xf32, #tpu.memory_space<hbm>>) dst(%dma_wait3A_90 : memref<125x128xf32, #tpu.memory_space<vmem>>)
      %dma_wait3A_97 = arith.constant 1 : i32
      %dma_wait3A_98 = arith.constant 125 : i32
      %dma_wait3A_99 = arith.constant 0 : i32
      %dma_wait3A_100 = tpu.memref_slice %arg6[%dma_wait3A_98, %dma_wait3A_99] : memref<1000x128xf32, #tpu.memory_space<vmem>> -> memref<125x128xf32, #tpu.memory_space<vmem>>
      %dma_wait3A_101 = arith.constant 0 : i32
      %dma_wait3A_102 = tpu.memref_slice %arg5[%dma_wait3A_97, %dma_wait3A_101] : memref<8x125xi32, #tpu.memory_space<vmem>> -> memref<1x125xi32, #tpu.memory_space<vmem>>
      %dma_wait3A_103 = tpu.memref_squeeze %dma_wait3A_102 : memref<1x125xi32, #tpu.memory_space<vmem>> -> memref<125xi32, #tpu.memory_space<vmem>>
      %dma_wait3A_104 = arith.constant 0 : i32
      %dma_wait3A_105 = arith.constant 0 : i32
      %dma_wait3A_106 = tpu.memref_slice %arg2[%dma_wait3A_104, %dma_wait3A_105] : memref<10000x128xf32, #tpu.memory_space<hbm>> -> memref<10000x128xf32, #tpu.memory_space<hbm>>
      tpu.wait_indirect_dma semaphore(%arg7 : memref<!tpu.dma_semaphore, #tpu.memory_space<semaphore_mem>>) src(%dma_wait3A_106 : memref<10000x128xf32, #tpu.memory_space<hbm>>) dst(%dma_wait3A_100 : memref<125x128xf32, #tpu.memory_space<vmem>>)
      %dma_wait3A_107 = arith.constant 2 : i32
      %dma_wait3A_108 = arith.constant 250 : i32
      %dma_wait3A_109 = arith.constant 0 : i32
      %dma_wait3A_110 = tpu.memref_slice %arg6[%dma_wait3A_108, %dma_wait3A_109] : memref<1000x128xf32, #tpu.memory_space<vmem>> -> memref<125x128xf32, #tpu.memory_space<vmem>>
      %dma_wait3A_111 = arith.constant 0 : i32
      %dma_wait3A_112 = tpu.memref_slice %arg5[%dma_wait3A_107, %dma_wait3A_111] : memref<8x125xi32, #tpu.memory_space<vmem>> -> memref<1x125xi32, #tpu.memory_space<vmem>>
      %dma_wait3A_113 = tpu.memref_squeeze %dma_wait3A_112 : memref<1x125xi32, #tpu.memory_space<vmem>> -> memref<125xi32, #tpu.memory_space<vmem>>
      %dma_wait3A_114 = arith.constant 0 : i32
      %dma_wait3A_115 = arith.constant 0 : i32
      %dma_wait3A_116 = tpu.memref_slice %arg2[%dma_wait3A_114, %dma_wait3A_115] : memref<10000x128xf32, #tpu.memory_space<hbm>> -> memref<10000x128xf32, #tpu.memory_space<hbm>>
      tpu.wait_indirect_dma semaphore(%arg7 : memref<!tpu.dma_semaphore, #tpu.memory_space<semaphore_mem>>) src(%dma_wait3A_116 : memref<10000x128xf32, #tpu.memory_space<hbm>>) dst(%dma_wait3A_110 : memref<125x128xf32, #tpu.memory_space<vmem>>)
      %dma_wait3A_117 = arith.constant 3 : i32
      %dma_wait3A_118 = arith.constant 375 : i32
      %dma_wait3A_119 = arith.constant 0 : i32
      %dma_wait3A_120 = tpu.memref_slice %arg6[%dma_wait3A_118, %dma_wait3A_119] : memref<1000x128xf32, #tpu.memory_space<vmem>> -> memref<125x128xf32, #tpu.memory_space<vmem>>
      %dma_wait3A_121 = arith.constant 0 : i32
      %dma_wait3A_122 = tpu.memref_slice %arg5[%dma_wait3A_117, %dma_wait3A_121] : memref<8x125xi32, #tpu.memory_space<vmem>> -> memref<1x125xi32, #tpu.memory_space<vmem>>
      %dma_wait3A_123 = tpu.memref_squeeze %dma_wait3A_122 : memref<1x125xi32, #tpu.memory_space<vmem>> -> memref<125xi32, #tpu.memory_space<vmem>>
      %dma_wait3A_124 = arith.constant 0 : i32
      %dma_wait3A_125 = arith.constant 0 : i32
      %dma_wait3A_126 = tpu.memref_slice %arg2[%dma_wait3A_124, %dma_wait3A_125] : memref<10000x128xf32, #tpu.memory_space<hbm>> -> memref<10000x128xf32, #tpu.memory_space<hbm>>
      tpu.wait_indirect_dma semaphore(%arg7 : memref<!tpu.dma_semaphore, #tpu.memory_space<semaphore_mem>>) src(%dma_wait3A_126 : memref<10000x128xf32, #tpu.memory_space<hbm>>) dst(%dma_wait3A_120 : memref<125x128xf32, #tpu.memory_space<vmem>>)
      %dma_wait3A_127 = arith.constant 4 : i32
      %dma_wait3A_128 = arith.constant 500 : i32
      %dma_wait3A_129 = arith.constant 0 : i32
      %dma_wait3A_130 = tpu.memref_slice %arg6[%dma_wait3A_128, %dma_wait3A_129] : memref<1000x128xf32, #tpu.memory_space<vmem>> -> memref<125x128xf32, #tpu.memory_space<vmem>>
      %dma_wait3A_131 = arith.constant 0 : i32
      %dma_wait3A_132 = tpu.memref_slice %arg5[%dma_wait3A_127, %dma_wait3A_131] : memref<8x125xi32, #tpu.memory_space<vmem>> -> memref<1x125xi32, #tpu.memory_space<vmem>>
      %dma_wait3A_133 = tpu.memref_squeeze %dma_wait3A_132 : memref<1x125xi32, #tpu.memory_space<vmem>> -> memref<125xi32, #tpu.memory_space<vmem>>
      %dma_wait3A_134 = arith.constant 0 : i32
      %dma_wait3A_135 = arith.constant 0 : i32
      %dma_wait3A_136 = tpu.memref_slice %arg2[%dma_wait3A_134, %dma_wait3A_135] : memref<10000x128xf32, #tpu.memory_space<hbm>> -> memref<10000x128xf32, #tpu.memory_space<hbm>>
      tpu.wait_indirect_dma semaphore(%arg7 : memref<!tpu.dma_semaphore, #tpu.memory_space<semaphore_mem>>) src(%dma_wait3A_136 : memref<10000x128xf32, #tpu.memory_space<hbm>>) dst(%dma_wait3A_130 : memref<125x128xf32, #tpu.memory_space<vmem>>)
      %dma_wait3A_137 = arith.constant 5 : i32
      %dma_wait3A_138 = arith.constant 625 : i32
      %dma_wait3A_139 = arith.constant 0 : i32
      %dma_wait3A_140 = tpu.memref_slice %arg6[%dma_wait3A_138, %dma_wait3A_139] : memref<1000x128xf32, #tpu.memory_space<vmem>> -> memref<125x128xf32, #tpu.memory_space<vmem>>
      %dma_wait3A_141 = arith.constant 0 : i32
      %dma_wait3A_142 = tpu.memref_slice %arg5[%dma_wait3A_137, %dma_wait3A_141] : memref<8x125xi32, #tpu.memory_space<vmem>> -> memref<1x125xi32, #tpu.memory_space<vmem>>
      %dma_wait3A_143 = tpu.memref_squeeze %dma_wait3A_142 : memref<1x125xi32, #tpu.memory_space<vmem>> -> memref<125xi32, #tpu.memory_space<vmem>>
      %dma_wait3A_144 = arith.constant 0 : i32
      %dma_wait3A_145 = arith.constant 0 : i32
      %dma_wait3A_146 = tpu.memref_slice %arg2[%dma_wait3A_144, %dma_wait3A_145] : memref<10000x128xf32, #tpu.memory_space<hbm>> -> memref<10000x128xf32, #tpu.memory_space<hbm>>
      tpu.wait_indirect_dma semaphore(%arg7 : memref<!tpu.dma_semaphore, #tpu.memory_space<semaphore_mem>>) src(%dma_wait3A_146 : memref<10000x128xf32, #tpu.memory_space<hbm>>) dst(%dma_wait3A_140 : memref<125x128xf32, #tpu.memory_space<vmem>>)
      %dma_wait3A_147 = arith.constant 6 : i32
      %dma_wait3A_148 = arith.constant 750 : i32
      %dma_wait3A_149 = arith.constant 0 : i32
      %dma_wait3A_150 = tpu.memref_slice %arg6[%dma_wait3A_148, %dma_wait3A_149] : memref<1000x128xf32, #tpu.memory_space<vmem>> -> memref<125x128xf32, #tpu.memory_space<vmem>>
      %dma_wait3A_151 = arith.constant 0 : i32
      %dma_wait3A_152 = tpu.memref_slice %arg5[%dma_wait3A_147, %dma_wait3A_151] : memref<8x125xi32, #tpu.memory_space<vmem>> -> memref<1x125xi32, #tpu.memory_space<vmem>>
      %dma_wait3A_153 = tpu.memref_squeeze %dma_wait3A_152 : memref<1x125xi32, #tpu.memory_space<vmem>> -> memref<125xi32, #tpu.memory_space<vmem>>
      %dma_wait3A_154 = arith.constant 0 : i32
      %dma_wait3A_155 = arith.constant 0 : i32
      %dma_wait3A_156 = tpu.memref_slice %arg2[%dma_wait3A_154, %dma_wait3A_155] : memref<10000x128xf32, #tpu.memory_space<hbm>> -> memref<10000x128xf32, #tpu.memory_space<hbm>>
      tpu.wait_indirect_dma semaphore(%arg7 : memref<!tpu.dma_semaphore, #tpu.memory_space<semaphore_mem>>) src(%dma_wait3A_156 : memref<10000x128xf32, #tpu.memory_space<hbm>>) dst(%dma_wait3A_150 : memref<125x128xf32, #tpu.memory_space<vmem>>)
      %dma_wait3A_157 = arith.constant 7 : i32
      %dma_wait3A_158 = arith.constant 875 : i32
      %dma_wait3A_159 = arith.constant 0 : i32
      %dma_wait3A_160 = tpu.memref_slice %arg6[%dma_wait3A_158, %dma_wait3A_159] : memref<1000x128xf32, #tpu.memory_space<vmem>> -> memref<125x128xf32, #tpu.memory_space<vmem>>
      %dma_wait3A_161 = arith.constant 0 : i32
      %dma_wait3A_162 = tpu.memref_slice %arg5[%dma_wait3A_157, %dma_wait3A_161] : memref<8x125xi32, #tpu.memory_space<vmem>> -> memref<1x125xi32, #tpu.memory_space<vmem>>
      %dma_wait3A_163 = tpu.memref_squeeze %dma_wait3A_162 : memref<1x125xi32, #tpu.memory_space<vmem>> -> memref<125xi32, #tpu.memory_space<vmem>>
      %dma_wait3A_164 = arith.constant 0 : i32
      %dma_wait3A_165 = arith.constant 0 : i32
      %dma_wait3A_166 = tpu.memref_slice %arg2[%dma_wait3A_164, %dma_wait3A_165] : memref<10000x128xf32, #tpu.memory_space<hbm>> -> memref<10000x128xf32, #tpu.memory_space<hbm>>
      tpu.wait_indirect_dma semaphore(%arg7 : memref<!tpu.dma_semaphore, #tpu.memory_space<semaphore_mem>>) src(%dma_wait3A_166 : memref<10000x128xf32, #tpu.memory_space<hbm>>) dst(%dma_wait3A_160 : memref<125x128xf32, #tpu.memory_space<vmem>>)
      %mul3A_167 = arith.constant 5000 : i32
      %mul3A_168 = arith.muli %add3A, %mul3A_167 : i32
      %mul3A_169 = arith.constant 1000 : i32
      %mul3A_170 = arith.muli %scan3A_6, %mul3A_169 : i32
      %add3A_171 = arith.addi %mul3A_168, %mul3A_170 : i32
      "tpu.region"() ({
        %run_scoped3A = tpu.sem_alloc : memref<!tpu.dma_semaphore, #tpu.memory_space<semaphore_mem>>
        %dma_start3A_172 = arith.constant 0 : i32
        %dma_start3A_173 = tpu.memref_slice %arg4[%add3A_171, %dma_start3A_172] : memref<160000x128xf32, #tpu.memory_space<hbm>> -> memref<1000x128xf32, #tpu.memory_space<hbm>>
        %dma_start3A_174 = arith.constant 0 : i32
        %dma_start3A_175 = tpu.memref_slice %arg4[%add3A_171, %dma_start3A_174] : memref<160000x128xf32, #tpu.memory_space<hbm>> -> memref<1000x128xf32, #tpu.memory_space<hbm>>
        tpu.enqueue_dma source(%arg6 : memref<1000x128xf32, #tpu.memory_space<vmem>>) target(%dma_start3A_175 : memref<1000x128xf32, #tpu.memory_space<hbm>>) target_semaphore(%run_scoped3A : memref<!tpu.dma_semaphore, #tpu.memory_space<semaphore_mem>>)
        %dma_wait3A_176 = arith.constant 0 : i32
        %dma_wait3A_177 = tpu.memref_slice %arg4[%add3A_171, %dma_wait3A_176] : memref<160000x128xf32, #tpu.memory_space<hbm>> -> memref<1000x128xf32, #tpu.memory_space<hbm>>
        %dma_wait3A_178 = arith.constant 0 : i32
        %dma_wait3A_179 = tpu.memref_slice %arg4[%add3A_171, %dma_wait3A_178] : memref<160000x128xf32, #tpu.memory_space<hbm>> -> memref<1000x128xf32, #tpu.memory_space<hbm>>
        tpu.wait_dma2 semaphore(%run_scoped3A : memref<!tpu.dma_semaphore, #tpu.memory_space<semaphore_mem>>) src(%arg6 : memref<1000x128xf32, #tpu.memory_space<vmem>>) dst(%dma_wait3A_179 : memref<1000x128xf32, #tpu.memory_space<hbm>>)
        tpu.yield
      }) : () -> ()
    }
    %scan3A_5 = arith.constant 5 : i32
    return
  }
}

#map = affine_map<(d0, d1) -> (0, 0)>
#map1 = affine_map<(d0, d1) -> (0, 0, 0)>
module attributes {stable_mosaic.version = 14 : i64} {
  func.func @scat(%arg0: i32, %arg1: i32, %arg2: memref<160000x128xf32, #tpu.memory_space<hbm>>, %arg3: memref<32x40x125xi32, #tpu.memory_space<hbm>>, %arg4: memref<10000x48xf32, #tpu.memory_space<hbm>>, %arg5: memref<2x10000x128xf32, #tpu.memory_space<hbm>>, %arg6: memref<40x125xi32, #tpu.memory_space<vmem>>, %arg7: memref<625x48xf32, #tpu.memory_space<vmem>>, %arg8: memref<625x48xf32, #tpu.memory_space<vmem>>, %arg9: memref<10000x48xf32, #tpu.memory_space<vmem_shared>>) attributes {dimension_semantics = [#tpu.dimension_semantics<core_parallel>, #tpu.dimension_semantics<subcore_parallel>], iteration_bounds = array<i64: 2, 16>, scalar_prefetch = 0 : i64, scratch_operands = 4 : i64, tpu.core_type = #tpu.core_type<sc_vector_subcore>, window_params = [{transform_indices = #map}, {transform_indices = #map1}, {transform_indices = #map}, {transform_indices = #map1}]} {
    %mul3A = arith.constant 16 : i32
    %mul3A_0 = arith.muli %arg0, %mul3A : i32
    %add3A = arith.addi %mul3A_0, %arg1 : i32
    %mul3A_1 = arith.constant 625 : i32
    %mul3A_2 = arith.muli %arg1, %mul3A_1 : i32
    "tpu.region"() ({
      %run_scoped3A = tpu.sem_alloc : memref<!tpu.dma_semaphore, #tpu.memory_space<semaphore_mem>>
      %dma_start3A = arith.constant 0 : i32
      %dma_start3A_9 = tpu.memref_slice %arg4[%mul3A_2, %dma_start3A] : memref<10000x48xf32, #tpu.memory_space<hbm>> -> memref<625x48xf32, #tpu.memory_space<hbm>>
      %dma_start3A_10 = arith.constant 0 : i32
      %dma_start3A_11 = tpu.memref_slice %arg4[%mul3A_2, %dma_start3A_10] : memref<10000x48xf32, #tpu.memory_space<hbm>> -> memref<625x48xf32, #tpu.memory_space<hbm>>
      tpu.enqueue_dma source(%dma_start3A_11 : memref<625x48xf32, #tpu.memory_space<hbm>>) target(%arg8 : memref<625x48xf32, #tpu.memory_space<vmem>>) target_semaphore(%run_scoped3A : memref<!tpu.dma_semaphore, #tpu.memory_space<semaphore_mem>>)
      %dma_wait3A = arith.constant 0 : i32
      %dma_wait3A_12 = tpu.memref_slice %arg4[%mul3A_2, %dma_wait3A] : memref<10000x48xf32, #tpu.memory_space<hbm>> -> memref<625x48xf32, #tpu.memory_space<hbm>>
      %dma_wait3A_13 = arith.constant 0 : i32
      %dma_wait3A_14 = tpu.memref_slice %arg4[%mul3A_2, %dma_wait3A_13] : memref<10000x48xf32, #tpu.memory_space<hbm>> -> memref<625x48xf32, #tpu.memory_space<hbm>>
      tpu.wait_dma2 semaphore(%run_scoped3A : memref<!tpu.dma_semaphore, #tpu.memory_space<semaphore_mem>>) src(%dma_wait3A_14 : memref<625x48xf32, #tpu.memory_space<hbm>>) dst(%arg8 : memref<625x48xf32, #tpu.memory_space<vmem>>)
      tpu.yield
    }) : () -> ()
    "tpu.region"() ({
      %run_scoped3A = tpu.sem_alloc : memref<!tpu.dma_semaphore, #tpu.memory_space<semaphore_mem>>
      %dma_start3A = arith.constant 0 : i32
      %dma_start3A_9 = tpu.memref_slice %arg9[%mul3A_2, %dma_start3A] : memref<10000x48xf32, #tpu.memory_space<vmem_shared>> -> memref<625x48xf32, #tpu.memory_space<vmem_shared>>
      %dma_start3A_10 = arith.constant 0 : i32
      %dma_start3A_11 = tpu.memref_slice %arg9[%mul3A_2, %dma_start3A_10] : memref<10000x48xf32, #tpu.memory_space<vmem_shared>> -> memref<625x48xf32, #tpu.memory_space<vmem_shared>>
      tpu.enqueue_dma source(%arg8 : memref<625x48xf32, #tpu.memory_space<vmem>>) target(%dma_start3A_11 : memref<625x48xf32, #tpu.memory_space<vmem_shared>>) target_semaphore(%run_scoped3A : memref<!tpu.dma_semaphore, #tpu.memory_space<semaphore_mem>>)
      %dma_wait3A = arith.constant 0 : i32
      %dma_wait3A_12 = tpu.memref_slice %arg9[%mul3A_2, %dma_wait3A] : memref<10000x48xf32, #tpu.memory_space<vmem_shared>> -> memref<625x48xf32, #tpu.memory_space<vmem_shared>>
      %dma_wait3A_13 = arith.constant 0 : i32
      %dma_wait3A_14 = tpu.memref_slice %arg9[%mul3A_2, %dma_wait3A_13] : memref<10000x48xf32, #tpu.memory_space<vmem_shared>> -> memref<625x48xf32, #tpu.memory_space<vmem_shared>>
      tpu.wait_dma2 semaphore(%run_scoped3A : memref<!tpu.dma_semaphore, #tpu.memory_space<semaphore_mem>>) src(%arg8 : memref<625x48xf32, #tpu.memory_space<vmem>>) dst(%dma_wait3A_14 : memref<625x48xf32, #tpu.memory_space<vmem_shared>>)
      tpu.yield
    }) : () -> ()
    %barrier3A = arith.constant 0 : index
    tpu.barrier barrier_id(%barrier3A)
    "tpu.region"() ({
      %run_scoped3A = tpu.sem_alloc : memref<!tpu.dma_semaphore, #tpu.memory_space<semaphore_mem>>
      %dma_start3A = arith.constant 0 : i32
      %dma_start3A_9 = arith.constant 0 : i32
      %dma_start3A_10 = tpu.memref_slice %arg3[%add3A, %dma_start3A, %dma_start3A_9] : memref<32x40x125xi32, #tpu.memory_space<hbm>> -> memref<1x40x125xi32, #tpu.memory_space<hbm>>
      %dma_start3A_11 = tpu.memref_squeeze %dma_start3A_10 : memref<1x40x125xi32, #tpu.memory_space<hbm>> -> memref<40x125xi32, #tpu.memory_space<hbm>>
      %dma_start3A_12 = arith.constant 0 : i32
      %dma_start3A_13 = arith.constant 0 : i32
      %dma_start3A_14 = tpu.memref_slice %arg3[%add3A, %dma_start3A_12, %dma_start3A_13] : memref<32x40x125xi32, #tpu.memory_space<hbm>> -> memref<1x40x125xi32, #tpu.memory_space<hbm>>
      %dma_start3A_15 = tpu.memref_squeeze %dma_start3A_14 : memref<1x40x125xi32, #tpu.memory_space<hbm>> -> memref<40x125xi32, #tpu.memory_space<hbm>>
      tpu.enqueue_dma source(%dma_start3A_15 : memref<40x125xi32, #tpu.memory_space<hbm>>) target(%arg6 : memref<40x125xi32, #tpu.memory_space<vmem>>) target_semaphore(%run_scoped3A : memref<!tpu.dma_semaphore, #tpu.memory_space<semaphore_mem>>)
      %dma_wait3A = arith.constant 0 : i32
      %dma_wait3A_16 = arith.constant 0 : i32
      %dma_wait3A_17 = tpu.memref_slice %arg3[%add3A, %dma_wait3A, %dma_wait3A_16] : memref<32x40x125xi32, #tpu.memory_space<hbm>> -> memref<1x40x125xi32, #tpu.memory_space<hbm>>
      %dma_wait3A_18 = tpu.memref_squeeze %dma_wait3A_17 : memref<1x40x125xi32, #tpu.memory_space<hbm>> -> memref<40x125xi32, #tpu.memory_space<hbm>>
      %dma_wait3A_19 = arith.constant 0 : i32
      %dma_wait3A_20 = arith.constant 0 : i32
      %dma_wait3A_21 = tpu.memref_slice %arg3[%add3A, %dma_wait3A_19, %dma_wait3A_20] : memref<32x40x125xi32, #tpu.memory_space<hbm>> -> memref<1x40x125xi32, #tpu.memory_space<hbm>>
      %dma_wait3A_22 = tpu.memref_squeeze %dma_wait3A_21 : memref<1x40x125xi32, #tpu.memory_space<hbm>> -> memref<40x125xi32, #tpu.memory_space<hbm>>
      tpu.wait_dma2 semaphore(%run_scoped3A : memref<!tpu.dma_semaphore, #tpu.memory_space<semaphore_mem>>) src(%dma_wait3A_22 : memref<40x125xi32, #tpu.memory_space<hbm>>) dst(%arg6 : memref<40x125xi32, #tpu.memory_space<vmem>>)
      tpu.yield
    }) : () -> ()
    %scan3A = arith.constant 0 : i32
    %scan3A_3 = arith.constant 0 : i32
    %scan3A_4 = arith.constant 8 : i32
    %scan3A_5 = arith.addi %scan3A_3, %scan3A_4 : i32
    %scan3A_6 = arith.constant 1 : i32
    scf.for %scan3A_9 = %scan3A_3 to %scan3A_5 step %scan3A_6  : i32 {
      %mul3A_10 = arith.constant 5000 : i32
      %mul3A_11 = arith.muli %add3A, %mul3A_10 : i32
      %mul3A_12 = arith.constant 625 : i32
      %mul3A_13 = arith.muli %scan3A_9, %mul3A_12 : i32
      %add3A_14 = arith.addi %mul3A_11, %mul3A_13 : i32
      "tpu.region"() ({
        %run_scoped3A = tpu.sem_alloc : memref<!tpu.dma_semaphore, #tpu.memory_space<semaphore_mem>>
        %dma_start3A = arith.constant 0 : i32
        %dma_start3A_35 = tpu.memref_slice %arg2[%add3A_14, %dma_start3A] : memref<160000x128xf32, #tpu.memory_space<hbm>> -> memref<625x48xf32, #tpu.memory_space<hbm>>
        %dma_start3A_36 = arith.constant 0 : i32
        %dma_start3A_37 = tpu.memref_slice %arg2[%add3A_14, %dma_start3A_36] : memref<160000x128xf32, #tpu.memory_space<hbm>> -> memref<625x48xf32, #tpu.memory_space<hbm>>
        tpu.enqueue_dma source(%dma_start3A_37 : memref<625x48xf32, #tpu.memory_space<hbm>>) target(%arg7 : memref<625x48xf32, #tpu.memory_space<vmem>>) target_semaphore(%run_scoped3A : memref<!tpu.dma_semaphore, #tpu.memory_space<semaphore_mem>>)
        %dma_wait3A = arith.constant 0 : i32
        %dma_wait3A_38 = tpu.memref_slice %arg2[%add3A_14, %dma_wait3A] : memref<160000x128xf32, #tpu.memory_space<hbm>> -> memref<625x48xf32, #tpu.memory_space<hbm>>
        %dma_wait3A_39 = arith.constant 0 : i32
        %dma_wait3A_40 = tpu.memref_slice %arg2[%add3A_14, %dma_wait3A_39] : memref<160000x128xf32, #tpu.memory_space<hbm>> -> memref<625x48xf32, #tpu.memory_space<hbm>>
        tpu.wait_dma2 semaphore(%run_scoped3A : memref<!tpu.dma_semaphore, #tpu.memory_space<semaphore_mem>>) src(%dma_wait3A_40 : memref<625x48xf32, #tpu.memory_space<hbm>>) dst(%arg7 : memref<625x48xf32, #tpu.memory_space<vmem>>)
        tpu.yield
      }) : () -> ()
      %mul3A_15 = arith.constant 5 : i32
      %mul3A_16 = arith.muli %scan3A_9, %mul3A_15 : i32
      %add3A_17 = arith.constant 0 : i32
      %add3A_18 = arith.addi %mul3A_16, %add3A_17 : i32
      "tpu.region"() ({
        %run_scoped3A = tpu.sem_alloc : memref<!tpu.dma_semaphore, #tpu.memory_space<semaphore_mem>>
        %dma_start3A = arith.constant 0 : i32
        %dma_start3A_35 = arith.constant 0 : i32
        %dma_start3A_36 = tpu.memref_slice %arg7[%dma_start3A, %dma_start3A_35] : memref<625x48xf32, #tpu.memory_space<vmem>> -> memref<125x48xf32, #tpu.memory_space<vmem>>
        %dma_start3A_37 = arith.constant 0 : i32
        %dma_start3A_38 = tpu.memref_slice %arg6[%add3A_18, %dma_start3A_37] : memref<40x125xi32, #tpu.memory_space<vmem>> -> memref<1x125xi32, #tpu.memory_space<vmem>>
        %dma_start3A_39 = tpu.memref_squeeze %dma_start3A_38 : memref<1x125xi32, #tpu.memory_space<vmem>> -> memref<125xi32, #tpu.memory_space<vmem>>
        %dma_start3A_40 = arith.constant 0 : i32
        %dma_start3A_41 = arith.constant 0 : i32
        %dma_start3A_42 = tpu.memref_slice %arg9[%dma_start3A_40, %dma_start3A_41] : memref<10000x48xf32, #tpu.memory_space<vmem_shared>> -> memref<10000x48xf32, #tpu.memory_space<vmem_shared>>
        tpu.enqueue_indirect_dma source(%dma_start3A_36 : memref<125x48xf32, #tpu.memory_space<vmem>>) target(%dma_start3A_42 : memref<10000x48xf32, #tpu.memory_space<vmem_shared>>) offsets(%dma_start3A_39 : memref<125xi32, #tpu.memory_space<vmem>>) semaphore(%run_scoped3A : memref<!tpu.dma_semaphore, #tpu.memory_space<semaphore_mem>>) {add = true}
        %dma_wait3A = arith.constant 0 : i32
        %dma_wait3A_43 = arith.constant 0 : i32
        %dma_wait3A_44 = tpu.memref_slice %arg7[%dma_wait3A, %dma_wait3A_43] : memref<625x48xf32, #tpu.memory_space<vmem>> -> memref<125x48xf32, #tpu.memory_space<vmem>>
        %dma_wait3A_45 = arith.constant 0 : i32
        %dma_wait3A_46 = tpu.memref_slice %arg6[%add3A_18, %dma_wait3A_45] : memref<40x125xi32, #tpu.memory_space<vmem>> -> memref<1x125xi32, #tpu.memory_space<vmem>>
        %dma_wait3A_47 = tpu.memref_squeeze %dma_wait3A_46 : memref<1x125xi32, #tpu.memory_space<vmem>> -> memref<125xi32, #tpu.memory_space<vmem>>
        %dma_wait3A_48 = arith.constant 0 : i32
        %dma_wait3A_49 = arith.constant 0 : i32
        %dma_wait3A_50 = tpu.memref_slice %arg9[%dma_wait3A_48, %dma_wait3A_49] : memref<10000x48xf32, #tpu.memory_space<vmem_shared>> -> memref<10000x48xf32, #tpu.memory_space<vmem_shared>>
        tpu.wait_indirect_dma semaphore(%run_scoped3A : memref<!tpu.dma_semaphore, #tpu.memory_space<semaphore_mem>>) src(%dma_wait3A_44 : memref<125x48xf32, #tpu.memory_space<vmem>>) dst(%dma_wait3A_50 : memref<10000x48xf32, #tpu.memory_space<vmem_shared>>)
        tpu.yield
      }) : () -> ()
      %mul3A_19 = arith.constant 5 : i32
      %mul3A_20 = arith.muli %scan3A_9, %mul3A_19 : i32
      %add3A_21 = arith.constant 1 : i32
      %add3A_22 = arith.addi %mul3A_20, %add3A_21 : i32
      "tpu.region"() ({
        %run_scoped3A = tpu.sem_alloc : memref<!tpu.dma_semaphore, #tpu.memory_space<semaphore_mem>>
        %dma_start3A = arith.constant 125 : i32
        %dma_start3A_35 = arith.constant 0 : i32
        %dma_start3A_36 = tpu.memref_slice %arg7[%dma_start3A, %dma_start3A_35] : memref<625x48xf32, #tpu.memory_space<vmem>> -> memref<125x48xf32, #tpu.memory_space<vmem>>
        %dma_start3A_37 = arith.constant 0 : i32
        %dma_start3A_38 = tpu.memref_slice %arg6[%add3A_22, %dma_start3A_37] : memref<40x125xi32, #tpu.memory_space<vmem>> -> memref<1x125xi32, #tpu.memory_space<vmem>>
        %dma_start3A_39 = tpu.memref_squeeze %dma_start3A_38 : memref<1x125xi32, #tpu.memory_space<vmem>> -> memref<125xi32, #tpu.memory_space<vmem>>
        %dma_start3A_40 = arith.constant 0 : i32
        %dma_start3A_41 = arith.constant 0 : i32
        %dma_start3A_42 = tpu.memref_slice %arg9[%dma_start3A_40, %dma_start3A_41] : memref<10000x48xf32, #tpu.memory_space<vmem_shared>> -> memref<10000x48xf32, #tpu.memory_space<vmem_shared>>
        tpu.enqueue_indirect_dma source(%dma_start3A_36 : memref<125x48xf32, #tpu.memory_space<vmem>>) target(%dma_start3A_42 : memref<10000x48xf32, #tpu.memory_space<vmem_shared>>) offsets(%dma_start3A_39 : memref<125xi32, #tpu.memory_space<vmem>>) semaphore(%run_scoped3A : memref<!tpu.dma_semaphore, #tpu.memory_space<semaphore_mem>>) {add = true}
        %dma_wait3A = arith.constant 125 : i32
        %dma_wait3A_43 = arith.constant 0 : i32
        %dma_wait3A_44 = tpu.memref_slice %arg7[%dma_wait3A, %dma_wait3A_43] : memref<625x48xf32, #tpu.memory_space<vmem>> -> memref<125x48xf32, #tpu.memory_space<vmem>>
        %dma_wait3A_45 = arith.constant 0 : i32
        %dma_wait3A_46 = tpu.memref_slice %arg6[%add3A_22, %dma_wait3A_45] : memref<40x125xi32, #tpu.memory_space<vmem>> -> memref<1x125xi32, #tpu.memory_space<vmem>>
        %dma_wait3A_47 = tpu.memref_squeeze %dma_wait3A_46 : memref<1x125xi32, #tpu.memory_space<vmem>> -> memref<125xi32, #tpu.memory_space<vmem>>
        %dma_wait3A_48 = arith.constant 0 : i32
        %dma_wait3A_49 = arith.constant 0 : i32
        %dma_wait3A_50 = tpu.memref_slice %arg9[%dma_wait3A_48, %dma_wait3A_49] : memref<10000x48xf32, #tpu.memory_space<vmem_shared>> -> memref<10000x48xf32, #tpu.memory_space<vmem_shared>>
        tpu.wait_indirect_dma semaphore(%run_scoped3A : memref<!tpu.dma_semaphore, #tpu.memory_space<semaphore_mem>>) src(%dma_wait3A_44 : memref<125x48xf32, #tpu.memory_space<vmem>>) dst(%dma_wait3A_50 : memref<10000x48xf32, #tpu.memory_space<vmem_shared>>)
        tpu.yield
      }) : () -> ()
      %mul3A_23 = arith.constant 5 : i32
      %mul3A_24 = arith.muli %scan3A_9, %mul3A_23 : i32
      %add3A_25 = arith.constant 2 : i32
      %add3A_26 = arith.addi %mul3A_24, %add3A_25 : i32
      "tpu.region"() ({
        %run_scoped3A = tpu.sem_alloc : memref<!tpu.dma_semaphore, #tpu.memory_space<semaphore_mem>>
        %dma_start3A = arith.constant 250 : i32
        %dma_start3A_35 = arith.constant 0 : i32
        %dma_start3A_36 = tpu.memref_slice %arg7[%dma_start3A, %dma_start3A_35] : memref<625x48xf32, #tpu.memory_space<vmem>> -> memref<125x48xf32, #tpu.memory_space<vmem>>
        %dma_start3A_37 = arith.constant 0 : i32
        %dma_start3A_38 = tpu.memref_slice %arg6[%add3A_26, %dma_start3A_37] : memref<40x125xi32, #tpu.memory_space<vmem>> -> memref<1x125xi32, #tpu.memory_space<vmem>>
        %dma_start3A_39 = tpu.memref_squeeze %dma_start3A_38 : memref<1x125xi32, #tpu.memory_space<vmem>> -> memref<125xi32, #tpu.memory_space<vmem>>
        %dma_start3A_40 = arith.constant 0 : i32
        %dma_start3A_41 = arith.constant 0 : i32
        %dma_start3A_42 = tpu.memref_slice %arg9[%dma_start3A_40, %dma_start3A_41] : memref<10000x48xf32, #tpu.memory_space<vmem_shared>> -> memref<10000x48xf32, #tpu.memory_space<vmem_shared>>
        tpu.enqueue_indirect_dma source(%dma_start3A_36 : memref<125x48xf32, #tpu.memory_space<vmem>>) target(%dma_start3A_42 : memref<10000x48xf32, #tpu.memory_space<vmem_shared>>) offsets(%dma_start3A_39 : memref<125xi32, #tpu.memory_space<vmem>>) semaphore(%run_scoped3A : memref<!tpu.dma_semaphore, #tpu.memory_space<semaphore_mem>>) {add = true}
        %dma_wait3A = arith.constant 250 : i32
        %dma_wait3A_43 = arith.constant 0 : i32
        %dma_wait3A_44 = tpu.memref_slice %arg7[%dma_wait3A, %dma_wait3A_43] : memref<625x48xf32, #tpu.memory_space<vmem>> -> memref<125x48xf32, #tpu.memory_space<vmem>>
        %dma_wait3A_45 = arith.constant 0 : i32
        %dma_wait3A_46 = tpu.memref_slice %arg6[%add3A_26, %dma_wait3A_45] : memref<40x125xi32, #tpu.memory_space<vmem>> -> memref<1x125xi32, #tpu.memory_space<vmem>>
        %dma_wait3A_47 = tpu.memref_squeeze %dma_wait3A_46 : memref<1x125xi32, #tpu.memory_space<vmem>> -> memref<125xi32, #tpu.memory_space<vmem>>
        %dma_wait3A_48 = arith.constant 0 : i32
        %dma_wait3A_49 = arith.constant 0 : i32
        %dma_wait3A_50 = tpu.memref_slice %arg9[%dma_wait3A_48, %dma_wait3A_49] : memref<10000x48xf32, #tpu.memory_space<vmem_shared>> -> memref<10000x48xf32, #tpu.memory_space<vmem_shared>>
        tpu.wait_indirect_dma semaphore(%run_scoped3A : memref<!tpu.dma_semaphore, #tpu.memory_space<semaphore_mem>>) src(%dma_wait3A_44 : memref<125x48xf32, #tpu.memory_space<vmem>>) dst(%dma_wait3A_50 : memref<10000x48xf32, #tpu.memory_space<vmem_shared>>)
        tpu.yield
      }) : () -> ()
      %mul3A_27 = arith.constant 5 : i32
      %mul3A_28 = arith.muli %scan3A_9, %mul3A_27 : i32
      %add3A_29 = arith.constant 3 : i32
      %add3A_30 = arith.addi %mul3A_28, %add3A_29 : i32
      "tpu.region"() ({
        %run_scoped3A = tpu.sem_alloc : memref<!tpu.dma_semaphore, #tpu.memory_space<semaphore_mem>>
        %dma_start3A = arith.constant 375 : i32
        %dma_start3A_35 = arith.constant 0 : i32
        %dma_start3A_36 = tpu.memref_slice %arg7[%dma_start3A, %dma_start3A_35] : memref<625x48xf32, #tpu.memory_space<vmem>> -> memref<125x48xf32, #tpu.memory_space<vmem>>
        %dma_start3A_37 = arith.constant 0 : i32
        %dma_start3A_38 = tpu.memref_slice %arg6[%add3A_30, %dma_start3A_37] : memref<40x125xi32, #tpu.memory_space<vmem>> -> memref<1x125xi32, #tpu.memory_space<vmem>>
        %dma_start3A_39 = tpu.memref_squeeze %dma_start3A_38 : memref<1x125xi32, #tpu.memory_space<vmem>> -> memref<125xi32, #tpu.memory_space<vmem>>
        %dma_start3A_40 = arith.constant 0 : i32
        %dma_start3A_41 = arith.constant 0 : i32
        %dma_start3A_42 = tpu.memref_slice %arg9[%dma_start3A_40, %dma_start3A_41] : memref<10000x48xf32, #tpu.memory_space<vmem_shared>> -> memref<10000x48xf32, #tpu.memory_space<vmem_shared>>
        tpu.enqueue_indirect_dma source(%dma_start3A_36 : memref<125x48xf32, #tpu.memory_space<vmem>>) target(%dma_start3A_42 : memref<10000x48xf32, #tpu.memory_space<vmem_shared>>) offsets(%dma_start3A_39 : memref<125xi32, #tpu.memory_space<vmem>>) semaphore(%run_scoped3A : memref<!tpu.dma_semaphore, #tpu.memory_space<semaphore_mem>>) {add = true}
        %dma_wait3A = arith.constant 375 : i32
        %dma_wait3A_43 = arith.constant 0 : i32
        %dma_wait3A_44 = tpu.memref_slice %arg7[%dma_wait3A, %dma_wait3A_43] : memref<625x48xf32, #tpu.memory_space<vmem>> -> memref<125x48xf32, #tpu.memory_space<vmem>>
        %dma_wait3A_45 = arith.constant 0 : i32
        %dma_wait3A_46 = tpu.memref_slice %arg6[%add3A_30, %dma_wait3A_45] : memref<40x125xi32, #tpu.memory_space<vmem>> -> memref<1x125xi32, #tpu.memory_space<vmem>>
        %dma_wait3A_47 = tpu.memref_squeeze %dma_wait3A_46 : memref<1x125xi32, #tpu.memory_space<vmem>> -> memref<125xi32, #tpu.memory_space<vmem>>
        %dma_wait3A_48 = arith.constant 0 : i32
        %dma_wait3A_49 = arith.constant 0 : i32
        %dma_wait3A_50 = tpu.memref_slice %arg9[%dma_wait3A_48, %dma_wait3A_49] : memref<10000x48xf32, #tpu.memory_space<vmem_shared>> -> memref<10000x48xf32, #tpu.memory_space<vmem_shared>>
        tpu.wait_indirect_dma semaphore(%run_scoped3A : memref<!tpu.dma_semaphore, #tpu.memory_space<semaphore_mem>>) src(%dma_wait3A_44 : memref<125x48xf32, #tpu.memory_space<vmem>>) dst(%dma_wait3A_50 : memref<10000x48xf32, #tpu.memory_space<vmem_shared>>)
        tpu.yield
      }) : () -> ()
      %mul3A_31 = arith.constant 5 : i32
      %mul3A_32 = arith.muli %scan3A_9, %mul3A_31 : i32
      %add3A_33 = arith.constant 4 : i32
      %add3A_34 = arith.addi %mul3A_32, %add3A_33 : i32
      "tpu.region"() ({
        %run_scoped3A = tpu.sem_alloc : memref<!tpu.dma_semaphore, #tpu.memory_space<semaphore_mem>>
        %dma_start3A = arith.constant 500 : i32
        %dma_start3A_35 = arith.constant 0 : i32
        %dma_start3A_36 = tpu.memref_slice %arg7[%dma_start3A, %dma_start3A_35] : memref<625x48xf32, #tpu.memory_space<vmem>> -> memref<125x48xf32, #tpu.memory_space<vmem>>
        %dma_start3A_37 = arith.constant 0 : i32
        %dma_start3A_38 = tpu.memref_slice %arg6[%add3A_34, %dma_start3A_37] : memref<40x125xi32, #tpu.memory_space<vmem>> -> memref<1x125xi32, #tpu.memory_space<vmem>>
        %dma_start3A_39 = tpu.memref_squeeze %dma_start3A_38 : memref<1x125xi32, #tpu.memory_space<vmem>> -> memref<125xi32, #tpu.memory_space<vmem>>
        %dma_start3A_40 = arith.constant 0 : i32
        %dma_start3A_41 = arith.constant 0 : i32
        %dma_start3A_42 = tpu.memref_slice %arg9[%dma_start3A_40, %dma_start3A_41] : memref<10000x48xf32, #tpu.memory_space<vmem_shared>> -> memref<10000x48xf32, #tpu.memory_space<vmem_shared>>
        tpu.enqueue_indirect_dma source(%dma_start3A_36 : memref<125x48xf32, #tpu.memory_space<vmem>>) target(%dma_start3A_42 : memref<10000x48xf32, #tpu.memory_space<vmem_shared>>) offsets(%dma_start3A_39 : memref<125xi32, #tpu.memory_space<vmem>>) semaphore(%run_scoped3A : memref<!tpu.dma_semaphore, #tpu.memory_space<semaphore_mem>>) {add = true}
        %dma_wait3A = arith.constant 500 : i32
        %dma_wait3A_43 = arith.constant 0 : i32
        %dma_wait3A_44 = tpu.memref_slice %arg7[%dma_wait3A, %dma_wait3A_43] : memref<625x48xf32, #tpu.memory_space<vmem>> -> memref<125x48xf32, #tpu.memory_space<vmem>>
        %dma_wait3A_45 = arith.constant 0 : i32
        %dma_wait3A_46 = tpu.memref_slice %arg6[%add3A_34, %dma_wait3A_45] : memref<40x125xi32, #tpu.memory_space<vmem>> -> memref<1x125xi32, #tpu.memory_space<vmem>>
        %dma_wait3A_47 = tpu.memref_squeeze %dma_wait3A_46 : memref<1x125xi32, #tpu.memory_space<vmem>> -> memref<125xi32, #tpu.memory_space<vmem>>
        %dma_wait3A_48 = arith.constant 0 : i32
        %dma_wait3A_49 = arith.constant 0 : i32
        %dma_wait3A_50 = tpu.memref_slice %arg9[%dma_wait3A_48, %dma_wait3A_49] : memref<10000x48xf32, #tpu.memory_space<vmem_shared>> -> memref<10000x48xf32, #tpu.memory_space<vmem_shared>>
        tpu.wait_indirect_dma semaphore(%run_scoped3A : memref<!tpu.dma_semaphore, #tpu.memory_space<semaphore_mem>>) src(%dma_wait3A_44 : memref<125x48xf32, #tpu.memory_space<vmem>>) dst(%dma_wait3A_50 : memref<10000x48xf32, #tpu.memory_space<vmem_shared>>)
        tpu.yield
      }) : () -> ()
    }
    %scan3A_7 = arith.constant 8 : i32
    %barrier3A_8 = arith.constant 0 : index
    tpu.barrier barrier_id(%barrier3A_8)
    "tpu.region"() ({
      %run_scoped3A = tpu.sem_alloc : memref<!tpu.dma_semaphore, #tpu.memory_space<semaphore_mem>>
      %dma_start3A = arith.constant 0 : i32
      %dma_start3A_9 = tpu.memref_slice %arg9[%mul3A_2, %dma_start3A] : memref<10000x48xf32, #tpu.memory_space<vmem_shared>> -> memref<625x48xf32, #tpu.memory_space<vmem_shared>>
      %dma_start3A_10 = arith.constant 0 : i32
      %dma_start3A_11 = tpu.memref_slice %arg9[%mul3A_2, %dma_start3A_10] : memref<10000x48xf32, #tpu.memory_space<vmem_shared>> -> memref<625x48xf32, #tpu.memory_space<vmem_shared>>
      tpu.enqueue_dma source(%dma_start3A_11 : memref<625x48xf32, #tpu.memory_space<vmem_shared>>) target(%arg8 : memref<625x48xf32, #tpu.memory_space<vmem>>) target_semaphore(%run_scoped3A : memref<!tpu.dma_semaphore, #tpu.memory_space<semaphore_mem>>)
      %dma_wait3A = arith.constant 0 : i32
      %dma_wait3A_12 = tpu.memref_slice %arg9[%mul3A_2, %dma_wait3A] : memref<10000x48xf32, #tpu.memory_space<vmem_shared>> -> memref<625x48xf32, #tpu.memory_space<vmem_shared>>
      %dma_wait3A_13 = arith.constant 0 : i32
      %dma_wait3A_14 = tpu.memref_slice %arg9[%mul3A_2, %dma_wait3A_13] : memref<10000x48xf32, #tpu.memory_space<vmem_shared>> -> memref<625x48xf32, #tpu.memory_space<vmem_shared>>
      tpu.wait_dma2 semaphore(%run_scoped3A : memref<!tpu.dma_semaphore, #tpu.memory_space<semaphore_mem>>) src(%dma_wait3A_14 : memref<625x48xf32, #tpu.memory_space<vmem_shared>>) dst(%arg8 : memref<625x48xf32, #tpu.memory_space<vmem>>)
      tpu.yield
    }) : () -> ()
    "tpu.region"() ({
      %run_scoped3A = tpu.sem_alloc : memref<!tpu.dma_semaphore, #tpu.memory_space<semaphore_mem>>
      %dma_start3A = arith.constant 0 : i32
      %dma_start3A_9 = tpu.memref_slice %arg5[%arg0, %mul3A_2, %dma_start3A] : memref<2x10000x128xf32, #tpu.memory_space<hbm>> -> memref<1x625x48xf32, #tpu.memory_space<hbm>>
      %dma_start3A_10 = tpu.memref_squeeze %dma_start3A_9 : memref<1x625x48xf32, #tpu.memory_space<hbm>> -> memref<625x48xf32, #tpu.memory_space<hbm>>
      %dma_start3A_11 = arith.constant 0 : i32
      %dma_start3A_12 = tpu.memref_slice %arg5[%arg0, %mul3A_2, %dma_start3A_11] : memref<2x10000x128xf32, #tpu.memory_space<hbm>> -> memref<1x625x48xf32, #tpu.memory_space<hbm>>
      %dma_start3A_13 = tpu.memref_squeeze %dma_start3A_12 : memref<1x625x48xf32, #tpu.memory_space<hbm>> -> memref<625x48xf32, #tpu.memory_space<hbm>>
      tpu.enqueue_dma source(%arg8 : memref<625x48xf32, #tpu.memory_space<vmem>>) target(%dma_start3A_13 : memref<625x48xf32, #tpu.memory_space<hbm>>) target_semaphore(%run_scoped3A : memref<!tpu.dma_semaphore, #tpu.memory_space<semaphore_mem>>)
      %dma_wait3A = arith.constant 0 : i32
      %dma_wait3A_14 = tpu.memref_slice %arg5[%arg0, %mul3A_2, %dma_wait3A] : memref<2x10000x128xf32, #tpu.memory_space<hbm>> -> memref<1x625x48xf32, #tpu.memory_space<hbm>>
      %dma_wait3A_15 = tpu.memref_squeeze %dma_wait3A_14 : memref<1x625x48xf32, #tpu.memory_space<hbm>> -> memref<625x48xf32, #tpu.memory_space<hbm>>
      %dma_wait3A_16 = arith.constant 0 : i32
      %dma_wait3A_17 = tpu.memref_slice %arg5[%arg0, %mul3A_2, %dma_wait3A_16] : memref<2x10000x128xf32, #tpu.memory_space<hbm>> -> memref<1x625x48xf32, #tpu.memory_space<hbm>>
      %dma_wait3A_18 = tpu.memref_squeeze %dma_wait3A_17 : memref<1x625x48xf32, #tpu.memory_space<hbm>> -> memref<625x48xf32, #tpu.memory_space<hbm>>
      tpu.wait_dma2 semaphore(%run_scoped3A : memref<!tpu.dma_semaphore, #tpu.memory_space<semaphore_mem>>) src(%arg8 : memref<625x48xf32, #tpu.memory_space<vmem>>) dst(%dma_wait3A_18 : memref<625x48xf32, #tpu.memory_space<hbm>>)
      tpu.yield
    }) : () -> ()
    return
  }
}

module attributes {stable_mosaic.version = 14 : i64} {
  func.func @body(%arg0: memref<10000x42xf32, #tpu.memory_space<vmem>>, %arg1: memref<42x42xf32, #tpu.memory_space<vmem>>, %arg2: memref<1x42xf32, #tpu.memory_space<vmem>>, %arg3: memref<10000x128xf32, #tpu.memory_space<vmem>>) attributes {dimension_semantics = [], scalar_prefetch = 0 : i64, scratch_operands = 0 : i64, tpu.core_type = #tpu.core_type<tc>} {
    %get3A = arith.constant 0 : index
    %get3A_0 = arith.constant 0 : index
    %get3A_1 = vector.load %arg0[%get3A, %get3A_0] : memref<10000x42xf32, #tpu.memory_space<vmem>>, vector<10000x42xf32>
    %get3A_2 = arith.constant 0 : index
    %get3A_3 = arith.constant 0 : index
    %get3A_4 = vector.load %arg1[%get3A_2, %get3A_3] : memref<42x42xf32, #tpu.memory_space<vmem>>, vector<42x42xf32>
    %dot_general3A = arith.constant dense<0.000000e+00> : vector<10000x42xf32>
    %dot_general3A_5 = tpu.matmul %get3A_1, %get3A_4, %dot_general3A {dimension_numbers = #tpu.dot_dimension_numbers<[1], [0], [0], [1], [0, 0, 1, 1], [], []>, transpose_lhs_hint = false} : vector<10000x42xf32>, vector<42x42xf32>, vector<10000x42xf32> -> vector<10000x42xf32>
    %get3A_6 = arith.constant 0 : index
    %get3A_7 = arith.constant 0 : index
    %get3A_8 = vector.load %arg2[%get3A_6, %get3A_7] : memref<1x42xf32, #tpu.memory_space<vmem>>, vector<1x42xf32>
    %add3A = vector.broadcast %get3A_8 : vector<1x42xf32> to vector<10000x42xf32>
    %add3A_9 = arith.addf %dot_general3A_5, %add3A : vector<10000x42xf32>
    %max3A = arith.constant 0.000000e+00 : f32
    %max3A_10 = vector.broadcast %max3A : f32 to vector<10000x42xf32>
    %max3A_11 = arith.maximumf %add3A_9, %max3A_10 : vector<10000x42xf32>
    %broadcast_in_dim3A = arith.constant 0.000000e+00 : f32
    %broadcast_in_dim3A_12 = vector.broadcast %broadcast_in_dim3A : f32 to vector<10000x86xf32>
    %concatenate3A = tpu.concatenate %max3A_11, %broadcast_in_dim3A_12 in 1 : vector<10000x42xf32>, vector<10000x86xf32> -> vector<10000x128xf32>
    %swap3A = arith.constant 0 : index
    %swap3A_13 = arith.constant 0 : index
    %swap3A_14 = vector.load %arg3[%swap3A, %swap3A_13] : memref<10000x128xf32, #tpu.memory_space<vmem>>, vector<10000x128xf32>
    tpu.vector_store %arg3[%swap3A, %swap3A_13], %concatenate3A {strides = array<i32>} : memref<10000x128xf32, #tpu.memory_space<vmem>>, vector<10000x128xf32>,
    return
  }
}

module attributes {stable_mosaic.version = 14 : i64} {
  func.func @body(%arg0: i32, %arg1: memref<8000x16xf32, #tpu.memory_space<vmem>>, %arg2: memref<16x42xf32, #tpu.memory_space<vmem>>, %arg3: memref<1x42xf32, #tpu.memory_space<vmem>>, %arg4: memref<8000x128xf32, #tpu.memory_space<vmem>>) attributes {dimension_semantics = [#tpu.dimension_semantics<arbitrary>], iteration_bounds = array<i64: 20>, scalar_prefetch = 0 : i64, scratch_operands = 0 : i64, tpu.core_type = #tpu.core_type<tc>, window_params = [{transform_indices = @transform_0, window_bounds = array<i64: 8000, 16>}, {pipeline_mode = #tpu.pipeline_mode<synchronous>, transform_indices = @transform_1, window_bounds = array<i64: 16, 42>}, {pipeline_mode = #tpu.pipeline_mode<synchronous>, transform_indices = @transform_2, window_bounds = array<i64: 1, 42>}, {transform_indices = @transform_3, window_bounds = array<i64: 8000, 128>}]} {
    %get3A = arith.constant 0 : index
    %get3A_0 = arith.constant 0 : index
    %get3A_1 = vector.load %arg1[%get3A, %get3A_0] : memref<8000x16xf32, #tpu.memory_space<vmem>>, vector<8000x16xf32>
    %get3A_2 = arith.constant 0 : index
    %get3A_3 = arith.constant 0 : index
    %get3A_4 = vector.load %arg2[%get3A_2, %get3A_3] : memref<16x42xf32, #tpu.memory_space<vmem>>, vector<16x42xf32>
    %dot_general3A = arith.constant dense<0.000000e+00> : vector<8000x42xf32>
    %dot_general3A_5 = tpu.matmul %get3A_1, %get3A_4, %dot_general3A {dimension_numbers = #tpu.dot_dimension_numbers<[1], [0], [0], [1], [0, 0, 1, 1], [], []>, transpose_lhs_hint = false} : vector<8000x16xf32>, vector<16x42xf32>, vector<8000x42xf32> -> vector<8000x42xf32>
    %get3A_6 = arith.constant 0 : index
    %get3A_7 = arith.constant 0 : index
    %get3A_8 = vector.load %arg3[%get3A_6, %get3A_7] : memref<1x42xf32, #tpu.memory_space<vmem>>, vector<1x42xf32>
    %add3A = vector.broadcast %get3A_8 : vector<1x42xf32> to vector<8000x42xf32>
    %add3A_9 = arith.addf %dot_general3A_5, %add3A : vector<8000x42xf32>
    %max3A = arith.constant 0.000000e+00 : f32
    %max3A_10 = vector.broadcast %max3A : f32 to vector<8000x42xf32>
    %max3A_11 = arith.maximumf %add3A_9, %max3A_10 : vector<8000x42xf32>
    %broadcast_in_dim3A = arith.constant 1.000000e+00 : f32
    %broadcast_in_dim3A_12 = vector.broadcast %broadcast_in_dim3A : f32 to vector<8000x1xf32>
    %broadcast_in_dim3A_13 = arith.constant 0.000000e+00 : f32
    %broadcast_in_dim3A_14 = vector.broadcast %broadcast_in_dim3A_13 : f32 to vector<8000x85xf32>
    %concatenate3A = tpu.concatenate %max3A_11, %broadcast_in_dim3A_12, %broadcast_in_dim3A_14 in 1 : vector<8000x42xf32>, vector<8000x1xf32>, vector<8000x85xf32> -> vector<8000x128xf32>
    %swap3A = arith.constant 0 : index
    %swap3A_15 = arith.constant 0 : index
    %swap3A_16 = vector.load %arg4[%swap3A, %swap3A_15] : memref<8000x128xf32, #tpu.memory_space<vmem>>, vector<8000x128xf32>
    tpu.vector_store %arg4[%swap3A, %swap3A_15], %concatenate3A {strides = array<i32>} : memref<8000x128xf32, #tpu.memory_space<vmem>>, vector<8000x128xf32>,
    return
  }
  func.func @transform_0(%arg0: i32) -> (i32, i32) {
    %c0_i32 = arith.constant 0 : i32
    %c0_i32_0 = arith.constant 0 : i32
    return %arg0, %c0_i32 : i32, i32
  }
  func.func @transform_1(%arg0: i32) -> (i32, i32) {
    %c0_i32 = arith.constant 0 : i32
    %c0_i32_0 = arith.constant 0 : i32
    %c0_i32_1 = arith.constant 0 : i32
    return %c0_i32, %c0_i32_0 : i32, i32
  }
  func.func @transform_2(%arg0: i32) -> (i32, i32) {
    %c0_i32 = arith.constant 0 : i32
    %c0_i32_0 = arith.constant 0 : i32
    %c0_i32_1 = arith.constant 0 : i32
    return %c0_i32, %c0_i32_0 : i32, i32
  }
  func.func @transform_3(%arg0: i32) -> (i32, i32) {
    %c0_i32 = arith.constant 0 : i32
    %c0_i32_0 = arith.constant 0 : i32
    return %arg0, %c0_i32 : i32, i32
  }
}

module attributes {stable_mosaic.version = 14 : i64} {
  func.func @body(%arg0: i32, %arg1: memref<1600x128xf32, #tpu.memory_space<vmem>>, %arg2: memref<1600x128xf32, #tpu.memory_space<vmem>>, %arg3: memref<128x1920xbf16, #tpu.memory_space<vmem>>, %arg4: memref<128x1920xbf16, #tpu.memory_space<vmem>>, %arg5: memref<1920x128xbf16, #tpu.memory_space<vmem>>, %arg6: memref<1600x128xf32, #tpu.memory_space<vmem>>) attributes {dimension_semantics = [#tpu.dimension_semantics<arbitrary>], iteration_bounds = array<i64: 100>, scalar_prefetch = 0 : i64, scratch_operands = 0 : i64, tpu.core_type = #tpu.core_type<tc>, window_params = [{transform_indices = @transform_0, window_bounds = array<i64: 1600, 128>}, {transform_indices = @transform_1, window_bounds = array<i64: 1600, 128>}, {pipeline_mode = #tpu.pipeline_mode<synchronous>, transform_indices = @transform_2, window_bounds = array<i64: 128, 1920>}, {pipeline_mode = #tpu.pipeline_mode<synchronous>, transform_indices = @transform_3, window_bounds = array<i64: 128, 1920>}, {pipeline_mode = #tpu.pipeline_mode<synchronous>, transform_indices = @transform_4, window_bounds = array<i64: 1920, 128>}, {transform_indices = @transform_5, window_bounds = array<i64: 1600, 128>}]} {
    %get3A = arith.constant 0 : index
    %get3A_0 = arith.constant 0 : index
    %get3A_1 = vector.load %arg1[%get3A, %get3A_0] : memref<1600x128xf32, #tpu.memory_space<vmem>>, vector<1600x128xf32>
    %convert_element_type3A = arith.truncf %get3A_1 : vector<1600x128xf32> to vector<1600x128xbf16>
    %get3A_2 = arith.constant 0 : index
    %get3A_3 = arith.constant 0 : index
    %get3A_4 = vector.load %arg2[%get3A_2, %get3A_3] : memref<1600x128xf32, #tpu.memory_space<vmem>>, vector<1600x128xf32>
    %convert_element_type3A_5 = arith.truncf %get3A_4 : vector<1600x128xf32> to vector<1600x128xbf16>
    %get3A_6 = arith.constant 0 : index
    %get3A_7 = arith.constant 0 : index
    %get3A_8 = vector.load %arg3[%get3A_6, %get3A_7] : memref<128x1920xbf16, #tpu.memory_space<vmem>>, vector<128x1920xbf16>
    %dot_general3A = arith.constant dense<0.000000e+00> : vector<1600x1920xf32>
    %dot_general3A_9 = tpu.matmul %convert_element_type3A, %get3A_8, %dot_general3A {dimension_numbers = #tpu.dot_dimension_numbers<[1], [0], [0], [1], [0, 0, 1, 1], [], []>, transpose_lhs_hint = false} : vector<1600x128xbf16>, vector<128x1920xbf16>, vector<1600x1920xf32> -> vector<1600x1920xf32>
    %get3A_10 = arith.constant 0 : index
    %get3A_11 = arith.constant 0 : index
    %get3A_12 = vector.load %arg4[%get3A_10, %get3A_11] : memref<128x1920xbf16, #tpu.memory_space<vmem>>, vector<128x1920xbf16>
    %dot_general3A_13 = arith.constant dense<0.000000e+00> : vector<1600x1920xf32>
    %dot_general3A_14 = tpu.matmul %convert_element_type3A_5, %get3A_12, %dot_general3A_13 {dimension_numbers = #tpu.dot_dimension_numbers<[1], [0], [0], [1], [0, 0, 1, 1], [], []>, transpose_lhs_hint = false} : vector<1600x128xbf16>, vector<128x1920xbf16>, vector<1600x1920xf32> -> vector<1600x1920xf32>
    %mul3A = arith.mulf %dot_general3A_9, %dot_general3A_14 : vector<1600x1920xf32>
    %convert_element_type3A_15 = arith.truncf %mul3A : vector<1600x1920xf32> to vector<1600x1920xbf16>
    %get3A_16 = arith.constant 0 : index
    %get3A_17 = arith.constant 0 : index
    %get3A_18 = vector.load %arg5[%get3A_16, %get3A_17] : memref<1920x128xbf16, #tpu.memory_space<vmem>>, vector<1920x128xbf16>
    %dot_general3A_19 = arith.constant dense<0.000000e+00> : vector<1600x128xf32>
    %dot_general3A_20 = tpu.matmul %convert_element_type3A_15, %get3A_18, %dot_general3A_19 {dimension_numbers = #tpu.dot_dimension_numbers<[1], [0], [0], [1], [0, 0, 1, 1], [], []>, transpose_lhs_hint = false} : vector<1600x1920xbf16>, vector<1920x128xbf16>, vector<1600x128xf32> -> vector<1600x128xf32>
    %swap3A = arith.constant 0 : index
    %swap3A_21 = arith.constant 0 : index
    %swap3A_22 = vector.load %arg6[%swap3A, %swap3A_21] : memref<1600x128xf32, #tpu.memory_space<vmem>>, vector<1600x128xf32>
    tpu.vector_store %arg6[%swap3A, %swap3A_21], %dot_general3A_20 {strides = array<i32>} : memref<1600x128xf32, #tpu.memory_space<vmem>>, vector<1600x128xf32>,
    return
  }
  func.func @transform_0(%arg0: i32) -> (i32, i32) {
    %c0_i32 = arith.constant 0 : i32
    %c0_i32_0 = arith.constant 0 : i32
    return %arg0, %c0_i32 : i32, i32
  }
  func.func @transform_1(%arg0: i32) -> (i32, i32) {
    %c0_i32 = arith.constant 0 : i32
    %c0_i32_0 = arith.constant 0 : i32
    return %arg0, %c0_i32 : i32, i32
  }
  func.func @transform_2(%arg0: i32) -> (i32, i32) {
    %c0_i32 = arith.constant 0 : i32
    %c0_i32_0 = arith.constant 0 : i32
    %c0_i32_1 = arith.constant 0 : i32
    return %c0_i32, %c0_i32_0 : i32, i32
  }
  func.func @transform_3(%arg0: i32) -> (i32, i32) {
    %c0_i32 = arith.constant 0 : i32
    %c0_i32_0 = arith.constant 0 : i32
    %c0_i32_1 = arith.constant 0 : i32
    return %c0_i32, %c0_i32_0 : i32, i32
  }
  func.func @transform_4(%arg0: i32) -> (i32, i32) {
    %c0_i32 = arith.constant 0 : i32
    %c0_i32_0 = arith.constant 0 : i32
    %c0_i32_1 = arith.constant 0 : i32
    return %c0_i32, %c0_i32_0 : i32, i32
  }
  func.func @transform_5(%arg0: i32) -> (i32, i32) {
    %c0_i32 = arith.constant 0 : i32
    %c0_i32_0 = arith.constant 0 : i32
    return %arg0, %c0_i32 : i32, i32
  }
}

module attributes {stable_mosaic.version = 14 : i64} {
  func.func @body(%arg0: memref<2x10000x128xf32, #tpu.memory_space<vmem>>, %arg1: memref<10000x128xf32, #tpu.memory_space<vmem>>, %arg2: memref<42x42xf32, #tpu.memory_space<vmem>>, %arg3: memref<1x42xf32, #tpu.memory_space<vmem>>, %arg4: memref<42x42xf32, #tpu.memory_space<vmem>>, %arg5: memref<42x42xf32, #tpu.memory_space<vmem>>, %arg6: memref<1x42xf32, #tpu.memory_space<vmem>>, %arg7: memref<10000x128xf32, #tpu.memory_space<vmem>>) attributes {dimension_semantics = [], scalar_prefetch = 0 : i64, scratch_operands = 0 : i64, tpu.core_type = #tpu.core_type<tc>} {
    %get3A = arith.constant 0 : index
    %get3A_0 = arith.constant 0 : index
    %get3A_1 = vector.load %arg1[%get3A, %get3A_0] : memref<10000x128xf32, #tpu.memory_space<vmem>>, vector<10000x42xf32>
    %get3A_2 = arith.constant 0 : index
    %get3A_3 = arith.constant 0 : index
    %get3A_4 = arith.constant 0 : index
    %get3A_5 = vector.load %arg0[%get3A_2, %get3A_3, %get3A_4] : memref<2x10000x128xf32, #tpu.memory_space<vmem>>, vector<1x10000x42xf32>
    %get3A_6 = vector.shape_cast %get3A_5 : vector<1x10000x42xf32> to vector<10000x42xf32>
    %get3A_7 = arith.constant 1 : index
    %get3A_8 = arith.constant 0 : index
    %get3A_9 = arith.constant 0 : index
    %get3A_10 = vector.load %arg0[%get3A_7, %get3A_8, %get3A_9] : memref<2x10000x128xf32, #tpu.memory_space<vmem>>, vector<1x10000x42xf32>
    %get3A_11 = vector.shape_cast %get3A_10 : vector<1x10000x42xf32> to vector<10000x42xf32>
    %add3A = arith.addf %get3A_6, %get3A_11 : vector<10000x42xf32>
    %get3A_12 = arith.constant 0 : index
    %get3A_13 = arith.constant 0 : index
    %get3A_14 = vector.load %arg2[%get3A_12, %get3A_13] : memref<42x42xf32, #tpu.memory_space<vmem>>, vector<42x42xf32>
    %dot_general3A = arith.constant dense<0.000000e+00> : vector<10000x42xf32>
    %dot_general3A_15 = tpu.matmul %get3A_1, %get3A_14, %dot_general3A {dimension_numbers = #tpu.dot_dimension_numbers<[1], [0], [0], [1], [0, 0, 1, 1], [], []>, transpose_lhs_hint = false} : vector<10000x42xf32>, vector<42x42xf32>, vector<10000x42xf32> -> vector<10000x42xf32>
    %add3A_16 = arith.addf %add3A, %dot_general3A_15 : vector<10000x42xf32>
    %get3A_17 = arith.constant 0 : index
    %get3A_18 = arith.constant 0 : index
    %get3A_19 = vector.load %arg3[%get3A_17, %get3A_18] : memref<1x42xf32, #tpu.memory_space<vmem>>, vector<1x42xf32>
    %add3A_20 = vector.broadcast %get3A_19 : vector<1x42xf32> to vector<10000x42xf32>
    %add3A_21 = arith.addf %add3A_16, %add3A_20 : vector<10000x42xf32>
    %max3A = arith.constant 0.000000e+00 : f32
    %max3A_22 = vector.broadcast %max3A : f32 to vector<10000x42xf32>
    %max3A_23 = arith.maximumf %add3A_21, %max3A_22 : vector<10000x42xf32>
    %get3A_24 = arith.constant 0 : index
    %get3A_25 = arith.constant 0 : index
    %get3A_26 = vector.load %arg4[%get3A_24, %get3A_25] : memref<42x42xf32, #tpu.memory_space<vmem>>, vector<42x42xf32>
    %dot_general3A_27 = arith.constant dense<0.000000e+00> : vector<10000x42xf32>
    %dot_general3A_28 = tpu.matmul %max3A_23, %get3A_26, %dot_general3A_27 {dimension_numbers = #tpu.dot_dimension_numbers<[1], [0], [0], [1], [0, 0, 1, 1], [], []>, transpose_lhs_hint = false} : vector<10000x42xf32>, vector<42x42xf32>, vector<10000x42xf32> -> vector<10000x42xf32>
    %get3A_29 = arith.constant 0 : index
    %get3A_30 = arith.constant 0 : index
    %get3A_31 = vector.load %arg5[%get3A_29, %get3A_30] : memref<42x42xf32, #tpu.memory_space<vmem>>, vector<42x42xf32>
    %dot_general3A_32 = arith.constant dense<0.000000e+00> : vector<10000x42xf32>
    %dot_general3A_33 = tpu.matmul %get3A_1, %get3A_31, %dot_general3A_32 {dimension_numbers = #tpu.dot_dimension_numbers<[1], [0], [0], [1], [0, 0, 1, 1], [], []>, transpose_lhs_hint = false} : vector<10000x42xf32>, vector<42x42xf32>, vector<10000x42xf32> -> vector<10000x42xf32>
    %add3A_34 = arith.addf %dot_general3A_28, %dot_general3A_33 : vector<10000x42xf32>
    %get3A_35 = arith.constant 0 : index
    %get3A_36 = arith.constant 0 : index
    %get3A_37 = vector.load %arg6[%get3A_35, %get3A_36] : memref<1x42xf32, #tpu.memory_space<vmem>>, vector<1x42xf32>
    %add3A_38 = vector.broadcast %get3A_37 : vector<1x42xf32> to vector<10000x42xf32>
    %add3A_39 = arith.addf %add3A_34, %add3A_38 : vector<10000x42xf32>
    %broadcast_in_dim3A = arith.constant 0.000000e+00 : f32
    %broadcast_in_dim3A_40 = vector.broadcast %broadcast_in_dim3A : f32 to vector<10000x86xf32>
    %concatenate3A = tpu.concatenate %add3A_39, %broadcast_in_dim3A_40 in 1 : vector<10000x42xf32>, vector<10000x86xf32> -> vector<10000x128xf32>
    %swap3A = arith.constant 0 : index
    %swap3A_41 = arith.constant 0 : index
    %swap3A_42 = vector.load %arg7[%swap3A, %swap3A_41] : memref<10000x128xf32, #tpu.memory_space<vmem>>, vector<10000x128xf32>
    tpu.vector_store %arg7[%swap3A, %swap3A_41], %concatenate3A {strides = array<i32>} : memref<10000x128xf32, #tpu.memory_space<vmem>>, vector<10000x128xf32>,
    return
  }
}

module attributes {stable_mosaic.version = 14 : i64} {
  func.func @body(%arg0: memref<2x10000x128xf32, #tpu.memory_space<vmem>>, %arg1: memref<10000x128xf32, #tpu.memory_space<vmem>>, %arg2: memref<42x42xf32, #tpu.memory_space<vmem>>, %arg3: memref<1x42xf32, #tpu.memory_space<vmem>>, %arg4: memref<42x42xf32, #tpu.memory_space<vmem>>, %arg5: memref<42x42xf32, #tpu.memory_space<vmem>>, %arg6: memref<1x42xf32, #tpu.memory_space<vmem>>, %arg7: memref<10000x42xf32, #tpu.memory_space<vmem>>, %arg8: memref<10000x42xf32, #tpu.memory_space<vmem>>) attributes {dimension_semantics = [], scalar_prefetch = 0 : i64, scratch_operands = 0 : i64, tpu.core_type = #tpu.core_type<tc>} {
    %get3A = arith.constant 0 : index
    %get3A_0 = arith.constant 0 : index
    %get3A_1 = vector.load %arg1[%get3A, %get3A_0] : memref<10000x128xf32, #tpu.memory_space<vmem>>, vector<10000x42xf32>
    %get3A_2 = arith.constant 0 : index
    %get3A_3 = arith.constant 0 : index
    %get3A_4 = arith.constant 0 : index
    %get3A_5 = vector.load %arg0[%get3A_2, %get3A_3, %get3A_4] : memref<2x10000x128xf32, #tpu.memory_space<vmem>>, vector<1x10000x42xf32>
    %get3A_6 = vector.shape_cast %get3A_5 : vector<1x10000x42xf32> to vector<10000x42xf32>
    %get3A_7 = arith.constant 1 : index
    %get3A_8 = arith.constant 0 : index
    %get3A_9 = arith.constant 0 : index
    %get3A_10 = vector.load %arg0[%get3A_7, %get3A_8, %get3A_9] : memref<2x10000x128xf32, #tpu.memory_space<vmem>>, vector<1x10000x42xf32>
    %get3A_11 = vector.shape_cast %get3A_10 : vector<1x10000x42xf32> to vector<10000x42xf32>
    %add3A = arith.addf %get3A_6, %get3A_11 : vector<10000x42xf32>
    %get3A_12 = arith.constant 0 : index
    %get3A_13 = arith.constant 0 : index
    %get3A_14 = vector.load %arg2[%get3A_12, %get3A_13] : memref<42x42xf32, #tpu.memory_space<vmem>>, vector<42x42xf32>
    %dot_general3A = arith.constant dense<0.000000e+00> : vector<10000x42xf32>
    %dot_general3A_15 = tpu.matmul %get3A_1, %get3A_14, %dot_general3A {dimension_numbers = #tpu.dot_dimension_numbers<[1], [0], [0], [1], [0, 0, 1, 1], [], []>, transpose_lhs_hint = false} : vector<10000x42xf32>, vector<42x42xf32>, vector<10000x42xf32> -> vector<10000x42xf32>
    %add3A_16 = arith.addf %add3A, %dot_general3A_15 : vector<10000x42xf32>
    %get3A_17 = arith.constant 0 : index
    %get3A_18 = arith.constant 0 : index
    %get3A_19 = vector.load %arg3[%get3A_17, %get3A_18] : memref<1x42xf32, #tpu.memory_space<vmem>>, vector<1x42xf32>
    %add3A_20 = vector.broadcast %get3A_19 : vector<1x42xf32> to vector<10000x42xf32>
    %add3A_21 = arith.addf %add3A_16, %add3A_20 : vector<10000x42xf32>
    %max3A = arith.constant 0.000000e+00 : f32
    %max3A_22 = vector.broadcast %max3A : f32 to vector<10000x42xf32>
    %max3A_23 = arith.maximumf %add3A_21, %max3A_22 : vector<10000x42xf32>
    %get3A_24 = arith.constant 0 : index
    %get3A_25 = arith.constant 0 : index
    %get3A_26 = vector.load %arg4[%get3A_24, %get3A_25] : memref<42x42xf32, #tpu.memory_space<vmem>>, vector<42x42xf32>
    %dot_general3A_27 = arith.constant dense<0.000000e+00> : vector<10000x42xf32>
    %dot_general3A_28 = tpu.matmul %max3A_23, %get3A_26, %dot_general3A_27 {dimension_numbers = #tpu.dot_dimension_numbers<[1], [0], [0], [1], [0, 0, 1, 1], [], []>, transpose_lhs_hint = false} : vector<10000x42xf32>, vector<42x42xf32>, vector<10000x42xf32> -> vector<10000x42xf32>
    %get3A_29 = arith.constant 0 : index
    %get3A_30 = arith.constant 0 : index
    %get3A_31 = vector.load %arg5[%get3A_29, %get3A_30] : memref<42x42xf32, #tpu.memory_space<vmem>>, vector<42x42xf32>
    %dot_general3A_32 = arith.constant dense<0.000000e+00> : vector<10000x42xf32>
    %dot_general3A_33 = tpu.matmul %get3A_1, %get3A_31, %dot_general3A_32 {dimension_numbers = #tpu.dot_dimension_numbers<[1], [0], [0], [1], [0, 0, 1, 1], [], []>, transpose_lhs_hint = false} : vector<10000x42xf32>, vector<42x42xf32>, vector<10000x42xf32> -> vector<10000x42xf32>
    %add3A_34 = arith.addf %dot_general3A_28, %dot_general3A_33 : vector<10000x42xf32>
    %get3A_35 = arith.constant 0 : index
    %get3A_36 = arith.constant 0 : index
    %get3A_37 = vector.load %arg6[%get3A_35, %get3A_36] : memref<1x42xf32, #tpu.memory_space<vmem>>, vector<1x42xf32>
    %add3A_38 = vector.broadcast %get3A_37 : vector<1x42xf32> to vector<10000x42xf32>
    %add3A_39 = arith.addf %add3A_34, %add3A_38 : vector<10000x42xf32>
    %get3A_40 = arith.constant 0 : index
    %get3A_41 = arith.constant 0 : index
    %get3A_42 = vector.load %arg7[%get3A_40, %get3A_41] : memref<10000x42xf32, #tpu.memory_space<vmem>>, vector<10000x42xf32>
    %add3A_43 = arith.addf %add3A_39, %get3A_42 : vector<10000x42xf32>
    %swap3A = arith.constant 0 : index
    %swap3A_44 = arith.constant 0 : index
    %swap3A_45 = vector.load %arg8[%swap3A, %swap3A_44] : memref<10000x42xf32, #tpu.memory_space<vmem>>, vector<10000x42xf32>
    tpu.vector_store %arg8[%swap3A, %swap3A_44], %add3A_43 {strides = array<i32>} : memref<10000x42xf32, #tpu.memory_space<vmem>>, vector<10000x42xf32>,
    return
  }
}

</mosaic_0001>

<sc_bundles>
// kernel: kernel.16.cloned.1.call-start
scs
__scs_entry_jumppad:
0x0: {  	(pc) =	sbr.rel $0x88, $3  }
0x1: {  	(tag) =	ssettag $0x0;
	lr =	simm.s32 $0x1  }
0x2: {  	[smem:$0x3F94] =	sst lr;
	_ =	strace $0xD0000000  }
0x3: {  	_ = 	snop  }
0x4: {  	_ = 	snop  }
0x5: {  	_ = 	snop  }
0x6: {  	_ = 	snop  }
0x7: {  	_ = 	snop  }
__scs_overlays_trampoline_lowered:
0x8: {  	[smem:$0x3FA3] =	sst s0  }
0x9: {  	[smem:$0x3FA4] =	sst s1  }
0xa: {  	[smem:$0x3FA5] =	sst s2  }
0xb: {  	[smem:$0x3FA6] =	sst s3  }
0xc: {  	[smem:$0x3FA7] =	sst s4  }
0xd: {  	[smem:$0x3FA8] =	sst s5  }
0xe: {  	[smem:$0x3FA9] =	sst s6  }
0xf: {  	[smem:$0x3FAA] =	sst s7  }
0x10: {  	[smem:$0x3FAB] =	sst s8  }
0x11: {  	[smem:$0x3FAC] =	sst s9;
	s0 =	simm.s32 @!p0 $0x0  }
0x12: {  	s1 =	sld [smem:$0x3F92];
	s0 =	simm.s32 @p0 $0x1  }
0x13: {  	[smem:$0x3FAD] =	sst s0;
	s0 =	simm.s32 @!p1 $0x0  }
0x14: {  	s2 =	sld [smem:$0x3F91];
	s0 =	simm.s32 @p1 $0x1  }
0x15: {  	[smem:$0x3FAE] =	sst s0;
	s0 =	simm.s32 @!p2 $0x0  }
0x16: {  	s3 =	sld [smem:$0x3FDB];
	s0 =	simm.s32 @p2 $0x1  }
0x17: {  	s4 =	simm.s32 $0x1BF5;
	[smem:$0x3FB0] =	sst s0  }
0x18: {  	s0 =	sld [smem:$0x3F93];
	_ =	swait.ge [sflag:s4], $0x0  }
0x19: {  	s7 =	sld [smem:$0x3F94]  }
0x1a: {  	s8 =	sadd.s32 $0xFFFFE003, lr  }
0x1b: {  	s9 =	sadd.s32 $0xFFFFFEF7, lr;
	s5 =	simm.s32 $0xFFFFFFFF;
	p2 =	slt.u32 s8, $0xFFFFF086  }
0x1c: {  	p1 =	slt.u32 s9, $0xF7A;
	s5 =	simm.s32 @!p2 $0x0  }
0x1d: {  	s5 =	simm.s32 @p1 $0x1;
	p0 =	seq.s32 s7, s2  }
0x1e: {  	s7 =	smul.u32 @!p0 $0xF7A, s2;
	p2 =	seq.s32 @!p0 s5, $0x0  }
0x1f: {  	s9 =	smul.u32 $0xF7A, s1;
	s8 =	simm.s32 @!p0 $0x1BF5;
	p2 =	por !p2, p0  }
0x20: {  	[sflag:s8] =	ssyncset.s32 @!p0 $0xFFFFF086;
	s6 =	sadd.s32 @!p0 s3, s7;
	s7 =	simm.s32 @!p0 $0x108  }
0x21: {  	s3 =	sadd.s32 s3, s9;
	s6 =	sadd.s32 @!p0 $0x88, s6;
	s7 =	simm.s32 @p2 $0x1082  }
0x22: {  	[simem:s7], [sflag:s8] =	dma.local @!p0 [hbm:s6], $0xF7A  }
0x23: {  	s9 =	sor.u32 $0xD0000000, s2;
	s6 =	simm.s32 $0x108;
	_ =	swait.ge @!p0 [sflag:s8], $0x0  }
0x24: {  	s3 =	sadd.s32 $0x88, s3;
	s6 =	simm.s32 @!p1 $0x1082;
	[sflag:s4] =	ssyncset.s32 $0xFFFFF086  }
0x25: {  	[simem:s6], [sflag:s4] =	dma.local [hbm:s3], $0xF7A  }
0x26: {  	[smem:$0x3F94] =	sst s1;
	(tag) =	ssettag s2;
	_ =	strace s9  }
0x27: {  	s1 =	sld [smem:$0x3FA4]  }
0x28: {  	s2 =	sld [smem:$0x3FA5]  }
0x29: {  	s4 =	sld [smem:$0x3FA7]  }
0x2a: {  	p0 =	seq.s32 s5, $0x0;
	s5 =	sld [smem:$0x3FA8]  }
0x2b: {  	s6 =	sld [smem:$0x3FA9]  }
0x2c: {  	s7 =	sld [smem:$0x3FAA]  }
0x2d: {  	s3 =	simm.s32 $0x108;
	s8 =	sld [smem:$0x3FAB]  }
0x2e: {  	s3 =	simm.s32 @!p0 $0x1082;
	s9 =	sld [smem:$0x3FAC]  }
0x2f: {  	lr =	sadd.s32 s0, s3;
	s0 =	sld [smem:$0x3FA3]  }
0x30: {  	s3 =	sld [smem:$0x3FA6]  }
0x31: {  	[smem:$0x3FAF] =	sst s10  }
0x32: {  	s10 =	sld [smem:$0x3FAD];
	_ =	sdelay $0x3  }
0x33: {  	p0 =	seq.s32 s10, $0x1;
	s10 =	sld [smem:$0x3FAF];
	_ =	sdelay $0x3  }
0x34: {  	[smem:$0x3FAF] =	sst s10  }
0x35: {  	s10 =	sld [smem:$0x3FAE];
	_ =	sdelay $0x3  }
0x36: {  	p1 =	seq.s32 s10, $0x1;
	s10 =	sld [smem:$0x3FAF];
	_ =	sdelay $0x3  }
0x37: {  	[smem:$0x3FAF] =	sst s10  }
0x38: {  	s10 =	sld [smem:$0x3FB0]  }
0x39: {  	_ = 	snop;
	(pc) =	sbr.ind lr, $3  }
0x3a: {  	_ = 	snop  }
0x3b: {  	_ = 	snop  }
0x3c: {  	p2 =	seq.s32 s10, $0x1;
	s10 =	sld [smem:$0x3FAF]  }
0x3d: {  	_ =	shalt  }
0x3e: {  	_ =	shalt  }
0x3f: {  	_ =	shalt  }
0x40: {  	_ =	shalt  }
0x41: {  	_ =	shalt  }
0x42: {  	_ =	shalt  }
0x43: {  	_ =	shalt  }
0x44: {  	_ =	shalt  }
0x45: {  	_ =	shalt  }
0x46: {  	_ =	shalt  }
0x47: {  	_ =	shalt  }
0x48: {  	_ =	shalt  }
0x49: {  	_ =	shalt  }
0x4a: {  	_ =	shalt  }
0x4b: {  	_ =	shalt  }
0x4c: {  	_ =	shalt  }
0x4d: {  	_ =	shalt  }
0x4e: {  	_ =	shalt  }
0x4f: {  	_ =	shalt  }
0x50: {  	_ =	shalt  }
0x51: {  	_ =	shalt  }
0x52: {  	_ =	shalt  }
0x53: {  	_ =	shalt  }
0x54: {  	_ =	shalt  }
0x55: {  	_ =	shalt  }
0x56: {  	_ =	shalt  }
0x57: {  	_ =	shalt  }
0x58: {  	_ =	shalt  }
0x59: {  	_ =	shalt  }
0x5a: {  	_ =	shalt  }
0x5b: {  	_ =	shalt  }
0x5c: {  	_ =	shalt  }
0x5d: {  	_ =	shalt  }
0x5e: {  	_ =	shalt  }
0x5f: {  	_ =	shalt  }
0x60: {  	_ =	shalt  }
0x61: {  	_ =	shalt  }
0x62: {  	_ =	shalt  }
0x63: {  	_ =	shalt  }
0x64: {  	_ =	shalt  }
0x65: {  	_ =	shalt  }
0x66: {  	_ =	shalt  }
0x67: {  	_ =	shalt  }
0x68: {  	_ =	shalt  }
0x69: {  	_ =	shalt  }
0x6a: {  	_ =	shalt  }
0x6b: {  	_ =	shalt  }
0x6c: {  	_ =	shalt  }
0x6d: {  	_ =	shalt  }
0x6e: {  	_ =	shalt  }
0x6f: {  	_ =	shalt  }
0x70: {  	_ =	shalt  }
0x71: {  	_ =	shalt  }
0x72: {  	_ =	shalt  }
0x73: {  	_ =	shalt  }
0x74: {  	_ =	shalt  }
0x75: {  	_ =	shalt  }
0x76: {  	_ =	shalt  }
0x77: {  	_ =	shalt  }
0x78: {  	_ =	shalt  }
0x79: {  	_ =	shalt  }
0x7a: {  	_ =	shalt  }
0x7b: {  	_ =	shalt  }
0x7c: {  	_ =	shalt  }
0x7d: {  	_ =	shalt  }
0x7e: {  	_ =	shalt  }
0x7f: {  	_ =	shalt  }
0x80: {  	_ =	shalt  }
0x81: {  	_ =	shalt  }
0x82: {  	_ =	shalt  }
0x83: {  	_ =	shalt  }
0x84: {  	_ =	shalt  }
0x85: {  	_ =	shalt  }
0x86: {  	_ =	shalt  }
0x87: {  	_ =	shalt  }
.Lfunc_end0:
.L_simem_size_0:
called_computation_lowered:
.L_overlay_start_0:
0x88: {  	s2 =	sld [smem:$0x3FD9]  }
0x89: {  	s3 =	sld [smem:$0x3FFE];
	_ =	sdelay $0x1  }
0x8a: {  	s1 =	srdreg.scid  }
0x8b: {  	s0 =	sand.u32 $0x1, s1  }
0x8c: {  	s16 =	sshll.u32 s0, $0xA;
	s2 =	sadd.s32 s3, s2  }
0x8d: {  	s2 =	sadd.s32 s2, s16  }
0x8e: {  	[smem:$0x3FBB] =	sst s2  }
0x8f: {  	_ = 	snop  }
0x90: {  	(tm) =	ssettm $0x1  }
0x91: {  	s17 =	sld [smem:$0x3FFB];
	_ =	sdelay $0x3  }
0x92: {  	_ =	strace s17  }
0x93: {  	s2 =	sld [smem:$0x3FFC];
	_ =	sdelay $0x3  }
0x94: {  	_ =	strace s2  }
0x95: {  	s2 =	sld [smem:$0x3FFD];
	_ =	sdelay $0x3  }
0x96: {  	_ =	strace s2  }
0x97: {  	_ =	strace $0x8FFFFFFF  }
0x98: {  	s18 =	sld [smem:$0x3FDB];
	_ =	sdelay $0x1  }
0x99: {  	s19 =	simm.s32 $_scs_section_size  }
0x9a: {  	s4 =	simm.s32 $_size__tile_overlayer_lowered;
	s5 =	simm.s32 $_tile_overlayer_lowered  }
0x9b: {  	s22 =	simm.s32 $0x1BFF;
	s21 =	sshll.u32 s5, $0x1;
	s2 =	sadd.s32 s19, s18  }
0x9c: {  	s6 =	simm.s32 $0x0;
	s20 =	sshll.u32 s4, $0x1;
	s4 =	sadd.s32 s21, s2  }
0x9d: {  	[timem:s6], [sflag:s22] =	dma.local [hbm:s4], s20  }
0x9e: {  	_ =	swait.ge [sflag:s22], s20  }
0x9f: {  	s3 =	ssub.s32 $0x0, s20;
	[sflag:s22] =	ssyncset.done $0x0  }
0xa0: {  	[sflag:s22] =	ssyncadd.s32 s3;
	_ =	sdelay $0x1  }
0xa1: {  	s23 =	simm.s32 $0x1B8B  }
0xa2: {  	_ =	swait.ge [sflag:s23], $0x1  }
0xa3: {  	[sflag:s23] =	ssyncset.done $0x0  }
0xa4: {  	s25 =	simm.s32 $0x1B8E;
	s24 =	sld [smem:$0x3FFE];
	[sflag:s23] =	ssyncadd.s32 $0xFFFFFFFF  }
0xa5: {  	s26 =	simm.s32 $execute0_lowered;
	[smem:$0x3FD2] =	sst s25  }
0xa6: {  	s4 =	sshll.u32 s26, $0x1;
	_ =	strace $0x80000046;
	[dreg:$0x1] =	wrdreg $0xFFFFFFFF  }
0xa7: {  	s28 =	simm.s32 $_size_execute0_lowered;
	s2 =	sadd.s32 s2, s4;
	[dreg:$0x0] =	wrdreg $0x0  }
0xa8: {  	s4 =	sshll.u32 s28, $0x1;
	[dreg:$0x2] =	wrdreg s2  }
0xa9: {  	[dreg:$0x3] =	wrdreg s4  }
0xaa: {  	[dreg:$0x4] =	wrdreg $0xC0  }
0xab: {  	_ =	task [dreg:s6], $0x5FFFF  }
0xac: {  	[dreg:$0x1] =	wrdreg $0xFFFFFFFF  }
0xad: {  	[dreg:$0x0] =	wrdreg $0x60  }
0xae: {  	[dreg:$0x2] =	wrdreg s24  }
0xaf: {  	[dreg:$0x3] =	wrdreg $0x9  }
0xb0: {  	_ =	task.clear_ibuf [dreg:s6], $0x4FFFF;
	_ =	strace $0x90000046  }
0xb1: {  	s29 =	simm.s32 $0x9;
	_ =	strace $0x80000048  }
0xb2: {  	_ =	swait.ge [sflag:s29], $0x1  }
0xb3: {  	[sflag:s29] =	ssyncadd.s32 $0xFFFFFFFF  }
0xb4: {  	_ =	strace $0x90000048  }
0xb5: {  	_ =	sfence  }
0xb6: {  	s30 =	sld [smem:$0x0];
	_ =	sdelay $0x2  }
0xb7: {  	s31 =	sshll.u32 s1, $0xD;
	s1 =	sshrl.u32 s1, $0x2  }
0xb8: {  	s3 =	sand.u32 $0x4000, s31;
	s1 =	sadd.s32 s1, s30  }
0xb9: {  	s0 =	sor.u32 s3, s0;
	s1 =	sshll.u32 s1, $0x11  }
0xba: {  	s0 =	sor.u32 s1, s0  }
0xbb: {  	s0 =	sadd.s32 $0x8F2B, s0  }
0xbc: {  	[sflag:s0] =	ssyncadd.remote.s32 $0x1  }
0xbd: {  	_ =	sfence.sel $0xFFFF  }
0xbe: {  	[dreg:$0x0] =	wrdreg $0xFFFFFFFF;
	(pc) =	sbr.abs _section_cstart, $3  }
0xbf: {  	[dreg:$0x1] =	wrdreg $0xFFFFFFFF  }
0xc0: {  	_ =	task.clear_ibuf [dreg:s6], $0x2FFFF;
	_ =	strace $0x9FFFFFFF  }
0xc1: {  	(tm) =	ssettm $0x7FFFFFFF  }
tec
execute0_lowered:
.L_overlay_start_1:
0x0: {  	(tag) =	ssettag $0x1  }
0x1: {  	s4 =	rddreg [dreg:$0x0]  }
0x2: {  	s0 =	rddreg [dreg:$0x1];
	s2 =	simm.s32 $0x0;
	s1 =	srdreg.scid  }
0x3: {  	s10 =	simm.s32 $0x80;
	s11 =	simm.s32 $0x4280;
	s12 =	simm.s32 $0x100  }
0x4: {  	s13 =	simm.s32 $0x8100;
	s14 =	simm.s32 $0x180;
	s15 =	simm.s32 $0xBF80  }
0x5: {  	s16 =	simm.s32 $0x200;
	s17 =	simm.s32 $0xFE00;
	s18 =	simm.s32 $0x280  }
0x6: {  	s19 =	simm.s32 $0x13C80;
	s20 =	simm.s32 $0x300;
	s21 =	simm.s32 $0x17B00  }
0x7: {  	s22 =	simm.s32 $0x380;
	s23 =	simm.s32 $0x1B980;
	s5 =	sand.u32 $0x1, s1  }
0x8: {  	s24 =	simm.s32 $0x1;
	s1 =	stileid.u32;
	s6 =	smul.u32 $0x14000, s5  }
0x9: {  	s25 =	simm.s32 $0x0;
	[smem:$0x7FF] =	sst s2;
	s7 =	smul.u32 $0x1400, s1  }
0xa: {  	s3 =	sadd.s32 $0x33600, s4;
	s8 =	smul.u32 $0x138800, s5;
	s5 =	ssub.s32 $0x2, s5  }
0xb: {  	_ =	strace $0x80000047;
	s9 =	smul.u32 $0x13880, s1;
	s30 =	sshrl.u32 s5, $0x1  }
0xc: {  	s6 =	sadd.s32 s7, s6;
	s8 =	sadd.s32 s8, s4;
	s5 =	ssub.s32 s5, s30  }
0xd: {  	s7 =	simm.s32 $0x2;
	s6 =	sshrl.u32 s6, $0x3;
	s31 =	sadd.s32 s9, s8  }
0xe: {  	s8 =	simm.s32 $0x7D;
	s9 =	simm.s32 $0x400;
	s6 =	sadd.s32 s6, s4  }
0xf: {  	s4 =	smax.u32 s5, $0x1;
	s5 =	sadd.s32 $0x7400, s6;
	s6 =	sadd.s32 $0x5A800, s31  }
.LBB2_1:
0x10: {  	s26 =	sadd.s32 $0x0, s5  }
0x11: {  	[tilespmem:s2], [sflag:$0x2] =	stream.linear.gather [hbm4b:s26+s2], $0x400, $0x38;
	[tilespmem:$0x1F800] =	vst v63  }
0x12: {  	_ =	swait.ge [sflag:s7], $0x400  }
0x13: {  	[sflag:s7] =	ssyncset.done $0x0  }
0x14: {  	[sflag:s7] =	ssyncadd.s32 $0xFFFFFC00  }
0x15: {  	[tilespmem:s9], [sflag:$0x1] =	stream.indirect.gather [hbm4b:s3+s8], $0x80, s2, s8, $0xb8;
	[tilespmem:$0x1F800] =	vst v63  }
0x16: {  	_ = 	snop  }
0x17: {  	[tilespmem:s11], [sflag:$0x1] =	stream.indirect.gather [hbm4b:s3+s8], $0x80, s10, s8, $0xb8;
	[tilespmem:$0x1F800] =	vst v63  }
0x18: {  	_ = 	snop  }
0x19: {  	[tilespmem:s13], [sflag:$0x1] =	stream.indirect.gather [hbm4b:s3+s8], $0x80, s12, s8, $0xb8;
	[tilespmem:$0x1F800] =	vst v63  }
0x1a: {  	_ = 	snop  }
0x1b: {  	[tilespmem:s15], [sflag:$0x1] =	stream.indirect.gather [hbm4b:s3+s8], $0x80, s14, s8, $0xb8;
	[tilespmem:$0x1F800] =	vst v63  }
0x1c: {  	_ = 	snop  }
0x1d: {  	[tilespmem:s17], [sflag:$0x1] =	stream.indirect.gather [hbm4b:s3+s8], $0x80, s16, s8, $0xb8;
	[tilespmem:$0x1F800] =	vst v63  }
0x1e: {  	_ = 	snop  }
0x1f: {  	[tilespmem:s19], [sflag:$0x1] =	stream.indirect.gather [hbm4b:s3+s8], $0x80, s18, s8, $0xb8;
	[tilespmem:$0x1F800] =	vst v63  }
0x20: {  	_ = 	snop  }
0x21: {  	[tilespmem:s21], [sflag:$0x1] =	stream.indirect.gather [hbm4b:s3+s8], $0x80, s20, s8, $0xb8;
	[tilespmem:$0x1F800] =	vst v63  }
0x22: {  	_ = 	snop  }
0x23: {  	[tilespmem:s23], [sflag:$0x1] =	stream.indirect.gather [hbm4b:s3+s8], $0x80, s22, s8, $0xb8;
	[tilespmem:$0x1F800] =	vst v63  }
0x24: {  	_ =	swait.ge [sflag:s24], $0x3E80  }
0x25: {  	[sflag:s24] =	ssyncset.done $0x0  }
0x26: {  	[sflag:s24] =	ssyncadd.s32 $0xFFFFC180  }
0x27: {  	_ =	swait.ge [sflag:s24], $0x3E80  }
0x28: {  	[sflag:s24] =	ssyncset.done $0x0  }
0x29: {  	[sflag:s24] =	ssyncadd.s32 $0xFFFFC180  }
0x2a: {  	_ =	swait.ge [sflag:s24], $0x3E80  }
0x2b: {  	[sflag:s24] =	ssyncset.done $0x0  }
0x2c: {  	[sflag:s24] =	ssyncadd.s32 $0xFFFFC180  }
0x2d: {  	_ =	swait.ge [sflag:s24], $0x3E80  }
0x2e: {  	[sflag:s24] =	ssyncset.done $0x0  }
0x2f: {  	[sflag:s24] =	ssyncadd.s32 $0xFFFFC180  }
0x30: {  	_ =	swait.ge [sflag:s24], $0x3E80  }
0x31: {  	[sflag:s24] =	ssyncset.done $0x0  }
0x32: {  	[sflag:s24] =	ssyncadd.s32 $0xFFFFC180  }
0x33: {  	_ =	swait.ge [sflag:s24], $0x3E80  }
0x34: {  	[sflag:s24] =	ssyncset.done $0x0  }
0x35: {  	[sflag:s24] =	ssyncadd.s32 $0xFFFFC180  }
0x36: {  	_ =	swait.ge [sflag:s24], $0x3E80  }
0x37: {  	[sflag:s24] =	ssyncset.done $0x0  }
0x38: {  	[sflag:s24] =	ssyncadd.s32 $0xFFFFC180  }
0x39: {  	_ =	swait.ge [sflag:s24], $0x3E80  }
0x3a: {  	[sflag:s24] =	ssyncset.done $0x0  }
0x3b: {  	[sflag:s24] =	ssyncadd.s32 $0xFFFFC180  }
0x3c: {  	[hbm4b:s6+s2] =	stream.linear.scatter [tilespmem:s9], [sflag:$0x2], $0x1F400, $0x38;
	[tilespmem:$0x1F800] =	vst v63  }
0x3d: {  	s28 =	simm.s32 $0x80;
	_ =	swait.ge [sflag:s7], $0x1F400  }
0x3e: {  	s30 =	simm.s32 $0x100;
	s26 =	sadd.s32 $0x3E80, s6;
	[sflag:s7] =	ssyncset.done $0x0  }
.LBB2_2:
0x3f: {  	s31 =	sadd.s32 s28, s5  }
0x40: {  	[sflag:s7] =	ssyncadd.s32 $0xFFFE0C00;
	s28 =	smov.u32 s30;
	s29 =	sadd.s32 $0x80, s30  }
0x41: {  	[tilespmem:s2], [sflag:$0x2] =	stream.linear.gather [hbm4b:s31+s2], $0x400, $0x38;
	[tilespmem:$0x1F800] =	vst v63  }
0x42: {  	p0 =	sne.s32 s30, $0x200;
	_ =	swait.ge [sflag:s7], $0x400  }
0x43: {  	[sflag:s7] =	ssyncset.done $0x0  }
0x44: {  	[sflag:s7] =	ssyncadd.s32 $0xFFFFFC00  }
0x45: {  	[tilespmem:s9], [sflag:$0x1] =	stream.indirect.gather [hbm4b:s3+s8], $0x80, s2, s8, $0xb8;
	[tilespmem:$0x1F800] =	vst v63  }
0x46: {  	_ = 	snop  }
0x47: {  	[tilespmem:s11], [sflag:$0x1] =	stream.indirect.gather [hbm4b:s3+s8], $0x80, s10, s8, $0xb8;
	[tilespmem:$0x1F800] =	vst v63  }
0x48: {  	_ = 	snop  }
0x49: {  	[tilespmem:s13], [sflag:$0x1] =	stream.indirect.gather [hbm4b:s3+s8], $0x80, s12, s8, $0xb8;
	[tilespmem:$0x1F800] =	vst v63  }
0x4a: {  	_ = 	snop  }
0x4b: {  	[tilespmem:s15], [sflag:$0x1] =	stream.indirect.gather [hbm4b:s3+s8], $0x80, s14, s8, $0xb8;
	[tilespmem:$0x1F800] =	vst v63  }
0x4c: {  	_ = 	snop  }
0x4d: {  	[tilespmem:s17], [sflag:$0x1] =	stream.indirect.gather [hbm4b:s3+s8], $0x80, s16, s8, $0xb8;
	[tilespmem:$0x1F800] =	vst v63  }
0x4e: {  	_ = 	snop  }
0x4f: {  	[tilespmem:s19], [sflag:$0x1] =	stream.indirect.gather [hbm4b:s3+s8], $0x80, s18, s8, $0xb8;
	[tilespmem:$0x1F800] =	vst v63  }
0x50: {  	_ = 	snop  }
0x51: {  	[tilespmem:s21], [sflag:$0x1] =	stream.indirect.gather [hbm4b:s3+s8], $0x80, s20, s8, $0xb8;
	[tilespmem:$0x1F800] =	vst v63  }
0x52: {  	_ = 	snop  }
0x53: {  	[tilespmem:s23], [sflag:$0x1] =	stream.indirect.gather [hbm4b:s3+s8], $0x80, s22, s8, $0xb8;
	[tilespmem:$0x1F800] =	vst v63  }
0x54: {  	_ =	swait.ge [sflag:s24], $0x3E80  }
0x55: {  	[sflag:s24] =	ssyncset.done $0x0  }
0x56: {  	[sflag:s24] =	ssyncadd.s32 $0xFFFFC180  }
0x57: {  	_ =	swait.ge [sflag:s24], $0x3E80  }
0x58: {  	[sflag:s24] =	ssyncset.done $0x0  }
0x59: {  	[sflag:s24] =	ssyncadd.s32 $0xFFFFC180  }
0x5a: {  	_ =	swait.ge [sflag:s24], $0x3E80  }
0x5b: {  	[sflag:s24] =	ssyncset.done $0x0  }
0x5c: {  	[sflag:s24] =	ssyncadd.s32 $0xFFFFC180  }
0x5d: {  	_ =	swait.ge [sflag:s24], $0x3E80  }
0x5e: {  	[sflag:s24] =	ssyncset.done $0x0  }
0x5f: {  	[sflag:s24] =	ssyncadd.s32 $0xFFFFC180  }
0x60: {  	_ =	swait.ge [sflag:s24], $0x3E80  }
0x61: {  	[sflag:s24] =	ssyncset.done $0x0  }
0x62: {  	[sflag:s24] =	ssyncadd.s32 $0xFFFFC180  }
0x63: {  	_ =	swait.ge [sflag:s24], $0x3E80  }
0x64: {  	[sflag:s24] =	ssyncset.done $0x0  }
0x65: {  	[sflag:s24] =	ssyncadd.s32 $0xFFFFC180  }
0x66: {  	_ =	swait.ge [sflag:s24], $0x3E80  }
0x67: {  	[sflag:s24] =	ssyncset.done $0x0  }
0x68: {  	[sflag:s24] =	ssyncadd.s32 $0xFFFFC180  }
0x69: {  	_ =	swait.ge [sflag:s24], $0x3E80  }
.Ltmp0:
0x6a: {  	[sflag:s24] =	ssyncset.done $0x0;
	(pc) =	sbr.rel @p0 .LBB2_2-.Ltmp0, $4  }
0x6b: {  	[sflag:s24] =	ssyncadd.s32 $0xFFFFC180  }
0x6c: {  	[hbm4b:s26+s2] =	stream.linear.scatter [tilespmem:s9], [sflag:$0x2], $0x1F400, $0x38;
	[tilespmem:$0x1F800] =	vst v63  }
0x6d: {  	_ =	swait.ge [sflag:s7], $0x1F400  }
0x6e: {  	s30 =	smov.u32 s29;
	s26 =	sadd.s32 $0x3E80, s26;
	[sflag:s7] =	ssyncset.done $0x0  }
0x6f: {  	s28 =	sadd.s32 s28, s5;
	[sflag:s7] =	ssyncadd.s32 $0xFFFE0C00  }
0x70: {  	[tilespmem:s2], [sflag:$0x2] =	stream.linear.gather [hbm4b:s28+s2], $0x400, $0x38;
	[tilespmem:$0x1F800] =	vst v63  }
0x71: {  	_ =	swait.ge [sflag:s7], $0x400  }
0x72: {  	[sflag:s7] =	ssyncset.done $0x0  }
0x73: {  	[sflag:s7] =	ssyncadd.s32 $0xFFFFFC00  }
0x74: {  	[tilespmem:s9], [sflag:$0x1] =	stream.indirect.gather [hbm4b:s3+s8], $0x80, s2, s8, $0xb8;
	[tilespmem:$0x1F800] =	vst v63  }
0x75: {  	_ = 	snop  }
0x76: {  	[tilespmem:s11], [sflag:$0x1] =	stream.indirect.gather [hbm4b:s3+s8], $0x80, s10, s8, $0xb8;
	[tilespmem:$0x1F800] =	vst v63  }
0x77: {  	_ = 	snop  }
0x78: {  	[tilespmem:s13], [sflag:$0x1] =	stream.indirect.gather [hbm4b:s3+s8], $0x80, s12, s8, $0xb8;
	[tilespmem:$0x1F800] =	vst v63  }
0x79: {  	_ = 	snop  }
0x7a: {  	[tilespmem:s15], [sflag:$0x1] =	stream.indirect.gather [hbm4b:s3+s8], $0x80, s14, s8, $0xb8;
	[tilespmem:$0x1F800] =	vst v63  }
0x7b: {  	_ = 	snop  }
0x7c: {  	[tilespmem:s17], [sflag:$0x1] =	stream.indirect.gather [hbm4b:s3+s8], $0x80, s16, s8, $0xb8;
	[tilespmem:$0x1F800] =	vst v63  }
0x7d: {  	_ = 	snop  }
0x7e: {  	[tilespmem:s19], [sflag:$0x1] =	stream.indirect.gather [hbm4b:s3+s8], $0x80, s18, s8, $0xb8;
	[tilespmem:$0x1F800] =	vst v63  }
0x7f: {  	_ = 	snop  }
0x80: {  	[tilespmem:s21], [sflag:$0x1] =	stream.indirect.gather [hbm4b:s3+s8], $0x80, s20, s8, $0xb8;
	[tilespmem:$0x1F800] =	vst v63  }
0x81: {  	_ = 	snop  }
0x82: {  	[tilespmem:s23], [sflag:$0x1] =	stream.indirect.gather [hbm4b:s3+s8], $0x80, s22, s8, $0xb8;
	[tilespmem:$0x1F800] =	vst v63  }
0x83: {  	_ =	swait.ge [sflag:s24], $0x3E80  }
0x84: {  	[sflag:s24] =	ssyncset.done $0x0  }
0x85: {  	[sflag:s24] =	ssyncadd.s32 $0xFFFFC180  }
0x86: {  	_ =	swait.ge [sflag:s24], $0x3E80  }
0x87: {  	[sflag:s24] =	ssyncset.done $0x0  }
0x88: {  	[sflag:s24] =	ssyncadd.s32 $0xFFFFC180  }
0x89: {  	_ =	swait.ge [sflag:s24], $0x3E80  }
0x8a: {  	[sflag:s24] =	ssyncset.done $0x0  }
0x8b: {  	[sflag:s24] =	ssyncadd.s32 $0xFFFFC180  }
0x8c: {  	_ =	swait.ge [sflag:s24], $0x3E80  }
0x8d: {  	[sflag:s24] =	ssyncset.done $0x0  }
0x8e: {  	[sflag:s24] =	ssyncadd.s32 $0xFFFFC180  }
0x8f: {  	_ =	swait.ge [sflag:s24], $0x3E80  }
0x90: {  	[sflag:s24] =	ssyncset.done $0x0  }
0x91: {  	[sflag:s24] =	ssyncadd.s32 $0xFFFFC180  }
0x92: {  	_ =	swait.ge [sflag:s24], $0x3E80  }
0x93: {  	[sflag:s24] =	ssyncset.done $0x0  }
0x94: {  	[sflag:s24] =	ssyncadd.s32 $0xFFFFC180  }
0x95: {  	_ =	swait.ge [sflag:s24], $0x3E80  }
0x96: {  	[sflag:s24] =	ssyncset.done $0x0  }
0x97: {  	[sflag:s24] =	ssyncadd.s32 $0xFFFFC180  }
0x98: {  	s25 =	sadd.s32 $0x1, s25;
	_ =	swait.ge [sflag:s24], $0x3E80  }
0x99: {  	p0 =	sne.s32 s25, s4;
	[sflag:s24] =	ssyncset.done $0x0  }
.Ltmp1:
0x9a: {  	[sflag:s24] =	ssyncadd.s32 $0xFFFFC180;
	(pc) =	sbr.rel @p0 .LBB2_1-.Ltmp1, $4  }
0x9b: {  	[hbm4b:s26+s2] =	stream.linear.scatter [tilespmem:s9], [sflag:$0x2], $0x1F400, $0x38;
	[tilespmem:$0x1F800] =	vst v63  }
0x9c: {  	_ =	swait.ge [sflag:s7], $0x1F400  }
0x9d: {  	[sflag:s7] =	ssyncset.done $0x0  }
0x9e: {  	[sflag:s7] =	ssyncadd.s32 $0xFFFE0C00  }
0x9f: {  	_ =	sfence.sel $0x180000  }
0xa0: {  	[bflag:$0x0] =	sbarrier.arrive $0xFFFF  }
0xa1: {  	p0 =	sne.s32 s1, $0x0;
	_ =	strace $0x90000047  }
0xa2: {  	s0 =	sadd.s32 @!p0 $0x100000, s0;
	[bflag:$0x2] =	sbarrier.arrive $0xFFFF  }
0xa3: {  	[sflag:s0] =	ssyncadd.tile.s32 @!p0 $0x1;
	_ =	shalt  }
.Lfunc_end2:
_tile_overlayer_lowered:
.L_overlay_start_2:
0xa4: {  	(tag) =	ssettag $0x2  }
0xa5: {  	s0 =	rddreg [dreg:$0x0];
	s2 =	stileid.u32  }
0xa6: {  	s1 =	rddreg [dreg:$0x1];
	p0 =	sne.s32 s2, $0x0  }
0xa7: {  	s3 =	rddreg [dreg:$0x2];
	[bflag:$0x3] =	sbarrier.arrive $0xFFFF;
	s2 =	simm.s32 @!p0 $0x1C02  }
0xa8: {  	[timem:s3], [sflag:s2] =	dma.local @!p0 [hbm:s0], s1  }
0xa9: {  	s0 =	simm.s32 @!p0 $0x2  }
0xaa: {  	_ =	swait.ge @!p0 [sflag:s0], s1  }
0xab: {  	s1 =	ssub.s32 @!p0 $0x0, s1;
	[sflag:s0] =	ssyncset.done @!p0 $0x0  }
0xac: {  	[sflag:s0] =	ssyncadd.s32 @!p0 s1  }
0xad: {  	[bflag:$0x3] =	sbarrier.arrive $0xFFFF  }
0xae: {  	_ =	shalt  }

// kernel: kernel.19.cloned.1.call-start
scs
__scs_entry_jumppad:
0x0: {  	(pc) =	sbr.rel $0x88, $3  }
0x1: {  	(tag) =	ssettag $0x0;
	lr =	simm.s32 $0x1  }
0x2: {  	[smem:$0x3F94] =	sst lr;
	_ =	strace $0xD0000000  }
0x3: {  	_ = 	snop  }
0x4: {  	_ = 	snop  }
0x5: {  	_ = 	snop  }
0x6: {  	_ = 	snop  }
0x7: {  	_ = 	snop  }
__scs_overlays_trampoline_lowered:
0x8: {  	[smem:$0x3FA3] =	sst s0  }
0x9: {  	[smem:$0x3FA4] =	sst s1  }
0xa: {  	[smem:$0x3FA5] =	sst s2  }
0xb: {  	[smem:$0x3FA6] =	sst s3  }
0xc: {  	[smem:$0x3FA7] =	sst s4  }
0xd: {  	[smem:$0x3FA8] =	sst s5  }
0xe: {  	[smem:$0x3FA9] =	sst s6  }
0xf: {  	[smem:$0x3FAA] =	sst s7  }
0x10: {  	[smem:$0x3FAB] =	sst s8  }
0x11: {  	[smem:$0x3FAC] =	sst s9;
	s0 =	simm.s32 @!p0 $0x0  }
0x12: {  	s1 =	sld [smem:$0x3F92];
	s0 =	simm.s32 @p0 $0x1  }
0x13: {  	[smem:$0x3FAD] =	sst s0;
	s0 =	simm.s32 @!p1 $0x0  }
0x14: {  	s2 =	sld [smem:$0x3F91];
	s0 =	simm.s32 @p1 $0x1  }
0x15: {  	[smem:$0x3FAE] =	sst s0;
	s0 =	simm.s32 @!p2 $0x0  }
0x16: {  	s3 =	sld [smem:$0x3FDB];
	s0 =	simm.s32 @p2 $0x1  }
0x17: {  	s4 =	simm.s32 $0x1BF5;
	[smem:$0x3FB0] =	sst s0  }
0x18: {  	s0 =	sld [smem:$0x3F93];
	_ =	swait.ge [sflag:s4], $0x0  }
0x19: {  	s7 =	sld [smem:$0x3F94]  }
0x1a: {  	s8 =	sadd.s32 $0xFFFFE003, lr  }
0x1b: {  	s9 =	sadd.s32 $0xFFFFFEF7, lr;
	s5 =	simm.s32 $0xFFFFFFFF;
	p2 =	slt.u32 s8, $0xFFFFF086  }
0x1c: {  	p1 =	slt.u32 s9, $0xF7A;
	s5 =	simm.s32 @!p2 $0x0  }
0x1d: {  	s5 =	simm.s32 @p1 $0x1;
	p0 =	seq.s32 s7, s2  }
0x1e: {  	s7 =	smul.u32 @!p0 $0xF7A, s2;
	p2 =	seq.s32 @!p0 s5, $0x0  }
0x1f: {  	s9 =	smul.u32 $0xF7A, s1;
	s8 =	simm.s32 @!p0 $0x1BF5;
	p2 =	por !p2, p0  }
0x20: {  	[sflag:s8] =	ssyncset.s32 @!p0 $0xFFFFF086;
	s6 =	sadd.s32 @!p0 s3, s7;
	s7 =	simm.s32 @!p0 $0x108  }
0x21: {  	s3 =	sadd.s32 s3, s9;
	s6 =	sadd.s32 @!p0 $0x88, s6;
	s7 =	simm.s32 @p2 $0x1082  }
0x22: {  	[simem:s7], [sflag:s8] =	dma.local @!p0 [hbm:s6], $0xF7A  }
0x23: {  	s9 =	sor.u32 $0xD0000000, s2;
	s6 =	simm.s32 $0x108;
	_ =	swait.ge @!p0 [sflag:s8], $0x0  }
0x24: {  	s3 =	sadd.s32 $0x88, s3;
	s6 =	simm.s32 @!p1 $0x1082;
	[sflag:s4] =	ssyncset.s32 $0xFFFFF086  }
0x25: {  	[simem:s6], [sflag:s4] =	dma.local [hbm:s3], $0xF7A  }
0x26: {  	[smem:$0x3F94] =	sst s1;
	(tag) =	ssettag s2;
	_ =	strace s9  }
0x27: {  	s1 =	sld [smem:$0x3FA4]  }
0x28: {  	s2 =	sld [smem:$0x3FA5]  }
0x29: {  	s4 =	sld [smem:$0x3FA7]  }
0x2a: {  	p0 =	seq.s32 s5, $0x0;
	s5 =	sld [smem:$0x3FA8]  }
0x2b: {  	s6 =	sld [smem:$0x3FA9]  }
0x2c: {  	s7 =	sld [smem:$0x3FAA]  }
0x2d: {  	s3 =	simm.s32 $0x108;
	s8 =	sld [smem:$0x3FAB]  }
0x2e: {  	s3 =	simm.s32 @!p0 $0x1082;
	s9 =	sld [smem:$0x3FAC]  }
0x2f: {  	lr =	sadd.s32 s0, s3;
	s0 =	sld [smem:$0x3FA3]  }
0x30: {  	s3 =	sld [smem:$0x3FA6]  }
0x31: {  	[smem:$0x3FAF] =	sst s10  }
0x32: {  	s10 =	sld [smem:$0x3FAD];
	_ =	sdelay $0x3  }
0x33: {  	p0 =	seq.s32 s10, $0x1;
	s10 =	sld [smem:$0x3FAF];
	_ =	sdelay $0x3  }
0x34: {  	[smem:$0x3FAF] =	sst s10  }
0x35: {  	s10 =	sld [smem:$0x3FAE];
	_ =	sdelay $0x3  }
0x36: {  	p1 =	seq.s32 s10, $0x1;
	s10 =	sld [smem:$0x3FAF];
	_ =	sdelay $0x3  }
0x37: {  	[smem:$0x3FAF] =	sst s10  }
0x38: {  	s10 =	sld [smem:$0x3FB0]  }
0x39: {  	_ = 	snop;
	(pc) =	sbr.ind lr, $3  }
0x3a: {  	_ = 	snop  }
0x3b: {  	_ = 	snop  }
0x3c: {  	p2 =	seq.s32 s10, $0x1;
	s10 =	sld [smem:$0x3FAF]  }
0x3d: {  	_ =	shalt  }
0x3e: {  	_ =	shalt  }
0x3f: {  	_ =	shalt  }
0x40: {  	_ =	shalt  }
0x41: {  	_ =	shalt  }
0x42: {  	_ =	shalt  }
0x43: {  	_ =	shalt  }
0x44: {  	_ =	shalt  }
0x45: {  	_ =	shalt  }
0x46: {  	_ =	shalt  }
0x47: {  	_ =	shalt  }
0x48: {  	_ =	shalt  }
0x49: {  	_ =	shalt  }
0x4a: {  	_ =	shalt  }
0x4b: {  	_ =	shalt  }
0x4c: {  	_ =	shalt  }
0x4d: {  	_ =	shalt  }
0x4e: {  	_ =	shalt  }
0x4f: {  	_ =	shalt  }
0x50: {  	_ =	shalt  }
0x51: {  	_ =	shalt  }
0x52: {  	_ =	shalt  }
0x53: {  	_ =	shalt  }
0x54: {  	_ =	shalt  }
0x55: {  	_ =	shalt  }
0x56: {  	_ =	shalt  }
0x57: {  	_ =	shalt  }
0x58: {  	_ =	shalt  }
0x59: {  	_ =	shalt  }
0x5a: {  	_ =	shalt  }
0x5b: {  	_ =	shalt  }
0x5c: {  	_ =	shalt  }
0x5d: {  	_ =	shalt  }
0x5e: {  	_ =	shalt  }
0x5f: {  	_ =	shalt  }
0x60: {  	_ =	shalt  }
0x61: {  	_ =	shalt  }
0x62: {  	_ =	shalt  }
0x63: {  	_ =	shalt  }
0x64: {  	_ =	shalt  }
0x65: {  	_ =	shalt  }
0x66: {  	_ =	shalt  }
0x67: {  	_ =	shalt  }
0x68: {  	_ =	shalt  }
0x69: {  	_ =	shalt  }
0x6a: {  	_ =	shalt  }
0x6b: {  	_ =	shalt  }
0x6c: {  	_ =	shalt  }
0x6d: {  	_ =	shalt  }
0x6e: {  	_ =	shalt  }
0x6f: {  	_ =	shalt  }
0x70: {  	_ =	shalt  }
0x71: {  	_ =	shalt  }
0x72: {  	_ =	shalt  }
0x73: {  	_ =	shalt  }
0x74: {  	_ =	shalt  }
0x75: {  	_ =	shalt  }
0x76: {  	_ =	shalt  }
0x77: {  	_ =	shalt  }
0x78: {  	_ =	shalt  }
0x79: {  	_ =	shalt  }
0x7a: {  	_ =	shalt  }
0x7b: {  	_ =	shalt  }
0x7c: {  	_ =	shalt  }
0x7d: {  	_ =	shalt  }
0x7e: {  	_ =	shalt  }
0x7f: {  	_ =	shalt  }
0x80: {  	_ =	shalt  }
0x81: {  	_ =	shalt  }
0x82: {  	_ =	shalt  }
0x83: {  	_ =	shalt  }
0x84: {  	_ =	shalt  }
0x85: {  	_ =	shalt  }
0x86: {  	_ =	shalt  }
0x87: {  	_ =	shalt  }
.Lfunc_end0:
.L_simem_size_0:
called_computation.1_lowered:
.L_overlay_start_0:
0x88: {  	s2 =	sld [smem:$0x3FD9]  }
0x89: {  	s3 =	sld [smem:$0x3FFE];
	_ =	sdelay $0x1  }
0x8a: {  	s1 =	srdreg.scid  }
0x8b: {  	s0 =	sand.u32 $0x1, s1  }
0x8c: {  	s17 =	sshll.u32 s0, $0xA;
	s2 =	sadd.s32 s3, s2  }
0x8d: {  	s2 =	sadd.s32 s2, s17  }
0x8e: {  	[smem:$0x3FBB] =	sst s2  }
0x8f: {  	_ = 	snop  }
0x90: {  	s2 =	sld [smem:$0x3FD0];
	(tm) =	ssettm $0x1  }
0x91: {  	s18 =	sld [smem:$0x3FFB];
	_ =	sdelay $0x3  }
0x92: {  	_ =	strace s18  }
0x93: {  	s3 =	sld [smem:$0x3FFC];
	_ =	sdelay $0x3  }
0x94: {  	_ =	strace s3  }
0x95: {  	s3 =	sld [smem:$0x3FFD];
	_ =	sdelay $0x3  }
0x96: {  	_ =	strace s3  }
0x97: {  	_ =	strace $0x8FFFFFFF  }
0x98: {  	s19 =	sld [smem:$0x3FDB];
	_ =	sdelay $0x1  }
0x99: {  	s4 =	simm.s32 $_scs_section_size  }
0x9a: {  	s5 =	simm.s32 $_size__tile_overlayer_lowered;
	s6 =	simm.s32 $_tile_overlayer_lowered  }
0x9b: {  	s22 =	simm.s32 $0x1BFF;
	s21 =	sshll.u32 s6, $0x1;
	s3 =	sadd.s32 s4, s19  }
0x9c: {  	s7 =	simm.s32 $0x0;
	s20 =	sshll.u32 s5, $0x1;
	s5 =	sadd.s32 s21, s3  }
0x9d: {  	[timem:s7], [sflag:s22] =	dma.local [hbm:s5], s20  }
0x9e: {  	_ =	swait.ge [sflag:s22], s20  }
0x9f: {  	s4 =	ssub.s32 $0x0, s20;
	[sflag:s22] =	ssyncset.done $0x0  }
0xa0: {  	[sflag:s22] =	ssyncadd.s32 s4;
	_ =	sdelay $0x1  }
0xa1: {  	s23 =	simm.s32 $0x1B8B  }
0xa2: {  	_ =	swait.ge [sflag:s23], $0x1  }
0xa3: {  	[sflag:s23] =	ssyncset.done $0x0  }
0xa4: {  	s25 =	simm.s32 $0x1B8E;
	s24 =	sld [smem:$0x3FFE];
	[sflag:s23] =	ssyncadd.s32 $0xFFFFFFFF  }
0xa5: {  	s26 =	simm.s32 $execute0_lowered;
	[smem:$0x3FD2] =	sst s25  }
0xa6: {  	s5 =	sshll.u32 s26, $0x1;
	_ =	strace $0x80000049;
	[dreg:$0x1] =	wrdreg $0xFFFFFFFF  }
0xa7: {  	s28 =	simm.s32 $_size_execute0_lowered;
	s3 =	sadd.s32 s3, s5;
	[dreg:$0x0] =	wrdreg $0x0  }
0xa8: {  	s5 =	sshll.u32 s28, $0x1;
	[dreg:$0x2] =	wrdreg s3  }
0xa9: {  	[dreg:$0x3] =	wrdreg s5  }
0xaa: {  	[dreg:$0x4] =	wrdreg $0xC0  }
0xab: {  	_ =	task [dreg:s7], $0x5FFFF  }
0xac: {  	[dreg:$0x1] =	wrdreg $0xFFFFFFFF  }
0xad: {  	[dreg:$0x0] =	wrdreg $0x60  }
0xae: {  	[dreg:$0x2] =	wrdreg s24  }
0xaf: {  	[dreg:$0x3] =	wrdreg s2  }
0xb0: {  	[dreg:$0x4] =	wrdreg $0xFE600  }
0xb1: {  	[dreg:$0x5] =	wrdreg $0x9  }
0xb2: {  	_ =	task.clear_ibuf [dreg:s7], $0x6FFFF;
	_ =	strace $0x90000049  }
0xb3: {  	s29 =	simm.s32 $0x9;
	_ =	strace $0x8000004B  }
0xb4: {  	_ =	swait.ge [sflag:s29], $0x1  }
0xb5: {  	[sflag:s29] =	ssyncadd.s32 $0xFFFFFFFF  }
0xb6: {  	_ =	strace $0x9000004B  }
0xb7: {  	_ =	sfence  }
0xb8: {  	s30 =	sld [smem:$0x0];
	_ =	sdelay $0x2  }
0xb9: {  	s31 =	sshll.u32 s1, $0xD;
	s1 =	sshrl.u32 s1, $0x2  }
0xba: {  	s3 =	sand.u32 $0x4000, s31;
	s1 =	sadd.s32 s1, s30  }
0xbb: {  	s0 =	sor.u32 s3, s0;
	s1 =	sshll.u32 s1, $0x11  }
0xbc: {  	s0 =	sor.u32 s1, s0  }
0xbd: {  	s0 =	sadd.s32 $0x8F2B, s0  }
0xbe: {  	[sflag:s0] =	ssyncadd.remote.s32 $0x1  }
0xbf: {  	_ =	sfence.sel $0xFFFF  }
0xc0: {  	[dreg:$0x0] =	wrdreg $0xFFFFFFFF;
	(pc) =	sbr.abs _section_cstart, $3  }
0xc1: {  	[dreg:$0x1] =	wrdreg $0xFFFFFFFF  }
0xc2: {  	_ =	task.clear_ibuf [dreg:s7], $0x2FFFF;
	_ =	strace $0x9FFFFFFF  }
0xc3: {  	(tm) =	ssettm $0x7FFFFFFF  }
tec
execute0_lowered:
.L_overlay_start_1:
0x0: {  	(tag) =	ssettag $0x1  }
0x1: {  	s4 =	rddreg [dreg:$0x0]  }
0x2: {  	s5 =	rddreg [dreg:$0x1]  }
0x3: {  	s2 =	rddreg [dreg:$0x2]  }
0x4: {  	s0 =	srdreg.scid;
	s1 =	rddreg [dreg:$0x3];
	s3 =	simm.s32 $0x0  }
0x5: {  	s13 =	simm.s32 $0x80;
	s14 =	simm.s32 $0x1400;
	s15 =	simm.s32 $0x7D  }
0x6: {  	s16 =	simm.s32 $0x2B70;
	s17 =	simm.s32 $0x42E0;
	s18 =	simm.s32 $0x5A50  }
0x7: {  	s19 =	simm.s32 $0x71C0;
	s6 =	sand.u32 $0x1, s0;
	s0 =	stileid.u32  }
0x8: {  	s20 =	simm.s32 $0x0;
	[smem:$0x7FF] =	sst s3;
	s7 =	smul.u32 $0x138800, s6  }
0x9: {  	s8 =	smul.u32 $0x13880, s0;
	s9 =	sshll.u32 s6, $0x4;
	_ =	strace $0x8000004A  }
0xa: {  	s10 =	smul.u32 $0x7530, s0;
	s6 =	ssub.s32 $0x2, s6;
	s9 =	sor.u32 s0, s9  }
0xb: {  	s31 =	sshrl.u32 s6, $0x1;
	s7 =	sadd.s32 s8, s7;
	s29 =	smul.u32 $0x280, s9  }
0xc: {  	s11 =	sshrl.u32 s10, $0x3;
	s30 =	sadd.s32 s7, s4;
	s7 =	sshrl.u32 s7, $0x3  }
0xd: {  	s12 =	ssub.s32 s6, s31;
	s8 =	sadd.s32 s29, s4;
	s7 =	sadd.s32 s7, s4  }
0xe: {  	s4 =	sadd.s32 s5, s11;
	s5 =	sadd.s32 s10, s2;
	s9 =	sadd.s32 $0x2D3000, s30  }
0xf: {  	s10 =	simm.s32 $0x8930;
	s11 =	simm.s32 $0x1;
	s6 =	sadd.s32 $0x544000, s8  }
0x10: {  	s7 =	sadd.s32 $0x5A800, s7;
	s8 =	smax.u32 s12, $0x1;
	s12 =	simm.s32 $0x30  }
.LBB2_1:
0x11: {  	[tilespmem:s10], [sflag:$0x1] =	stream.linear.gather [hbm4b:s4+s3], $0x7530, $0x38;
	[tilespmem:$0x17390] =	vst v63  }
0x12: {  	_ =	swait.ge [sflag:s11], $0x7530  }
0x13: {  	[sflag:s11] =	ssyncset.done $0x0  }
0x14: {  	[sflag:s11] =	ssyncadd.s32 $0xFFFF8AD0  }
0x15: {  	[spmem:s5] =	stream.linear.scatter [tilespmem:s10], [sflag:$0x1], $0x7530, $0x38;
	[tilespmem:$0x17390] =	vst v63  }
0x16: {  	_ =	swait.ge [sflag:s11], $0x7530  }
0x17: {  	[sflag:s11] =	ssyncset.done $0x0  }
0x18: {  	[sflag:s11] =	ssyncadd.s32 $0xFFFF8AD0  }
0x19: {  	[bflag:$0x0] =	sbarrier.arrive $0xFFFF  }
0x1a: {  	[tilespmem:s3], [sflag:$0x1] =	stream.linear.gather [hbm4b:s6+s3], $0x1400, $0x38;
	[tilespmem:$0x17390] =	vst v63  }
0x1b: {  	_ =	swait.ge [sflag:s11], $0x1400  }
0x1c: {  	[sflag:s11] =	ssyncset.done $0x0  }
0x1d: {  	[sflag:s11] =	ssyncadd.s32 $0xFFFFEC00  }
0x1e: {  	[tilespmem:s14], [sflag:$0x1] =	stream.strided.gather [hbm4b:s9+s12], $0x7530, s13, s12, $0x38;
	[tilespmem:$0x17390] =	vst v63  }
0x1f: {  	_ =	swait.ge [sflag:s11], $0x7530  }
0x20: {  	[sflag:s11] =	ssyncset.done $0x0  }
0x21: {  	s21 =	simm.s32 $0x0;
	[sflag:s11] =	ssyncadd.s32 $0xFFFF8AD0  }
0x22: {  	[spmem:s2] =	stream.indirect.scatter.add.f32 [tilespmem:s14], [sflag:$0x1], $0x30, s21, s15, $0xb8;
	[tilespmem:$0x17390] =	vst v63  }
0x23: {  	_ =	swait.ge [sflag:s11], $0x1770  }
0x24: {  	[sflag:s11] =	ssyncset.done $0x0  }
0x25: {  	s28 =	simm.s32 $0x80;
	[sflag:s11] =	ssyncadd.s32 $0xFFFFE890  }
0x26: {  	[spmem:s2] =	stream.indirect.scatter.add.f32 [tilespmem:s16], [sflag:$0x1], $0x30, s28, s15, $0xb8;
	[tilespmem:$0x17390] =	vst v63  }
0x27: {  	_ =	swait.ge [sflag:s11], $0x1770  }
0x28: {  	[sflag:s11] =	ssyncset.done $0x0  }
0x29: {  	s29 =	simm.s32 $0x100;
	[sflag:s11] =	ssyncadd.s32 $0xFFFFE890  }
0x2a: {  	[spmem:s2] =	stream.indirect.scatter.add.f32 [tilespmem:s17], [sflag:$0x1], $0x30, s29, s15, $0xb8;
	[tilespmem:$0x17390] =	vst v63  }
0x2b: {  	_ =	swait.ge [sflag:s11], $0x1770  }
0x2c: {  	[sflag:s11] =	ssyncset.done $0x0  }
0x2d: {  	s30 =	simm.s32 $0x180;
	[sflag:s11] =	ssyncadd.s32 $0xFFFFE890  }
0x2e: {  	[spmem:s2] =	stream.indirect.scatter.add.f32 [tilespmem:s18], [sflag:$0x1], $0x30, s30, s15, $0xb8;
	[tilespmem:$0x17390] =	vst v63  }
0x2f: {  	_ =	swait.ge [sflag:s11], $0x1770  }
0x30: {  	[sflag:s11] =	ssyncset.done $0x0  }
0x31: {  	s31 =	simm.s32 $0x200;
	[sflag:s11] =	ssyncadd.s32 $0xFFFFE890  }
0x32: {  	[spmem:s2] =	stream.indirect.scatter.add.f32 [tilespmem:s19], [sflag:$0x1], $0x30, s31, s15, $0xb8;
	[tilespmem:$0x17390] =	vst v63  }
0x33: {  	_ =	swait.ge [sflag:s11], $0x1770  }
0x34: {  	s22 =	smov.u32 s9;
	s21 =	simm.s32 $0xA00;
	[sflag:s11] =	ssyncset.done $0x0  }
.LBB2_2:
0x35: {  	p0 =	sne.s32 s21, $0x4600;
	[sflag:s11] =	ssyncadd.s32 $0xFFFFE890;
	s22 =	sadd.s32 $0x2710, s22  }
0x36: {  	[tilespmem:s14], [sflag:$0x1] =	stream.strided.gather [hbm4b:s22+s12], $0x7530, s13, s12, $0x38;
	[tilespmem:$0x17390] =	vst v63  }
0x37: {  	s23 =	smov.u32 s21;
	s21 =	sadd.s32 $0xA00, s21;
	_ =	swait.ge [sflag:s11], $0x7530  }
0x38: {  	[sflag:s11] =	ssyncset.done $0x0  }
0x39: {  	s23 =	sshra.s32 s23, $0x2;
	[sflag:s11] =	ssyncadd.s32 $0xFFFF8AD0  }
0x3a: {  	[spmem:s2] =	stream.indirect.scatter.add.f32 [tilespmem:s14], [sflag:$0x1], $0x30, s23, s15, $0xb8;
	[tilespmem:$0x17390] =	vst v63  }
0x3b: {  	_ =	swait.ge [sflag:s11], $0x1770  }
0x3c: {  	[sflag:s11] =	ssyncset.done $0x0  }
0x3d: {  	s24 =	sadd.s32 $0x80, s23;
	[sflag:s11] =	ssyncadd.s32 $0xFFFFE890  }
0x3e: {  	[spmem:s2] =	stream.indirect.scatter.add.f32 [tilespmem:s16], [sflag:$0x1], $0x30, s24, s15, $0xb8;
	[tilespmem:$0x17390] =	vst v63  }
0x3f: {  	_ =	swait.ge [sflag:s11], $0x1770  }
0x40: {  	[sflag:s11] =	ssyncset.done $0x0  }
0x41: {  	s24 =	sadd.s32 $0x100, s23;
	[sflag:s11] =	ssyncadd.s32 $0xFFFFE890  }
0x42: {  	[spmem:s2] =	stream.indirect.scatter.add.f32 [tilespmem:s17], [sflag:$0x1], $0x30, s24, s15, $0xb8;
	[tilespmem:$0x17390] =	vst v63  }
0x43: {  	_ =	swait.ge [sflag:s11], $0x1770  }
0x44: {  	[sflag:s11] =	ssyncset.done $0x0  }
0x45: {  	s24 =	sadd.s32 $0x180, s23;
	[sflag:s11] =	ssyncadd.s32 $0xFFFFE890  }
0x46: {  	[spmem:s2] =	stream.indirect.scatter.add.f32 [tilespmem:s18], [sflag:$0x1], $0x30, s24, s15, $0xb8;
	[tilespmem:$0x17390] =	vst v63  }
0x47: {  	_ =	swait.ge [sflag:s11], $0x1770  }
.Ltmp0:
0x48: {  	[sflag:s11] =	ssyncset.done $0x0;
	(pc) =	sbr.rel @p0 .LBB2_2-.Ltmp0, $4  }
0x49: {  	s23 =	sadd.s32 $0x200, s23;
	[sflag:s11] =	ssyncadd.s32 $0xFFFFE890  }
0x4a: {  	[spmem:s2] =	stream.indirect.scatter.add.f32 [tilespmem:s19], [sflag:$0x1], $0x30, s23, s15, $0xb8;
	[tilespmem:$0x17390] =	vst v63  }
0x4b: {  	_ =	swait.ge [sflag:s11], $0x1770  }
0x4c: {  	[sflag:s11] =	ssyncset.done $0x0  }
0x4d: {  	[sflag:s11] =	ssyncadd.s32 $0xFFFFE890  }
0x4e: {  	[bflag:$0x0] =	sbarrier.arrive $0xFFFF  }
0x4f: {  	[tilespmem:s10], [sflag:$0x1] =	stream.linear.gather [spmem:s5], $0x7530, $0x38;
	[tilespmem:$0x17390] =	vst v63  }
0x50: {  	s20 =	sadd.s32 $0x1, s20;
	_ =	swait.ge [sflag:s11], $0x7530  }
0x51: {  	p0 =	sne.s32 s20, s8;
	[sflag:s11] =	ssyncset.done $0x0  }
.Ltmp1:
0x52: {  	[sflag:s11] =	ssyncadd.s32 $0xFFFF8AD0;
	(pc) =	sbr.rel @p0 .LBB2_1-.Ltmp1, $4  }
0x53: {  	[hbm4b:s7+s12] =	stream.strided.scatter [tilespmem:s10], [sflag:$0x1], $0x7530, s13, s12, $0x38;
	[tilespmem:$0x17390] =	vst v63  }
0x54: {  	_ =	swait.ge [sflag:s11], $0x7530  }
0x55: {  	[sflag:s11] =	ssyncset.done $0x0  }
0x56: {  	[sflag:s11] =	ssyncadd.s32 $0xFFFF8AD0  }
0x57: {  	_ =	sfence.sel $0x180000  }
0x58: {  	[bflag:$0x0] =	sbarrier.arrive $0xFFFF  }
0x59: {  	p0 =	sne.s32 s0, $0x0;
	_ =	strace $0x9000004A  }
0x5a: {  	s0 =	sadd.s32 @!p0 $0x100000, s1;
	[bflag:$0x2] =	sbarrier.arrive $0xFFFF  }
0x5b: {  	[sflag:s0] =	ssyncadd.tile.s32 @!p0 $0x1;
	_ =	shalt  }
.Lfunc_end2:
_tile_overlayer_lowered:
.L_overlay_start_2:
0x5c: {  	(tag) =	ssettag $0x2  }
0x5d: {  	s0 =	rddreg [dreg:$0x0];
	s2 =	stileid.u32  }
0x5e: {  	s1 =	rddreg [dreg:$0x1];
	p0 =	sne.s32 s2, $0x0  }
0x5f: {  	s3 =	rddreg [dreg:$0x2];
	[bflag:$0x3] =	sbarrier.arrive $0xFFFF;
	s2 =	simm.s32 @!p0 $0x1C01  }
0x60: {  	[timem:s3], [sflag:s2] =	dma.local @!p0 [hbm:s0], s1  }
0x61: {  	s0 =	simm.s32 @!p0 $0x1  }
0x62: {  	_ =	swait.ge @!p0 [sflag:s0], s1  }
0x63: {  	s1 =	ssub.s32 @!p0 $0x0, s1;
	[sflag:s0] =	ssyncset.done @!p0 $0x0  }
0x64: {  	[sflag:s0] =	ssyncadd.s32 @!p0 s1  }
0x65: {  	[bflag:$0x3] =	sbarrier.arrive $0xFFFF  }
0x66: {  	_ =	shalt  }

// kernel: kernel.22.cloned.1.call-start
scs
__scs_entry_jumppad:
0x0: {  	(pc) =	sbr.rel $0x88, $3  }
0x1: {  	(tag) =	ssettag $0x0;
	lr =	simm.s32 $0x1  }
0x2: {  	[smem:$0x3F94] =	sst lr;
	_ =	strace $0xD0000000  }
0x3: {  	_ = 	snop  }
0x4: {  	_ = 	snop  }
0x5: {  	_ = 	snop  }
0x6: {  	_ = 	snop  }
0x7: {  	_ = 	snop  }
__scs_overlays_trampoline_lowered:
0x8: {  	[smem:$0x3FA3] =	sst s0  }
0x9: {  	[smem:$0x3FA4] =	sst s1  }
0xa: {  	[smem:$0x3FA5] =	sst s2  }
0xb: {  	[smem:$0x3FA6] =	sst s3  }
0xc: {  	[smem:$0x3FA7] =	sst s4  }
0xd: {  	[smem:$0x3FA8] =	sst s5  }
0xe: {  	[smem:$0x3FA9] =	sst s6  }
0xf: {  	[smem:$0x3FAA] =	sst s7  }
0x10: {  	[smem:$0x3FAB] =	sst s8  }
0x11: {  	[smem:$0x3FAC] =	sst s9;
	s0 =	simm.s32 @!p0 $0x0  }
0x12: {  	s1 =	sld [smem:$0x3F92];
	s0 =	simm.s32 @p0 $0x1  }
0x13: {  	[smem:$0x3FAD] =	sst s0;
	s0 =	simm.s32 @!p1 $0x0  }
0x14: {  	s2 =	sld [smem:$0x3F91];
	s0 =	simm.s32 @p1 $0x1  }
0x15: {  	[smem:$0x3FAE] =	sst s0;
	s0 =	simm.s32 @!p2 $0x0  }
0x16: {  	s3 =	sld [smem:$0x3FDB];
	s0 =	simm.s32 @p2 $0x1  }
0x17: {  	s4 =	simm.s32 $0x1BF5;
	[smem:$0x3FB0] =	sst s0  }
0x18: {  	s0 =	sld [smem:$0x3F93];
	_ =	swait.ge [sflag:s4], $0x0  }
0x19: {  	s7 =	sld [smem:$0x3F94]  }
0x1a: {  	s8 =	sadd.s32 $0xFFFFE003, lr  }
0x1b: {  	s9 =	sadd.s32 $0xFFFFFEF7, lr;
	s5 =	simm.s32 $0xFFFFFFFF;
	p2 =	slt.u32 s8, $0xFFFFF086  }
0x1c: {  	p1 =	slt.u32 s9, $0xF7A;
	s5 =	simm.s32 @!p2 $0x0  }
0x1d: {  	s5 =	simm.s32 @p1 $0x1;
	p0 =	seq.s32 s7, s2  }
0x1e: {  	s7 =	smul.u32 @!p0 $0xF7A, s2;
	p2 =	seq.s32 @!p0 s5, $0x0  }
0x1f: {  	s9 =	smul.u32 $0xF7A, s1;
	s8 =	simm.s32 @!p0 $0x1BF5;
	p2 =	por !p2, p0  }
0x20: {  	[sflag:s8] =	ssyncset.s32 @!p0 $0xFFFFF086;
	s6 =	sadd.s32 @!p0 s3, s7;
	s7 =	simm.s32 @!p0 $0x108  }
0x21: {  	s3 =	sadd.s32 s3, s9;
	s6 =	sadd.s32 @!p0 $0x88, s6;
	s7 =	simm.s32 @p2 $0x1082  }
0x22: {  	[simem:s7], [sflag:s8] =	dma.local @!p0 [hbm:s6], $0xF7A  }
0x23: {  	s9 =	sor.u32 $0xD0000000, s2;
	s6 =	simm.s32 $0x108;
	_ =	swait.ge @!p0 [sflag:s8], $0x0  }
0x24: {  	s3 =	sadd.s32 $0x88, s3;
	s6 =	simm.s32 @!p1 $0x1082;
	[sflag:s4] =	ssyncset.s32 $0xFFFFF086  }
0x25: {  	[simem:s6], [sflag:s4] =	dma.local [hbm:s3], $0xF7A  }
0x26: {  	[smem:$0x3F94] =	sst s1;
	(tag) =	ssettag s2;
	_ =	strace s9  }
0x27: {  	s1 =	sld [smem:$0x3FA4]  }
0x28: {  	s2 =	sld [smem:$0x3FA5]  }
0x29: {  	s4 =	sld [smem:$0x3FA7]  }
0x2a: {  	p0 =	seq.s32 s5, $0x0;
	s5 =	sld [smem:$0x3FA8]  }
0x2b: {  	s6 =	sld [smem:$0x3FA9]  }
0x2c: {  	s7 =	sld [smem:$0x3FAA]  }
0x2d: {  	s3 =	simm.s32 $0x108;
	s8 =	sld [smem:$0x3FAB]  }
0x2e: {  	s3 =	simm.s32 @!p0 $0x1082;
	s9 =	sld [smem:$0x3FAC]  }
0x2f: {  	lr =	sadd.s32 s0, s3;
	s0 =	sld [smem:$0x3FA3]  }
0x30: {  	s3 =	sld [smem:$0x3FA6]  }
0x31: {  	[smem:$0x3FAF] =	sst s10  }
0x32: {  	s10 =	sld [smem:$0x3FAD];
	_ =	sdelay $0x3  }
0x33: {  	p0 =	seq.s32 s10, $0x1;
	s10 =	sld [smem:$0x3FAF];
	_ =	sdelay $0x3  }
0x34: {  	[smem:$0x3FAF] =	sst s10  }
0x35: {  	s10 =	sld [smem:$0x3FAE];
	_ =	sdelay $0x3  }
0x36: {  	p1 =	seq.s32 s10, $0x1;
	s10 =	sld [smem:$0x3FAF];
	_ =	sdelay $0x3  }
0x37: {  	[smem:$0x3FAF] =	sst s10  }
0x38: {  	s10 =	sld [smem:$0x3FB0]  }
0x39: {  	_ = 	snop;
	(pc) =	sbr.ind lr, $3  }
0x3a: {  	_ = 	snop  }
0x3b: {  	_ = 	snop  }
0x3c: {  	p2 =	seq.s32 s10, $0x1;
	s10 =	sld [smem:$0x3FAF]  }
0x3d: {  	_ =	shalt  }
0x3e: {  	_ =	shalt  }
0x3f: {  	_ =	shalt  }
0x40: {  	_ =	shalt  }
0x41: {  	_ =	shalt  }
0x42: {  	_ =	shalt  }
0x43: {  	_ =	shalt  }
0x44: {  	_ =	shalt  }
0x45: {  	_ =	shalt  }
0x46: {  	_ =	shalt  }
0x47: {  	_ =	shalt  }
0x48: {  	_ =	shalt  }
0x49: {  	_ =	shalt  }
0x4a: {  	_ =	shalt  }
0x4b: {  	_ =	shalt  }
0x4c: {  	_ =	shalt  }
0x4d: {  	_ =	shalt  }
0x4e: {  	_ =	shalt  }
0x4f: {  	_ =	shalt  }
0x50: {  	_ =	shalt  }
0x51: {  	_ =	shalt  }
0x52: {  	_ =	shalt  }
0x53: {  	_ =	shalt  }
0x54: {  	_ =	shalt  }
0x55: {  	_ =	shalt  }
0x56: {  	_ =	shalt  }
0x57: {  	_ =	shalt  }
0x58: {  	_ =	shalt  }
0x59: {  	_ =	shalt  }
0x5a: {  	_ =	shalt  }
0x5b: {  	_ =	shalt  }
0x5c: {  	_ =	shalt  }
0x5d: {  	_ =	shalt  }
0x5e: {  	_ =	shalt  }
0x5f: {  	_ =	shalt  }
0x60: {  	_ =	shalt  }
0x61: {  	_ =	shalt  }
0x62: {  	_ =	shalt  }
0x63: {  	_ =	shalt  }
0x64: {  	_ =	shalt  }
0x65: {  	_ =	shalt  }
0x66: {  	_ =	shalt  }
0x67: {  	_ =	shalt  }
0x68: {  	_ =	shalt  }
0x69: {  	_ =	shalt  }
0x6a: {  	_ =	shalt  }
0x6b: {  	_ =	shalt  }
0x6c: {  	_ =	shalt  }
0x6d: {  	_ =	shalt  }
0x6e: {  	_ =	shalt  }
0x6f: {  	_ =	shalt  }
0x70: {  	_ =	shalt  }
0x71: {  	_ =	shalt  }
0x72: {  	_ =	shalt  }
0x73: {  	_ =	shalt  }
0x74: {  	_ =	shalt  }
0x75: {  	_ =	shalt  }
0x76: {  	_ =	shalt  }
0x77: {  	_ =	shalt  }
0x78: {  	_ =	shalt  }
0x79: {  	_ =	shalt  }
0x7a: {  	_ =	shalt  }
0x7b: {  	_ =	shalt  }
0x7c: {  	_ =	shalt  }
0x7d: {  	_ =	shalt  }
0x7e: {  	_ =	shalt  }
0x7f: {  	_ =	shalt  }
0x80: {  	_ =	shalt  }
0x81: {  	_ =	shalt  }
0x82: {  	_ =	shalt  }
0x83: {  	_ =	shalt  }
0x84: {  	_ =	shalt  }
0x85: {  	_ =	shalt  }
0x86: {  	_ =	shalt  }
0x87: {  	_ =	shalt  }
.Lfunc_end0:
.L_simem_size_0:
called_computation.2_lowered:
.L_overlay_start_0:
0x88: {  	s2 =	sld [smem:$0x3FD9]  }
0x89: {  	s3 =	sld [smem:$0x3FFE];
	_ =	sdelay $0x1  }
0x8a: {  	s1 =	srdreg.scid  }
0x8b: {  	s0 =	sand.u32 $0x1, s1  }
0x8c: {  	s16 =	sshll.u32 s0, $0xA;
	s2 =	sadd.s32 s3, s2  }
0x8d: {  	s2 =	sadd.s32 s2, s16  }
0x8e: {  	[smem:$0x3FBB] =	sst s2  }
0x8f: {  	_ = 	snop  }
0x90: {  	(tm) =	ssettm $0x1  }
0x91: {  	s17 =	sld [smem:$0x3FFB];
	_ =	sdelay $0x3  }
0x92: {  	_ =	strace s17  }
0x93: {  	s2 =	sld [smem:$0x3FFC];
	_ =	sdelay $0x3  }
0x94: {  	_ =	strace s2  }
0x95: {  	s2 =	sld [smem:$0x3FFD];
	_ =	sdelay $0x3  }
0x96: {  	_ =	strace s2  }
0x97: {  	_ =	strace $0x8FFFFFFF  }
0x98: {  	s18 =	sld [smem:$0x3FDB];
	_ =	sdelay $0x1  }
0x99: {  	s19 =	simm.s32 $_scs_section_size  }
0x9a: {  	s4 =	simm.s32 $_size__tile_overlayer_lowered;
	s5 =	simm.s32 $_tile_overlayer_lowered  }
0x9b: {  	s22 =	simm.s32 $0x1BFF;
	s21 =	sshll.u32 s5, $0x1;
	s2 =	sadd.s32 s19, s18  }
0x9c: {  	s6 =	simm.s32 $0x0;
	s20 =	sshll.u32 s4, $0x1;
	s4 =	sadd.s32 s21, s2  }
0x9d: {  	[timem:s6], [sflag:s22] =	dma.local [hbm:s4], s20  }
0x9e: {  	_ =	swait.ge [sflag:s22], s20  }
0x9f: {  	s3 =	ssub.s32 $0x0, s20;
	[sflag:s22] =	ssyncset.done $0x0  }
0xa0: {  	[sflag:s22] =	ssyncadd.s32 s3;
	_ =	sdelay $0x1  }
0xa1: {  	s23 =	simm.s32 $0x1B8B  }
0xa2: {  	_ =	swait.ge [sflag:s23], $0x1  }
0xa3: {  	[sflag:s23] =	ssyncset.done $0x0  }
0xa4: {  	s25 =	simm.s32 $0x1B8E;
	s24 =	sld [smem:$0x3FFE];
	[sflag:s23] =	ssyncadd.s32 $0xFFFFFFFF  }
0xa5: {  	s26 =	simm.s32 $execute0_lowered;
	[smem:$0x3FD2] =	sst s25  }
0xa6: {  	s4 =	sshll.u32 s26, $0x1;
	_ =	strace $0x8000004C;
	[dreg:$0x1] =	wrdreg $0xFFFFFFFF  }
0xa7: {  	s28 =	simm.s32 $_size_execute0_lowered;
	s2 =	sadd.s32 s2, s4;
	[dreg:$0x0] =	wrdreg $0x0  }
0xa8: {  	s4 =	sshll.u32 s28, $0x1;
	[dreg:$0x2] =	wrdreg s2  }
0xa9: {  	[dreg:$0x3] =	wrdreg s4  }
0xaa: {  	[dreg:$0x4] =	wrdreg $0xC0  }
0xab: {  	_ =	task [dreg:s6], $0x5FFFF  }
0xac: {  	[dreg:$0x1] =	wrdreg $0xFFFFFFFF  }
0xad: {  	[dreg:$0x0] =	wrdreg $0x60  }
0xae: {  	[dreg:$0x2] =	wrdreg s24  }
0xaf: {  	[dreg:$0x3] =	wrdreg $0x9  }
0xb0: {  	_ =	task.clear_ibuf [dreg:s6], $0x4FFFF;
	_ =	strace $0x9000004C  }
0xb1: {  	s29 =	simm.s32 $0x9;
	_ =	strace $0x8000004E  }
0xb2: {  	_ =	swait.ge [sflag:s29], $0x1  }
0xb3: {  	[sflag:s29] =	ssyncadd.s32 $0xFFFFFFFF  }
0xb4: {  	_ =	strace $0x9000004E  }
0xb5: {  	_ =	sfence  }
0xb6: {  	s30 =	sld [smem:$0x0];
	_ =	sdelay $0x2  }
0xb7: {  	s31 =	sshll.u32 s1, $0xD;
	s1 =	sshrl.u32 s1, $0x2  }
0xb8: {  	s3 =	sand.u32 $0x4000, s31;
	s1 =	sadd.s32 s1, s30  }
0xb9: {  	s0 =	sor.u32 s3, s0;
	s1 =	sshll.u32 s1, $0x11  }
0xba: {  	s0 =	sor.u32 s1, s0  }
0xbb: {  	s0 =	sadd.s32 $0x8F2B, s0  }
0xbc: {  	[sflag:s0] =	ssyncadd.remote.s32 $0x1  }
0xbd: {  	_ =	sfence.sel $0xFFFF  }
0xbe: {  	[dreg:$0x0] =	wrdreg $0xFFFFFFFF;
	(pc) =	sbr.abs _section_cstart, $3  }
0xbf: {  	[dreg:$0x1] =	wrdreg $0xFFFFFFFF  }
0xc0: {  	_ =	task.clear_ibuf [dreg:s6], $0x2FFFF;
	_ =	strace $0x9FFFFFFF  }
0xc1: {  	(tm) =	ssettm $0x7FFFFFFF  }
tec
execute0_lowered:
.L_overlay_start_1:
0x0: {  	(tag) =	ssettag $0x1  }
0x1: {  	s4 =	rddreg [dreg:$0x0]  }
0x2: {  	s0 =	rddreg [dreg:$0x1];
	s2 =	simm.s32 $0x0;
	s1 =	srdreg.scid  }
0x3: {  	s10 =	simm.s32 $0x80;
	s11 =	simm.s32 $0x4280;
	s12 =	simm.s32 $0x100  }
0x4: {  	s13 =	simm.s32 $0x8100;
	s14 =	simm.s32 $0x180;
	s15 =	simm.s32 $0xBF80  }
0x5: {  	s16 =	simm.s32 $0x200;
	s17 =	simm.s32 $0xFE00;
	s18 =	simm.s32 $0x280  }
0x6: {  	s19 =	simm.s32 $0x13C80;
	s20 =	simm.s32 $0x300;
	s21 =	simm.s32 $0x17B00  }
0x7: {  	s22 =	simm.s32 $0x380;
	s23 =	simm.s32 $0x1B980;
	s5 =	sand.u32 $0x1, s1  }
0x8: {  	s24 =	simm.s32 $0x1;
	s1 =	stileid.u32;
	s6 =	smul.u32 $0x14000, s5  }
0x9: {  	s25 =	simm.s32 $0x0;
	[smem:$0x7FF] =	sst s2;
	s7 =	smul.u32 $0x1400, s1  }
0xa: {  	s3 =	sadd.s32 $0x33600, s4;
	s8 =	smul.u32 $0x138800, s5;
	s5 =	ssub.s32 $0x2, s5  }
0xb: {  	_ =	strace $0x8000004D;
	s9 =	smul.u32 $0x13880, s1;
	s30 =	sshrl.u32 s5, $0x1  }
0xc: {  	s6 =	sadd.s32 s7, s6;
	s8 =	sadd.s32 s8, s4;
	s5 =	ssub.s32 s5, s30  }
0xd: {  	s7 =	simm.s32 $0x2;
	s6 =	sshrl.u32 s6, $0x3;
	s31 =	sadd.s32 s9, s8  }
0xe: {  	s8 =	simm.s32 $0x7D;
	s9 =	simm.s32 $0x400;
	s6 =	sadd.s32 s6, s4  }
0xf: {  	s4 =	smax.u32 s5, $0x1;
	s5 =	sadd.s32 $0x7400, s6;
	s6 =	sadd.s32 $0x2D3000, s31  }
.LBB2_1:
0x10: {  	s26 =	sadd.s32 $0x0, s5  }
0x11: {  	[tilespmem:s2], [sflag:$0x2] =	stream.linear.gather [hbm4b:s26+s2], $0x400, $0x38;
	[tilespmem:$0x1F800] =	vst v63  }
0x12: {  	_ =	swait.ge [sflag:s7], $0x400  }
0x13: {  	[sflag:s7] =	ssyncset.done $0x0  }
0x14: {  	[sflag:s7] =	ssyncadd.s32 $0xFFFFFC00  }
0x15: {  	[tilespmem:s9], [sflag:$0x1] =	stream.indirect.gather [hbm4b:s3+s8], $0x80, s2, s8, $0xb8;
	[tilespmem:$0x1F800] =	vst v63  }
0x16: {  	_ = 	snop  }
0x17: {  	[tilespmem:s11], [sflag:$0x1] =	stream.indirect.gather [hbm4b:s3+s8], $0x80, s10, s8, $0xb8;
	[tilespmem:$0x1F800] =	vst v63  }
0x18: {  	_ = 	snop  }
0x19: {  	[tilespmem:s13], [sflag:$0x1] =	stream.indirect.gather [hbm4b:s3+s8], $0x80, s12, s8, $0xb8;
	[tilespmem:$0x1F800] =	vst v63  }
0x1a: {  	_ = 	snop  }
0x1b: {  	[tilespmem:s15], [sflag:$0x1] =	stream.indirect.gather [hbm4b:s3+s8], $0x80, s14, s8, $0xb8;
	[tilespmem:$0x1F800] =	vst v63  }
0x1c: {  	_ = 	snop  }
0x1d: {  	[tilespmem:s17], [sflag:$0x1] =	stream.indirect.gather [hbm4b:s3+s8], $0x80, s16, s8, $0xb8;
	[tilespmem:$0x1F800] =	vst v63  }
0x1e: {  	_ = 	snop  }
0x1f: {  	[tilespmem:s19], [sflag:$0x1] =	stream.indirect.gather [hbm4b:s3+s8], $0x80, s18, s8, $0xb8;
	[tilespmem:$0x1F800] =	vst v63  }
0x20: {  	_ = 	snop  }
0x21: {  	[tilespmem:s21], [sflag:$0x1] =	stream.indirect.gather [hbm4b:s3+s8], $0x80, s20, s8, $0xb8;
	[tilespmem:$0x1F800] =	vst v63  }
0x22: {  	_ = 	snop  }
0x23: {  	[tilespmem:s23], [sflag:$0x1] =	stream.indirect.gather [hbm4b:s3+s8], $0x80, s22, s8, $0xb8;
	[tilespmem:$0x1F800] =	vst v63  }
0x24: {  	_ =	swait.ge [sflag:s24], $0x3E80  }
0x25: {  	[sflag:s24] =	ssyncset.done $0x0  }
0x26: {  	[sflag:s24] =	ssyncadd.s32 $0xFFFFC180  }
0x27: {  	_ =	swait.ge [sflag:s24], $0x3E80  }
0x28: {  	[sflag:s24] =	ssyncset.done $0x0  }
0x29: {  	[sflag:s24] =	ssyncadd.s32 $0xFFFFC180  }
0x2a: {  	_ =	swait.ge [sflag:s24], $0x3E80  }
0x2b: {  	[sflag:s24] =	ssyncset.done $0x0  }
0x2c: {  	[sflag:s24] =	ssyncadd.s32 $0xFFFFC180  }
0x2d: {  	_ =	swait.ge [sflag:s24], $0x3E80  }
0x2e: {  	[sflag:s24] =	ssyncset.done $0x0  }
0x2f: {  	[sflag:s24] =	ssyncadd.s32 $0xFFFFC180  }
0x30: {  	_ =	swait.ge [sflag:s24], $0x3E80  }
0x31: {  	[sflag:s24] =	ssyncset.done $0x0  }
0x32: {  	[sflag:s24] =	ssyncadd.s32 $0xFFFFC180  }
0x33: {  	_ =	swait.ge [sflag:s24], $0x3E80  }
0x34: {  	[sflag:s24] =	ssyncset.done $0x0  }
0x35: {  	[sflag:s24] =	ssyncadd.s32 $0xFFFFC180  }
0x36: {  	_ =	swait.ge [sflag:s24], $0x3E80  }
0x37: {  	[sflag:s24] =	ssyncset.done $0x0  }
0x38: {  	[sflag:s24] =	ssyncadd.s32 $0xFFFFC180  }
0x39: {  	_ =	swait.ge [sflag:s24], $0x3E80  }
0x3a: {  	[sflag:s24] =	ssyncset.done $0x0  }
0x3b: {  	[sflag:s24] =	ssyncadd.s32 $0xFFFFC180  }
0x3c: {  	[hbm4b:s6+s2] =	stream.linear.scatter [tilespmem:s9], [sflag:$0x2], $0x1F400, $0x38;
	[tilespmem:$0x1F800] =	vst v63  }
0x3d: {  	s28 =	simm.s32 $0x80;
	_ =	swait.ge [sflag:s7], $0x1F400  }
0x3e: {  	s30 =	simm.s32 $0x100;
	s26 =	sadd.s32 $0x3E80, s6;
	[sflag:s7] =	ssyncset.done $0x0  }
.LBB2_2:
0x3f: {  	s31 =	sadd.s32 s28, s5  }
0x40: {  	[sflag:s7] =	ssyncadd.s32 $0xFFFE0C00;
	s28 =	smov.u32 s30;
	s29 =	sadd.s32 $0x80, s30  }
0x41: {  	[tilespmem:s2], [sflag:$0x2] =	stream.linear.gather [hbm4b:s31+s2], $0x400, $0x38;
	[tilespmem:$0x1F800] =	vst v63  }
0x42: {  	p0 =	sne.s32 s30, $0x200;
	_ =	swait.ge [sflag:s7], $0x400  }
0x43: {  	[sflag:s7] =	ssyncset.done $0x0  }
0x44: {  	[sflag:s7] =	ssyncadd.s32 $0xFFFFFC00  }
0x45: {  	[tilespmem:s9], [sflag:$0x1] =	stream.indirect.gather [hbm4b:s3+s8], $0x80, s2, s8, $0xb8;
	[tilespmem:$0x1F800] =	vst v63  }
0x46: {  	_ = 	snop  }
0x47: {  	[tilespmem:s11], [sflag:$0x1] =	stream.indirect.gather [hbm4b:s3+s8], $0x80, s10, s8, $0xb8;
	[tilespmem:$0x1F800] =	vst v63  }
0x48: {  	_ = 	snop  }
0x49: {  	[tilespmem:s13], [sflag:$0x1] =	stream.indirect.gather [hbm4b:s3+s8], $0x80, s12, s8, $0xb8;
	[tilespmem:$0x1F800] =	vst v63  }
0x4a: {  	_ = 	snop  }
0x4b: {  	[tilespmem:s15], [sflag:$0x1] =	stream.indirect.gather [hbm4b:s3+s8], $0x80, s14, s8, $0xb8;
	[tilespmem:$0x1F800] =	vst v63  }
0x4c: {  	_ = 	snop  }
0x4d: {  	[tilespmem:s17], [sflag:$0x1] =	stream.indirect.gather [hbm4b:s3+s8], $0x80, s16, s8, $0xb8;
	[tilespmem:$0x1F800] =	vst v63  }
0x4e: {  	_ = 	snop  }
0x4f: {  	[tilespmem:s19], [sflag:$0x1] =	stream.indirect.gather [hbm4b:s3+s8], $0x80, s18, s8, $0xb8;
	[tilespmem:$0x1F800] =	vst v63  }
0x50: {  	_ = 	snop  }
0x51: {  	[tilespmem:s21], [sflag:$0x1] =	stream.indirect.gather [hbm4b:s3+s8], $0x80, s20, s8, $0xb8;
	[tilespmem:$0x1F800] =	vst v63  }
0x52: {  	_ = 	snop  }
0x53: {  	[tilespmem:s23], [sflag:$0x1] =	stream.indirect.gather [hbm4b:s3+s8], $0x80, s22, s8, $0xb8;
	[tilespmem:$0x1F800] =	vst v63  }
0x54: {  	_ =	swait.ge [sflag:s24], $0x3E80  }
0x55: {  	[sflag:s24] =	ssyncset.done $0x0  }
0x56: {  	[sflag:s24] =	ssyncadd.s32 $0xFFFFC180  }
0x57: {  	_ =	swait.ge [sflag:s24], $0x3E80  }
0x58: {  	[sflag:s24] =	ssyncset.done $0x0  }
0x59: {  	[sflag:s24] =	ssyncadd.s32 $0xFFFFC180  }
0x5a: {  	_ =	swait.ge [sflag:s24], $0x3E80  }
0x5b: {  	[sflag:s24] =	ssyncset.done $0x0  }
0x5c: {  	[sflag:s24] =	ssyncadd.s32 $0xFFFFC180  }
0x5d: {  	_ =	swait.ge [sflag:s24], $0x3E80  }
0x5e: {  	[sflag:s24] =	ssyncset.done $0x0  }
0x5f: {  	[sflag:s24] =	ssyncadd.s32 $0xFFFFC180  }
0x60: {  	_ =	swait.ge [sflag:s24], $0x3E80  }
0x61: {  	[sflag:s24] =	ssyncset.done $0x0  }
0x62: {  	[sflag:s24] =	ssyncadd.s32 $0xFFFFC180  }
0x63: {  	_ =	swait.ge [sflag:s24], $0x3E80  }
0x64: {  	[sflag:s24] =	ssyncset.done $0x0  }
0x65: {  	[sflag:s24] =	ssyncadd.s32 $0xFFFFC180  }
0x66: {  	_ =	swait.ge [sflag:s24], $0x3E80  }
0x67: {  	[sflag:s24] =	ssyncset.done $0x0  }
0x68: {  	[sflag:s24] =	ssyncadd.s32 $0xFFFFC180  }
0x69: {  	_ =	swait.ge [sflag:s24], $0x3E80  }
.Ltmp0:
0x6a: {  	[sflag:s24] =	ssyncset.done $0x0;
	(pc) =	sbr.rel @p0 .LBB2_2-.Ltmp0, $4  }
0x6b: {  	[sflag:s24] =	ssyncadd.s32 $0xFFFFC180  }
0x6c: {  	[hbm4b:s26+s2] =	stream.linear.scatter [tilespmem:s9], [sflag:$0x2], $0x1F400, $0x38;
	[tilespmem:$0x1F800] =	vst v63  }
0x6d: {  	_ =	swait.ge [sflag:s7], $0x1F400  }
0x6e: {  	s30 =	smov.u32 s29;
	s26 =	sadd.s32 $0x3E80, s26;
	[sflag:s7] =	ssyncset.done $0x0  }
0x6f: {  	s28 =	sadd.s32 s28, s5;
	[sflag:s7] =	ssyncadd.s32 $0xFFFE0C00  }
0x70: {  	[tilespmem:s2], [sflag:$0x2] =	stream.linear.gather [hbm4b:s28+s2], $0x400, $0x38;
	[tilespmem:$0x1F800] =	vst v63  }
0x71: {  	_ =	swait.ge [sflag:s7], $0x400  }
0x72: {  	[sflag:s7] =	ssyncset.done $0x0  }
0x73: {  	[sflag:s7] =	ssyncadd.s32 $0xFFFFFC00  }
0x74: {  	[tilespmem:s9], [sflag:$0x1] =	stream.indirect.gather [hbm4b:s3+s8], $0x80, s2, s8, $0xb8;
	[tilespmem:$0x1F800] =	vst v63  }
0x75: {  	_ = 	snop  }
0x76: {  	[tilespmem:s11], [sflag:$0x1] =	stream.indirect.gather [hbm4b:s3+s8], $0x80, s10, s8, $0xb8;
	[tilespmem:$0x1F800] =	vst v63  }
0x77: {  	_ = 	snop  }
0x78: {  	[tilespmem:s13], [sflag:$0x1] =	stream.indirect.gather [hbm4b:s3+s8], $0x80, s12, s8, $0xb8;
	[tilespmem:$0x1F800] =	vst v63  }
0x79: {  	_ = 	snop  }
0x7a: {  	[tilespmem:s15], [sflag:$0x1] =	stream.indirect.gather [hbm4b:s3+s8], $0x80, s14, s8, $0xb8;
	[tilespmem:$0x1F800] =	vst v63  }
0x7b: {  	_ = 	snop  }
0x7c: {  	[tilespmem:s17], [sflag:$0x1] =	stream.indirect.gather [hbm4b:s3+s8], $0x80, s16, s8, $0xb8;
	[tilespmem:$0x1F800] =	vst v63  }
0x7d: {  	_ = 	snop  }
0x7e: {  	[tilespmem:s19], [sflag:$0x1] =	stream.indirect.gather [hbm4b:s3+s8], $0x80, s18, s8, $0xb8;
	[tilespmem:$0x1F800] =	vst v63  }
0x7f: {  	_ = 	snop  }
0x80: {  	[tilespmem:s21], [sflag:$0x1] =	stream.indirect.gather [hbm4b:s3+s8], $0x80, s20, s8, $0xb8;
	[tilespmem:$0x1F800] =	vst v63  }
0x81: {  	_ = 	snop  }
0x82: {  	[tilespmem:s23], [sflag:$0x1] =	stream.indirect.gather [hbm4b:s3+s8], $0x80, s22, s8, $0xb8;
	[tilespmem:$0x1F800] =	vst v63  }
0x83: {  	_ =	swait.ge [sflag:s24], $0x3E80  }
0x84: {  	[sflag:s24] =	ssyncset.done $0x0  }
0x85: {  	[sflag:s24] =	ssyncadd.s32 $0xFFFFC180  }
0x86: {  	_ =	swait.ge [sflag:s24], $0x3E80  }
0x87: {  	[sflag:s24] =	ssyncset.done $0x0  }
0x88: {  	[sflag:s24] =	ssyncadd.s32 $0xFFFFC180  }
0x89: {  	_ =	swait.ge [sflag:s24], $0x3E80  }
0x8a: {  	[sflag:s24] =	ssyncset.done $0x0  }
0x8b: {  	[sflag:s24] =	ssyncadd.s32 $0xFFFFC180  }
0x8c: {  	_ =	swait.ge [sflag:s24], $0x3E80  }
0x8d: {  	[sflag:s24] =	ssyncset.done $0x0  }
0x8e: {  	[sflag:s24] =	ssyncadd.s32 $0xFFFFC180  }
0x8f: {  	_ =	swait.ge [sflag:s24], $0x3E80  }
0x90: {  	[sflag:s24] =	ssyncset.done $0x0  }
0x91: {  	[sflag:s24] =	ssyncadd.s32 $0xFFFFC180  }
0x92: {  	_ =	swait.ge [sflag:s24], $0x3E80  }
0x93: {  	[sflag:s24] =	ssyncset.done $0x0  }
0x94: {  	[sflag:s24] =	ssyncadd.s32 $0xFFFFC180  }
0x95: {  	_ =	swait.ge [sflag:s24], $0x3E80  }
0x96: {  	[sflag:s24] =	ssyncset.done $0x0  }
0x97: {  	[sflag:s24] =	ssyncadd.s32 $0xFFFFC180  }
0x98: {  	s25 =	sadd.s32 $0x1, s25;
	_ =	swait.ge [sflag:s24], $0x3E80  }
0x99: {  	p0 =	sne.s32 s25, s4;
	[sflag:s24] =	ssyncset.done $0x0  }
.Ltmp1:
0x9a: {  	[sflag:s24] =	ssyncadd.s32 $0xFFFFC180;
	(pc) =	sbr.rel @p0 .LBB2_1-.Ltmp1, $4  }
0x9b: {  	[hbm4b:s26+s2] =	stream.linear.scatter [tilespmem:s9], [sflag:$0x2], $0x1F400, $0x38;
	[tilespmem:$0x1F800] =	vst v63  }
0x9c: {  	_ =	swait.ge [sflag:s7], $0x1F400  }
0x9d: {  	[sflag:s7] =	ssyncset.done $0x0  }
0x9e: {  	[sflag:s7] =	ssyncadd.s32 $0xFFFE0C00  }
0x9f: {  	_ =	sfence.sel $0x180000  }
0xa0: {  	[bflag:$0x0] =	sbarrier.arrive $0xFFFF  }
0xa1: {  	p0 =	sne.s32 s1, $0x0;
	_ =	strace $0x9000004D  }
0xa2: {  	s0 =	sadd.s32 @!p0 $0x100000, s0;
	[bflag:$0x2] =	sbarrier.arrive $0xFFFF  }
0xa3: {  	[sflag:s0] =	ssyncadd.tile.s32 @!p0 $0x1;
	_ =	shalt  }
.Lfunc_end2:
_tile_overlayer_lowered:
.L_overlay_start_2:
0xa4: {  	(tag) =	ssettag $0x2  }
0xa5: {  	s0 =	rddreg [dreg:$0x0];
	s2 =	stileid.u32  }
0xa6: {  	s1 =	rddreg [dreg:$0x1];
	p0 =	sne.s32 s2, $0x0  }
0xa7: {  	s3 =	rddreg [dreg:$0x2];
	[bflag:$0x3] =	sbarrier.arrive $0xFFFF;
	s2 =	simm.s32 @!p0 $0x1C02  }
0xa8: {  	[timem:s3], [sflag:s2] =	dma.local @!p0 [hbm:s0], s1  }
0xa9: {  	s0 =	simm.s32 @!p0 $0x2  }
0xaa: {  	_ =	swait.ge @!p0 [sflag:s0], s1  }
0xab: {  	s1 =	ssub.s32 @!p0 $0x0, s1;
	[sflag:s0] =	ssyncset.done @!p0 $0x0  }
0xac: {  	[sflag:s0] =	ssyncadd.s32 @!p0 s1  }
0xad: {  	[bflag:$0x3] =	sbarrier.arrive $0xFFFF  }
0xae: {  	_ =	shalt  }

// kernel: kernel.25.cloned.1.call-start
scs
__scs_entry_jumppad:
0x0: {  	(pc) =	sbr.rel $0x88, $3  }
0x1: {  	(tag) =	ssettag $0x0;
	lr =	simm.s32 $0x1  }
0x2: {  	[smem:$0x3F94] =	sst lr;
	_ =	strace $0xD0000000  }
0x3: {  	_ = 	snop  }
0x4: {  	_ = 	snop  }
0x5: {  	_ = 	snop  }
0x6: {  	_ = 	snop  }
0x7: {  	_ = 	snop  }
__scs_overlays_trampoline_lowered:
0x8: {  	[smem:$0x3FA3] =	sst s0  }
0x9: {  	[smem:$0x3FA4] =	sst s1  }
0xa: {  	[smem:$0x3FA5] =	sst s2  }
0xb: {  	[smem:$0x3FA6] =	sst s3  }
0xc: {  	[smem:$0x3FA7] =	sst s4  }
0xd: {  	[smem:$0x3FA8] =	sst s5  }
0xe: {  	[smem:$0x3FA9] =	sst s6  }
0xf: {  	[smem:$0x3FAA] =	sst s7  }
0x10: {  	[smem:$0x3FAB] =	sst s8  }
0x11: {  	[smem:$0x3FAC] =	sst s9;
	s0 =	simm.s32 @!p0 $0x0  }
0x12: {  	s1 =	sld [smem:$0x3F92];
	s0 =	simm.s32 @p0 $0x1  }
0x13: {  	[smem:$0x3FAD] =	sst s0;
	s0 =	simm.s32 @!p1 $0x0  }
0x14: {  	s2 =	sld [smem:$0x3F91];
	s0 =	simm.s32 @p1 $0x1  }
0x15: {  	[smem:$0x3FAE] =	sst s0;
	s0 =	simm.s32 @!p2 $0x0  }
0x16: {  	s3 =	sld [smem:$0x3FDB];
	s0 =	simm.s32 @p2 $0x1  }
0x17: {  	s4 =	simm.s32 $0x1BF5;
	[smem:$0x3FB0] =	sst s0  }
0x18: {  	s0 =	sld [smem:$0x3F93];
	_ =	swait.ge [sflag:s4], $0x0  }
0x19: {  	s7 =	sld [smem:$0x3F94]  }
0x1a: {  	s8 =	sadd.s32 $0xFFFFE003, lr  }
0x1b: {  	s9 =	sadd.s32 $0xFFFFFEF7, lr;
	s5 =	simm.s32 $0xFFFFFFFF;
	p2 =	slt.u32 s8, $0xFFFFF086  }
0x1c: {  	p1 =	slt.u32 s9, $0xF7A;
	s5 =	simm.s32 @!p2 $0x0  }
0x1d: {  	s5 =	simm.s32 @p1 $0x1;
	p0 =	seq.s32 s7, s2  }
0x1e: {  	s7 =	smul.u32 @!p0 $0xF7A, s2;
	p2 =	seq.s32 @!p0 s5, $0x0  }
0x1f: {  	s9 =	smul.u32 $0xF7A, s1;
	s8 =	simm.s32 @!p0 $0x1BF5;
	p2 =	por !p2, p0  }
0x20: {  	[sflag:s8] =	ssyncset.s32 @!p0 $0xFFFFF086;
	s6 =	sadd.s32 @!p0 s3, s7;
	s7 =	simm.s32 @!p0 $0x108  }
0x21: {  	s3 =	sadd.s32 s3, s9;
	s6 =	sadd.s32 @!p0 $0x88, s6;
	s7 =	simm.s32 @p2 $0x1082  }
0x22: {  	[simem:s7], [sflag:s8] =	dma.local @!p0 [hbm:s6], $0xF7A  }
0x23: {  	s9 =	sor.u32 $0xD0000000, s2;
	s6 =	simm.s32 $0x108;
	_ =	swait.ge @!p0 [sflag:s8], $0x0  }
0x24: {  	s3 =	sadd.s32 $0x88, s3;
	s6 =	simm.s32 @!p1 $0x1082;
	[sflag:s4] =	ssyncset.s32 $0xFFFFF086  }
0x25: {  	[simem:s6], [sflag:s4] =	dma.local [hbm:s3], $0xF7A  }
0x26: {  	[smem:$0x3F94] =	sst s1;
	(tag) =	ssettag s2;
	_ =	strace s9  }
0x27: {  	s1 =	sld [smem:$0x3FA4]  }
0x28: {  	s2 =	sld [smem:$0x3FA5]  }
0x29: {  	s4 =	sld [smem:$0x3FA7]  }
0x2a: {  	p0 =	seq.s32 s5, $0x0;
	s5 =	sld [smem:$0x3FA8]  }
0x2b: {  	s6 =	sld [smem:$0x3FA9]  }
0x2c: {  	s7 =	sld [smem:$0x3FAA]  }
0x2d: {  	s3 =	simm.s32 $0x108;
	s8 =	sld [smem:$0x3FAB]  }
0x2e: {  	s3 =	simm.s32 @!p0 $0x1082;
	s9 =	sld [smem:$0x3FAC]  }
0x2f: {  	lr =	sadd.s32 s0, s3;
	s0 =	sld [smem:$0x3FA3]  }
0x30: {  	s3 =	sld [smem:$0x3FA6]  }
0x31: {  	[smem:$0x3FAF] =	sst s10  }
0x32: {  	s10 =	sld [smem:$0x3FAD];
	_ =	sdelay $0x3  }
0x33: {  	p0 =	seq.s32 s10, $0x1;
	s10 =	sld [smem:$0x3FAF];
	_ =	sdelay $0x3  }
0x34: {  	[smem:$0x3FAF] =	sst s10  }
0x35: {  	s10 =	sld [smem:$0x3FAE];
	_ =	sdelay $0x3  }
0x36: {  	p1 =	seq.s32 s10, $0x1;
	s10 =	sld [smem:$0x3FAF];
	_ =	sdelay $0x3  }
0x37: {  	[smem:$0x3FAF] =	sst s10  }
0x38: {  	s10 =	sld [smem:$0x3FB0]  }
0x39: {  	_ = 	snop;
	(pc) =	sbr.ind lr, $3  }
0x3a: {  	_ = 	snop  }
0x3b: {  	_ = 	snop  }
0x3c: {  	p2 =	seq.s32 s10, $0x1;
	s10 =	sld [smem:$0x3FAF]  }
0x3d: {  	_ =	shalt  }
0x3e: {  	_ =	shalt  }
0x3f: {  	_ =	shalt  }
0x40: {  	_ =	shalt  }
0x41: {  	_ =	shalt  }
0x42: {  	_ =	shalt  }
0x43: {  	_ =	shalt  }
0x44: {  	_ =	shalt  }
0x45: {  	_ =	shalt  }
0x46: {  	_ =	shalt  }
0x47: {  	_ =	shalt  }
0x48: {  	_ =	shalt  }
0x49: {  	_ =	shalt  }
0x4a: {  	_ =	shalt  }
0x4b: {  	_ =	shalt  }
0x4c: {  	_ =	shalt  }
0x4d: {  	_ =	shalt  }
0x4e: {  	_ =	shalt  }
0x4f: {  	_ =	shalt  }
0x50: {  	_ =	shalt  }
0x51: {  	_ =	shalt  }
0x52: {  	_ =	shalt  }
0x53: {  	_ =	shalt  }
0x54: {  	_ =	shalt  }
0x55: {  	_ =	shalt  }
0x56: {  	_ =	shalt  }
0x57: {  	_ =	shalt  }
0x58: {  	_ =	shalt  }
0x59: {  	_ =	shalt  }
0x5a: {  	_ =	shalt  }
0x5b: {  	_ =	shalt  }
0x5c: {  	_ =	shalt  }
0x5d: {  	_ =	shalt  }
0x5e: {  	_ =	shalt  }
0x5f: {  	_ =	shalt  }
0x60: {  	_ =	shalt  }
0x61: {  	_ =	shalt  }
0x62: {  	_ =	shalt  }
0x63: {  	_ =	shalt  }
0x64: {  	_ =	shalt  }
0x65: {  	_ =	shalt  }
0x66: {  	_ =	shalt  }
0x67: {  	_ =	shalt  }
0x68: {  	_ =	shalt  }
0x69: {  	_ =	shalt  }
0x6a: {  	_ =	shalt  }
0x6b: {  	_ =	shalt  }
0x6c: {  	_ =	shalt  }
0x6d: {  	_ =	shalt  }
0x6e: {  	_ =	shalt  }
0x6f: {  	_ =	shalt  }
0x70: {  	_ =	shalt  }
0x71: {  	_ =	shalt  }
0x72: {  	_ =	shalt  }
0x73: {  	_ =	shalt  }
0x74: {  	_ =	shalt  }
0x75: {  	_ =	shalt  }
0x76: {  	_ =	shalt  }
0x77: {  	_ =	shalt  }
0x78: {  	_ =	shalt  }
0x79: {  	_ =	shalt  }
0x7a: {  	_ =	shalt  }
0x7b: {  	_ =	shalt  }
0x7c: {  	_ =	shalt  }
0x7d: {  	_ =	shalt  }
0x7e: {  	_ =	shalt  }
0x7f: {  	_ =	shalt  }
0x80: {  	_ =	shalt  }
0x81: {  	_ =	shalt  }
0x82: {  	_ =	shalt  }
0x83: {  	_ =	shalt  }
0x84: {  	_ =	shalt  }
0x85: {  	_ =	shalt  }
0x86: {  	_ =	shalt  }
0x87: {  	_ =	shalt  }
.Lfunc_end0:
.L_simem_size_0:
called_computation.3_lowered:
.L_overlay_start_0:
0x88: {  	s2 =	sld [smem:$0x3FD9]  }
0x89: {  	s3 =	sld [smem:$0x3FFE];
	_ =	sdelay $0x1  }
0x8a: {  	s1 =	srdreg.scid  }
0x8b: {  	s0 =	sand.u32 $0x1, s1  }
0x8c: {  	s17 =	sshll.u32 s0, $0xA;
	s2 =	sadd.s32 s3, s2  }
0x8d: {  	s2 =	sadd.s32 s2, s17  }
0x8e: {  	[smem:$0x3FBB] =	sst s2  }
0x8f: {  	_ = 	snop  }
0x90: {  	s2 =	sld [smem:$0x3FD0];
	(tm) =	ssettm $0x1  }
0x91: {  	s18 =	sld [smem:$0x3FFB];
	_ =	sdelay $0x3  }
0x92: {  	_ =	strace s18  }
0x93: {  	s3 =	sld [smem:$0x3FFC];
	_ =	sdelay $0x3  }
0x94: {  	_ =	strace s3  }
0x95: {  	s3 =	sld [smem:$0x3FFD];
	_ =	sdelay $0x3  }
0x96: {  	_ =	strace s3  }
0x97: {  	_ =	strace $0x8FFFFFFF  }
0x98: {  	s19 =	sld [smem:$0x3FDB];
	_ =	sdelay $0x1  }
0x99: {  	s4 =	simm.s32 $_scs_section_size  }
0x9a: {  	s5 =	simm.s32 $_size__tile_overlayer_lowered;
	s6 =	simm.s32 $_tile_overlayer_lowered  }
0x9b: {  	s22 =	simm.s32 $0x1BFF;
	s21 =	sshll.u32 s6, $0x1;
	s3 =	sadd.s32 s4, s19  }
0x9c: {  	s7 =	simm.s32 $0x0;
	s20 =	sshll.u32 s5, $0x1;
	s5 =	sadd.s32 s21, s3  }
0x9d: {  	[timem:s7], [sflag:s22] =	dma.local [hbm:s5], s20  }
0x9e: {  	_ =	swait.ge [sflag:s22], s20  }
0x9f: {  	s4 =	ssub.s32 $0x0, s20;
	[sflag:s22] =	ssyncset.done $0x0  }
0xa0: {  	[sflag:s22] =	ssyncadd.s32 s4;
	_ =	sdelay $0x1  }
0xa1: {  	s23 =	simm.s32 $0x1B8B  }
0xa2: {  	_ =	swait.ge [sflag:s23], $0x1  }
0xa3: {  	[sflag:s23] =	ssyncset.done $0x0  }
0xa4: {  	s25 =	simm.s32 $0x1B8E;
	s24 =	sld [smem:$0x3FFE];
	[sflag:s23] =	ssyncadd.s32 $0xFFFFFFFF  }
0xa5: {  	s26 =	simm.s32 $execute0_lowered;
	[smem:$0x3FD2] =	sst s25  }
0xa6: {  	s5 =	sshll.u32 s26, $0x1;
	_ =	strace $0x8000004F;
	[dreg:$0x1] =	wrdreg $0xFFFFFFFF  }
0xa7: {  	s28 =	simm.s32 $_size_execute0_lowered;
	s3 =	sadd.s32 s3, s5;
	[dreg:$0x0] =	wrdreg $0x0  }
0xa8: {  	s5 =	sshll.u32 s28, $0x1;
	[dreg:$0x2] =	wrdreg s3  }
0xa9: {  	[dreg:$0x3] =	wrdreg s5  }
0xaa: {  	[dreg:$0x4] =	wrdreg $0xC0  }
0xab: {  	_ =	task [dreg:s7], $0x5FFFF  }
0xac: {  	[dreg:$0x1] =	wrdreg $0xFFFFFFFF  }
0xad: {  	[dreg:$0x0] =	wrdreg $0x60  }
0xae: {  	[dreg:$0x2] =	wrdreg s24  }
0xaf: {  	[dreg:$0x3] =	wrdreg s2  }
0xb0: {  	[dreg:$0x4] =	wrdreg $0xFE600  }
0xb1: {  	[dreg:$0x5] =	wrdreg $0x9  }
0xb2: {  	_ =	task.clear_ibuf [dreg:s7], $0x6FFFF;
	_ =	strace $0x9000004F  }
0xb3: {  	s29 =	simm.s32 $0x9;
	_ =	strace $0x80000051  }
0xb4: {  	_ =	swait.ge [sflag:s29], $0x1  }
0xb5: {  	[sflag:s29] =	ssyncadd.s32 $0xFFFFFFFF  }
0xb6: {  	_ =	strace $0x90000051  }
0xb7: {  	_ =	sfence  }
0xb8: {  	s30 =	sld [smem:$0x0];
	_ =	sdelay $0x2  }
0xb9: {  	s31 =	sshll.u32 s1, $0xD;
	s1 =	sshrl.u32 s1, $0x2  }
0xba: {  	s3 =	sand.u32 $0x4000, s31;
	s1 =	sadd.s32 s1, s30  }
0xbb: {  	s0 =	sor.u32 s3, s0;
	s1 =	sshll.u32 s1, $0x11  }
0xbc: {  	s0 =	sor.u32 s1, s0  }
0xbd: {  	s0 =	sadd.s32 $0x8F2B, s0  }
0xbe: {  	[sflag:s0] =	ssyncadd.remote.s32 $0x1  }
0xbf: {  	_ =	sfence.sel $0xFFFF  }
0xc0: {  	[dreg:$0x0] =	wrdreg $0xFFFFFFFF;
	(pc) =	sbr.abs _section_cstart, $3  }
0xc1: {  	[dreg:$0x1] =	wrdreg $0xFFFFFFFF  }
0xc2: {  	_ =	task.clear_ibuf [dreg:s7], $0x2FFFF;
	_ =	strace $0x9FFFFFFF  }
0xc3: {  	(tm) =	ssettm $0x7FFFFFFF  }
tec
execute0_lowered:
.L_overlay_start_1:
0x0: {  	(tag) =	ssettag $0x1  }
0x1: {  	s4 =	rddreg [dreg:$0x0]  }
0x2: {  	s5 =	rddreg [dreg:$0x1]  }
0x3: {  	s2 =	rddreg [dreg:$0x2]  }
0x4: {  	s0 =	srdreg.scid;
	s1 =	rddreg [dreg:$0x3];
	s3 =	simm.s32 $0x0  }
0x5: {  	s13 =	simm.s32 $0x80;
	s14 =	simm.s32 $0x1400;
	s15 =	simm.s32 $0x7D  }
0x6: {  	s16 =	simm.s32 $0x2B70;
	s17 =	simm.s32 $0x42E0;
	s18 =	simm.s32 $0x5A50  }
0x7: {  	s19 =	simm.s32 $0x71C0;
	s6 =	sand.u32 $0x1, s0;
	s0 =	stileid.u32  }
0x8: {  	s20 =	simm.s32 $0x0;
	[smem:$0x7FF] =	sst s3;
	s7 =	smul.u32 $0x138800, s6  }
0x9: {  	s8 =	smul.u32 $0x13880, s0;
	s9 =	sshll.u32 s6, $0x4;
	_ =	strace $0x80000050  }
0xa: {  	s10 =	smul.u32 $0x7530, s0;
	s6 =	ssub.s32 $0x2, s6;
	s9 =	sor.u32 s0, s9  }
0xb: {  	s31 =	sshrl.u32 s6, $0x1;
	s7 =	sadd.s32 s8, s7;
	s29 =	smul.u32 $0x280, s9  }
0xc: {  	s11 =	sshrl.u32 s10, $0x3;
	s30 =	sadd.s32 s7, s4;
	s7 =	sshrl.u32 s7, $0x3  }
0xd: {  	s12 =	ssub.s32 s6, s31;
	s8 =	sadd.s32 s29, s4;
	s7 =	sadd.s32 s7, s4  }
0xe: {  	s4 =	sadd.s32 s5, s11;
	s5 =	sadd.s32 s10, s2;
	s9 =	sadd.s32 $0x7BDC00, s30  }
0xf: {  	s10 =	simm.s32 $0x8930;
	s11 =	simm.s32 $0x1;
	s6 =	sadd.s32 $0x544000, s8  }
0x10: {  	s7 =	sadd.s32 $0x5A800, s7;
	s8 =	smax.u32 s12, $0x1;
	s12 =	simm.s32 $0x30  }
.LBB2_1:
0x11: {  	[tilespmem:s10], [sflag:$0x1] =	stream.linear.gather [hbm4b:s4+s3], $0x7530, $0x38;
	[tilespmem:$0x17390] =	vst v63  }
0x12: {  	_ =	swait.ge [sflag:s11], $0x7530  }
0x13: {  	[sflag:s11] =	ssyncset.done $0x0  }
0x14: {  	[sflag:s11] =	ssyncadd.s32 $0xFFFF8AD0  }
0x15: {  	[spmem:s5] =	stream.linear.scatter [tilespmem:s10], [sflag:$0x1], $0x7530, $0x38;
	[tilespmem:$0x17390] =	vst v63  }
0x16: {  	_ =	swait.ge [sflag:s11], $0x7530  }
0x17: {  	[sflag:s11] =	ssyncset.done $0x0  }
0x18: {  	[sflag:s11] =	ssyncadd.s32 $0xFFFF8AD0  }
0x19: {  	[bflag:$0x0] =	sbarrier.arrive $0xFFFF  }
0x1a: {  	[tilespmem:s3], [sflag:$0x1] =	stream.linear.gather [hbm4b:s6+s3], $0x1400, $0x38;
	[tilespmem:$0x17390] =	vst v63  }
0x1b: {  	_ =	swait.ge [sflag:s11], $0x1400  }
0x1c: {  	[sflag:s11] =	ssyncset.done $0x0  }
0x1d: {  	[sflag:s11] =	ssyncadd.s32 $0xFFFFEC00  }
0x1e: {  	[tilespmem:s14], [sflag:$0x1] =	stream.strided.gather [hbm4b:s9+s12], $0x7530, s13, s12, $0x38;
	[tilespmem:$0x17390] =	vst v63  }
0x1f: {  	_ =	swait.ge [sflag:s11], $0x7530  }
0x20: {  	[sflag:s11] =	ssyncset.done $0x0  }
0x21: {  	s21 =	simm.s32 $0x0;
	[sflag:s11] =	ssyncadd.s32 $0xFFFF8AD0  }
0x22: {  	[spmem:s2] =	stream.indirect.scatter.add.f32 [tilespmem:s14], [sflag:$0x1], $0x30, s21, s15, $0xb8;
	[tilespmem:$0x17390] =	vst v63  }
0x23: {  	_ =	swait.ge [sflag:s11], $0x1770  }
0x24: {  	[sflag:s11] =	ssyncset.done $0x0  }
0x25: {  	s28 =	simm.s32 $0x80;
	[sflag:s11] =	ssyncadd.s32 $0xFFFFE890  }
0x26: {  	[spmem:s2] =	stream.indirect.scatter.add.f32 [tilespmem:s16], [sflag:$0x1], $0x30, s28, s15, $0xb8;
	[tilespmem:$0x17390] =	vst v63  }
0x27: {  	_ =	swait.ge [sflag:s11], $0x1770  }
0x28: {  	[sflag:s11] =	ssyncset.done $0x0  }
0x29: {  	s29 =	simm.s32 $0x100;
	[sflag:s11] =	ssyncadd.s32 $0xFFFFE890  }
0x2a: {  	[spmem:s2] =	stream.indirect.scatter.add.f32 [tilespmem:s17], [sflag:$0x1], $0x30, s29, s15, $0xb8;
	[tilespmem:$0x17390] =	vst v63  }
0x2b: {  	_ =	swait.ge [sflag:s11], $0x1770  }
0x2c: {  	[sflag:s11] =	ssyncset.done $0x0  }
0x2d: {  	s30 =	simm.s32 $0x180;
	[sflag:s11] =	ssyncadd.s32 $0xFFFFE890  }
0x2e: {  	[spmem:s2] =	stream.indirect.scatter.add.f32 [tilespmem:s18], [sflag:$0x1], $0x30, s30, s15, $0xb8;
	[tilespmem:$0x17390] =	vst v63  }
0x2f: {  	_ =	swait.ge [sflag:s11], $0x1770  }
0x30: {  	[sflag:s11] =	ssyncset.done $0x0  }
0x31: {  	s31 =	simm.s32 $0x200;
	[sflag:s11] =	ssyncadd.s32 $0xFFFFE890  }
0x32: {  	[spmem:s2] =	stream.indirect.scatter.add.f32 [tilespmem:s19], [sflag:$0x1], $0x30, s31, s15, $0xb8;
	[tilespmem:$0x17390] =	vst v63  }
0x33: {  	_ =	swait.ge [sflag:s11], $0x1770  }
0x34: {  	s22 =	smov.u32 s9;
	s21 =	simm.s32 $0xA00;
	[sflag:s11] =	ssyncset.done $0x0  }
.LBB2_2:
0x35: {  	p0 =	sne.s32 s21, $0x4600;
	[sflag:s11] =	ssyncadd.s32 $0xFFFFE890;
	s22 =	sadd.s32 $0x2710, s22  }
0x36: {  	[tilespmem:s14], [sflag:$0x1] =	stream.strided.gather [hbm4b:s22+s12], $0x7530, s13, s12, $0x38;
	[tilespmem:$0x17390] =	vst v63  }
0x37: {  	s23 =	smov.u32 s21;
	s21 =	sadd.s32 $0xA00, s21;
	_ =	swait.ge [sflag:s11], $0x7530  }
0x38: {  	[sflag:s11] =	ssyncset.done $0x0  }
0x39: {  	s23 =	sshra.s32 s23, $0x2;
	[sflag:s11] =	ssyncadd.s32 $0xFFFF8AD0  }
0x3a: {  	[spmem:s2] =	stream.indirect.scatter.add.f32 [tilespmem:s14], [sflag:$0x1], $0x30, s23, s15, $0xb8;
	[tilespmem:$0x17390] =	vst v63  }
0x3b: {  	_ =	swait.ge [sflag:s11], $0x1770  }
0x3c: {  	[sflag:s11] =	ssyncset.done $0x0  }
0x3d: {  	s24 =	sadd.s32 $0x80, s23;
	[sflag:s11] =	ssyncadd.s32 $0xFFFFE890  }
0x3e: {  	[spmem:s2] =	stream.indirect.scatter.add.f32 [tilespmem:s16], [sflag:$0x1], $0x30, s24, s15, $0xb8;
	[tilespmem:$0x17390] =	vst v63  }
0x3f: {  	_ =	swait.ge [sflag:s11], $0x1770  }
0x40: {  	[sflag:s11] =	ssyncset.done $0x0  }
0x41: {  	s24 =	sadd.s32 $0x100, s23;
	[sflag:s11] =	ssyncadd.s32 $0xFFFFE890  }
0x42: {  	[spmem:s2] =	stream.indirect.scatter.add.f32 [tilespmem:s17], [sflag:$0x1], $0x30, s24, s15, $0xb8;
	[tilespmem:$0x17390] =	vst v63  }
0x43: {  	_ =	swait.ge [sflag:s11], $0x1770  }
0x44: {  	[sflag:s11] =	ssyncset.done $0x0  }
0x45: {  	s24 =	sadd.s32 $0x180, s23;
	[sflag:s11] =	ssyncadd.s32 $0xFFFFE890  }
0x46: {  	[spmem:s2] =	stream.indirect.scatter.add.f32 [tilespmem:s18], [sflag:$0x1], $0x30, s24, s15, $0xb8;
	[tilespmem:$0x17390] =	vst v63  }
0x47: {  	_ =	swait.ge [sflag:s11], $0x1770  }
.Ltmp0:
0x48: {  	[sflag:s11] =	ssyncset.done $0x0;
	(pc) =	sbr.rel @p0 .LBB2_2-.Ltmp0, $4  }
0x49: {  	s23 =	sadd.s32 $0x200, s23;
	[sflag:s11] =	ssyncadd.s32 $0xFFFFE890  }
0x4a: {  	[spmem:s2] =	stream.indirect.scatter.add.f32 [tilespmem:s19], [sflag:$0x1], $0x30, s23, s15, $0xb8;
	[tilespmem:$0x17390] =	vst v63  }
0x4b: {  	_ =	swait.ge [sflag:s11], $0x1770  }
0x4c: {  	[sflag:s11] =	ssyncset.done $0x0  }
0x4d: {  	[sflag:s11] =	ssyncadd.s32 $0xFFFFE890  }
0x4e: {  	[bflag:$0x0] =	sbarrier.arrive $0xFFFF  }
0x4f: {  	[tilespmem:s10], [sflag:$0x1] =	stream.linear.gather [spmem:s5], $0x7530, $0x38;
	[tilespmem:$0x17390] =	vst v63  }
0x50: {  	s20 =	sadd.s32 $0x1, s20;
	_ =	swait.ge [sflag:s11], $0x7530  }
0x51: {  	p0 =	sne.s32 s20, s8;
	[sflag:s11] =	ssyncset.done $0x0  }
.Ltmp1:
0x52: {  	[sflag:s11] =	ssyncadd.s32 $0xFFFF8AD0;
	(pc) =	sbr.rel @p0 .LBB2_1-.Ltmp1, $4  }
0x53: {  	[hbm4b:s7+s12] =	stream.strided.scatter [tilespmem:s10], [sflag:$0x1], $0x7530, s13, s12, $0x38;
	[tilespmem:$0x17390] =	vst v63  }
0x54: {  	_ =	swait.ge [sflag:s11], $0x7530  }
0x55: {  	[sflag:s11] =	ssyncset.done $0x0  }
0x56: {  	[sflag:s11] =	ssyncadd.s32 $0xFFFF8AD0  }
0x57: {  	_ =	sfence.sel $0x180000  }
0x58: {  	[bflag:$0x0] =	sbarrier.arrive $0xFFFF  }
0x59: {  	p0 =	sne.s32 s0, $0x0;
	_ =	strace $0x90000050  }
0x5a: {  	s0 =	sadd.s32 @!p0 $0x100000, s1;
	[bflag:$0x2] =	sbarrier.arrive $0xFFFF  }
0x5b: {  	[sflag:s0] =	ssyncadd.tile.s32 @!p0 $0x1;
	_ =	shalt  }
.Lfunc_end2:
_tile_overlayer_lowered:
.L_overlay_start_2:
0x5c: {  	(tag) =	ssettag $0x2  }
0x5d: {  	s0 =	rddreg [dreg:$0x0];
	s2 =	stileid.u32  }
0x5e: {  	s1 =	rddreg [dreg:$0x1];
	p0 =	sne.s32 s2, $0x0  }
0x5f: {  	s3 =	rddreg [dreg:$0x2];
	[bflag:$0x3] =	sbarrier.arrive $0xFFFF;
	s2 =	simm.s32 @!p0 $0x1C01  }
0x60: {  	[timem:s3], [sflag:s2] =	dma.local @!p0 [hbm:s0], s1  }
0x61: {  	s0 =	simm.s32 @!p0 $0x1  }
0x62: {  	_ =	swait.ge @!p0 [sflag:s0], s1  }
0x63: {  	s1 =	ssub.s32 @!p0 $0x0, s1;
	[sflag:s0] =	ssyncset.done @!p0 $0x0  }
0x64: {  	[sflag:s0] =	ssyncadd.s32 @!p0 s1  }
0x65: {  	[bflag:$0x3] =	sbarrier.arrive $0xFFFF  }
0x66: {  	_ =	shalt  }

// kernel: kernel.28.cloned.1.call-start
scs
__scs_entry_jumppad:
0x0: {  	(pc) =	sbr.rel $0x88, $3  }
0x1: {  	(tag) =	ssettag $0x0;
	lr =	simm.s32 $0x1  }
0x2: {  	[smem:$0x3F94] =	sst lr;
	_ =	strace $0xD0000000  }
0x3: {  	_ = 	snop  }
0x4: {  	_ = 	snop  }
0x5: {  	_ = 	snop  }
0x6: {  	_ = 	snop  }
0x7: {  	_ = 	snop  }
__scs_overlays_trampoline_lowered:
0x8: {  	[smem:$0x3FA3] =	sst s0  }
0x9: {  	[smem:$0x3FA4] =	sst s1  }
0xa: {  	[smem:$0x3FA5] =	sst s2  }
0xb: {  	[smem:$0x3FA6] =	sst s3  }
0xc: {  	[smem:$0x3FA7] =	sst s4  }
0xd: {  	[smem:$0x3FA8] =	sst s5  }
0xe: {  	[smem:$0x3FA9] =	sst s6  }
0xf: {  	[smem:$0x3FAA] =	sst s7  }
0x10: {  	[smem:$0x3FAB] =	sst s8  }
0x11: {  	[smem:$0x3FAC] =	sst s9;
	s0 =	simm.s32 @!p0 $0x0  }
0x12: {  	s1 =	sld [smem:$0x3F92];
	s0 =	simm.s32 @p0 $0x1  }
0x13: {  	[smem:$0x3FAD] =	sst s0;
	s0 =	simm.s32 @!p1 $0x0  }
0x14: {  	s2 =	sld [smem:$0x3F91];
	s0 =	simm.s32 @p1 $0x1  }
0x15: {  	[smem:$0x3FAE] =	sst s0;
	s0 =	simm.s32 @!p2 $0x0  }
0x16: {  	s3 =	sld [smem:$0x3FDB];
	s0 =	simm.s32 @p2 $0x1  }
0x17: {  	s4 =	simm.s32 $0x1BF5;
	[smem:$0x3FB0] =	sst s0  }
0x18: {  	s0 =	sld [smem:$0x3F93];
	_ =	swait.ge [sflag:s4], $0x0  }
0x19: {  	s7 =	sld [smem:$0x3F94]  }
0x1a: {  	s8 =	sadd.s32 $0xFFFFE003, lr  }
0x1b: {  	s9 =	sadd.s32 $0xFFFFFEF7, lr;
	s5 =	simm.s32 $0xFFFFFFFF;
	p2 =	slt.u32 s8, $0xFFFFF086  }
0x1c: {  	p1 =	slt.u32 s9, $0xF7A;
	s5 =	simm.s32 @!p2 $0x0  }
0x1d: {  	s5 =	simm.s32 @p1 $0x1;
	p0 =	seq.s32 s7, s2  }
0x1e: {  	s7 =	smul.u32 @!p0 $0xF7A, s2;
	p2 =	seq.s32 @!p0 s5, $0x0  }
0x1f: {  	s9 =	smul.u32 $0xF7A, s1;
	s8 =	simm.s32 @!p0 $0x1BF5;
	p2 =	por !p2, p0  }
0x20: {  	[sflag:s8] =	ssyncset.s32 @!p0 $0xFFFFF086;
	s6 =	sadd.s32 @!p0 s3, s7;
	s7 =	simm.s32 @!p0 $0x108  }
0x21: {  	s3 =	sadd.s32 s3, s9;
	s6 =	sadd.s32 @!p0 $0x88, s6;
	s7 =	simm.s32 @p2 $0x1082  }
0x22: {  	[simem:s7], [sflag:s8] =	dma.local @!p0 [hbm:s6], $0xF7A  }
0x23: {  	s9 =	sor.u32 $0xD0000000, s2;
	s6 =	simm.s32 $0x108;
	_ =	swait.ge @!p0 [sflag:s8], $0x0  }
0x24: {  	s3 =	sadd.s32 $0x88, s3;
	s6 =	simm.s32 @!p1 $0x1082;
	[sflag:s4] =	ssyncset.s32 $0xFFFFF086  }
0x25: {  	[simem:s6], [sflag:s4] =	dma.local [hbm:s3], $0xF7A  }
0x26: {  	[smem:$0x3F94] =	sst s1;
	(tag) =	ssettag s2;
	_ =	strace s9  }
0x27: {  	s1 =	sld [smem:$0x3FA4]  }
0x28: {  	s2 =	sld [smem:$0x3FA5]  }
0x29: {  	s4 =	sld [smem:$0x3FA7]  }
0x2a: {  	p0 =	seq.s32 s5, $0x0;
	s5 =	sld [smem:$0x3FA8]  }
0x2b: {  	s6 =	sld [smem:$0x3FA9]  }
0x2c: {  	s7 =	sld [smem:$0x3FAA]  }
0x2d: {  	s3 =	simm.s32 $0x108;
	s8 =	sld [smem:$0x3FAB]  }
0x2e: {  	s3 =	simm.s32 @!p0 $0x1082;
	s9 =	sld [smem:$0x3FAC]  }
0x2f: {  	lr =	sadd.s32 s0, s3;
	s0 =	sld [smem:$0x3FA3]  }
0x30: {  	s3 =	sld [smem:$0x3FA6]  }
0x31: {  	[smem:$0x3FAF] =	sst s10  }
0x32: {  	s10 =	sld [smem:$0x3FAD];
	_ =	sdelay $0x3  }
0x33: {  	p0 =	seq.s32 s10, $0x1;
	s10 =	sld [smem:$0x3FAF];
	_ =	sdelay $0x3  }
0x34: {  	[smem:$0x3FAF] =	sst s10  }
0x35: {  	s10 =	sld [smem:$0x3FAE];
	_ =	sdelay $0x3  }
0x36: {  	p1 =	seq.s32 s10, $0x1;
	s10 =	sld [smem:$0x3FAF];
	_ =	sdelay $0x3  }
0x37: {  	[smem:$0x3FAF] =	sst s10  }
0x38: {  	s10 =	sld [smem:$0x3FB0]  }
0x39: {  	_ = 	snop;
	(pc) =	sbr.ind lr, $3  }
0x3a: {  	_ = 	snop  }
0x3b: {  	_ = 	snop  }
0x3c: {  	p2 =	seq.s32 s10, $0x1;
	s10 =	sld [smem:$0x3FAF]  }
0x3d: {  	_ =	shalt  }
0x3e: {  	_ =	shalt  }
0x3f: {  	_ =	shalt  }
0x40: {  	_ =	shalt  }
0x41: {  	_ =	shalt  }
0x42: {  	_ =	shalt  }
0x43: {  	_ =	shalt  }
0x44: {  	_ =	shalt  }
0x45: {  	_ =	shalt  }
0x46: {  	_ =	shalt  }
0x47: {  	_ =	shalt  }
0x48: {  	_ =	shalt  }
0x49: {  	_ =	shalt  }
0x4a: {  	_ =	shalt  }
0x4b: {  	_ =	shalt  }
0x4c: {  	_ =	shalt  }
0x4d: {  	_ =	shalt  }
0x4e: {  	_ =	shalt  }
0x4f: {  	_ =	shalt  }
0x50: {  	_ =	shalt  }
0x51: {  	_ =	shalt  }
0x52: {  	_ =	shalt  }
0x53: {  	_ =	shalt  }
0x54: {  	_ =	shalt  }
0x55: {  	_ =	shalt  }
0x56: {  	_ =	shalt  }
0x57: {  	_ =	shalt  }
0x58: {  	_ =	shalt  }
0x59: {  	_ =	shalt  }
0x5a: {  	_ =	shalt  }
0x5b: {  	_ =	shalt  }
0x5c: {  	_ =	shalt  }
0x5d: {  	_ =	shalt  }
0x5e: {  	_ =	shalt  }
0x5f: {  	_ =	shalt  }
0x60: {  	_ =	shalt  }
0x61: {  	_ =	shalt  }
0x62: {  	_ =	shalt  }
0x63: {  	_ =	shalt  }
0x64: {  	_ =	shalt  }
0x65: {  	_ =	shalt  }
0x66: {  	_ =	shalt  }
0x67: {  	_ =	shalt  }
0x68: {  	_ =	shalt  }
0x69: {  	_ =	shalt  }
0x6a: {  	_ =	shalt  }
0x6b: {  	_ =	shalt  }
0x6c: {  	_ =	shalt  }
0x6d: {  	_ =	shalt  }
0x6e: {  	_ =	shalt  }
0x6f: {  	_ =	shalt  }
0x70: {  	_ =	shalt  }
0x71: {  	_ =	shalt  }
0x72: {  	_ =	shalt  }
0x73: {  	_ =	shalt  }
0x74: {  	_ =	shalt  }
0x75: {  	_ =	shalt  }
0x76: {  	_ =	shalt  }
0x77: {  	_ =	shalt  }
0x78: {  	_ =	shalt  }
0x79: {  	_ =	shalt  }
0x7a: {  	_ =	shalt  }
0x7b: {  	_ =	shalt  }
0x7c: {  	_ =	shalt  }
0x7d: {  	_ =	shalt  }
0x7e: {  	_ =	shalt  }
0x7f: {  	_ =	shalt  }
0x80: {  	_ =	shalt  }
0x81: {  	_ =	shalt  }
0x82: {  	_ =	shalt  }
0x83: {  	_ =	shalt  }
0x84: {  	_ =	shalt  }
0x85: {  	_ =	shalt  }
0x86: {  	_ =	shalt  }
0x87: {  	_ =	shalt  }
.Lfunc_end0:
.L_simem_size_0:
called_computation.4_lowered:
.L_overlay_start_0:
0x88: {  	s2 =	sld [smem:$0x3FD9]  }
0x89: {  	s3 =	sld [smem:$0x3FFE];
	_ =	sdelay $0x1  }
0x8a: {  	s1 =	srdreg.scid  }
0x8b: {  	s0 =	sand.u32 $0x1, s1  }
0x8c: {  	s16 =	sshll.u32 s0, $0xA;
	s2 =	sadd.s32 s3, s2  }
0x8d: {  	s2 =	sadd.s32 s2, s16  }
0x8e: {  	[smem:$0x3FBB] =	sst s2  }
0x8f: {  	_ = 	snop  }
0x90: {  	(tm) =	ssettm $0x1  }
0x91: {  	s17 =	sld [smem:$0x3FFB];
	_ =	sdelay $0x3  }
0x92: {  	_ =	strace s17  }
0x93: {  	s2 =	sld [smem:$0x3FFC];
	_ =	sdelay $0x3  }
0x94: {  	_ =	strace s2  }
0x95: {  	s2 =	sld [smem:$0x3FFD];
	_ =	sdelay $0x3  }
0x96: {  	_ =	strace s2  }
0x97: {  	_ =	strace $0x8FFFFFFF  }
0x98: {  	s18 =	sld [smem:$0x3FDB];
	_ =	sdelay $0x1  }
0x99: {  	s19 =	simm.s32 $_scs_section_size  }
0x9a: {  	s4 =	simm.s32 $_size__tile_overlayer_lowered;
	s5 =	simm.s32 $_tile_overlayer_lowered  }
0x9b: {  	s22 =	simm.s32 $0x1BFF;
	s21 =	sshll.u32 s5, $0x1;
	s2 =	sadd.s32 s19, s18  }
0x9c: {  	s6 =	simm.s32 $0x0;
	s20 =	sshll.u32 s4, $0x1;
	s4 =	sadd.s32 s21, s2  }
0x9d: {  	[timem:s6], [sflag:s22] =	dma.local [hbm:s4], s20  }
0x9e: {  	_ =	swait.ge [sflag:s22], s20  }
0x9f: {  	s3 =	ssub.s32 $0x0, s20;
	[sflag:s22] =	ssyncset.done $0x0  }
0xa0: {  	[sflag:s22] =	ssyncadd.s32 s3;
	_ =	sdelay $0x1  }
0xa1: {  	s23 =	simm.s32 $0x1B8B  }
0xa2: {  	_ =	swait.ge [sflag:s23], $0x1  }
0xa3: {  	[sflag:s23] =	ssyncset.done $0x0  }
0xa4: {  	s25 =	simm.s32 $0x1B8E;
	s24 =	sld [smem:$0x3FFE];
	[sflag:s23] =	ssyncadd.s32 $0xFFFFFFFF  }
0xa5: {  	s26 =	simm.s32 $execute0_lowered;
	[smem:$0x3FD2] =	sst s25  }
0xa6: {  	s4 =	sshll.u32 s26, $0x1;
	_ =	strace $0x80000052;
	[dreg:$0x1] =	wrdreg $0xFFFFFFFF  }
0xa7: {  	s28 =	simm.s32 $_size_execute0_lowered;
	s2 =	sadd.s32 s2, s4;
	[dreg:$0x0] =	wrdreg $0x0  }
0xa8: {  	s4 =	sshll.u32 s28, $0x1;
	[dreg:$0x2] =	wrdreg s2  }
0xa9: {  	[dreg:$0x3] =	wrdreg s4  }
0xaa: {  	[dreg:$0x4] =	wrdreg $0xC0  }
0xab: {  	_ =	task [dreg:s6], $0x5FFFF  }
0xac: {  	[dreg:$0x1] =	wrdreg $0xFFFFFFFF  }
0xad: {  	[dreg:$0x0] =	wrdreg $0x60  }
0xae: {  	[dreg:$0x2] =	wrdreg s24  }
0xaf: {  	[dreg:$0x3] =	wrdreg $0x9  }
0xb0: {  	_ =	task.clear_ibuf [dreg:s6], $0x4FFFF;
	_ =	strace $0x90000052  }
0xb1: {  	s29 =	simm.s32 $0x9;
	_ =	strace $0x80000054  }
0xb2: {  	_ =	swait.ge [sflag:s29], $0x1  }
0xb3: {  	[sflag:s29] =	ssyncadd.s32 $0xFFFFFFFF  }
0xb4: {  	_ =	strace $0x90000054  }
0xb5: {  	_ =	sfence  }
0xb6: {  	s30 =	sld [smem:$0x0];
	_ =	sdelay $0x2  }
0xb7: {  	s31 =	sshll.u32 s1, $0xD;
	s1 =	sshrl.u32 s1, $0x2  }
0xb8: {  	s3 =	sand.u32 $0x4000, s31;
	s1 =	sadd.s32 s1, s30  }
0xb9: {  	s0 =	sor.u32 s3, s0;
	s1 =	sshll.u32 s1, $0x11  }
0xba: {  	s0 =	sor.u32 s1, s0  }
0xbb: {  	s0 =	sadd.s32 $0x8F2B, s0  }
0xbc: {  	[sflag:s0] =	ssyncadd.remote.s32 $0x1  }
0xbd: {  	_ =	sfence.sel $0xFFFF  }
0xbe: {  	[dreg:$0x0] =	wrdreg $0xFFFFFFFF;
	(pc) =	sbr.abs _section_cstart, $3  }
0xbf: {  	[dreg:$0x1] =	wrdreg $0xFFFFFFFF  }
0xc0: {  	_ =	task.clear_ibuf [dreg:s6], $0x2FFFF;
	_ =	strace $0x9FFFFFFF  }
0xc1: {  	(tm) =	ssettm $0x7FFFFFFF  }
tec
execute0_lowered:
.L_overlay_start_1:
0x0: {  	(tag) =	ssettag $0x1  }
0x1: {  	s4 =	rddreg [dreg:$0x0]  }
0x2: {  	s0 =	rddreg [dreg:$0x1];
	s2 =	simm.s32 $0x0;
	s1 =	srdreg.scid  }
0x3: {  	s10 =	simm.s32 $0x80;
	s11 =	simm.s32 $0x4280;
	s12 =	simm.s32 $0x100  }
0x4: {  	s13 =	simm.s32 $0x8100;
	s14 =	simm.s32 $0x180;
	s15 =	simm.s32 $0xBF80  }
0x5: {  	s16 =	simm.s32 $0x200;
	s17 =	simm.s32 $0xFE00;
	s18 =	simm.s32 $0x280  }
0x6: {  	s19 =	simm.s32 $0x13C80;
	s20 =	simm.s32 $0x300;
	s21 =	simm.s32 $0x17B00  }
0x7: {  	s22 =	simm.s32 $0x380;
	s23 =	simm.s32 $0x1B980;
	s5 =	sand.u32 $0x1, s1  }
0x8: {  	s24 =	simm.s32 $0x1;
	s1 =	stileid.u32;
	s6 =	smul.u32 $0x14000, s5  }
0x9: {  	s25 =	simm.s32 $0x0;
	[smem:$0x7FF] =	sst s2;
	s7 =	smul.u32 $0x1400, s1  }
0xa: {  	s3 =	sadd.s32 $0x33600, s4;
	s8 =	smul.u32 $0x138800, s5;
	s5 =	ssub.s32 $0x2, s5  }
0xb: {  	_ =	strace $0x80000053;
	s9 =	smul.u32 $0x13880, s1;
	s30 =	sshrl.u32 s5, $0x1  }
0xc: {  	s6 =	sadd.s32 s7, s6;
	s8 =	sadd.s32 s8, s4;
	s5 =	ssub.s32 s5, s30  }
0xd: {  	s7 =	simm.s32 $0x2;
	s6 =	sshrl.u32 s6, $0x3;
	s31 =	sadd.s32 s9, s8  }
0xe: {  	s8 =	simm.s32 $0x7D;
	s9 =	simm.s32 $0x400;
	s6 =	sadd.s32 s6, s4  }
0xf: {  	s4 =	smax.u32 s5, $0x1;
	s5 =	sadd.s32 $0x7400, s6;
	s6 =	sadd.s32 $0x2D3000, s31  }
.LBB2_1:
0x10: {  	s26 =	sadd.s32 $0x0, s5  }
0x11: {  	[tilespmem:s2], [sflag:$0x2] =	stream.linear.gather [hbm4b:s26+s2], $0x400, $0x38;
	[tilespmem:$0x1F800] =	vst v63  }
0x12: {  	_ =	swait.ge [sflag:s7], $0x400  }
0x13: {  	[sflag:s7] =	ssyncset.done $0x0  }
0x14: {  	[sflag:s7] =	ssyncadd.s32 $0xFFFFFC00  }
0x15: {  	[tilespmem:s9], [sflag:$0x1] =	stream.indirect.gather [hbm4b:s3+s8], $0x80, s2, s8, $0xb8;
	[tilespmem:$0x1F800] =	vst v63  }
0x16: {  	_ = 	snop  }
0x17: {  	[tilespmem:s11], [sflag:$0x1] =	stream.indirect.gather [hbm4b:s3+s8], $0x80, s10, s8, $0xb8;
	[tilespmem:$0x1F800] =	vst v63  }
0x18: {  	_ = 	snop  }
0x19: {  	[tilespmem:s13], [sflag:$0x1] =	stream.indirect.gather [hbm4b:s3+s8], $0x80, s12, s8, $0xb8;
	[tilespmem:$0x1F800] =	vst v63  }
0x1a: {  	_ = 	snop  }
0x1b: {  	[tilespmem:s15], [sflag:$0x1] =	stream.indirect.gather [hbm4b:s3+s8], $0x80, s14, s8, $0xb8;
	[tilespmem:$0x1F800] =	vst v63  }
0x1c: {  	_ = 	snop  }
0x1d: {  	[tilespmem:s17], [sflag:$0x1] =	stream.indirect.gather [hbm4b:s3+s8], $0x80, s16, s8, $0xb8;
	[tilespmem:$0x1F800] =	vst v63  }
0x1e: {  	_ = 	snop  }
0x1f: {  	[tilespmem:s19], [sflag:$0x1] =	stream.indirect.gather [hbm4b:s3+s8], $0x80, s18, s8, $0xb8;
	[tilespmem:$0x1F800] =	vst v63  }
0x20: {  	_ = 	snop  }
0x21: {  	[tilespmem:s21], [sflag:$0x1] =	stream.indirect.gather [hbm4b:s3+s8], $0x80, s20, s8, $0xb8;
	[tilespmem:$0x1F800] =	vst v63  }
0x22: {  	_ = 	snop  }
0x23: {  	[tilespmem:s23], [sflag:$0x1] =	stream.indirect.gather [hbm4b:s3+s8], $0x80, s22, s8, $0xb8;
	[tilespmem:$0x1F800] =	vst v63  }
0x24: {  	_ =	swait.ge [sflag:s24], $0x3E80  }
0x25: {  	[sflag:s24] =	ssyncset.done $0x0  }
0x26: {  	[sflag:s24] =	ssyncadd.s32 $0xFFFFC180  }
0x27: {  	_ =	swait.ge [sflag:s24], $0x3E80  }
0x28: {  	[sflag:s24] =	ssyncset.done $0x0  }
0x29: {  	[sflag:s24] =	ssyncadd.s32 $0xFFFFC180  }
0x2a: {  	_ =	swait.ge [sflag:s24], $0x3E80  }
0x2b: {  	[sflag:s24] =	ssyncset.done $0x0  }
0x2c: {  	[sflag:s24] =	ssyncadd.s32 $0xFFFFC180  }
0x2d: {  	_ =	swait.ge [sflag:s24], $0x3E80  }
0x2e: {  	[sflag:s24] =	ssyncset.done $0x0  }
0x2f: {  	[sflag:s24] =	ssyncadd.s32 $0xFFFFC180  }
0x30: {  	_ =	swait.ge [sflag:s24], $0x3E80  }
0x31: {  	[sflag:s24] =	ssyncset.done $0x0  }
0x32: {  	[sflag:s24] =	ssyncadd.s32 $0xFFFFC180  }
0x33: {  	_ =	swait.ge [sflag:s24], $0x3E80  }
0x34: {  	[sflag:s24] =	ssyncset.done $0x0  }
0x35: {  	[sflag:s24] =	ssyncadd.s32 $0xFFFFC180  }
0x36: {  	_ =	swait.ge [sflag:s24], $0x3E80  }
0x37: {  	[sflag:s24] =	ssyncset.done $0x0  }
0x38: {  	[sflag:s24] =	ssyncadd.s32 $0xFFFFC180  }
0x39: {  	_ =	swait.ge [sflag:s24], $0x3E80  }
0x3a: {  	[sflag:s24] =	ssyncset.done $0x0  }
0x3b: {  	[sflag:s24] =	ssyncadd.s32 $0xFFFFC180  }
0x3c: {  	[hbm4b:s6+s2] =	stream.linear.scatter [tilespmem:s9], [sflag:$0x2], $0x1F400, $0x38;
	[tilespmem:$0x1F800] =	vst v63  }
0x3d: {  	s28 =	simm.s32 $0x80;
	_ =	swait.ge [sflag:s7], $0x1F400  }
0x3e: {  	s30 =	simm.s32 $0x100;
	s26 =	sadd.s32 $0x3E80, s6;
	[sflag:s7] =	ssyncset.done $0x0  }
.LBB2_2:
0x3f: {  	s31 =	sadd.s32 s28, s5  }
0x40: {  	[sflag:s7] =	ssyncadd.s32 $0xFFFE0C00;
	s28 =	smov.u32 s30;
	s29 =	sadd.s32 $0x80, s30  }
0x41: {  	[tilespmem:s2], [sflag:$0x2] =	stream.linear.gather [hbm4b:s31+s2], $0x400, $0x38;
	[tilespmem:$0x1F800] =	vst v63  }
0x42: {  	p0 =	sne.s32 s30, $0x200;
	_ =	swait.ge [sflag:s7], $0x400  }
0x43: {  	[sflag:s7] =	ssyncset.done $0x0  }
0x44: {  	[sflag:s7] =	ssyncadd.s32 $0xFFFFFC00  }
0x45: {  	[tilespmem:s9], [sflag:$0x1] =	stream.indirect.gather [hbm4b:s3+s8], $0x80, s2, s8, $0xb8;
	[tilespmem:$0x1F800] =	vst v63  }
0x46: {  	_ = 	snop  }
0x47: {  	[tilespmem:s11], [sflag:$0x1] =	stream.indirect.gather [hbm4b:s3+s8], $0x80, s10, s8, $0xb8;
	[tilespmem:$0x1F800] =	vst v63  }
0x48: {  	_ = 	snop  }
0x49: {  	[tilespmem:s13], [sflag:$0x1] =	stream.indirect.gather [hbm4b:s3+s8], $0x80, s12, s8, $0xb8;
	[tilespmem:$0x1F800] =	vst v63  }
0x4a: {  	_ = 	snop  }
0x4b: {  	[tilespmem:s15], [sflag:$0x1] =	stream.indirect.gather [hbm4b:s3+s8], $0x80, s14, s8, $0xb8;
	[tilespmem:$0x1F800] =	vst v63  }
0x4c: {  	_ = 	snop  }
0x4d: {  	[tilespmem:s17], [sflag:$0x1] =	stream.indirect.gather [hbm4b:s3+s8], $0x80, s16, s8, $0xb8;
	[tilespmem:$0x1F800] =	vst v63  }
0x4e: {  	_ = 	snop  }
0x4f: {  	[tilespmem:s19], [sflag:$0x1] =	stream.indirect.gather [hbm4b:s3+s8], $0x80, s18, s8, $0xb8;
	[tilespmem:$0x1F800] =	vst v63  }
0x50: {  	_ = 	snop  }
0x51: {  	[tilespmem:s21], [sflag:$0x1] =	stream.indirect.gather [hbm4b:s3+s8], $0x80, s20, s8, $0xb8;
	[tilespmem:$0x1F800] =	vst v63  }
0x52: {  	_ = 	snop  }
0x53: {  	[tilespmem:s23], [sflag:$0x1] =	stream.indirect.gather [hbm4b:s3+s8], $0x80, s22, s8, $0xb8;
	[tilespmem:$0x1F800] =	vst v63  }
0x54: {  	_ =	swait.ge [sflag:s24], $0x3E80  }
0x55: {  	[sflag:s24] =	ssyncset.done $0x0  }
0x56: {  	[sflag:s24] =	ssyncadd.s32 $0xFFFFC180  }
0x57: {  	_ =	swait.ge [sflag:s24], $0x3E80  }
0x58: {  	[sflag:s24] =	ssyncset.done $0x0  }
0x59: {  	[sflag:s24] =	ssyncadd.s32 $0xFFFFC180  }
0x5a: {  	_ =	swait.ge [sflag:s24], $0x3E80  }
0x5b: {  	[sflag:s24] =	ssyncset.done $0x0  }
0x5c: {  	[sflag:s24] =	ssyncadd.s32 $0xFFFFC180  }
0x5d: {  	_ =	swait.ge [sflag:s24], $0x3E80  }
0x5e: {  	[sflag:s24] =	ssyncset.done $0x0  }
0x5f: {  	[sflag:s24] =	ssyncadd.s32 $0xFFFFC180  }
0x60: {  	_ =	swait.ge [sflag:s24], $0x3E80  }
0x61: {  	[sflag:s24] =	ssyncset.done $0x0  }
0x62: {  	[sflag:s24] =	ssyncadd.s32 $0xFFFFC180  }
0x63: {  	_ =	swait.ge [sflag:s24], $0x3E80  }
0x64: {  	[sflag:s24] =	ssyncset.done $0x0  }
0x65: {  	[sflag:s24] =	ssyncadd.s32 $0xFFFFC180  }
0x66: {  	_ =	swait.ge [sflag:s24], $0x3E80  }
0x67: {  	[sflag:s24] =	ssyncset.done $0x0  }
0x68: {  	[sflag:s24] =	ssyncadd.s32 $0xFFFFC180  }
0x69: {  	_ =	swait.ge [sflag:s24], $0x3E80  }
.Ltmp0:
0x6a: {  	[sflag:s24] =	ssyncset.done $0x0;
	(pc) =	sbr.rel @p0 .LBB2_2-.Ltmp0, $4  }
0x6b: {  	[sflag:s24] =	ssyncadd.s32 $0xFFFFC180  }
0x6c: {  	[hbm4b:s26+s2] =	stream.linear.scatter [tilespmem:s9], [sflag:$0x2], $0x1F400, $0x38;
	[tilespmem:$0x1F800] =	vst v63  }
0x6d: {  	_ =	swait.ge [sflag:s7], $0x1F400  }
0x6e: {  	s30 =	smov.u32 s29;
	s26 =	sadd.s32 $0x3E80, s26;
	[sflag:s7] =	ssyncset.done $0x0  }
0x6f: {  	s28 =	sadd.s32 s28, s5;
	[sflag:s7] =	ssyncadd.s32 $0xFFFE0C00  }
0x70: {  	[tilespmem:s2], [sflag:$0x2] =	stream.linear.gather [hbm4b:s28+s2], $0x400, $0x38;
	[tilespmem:$0x1F800] =	vst v63  }
0x71: {  	_ =	swait.ge [sflag:s7], $0x400  }
0x72: {  	[sflag:s7] =	ssyncset.done $0x0  }
0x73: {  	[sflag:s7] =	ssyncadd.s32 $0xFFFFFC00  }
0x74: {  	[tilespmem:s9], [sflag:$0x1] =	stream.indirect.gather [hbm4b:s3+s8], $0x80, s2, s8, $0xb8;
	[tilespmem:$0x1F800] =	vst v63  }
0x75: {  	_ = 	snop  }
0x76: {  	[tilespmem:s11], [sflag:$0x1] =	stream.indirect.gather [hbm4b:s3+s8], $0x80, s10, s8, $0xb8;
	[tilespmem:$0x1F800] =	vst v63  }
0x77: {  	_ = 	snop  }
0x78: {  	[tilespmem:s13], [sflag:$0x1] =	stream.indirect.gather [hbm4b:s3+s8], $0x80, s12, s8, $0xb8;
	[tilespmem:$0x1F800] =	vst v63  }
0x79: {  	_ = 	snop  }
0x7a: {  	[tilespmem:s15], [sflag:$0x1] =	stream.indirect.gather [hbm4b:s3+s8], $0x80, s14, s8, $0xb8;
	[tilespmem:$0x1F800] =	vst v63  }
0x7b: {  	_ = 	snop  }
0x7c: {  	[tilespmem:s17], [sflag:$0x1] =	stream.indirect.gather [hbm4b:s3+s8], $0x80, s16, s8, $0xb8;
	[tilespmem:$0x1F800] =	vst v63  }
0x7d: {  	_ = 	snop  }
0x7e: {  	[tilespmem:s19], [sflag:$0x1] =	stream.indirect.gather [hbm4b:s3+s8], $0x80, s18, s8, $0xb8;
	[tilespmem:$0x1F800] =	vst v63  }
0x7f: {  	_ = 	snop  }
0x80: {  	[tilespmem:s21], [sflag:$0x1] =	stream.indirect.gather [hbm4b:s3+s8], $0x80, s20, s8, $0xb8;
	[tilespmem:$0x1F800] =	vst v63  }
0x81: {  	_ = 	snop  }
0x82: {  	[tilespmem:s23], [sflag:$0x1] =	stream.indirect.gather [hbm4b:s3+s8], $0x80, s22, s8, $0xb8;
	[tilespmem:$0x1F800] =	vst v63  }
0x83: {  	_ =	swait.ge [sflag:s24], $0x3E80  }
0x84: {  	[sflag:s24] =	ssyncset.done $0x0  }
0x85: {  	[sflag:s24] =	ssyncadd.s32 $0xFFFFC180  }
0x86: {  	_ =	swait.ge [sflag:s24], $0x3E80  }
0x87: {  	[sflag:s24] =	ssyncset.done $0x0  }
0x88: {  	[sflag:s24] =	ssyncadd.s32 $0xFFFFC180  }
0x89: {  	_ =	swait.ge [sflag:s24], $0x3E80  }
0x8a: {  	[sflag:s24] =	ssyncset.done $0x0  }
0x8b: {  	[sflag:s24] =	ssyncadd.s32 $0xFFFFC180  }
0x8c: {  	_ =	swait.ge [sflag:s24], $0x3E80  }
0x8d: {  	[sflag:s24] =	ssyncset.done $0x0  }
0x8e: {  	[sflag:s24] =	ssyncadd.s32 $0xFFFFC180  }
0x8f: {  	_ =	swait.ge [sflag:s24], $0x3E80  }
0x90: {  	[sflag:s24] =	ssyncset.done $0x0  }
0x91: {  	[sflag:s24] =	ssyncadd.s32 $0xFFFFC180  }
0x92: {  	_ =	swait.ge [sflag:s24], $0x3E80  }
0x93: {  	[sflag:s24] =	ssyncset.done $0x0  }
0x94: {  	[sflag:s24] =	ssyncadd.s32 $0xFFFFC180  }
0x95: {  	_ =	swait.ge [sflag:s24], $0x3E80  }
0x96: {  	[sflag:s24] =	ssyncset.done $0x0  }
0x97: {  	[sflag:s24] =	ssyncadd.s32 $0xFFFFC180  }
0x98: {  	s25 =	sadd.s32 $0x1, s25;
	_ =	swait.ge [sflag:s24], $0x3E80  }
0x99: {  	p0 =	sne.s32 s25, s4;
	[sflag:s24] =	ssyncset.done $0x0  }
.Ltmp1:
0x9a: {  	[sflag:s24] =	ssyncadd.s32 $0xFFFFC180;
	(pc) =	sbr.rel @p0 .LBB2_1-.Ltmp1, $4  }
0x9b: {  	[hbm4b:s26+s2] =	stream.linear.scatter [tilespmem:s9], [sflag:$0x2], $0x1F400, $0x38;
	[tilespmem:$0x1F800] =	vst v63  }
0x9c: {  	_ =	swait.ge [sflag:s7], $0x1F400  }
0x9d: {  	[sflag:s7] =	ssyncset.done $0x0  }
0x9e: {  	[sflag:s7] =	ssyncadd.s32 $0xFFFE0C00  }
0x9f: {  	_ =	sfence.sel $0x180000  }
0xa0: {  	[bflag:$0x0] =	sbarrier.arrive $0xFFFF  }
0xa1: {  	p0 =	sne.s32 s1, $0x0;
	_ =	strace $0x90000053  }
0xa2: {  	s0 =	sadd.s32 @!p0 $0x100000, s0;
	[bflag:$0x2] =	sbarrier.arrive $0xFFFF  }
0xa3: {  	[sflag:s0] =	ssyncadd.tile.s32 @!p0 $0x1;
	_ =	shalt  }
.Lfunc_end2:
_tile_overlayer_lowered:
.L_overlay_start_2:
0xa4: {  	(tag) =	ssettag $0x2  }
0xa5: {  	s0 =	rddreg [dreg:$0x0];
	s2 =	stileid.u32  }
0xa6: {  	s1 =	rddreg [dreg:$0x1];
	p0 =	sne.s32 s2, $0x0  }
0xa7: {  	s3 =	rddreg [dreg:$0x2];
	[bflag:$0x3] =	sbarrier.arrive $0xFFFF;
	s2 =	simm.s32 @!p0 $0x1C02  }
0xa8: {  	[timem:s3], [sflag:s2] =	dma.local @!p0 [hbm:s0], s1  }
0xa9: {  	s0 =	simm.s32 @!p0 $0x2  }
0xaa: {  	_ =	swait.ge @!p0 [sflag:s0], s1  }
0xab: {  	s1 =	ssub.s32 @!p0 $0x0, s1;
	[sflag:s0] =	ssyncset.done @!p0 $0x0  }
0xac: {  	[sflag:s0] =	ssyncadd.s32 @!p0 s1  }
0xad: {  	[bflag:$0x3] =	sbarrier.arrive $0xFFFF  }
0xae: {  	_ =	shalt  }

// kernel: kernel.31.cloned.1.call-start
scs
__scs_entry_jumppad:
0x0: {  	(pc) =	sbr.rel $0x88, $3  }
0x1: {  	(tag) =	ssettag $0x0;
	lr =	simm.s32 $0x1  }
0x2: {  	[smem:$0x3F94] =	sst lr;
	_ =	strace $0xD0000000  }
0x3: {  	_ = 	snop  }
0x4: {  	_ = 	snop  }
0x5: {  	_ = 	snop  }
0x6: {  	_ = 	snop  }
0x7: {  	_ = 	snop  }
__scs_overlays_trampoline_lowered:
0x8: {  	[smem:$0x3FA3] =	sst s0  }
0x9: {  	[smem:$0x3FA4] =	sst s1  }
0xa: {  	[smem:$0x3FA5] =	sst s2  }
0xb: {  	[smem:$0x3FA6] =	sst s3  }
0xc: {  	[smem:$0x3FA7] =	sst s4  }
0xd: {  	[smem:$0x3FA8] =	sst s5  }
0xe: {  	[smem:$0x3FA9] =	sst s6  }
0xf: {  	[smem:$0x3FAA] =	sst s7  }
0x10: {  	[smem:$0x3FAB] =	sst s8  }
0x11: {  	[smem:$0x3FAC] =	sst s9;
	s0 =	simm.s32 @!p0 $0x0  }
0x12: {  	s1 =	sld [smem:$0x3F92];
	s0 =	simm.s32 @p0 $0x1  }
0x13: {  	[smem:$0x3FAD] =	sst s0;
	s0 =	simm.s32 @!p1 $0x0  }
0x14: {  	s2 =	sld [smem:$0x3F91];
	s0 =	simm.s32 @p1 $0x1  }
0x15: {  	[smem:$0x3FAE] =	sst s0;
	s0 =	simm.s32 @!p2 $0x0  }
0x16: {  	s3 =	sld [smem:$0x3FDB];
	s0 =	simm.s32 @p2 $0x1  }
0x17: {  	s4 =	simm.s32 $0x1BF5;
	[smem:$0x3FB0] =	sst s0  }
0x18: {  	s0 =	sld [smem:$0x3F93];
	_ =	swait.ge [sflag:s4], $0x0  }
0x19: {  	s7 =	sld [smem:$0x3F94]  }
0x1a: {  	s8 =	sadd.s32 $0xFFFFE003, lr  }
0x1b: {  	s9 =	sadd.s32 $0xFFFFFEF7, lr;
	s5 =	simm.s32 $0xFFFFFFFF;
	p2 =	slt.u32 s8, $0xFFFFF086  }
0x1c: {  	p1 =	slt.u32 s9, $0xF7A;
	s5 =	simm.s32 @!p2 $0x0  }
0x1d: {  	s5 =	simm.s32 @p1 $0x1;
	p0 =	seq.s32 s7, s2  }
0x1e: {  	s7 =	smul.u32 @!p0 $0xF7A, s2;
	p2 =	seq.s32 @!p0 s5, $0x0  }
0x1f: {  	s9 =	smul.u32 $0xF7A, s1;
	s8 =	simm.s32 @!p0 $0x1BF5;
	p2 =	por !p2, p0  }
0x20: {  	[sflag:s8] =	ssyncset.s32 @!p0 $0xFFFFF086;
	s6 =	sadd.s32 @!p0 s3, s7;
	s7 =	simm.s32 @!p0 $0x108  }
0x21: {  	s3 =	sadd.s32 s3, s9;
	s6 =	sadd.s32 @!p0 $0x88, s6;
	s7 =	simm.s32 @p2 $0x1082  }
0x22: {  	[simem:s7], [sflag:s8] =	dma.local @!p0 [hbm:s6], $0xF7A  }
0x23: {  	s9 =	sor.u32 $0xD0000000, s2;
	s6 =	simm.s32 $0x108;
	_ =	swait.ge @!p0 [sflag:s8], $0x0  }
0x24: {  	s3 =	sadd.s32 $0x88, s3;
	s6 =	simm.s32 @!p1 $0x1082;
	[sflag:s4] =	ssyncset.s32 $0xFFFFF086  }
0x25: {  	[simem:s6], [sflag:s4] =	dma.local [hbm:s3], $0xF7A  }
0x26: {  	[smem:$0x3F94] =	sst s1;
	(tag) =	ssettag s2;
	_ =	strace s9  }
0x27: {  	s1 =	sld [smem:$0x3FA4]  }
0x28: {  	s2 =	sld [smem:$0x3FA5]  }
0x29: {  	s4 =	sld [smem:$0x3FA7]  }
0x2a: {  	p0 =	seq.s32 s5, $0x0;
	s5 =	sld [smem:$0x3FA8]  }
0x2b: {  	s6 =	sld [smem:$0x3FA9]  }
0x2c: {  	s7 =	sld [smem:$0x3FAA]  }
0x2d: {  	s3 =	simm.s32 $0x108;
	s8 =	sld [smem:$0x3FAB]  }
0x2e: {  	s3 =	simm.s32 @!p0 $0x1082;
	s9 =	sld [smem:$0x3FAC]  }
0x2f: {  	lr =	sadd.s32 s0, s3;
	s0 =	sld [smem:$0x3FA3]  }
0x30: {  	s3 =	sld [smem:$0x3FA6]  }
0x31: {  	[smem:$0x3FAF] =	sst s10  }
0x32: {  	s10 =	sld [smem:$0x3FAD];
	_ =	sdelay $0x3  }
0x33: {  	p0 =	seq.s32 s10, $0x1;
	s10 =	sld [smem:$0x3FAF];
	_ =	sdelay $0x3  }
0x34: {  	[smem:$0x3FAF] =	sst s10  }
0x35: {  	s10 =	sld [smem:$0x3FAE];
	_ =	sdelay $0x3  }
0x36: {  	p1 =	seq.s32 s10, $0x1;
	s10 =	sld [smem:$0x3FAF];
	_ =	sdelay $0x3  }
0x37: {  	[smem:$0x3FAF] =	sst s10  }
0x38: {  	s10 =	sld [smem:$0x3FB0]  }
0x39: {  	_ = 	snop;
	(pc) =	sbr.ind lr, $3  }
0x3a: {  	_ = 	snop  }
0x3b: {  	_ = 	snop  }
0x3c: {  	p2 =	seq.s32 s10, $0x1;
	s10 =	sld [smem:$0x3FAF]  }
0x3d: {  	_ =	shalt  }
0x3e: {  	_ =	shalt  }
0x3f: {  	_ =	shalt  }
0x40: {  	_ =	shalt  }
0x41: {  	_ =	shalt  }
0x42: {  	_ =	shalt  }
0x43: {  	_ =	shalt  }
0x44: {  	_ =	shalt  }
0x45: {  	_ =	shalt  }
0x46: {  	_ =	shalt  }
0x47: {  	_ =	shalt  }
0x48: {  	_ =	shalt  }
0x49: {  	_ =	shalt  }
0x4a: {  	_ =	shalt  }
0x4b: {  	_ =	shalt  }
0x4c: {  	_ =	shalt  }
0x4d: {  	_ =	shalt  }
0x4e: {  	_ =	shalt  }
0x4f: {  	_ =	shalt  }
0x50: {  	_ =	shalt  }
0x51: {  	_ =	shalt  }
0x52: {  	_ =	shalt  }
0x53: {  	_ =	shalt  }
0x54: {  	_ =	shalt  }
0x55: {  	_ =	shalt  }
0x56: {  	_ =	shalt  }
0x57: {  	_ =	shalt  }
0x58: {  	_ =	shalt  }
0x59: {  	_ =	shalt  }
0x5a: {  	_ =	shalt  }
0x5b: {  	_ =	shalt  }
0x5c: {  	_ =	shalt  }
0x5d: {  	_ =	shalt  }
0x5e: {  	_ =	shalt  }
0x5f: {  	_ =	shalt  }
0x60: {  	_ =	shalt  }
0x61: {  	_ =	shalt  }
0x62: {  	_ =	shalt  }
0x63: {  	_ =	shalt  }
0x64: {  	_ =	shalt  }
0x65: {  	_ =	shalt  }
0x66: {  	_ =	shalt  }
0x67: {  	_ =	shalt  }
0x68: {  	_ =	shalt  }
0x69: {  	_ =	shalt  }
0x6a: {  	_ =	shalt  }
0x6b: {  	_ =	shalt  }
0x6c: {  	_ =	shalt  }
0x6d: {  	_ =	shalt  }
0x6e: {  	_ =	shalt  }
0x6f: {  	_ =	shalt  }
0x70: {  	_ =	shalt  }
0x71: {  	_ =	shalt  }
0x72: {  	_ =	shalt  }
0x73: {  	_ =	shalt  }
0x74: {  	_ =	shalt  }
0x75: {  	_ =	shalt  }
0x76: {  	_ =	shalt  }
0x77: {  	_ =	shalt  }
0x78: {  	_ =	shalt  }
0x79: {  	_ =	shalt  }
0x7a: {  	_ =	shalt  }
0x7b: {  	_ =	shalt  }
0x7c: {  	_ =	shalt  }
0x7d: {  	_ =	shalt  }
0x7e: {  	_ =	shalt  }
0x7f: {  	_ =	shalt  }
0x80: {  	_ =	shalt  }
0x81: {  	_ =	shalt  }
0x82: {  	_ =	shalt  }
0x83: {  	_ =	shalt  }
0x84: {  	_ =	shalt  }
0x85: {  	_ =	shalt  }
0x86: {  	_ =	shalt  }
0x87: {  	_ =	shalt  }
.Lfunc_end0:
.L_simem_size_0:
called_computation.5_lowered:
.L_overlay_start_0:
0x88: {  	s2 =	sld [smem:$0x3FD9]  }
0x89: {  	s3 =	sld [smem:$0x3FFE];
	_ =	sdelay $0x1  }
0x8a: {  	s1 =	srdreg.scid  }
0x8b: {  	s0 =	sand.u32 $0x1, s1  }
0x8c: {  	s17 =	sshll.u32 s0, $0xA;
	s2 =	sadd.s32 s3, s2  }
0x8d: {  	s2 =	sadd.s32 s2, s17  }
0x8e: {  	[smem:$0x3FBB] =	sst s2  }
0x8f: {  	_ = 	snop  }
0x90: {  	s2 =	sld [smem:$0x3FD0];
	(tm) =	ssettm $0x1  }
0x91: {  	s18 =	sld [smem:$0x3FFB];
	_ =	sdelay $0x3  }
0x92: {  	_ =	strace s18  }
0x93: {  	s3 =	sld [smem:$0x3FFC];
	_ =	sdelay $0x3  }
0x94: {  	_ =	strace s3  }
0x95: {  	s3 =	sld [smem:$0x3FFD];
	_ =	sdelay $0x3  }
0x96: {  	_ =	strace s3  }
0x97: {  	_ =	strace $0x8FFFFFFF  }
0x98: {  	s19 =	sld [smem:$0x3FDB];
	_ =	sdelay $0x1  }
0x99: {  	s4 =	simm.s32 $_scs_section_size  }
0x9a: {  	s5 =	simm.s32 $_size__tile_overlayer_lowered;
	s6 =	simm.s32 $_tile_overlayer_lowered  }
0x9b: {  	s22 =	simm.s32 $0x1BFF;
	s21 =	sshll.u32 s6, $0x1;
	s3 =	sadd.s32 s4, s19  }
0x9c: {  	s7 =	simm.s32 $0x0;
	s20 =	sshll.u32 s5, $0x1;
	s5 =	sadd.s32 s21, s3  }
0x9d: {  	[timem:s7], [sflag:s22] =	dma.local [hbm:s5], s20  }
0x9e: {  	_ =	swait.ge [sflag:s22], s20  }
0x9f: {  	s4 =	ssub.s32 $0x0, s20;
	[sflag:s22] =	ssyncset.done $0x0  }
0xa0: {  	[sflag:s22] =	ssyncadd.s32 s4;
	_ =	sdelay $0x1  }
0xa1: {  	s23 =	simm.s32 $0x1B8B  }
0xa2: {  	_ =	swait.ge [sflag:s23], $0x1  }
0xa3: {  	[sflag:s23] =	ssyncset.done $0x0  }
0xa4: {  	s25 =	simm.s32 $0x1B8E;
	s24 =	sld [smem:$0x3FFE];
	[sflag:s23] =	ssyncadd.s32 $0xFFFFFFFF  }
0xa5: {  	s26 =	simm.s32 $execute0_lowered;
	[smem:$0x3FD2] =	sst s25  }
0xa6: {  	s5 =	sshll.u32 s26, $0x1;
	_ =	strace $0x80000055;
	[dreg:$0x1] =	wrdreg $0xFFFFFFFF  }
0xa7: {  	s28 =	simm.s32 $_size_execute0_lowered;
	s3 =	sadd.s32 s3, s5;
	[dreg:$0x0] =	wrdreg $0x0  }
0xa8: {  	s5 =	sshll.u32 s28, $0x1;
	[dreg:$0x2] =	wrdreg s3  }
0xa9: {  	[dreg:$0x3] =	wrdreg s5  }
0xaa: {  	[dreg:$0x4] =	wrdreg $0xC0  }
0xab: {  	_ =	task [dreg:s7], $0x5FFFF  }
0xac: {  	[dreg:$0x1] =	wrdreg $0xFFFFFFFF  }
0xad: {  	[dreg:$0x0] =	wrdreg $0x60  }
0xae: {  	[dreg:$0x2] =	wrdreg s24  }
0xaf: {  	[dreg:$0x3] =	wrdreg s2  }
0xb0: {  	[dreg:$0x4] =	wrdreg $0xFE600  }
0xb1: {  	[dreg:$0x5] =	wrdreg $0x9  }
0xb2: {  	_ =	task.clear_ibuf [dreg:s7], $0x6FFFF;
	_ =	strace $0x90000055  }
0xb3: {  	s29 =	simm.s32 $0x9;
	_ =	strace $0x80000057  }
0xb4: {  	_ =	swait.ge [sflag:s29], $0x1  }
0xb5: {  	[sflag:s29] =	ssyncadd.s32 $0xFFFFFFFF  }
0xb6: {  	_ =	strace $0x90000057  }
0xb7: {  	_ =	sfence  }
0xb8: {  	s30 =	sld [smem:$0x0];
	_ =	sdelay $0x2  }
0xb9: {  	s31 =	sshll.u32 s1, $0xD;
	s1 =	sshrl.u32 s1, $0x2  }
0xba: {  	s3 =	sand.u32 $0x4000, s31;
	s1 =	sadd.s32 s1, s30  }
0xbb: {  	s0 =	sor.u32 s3, s0;
	s1 =	sshll.u32 s1, $0x11  }
0xbc: {  	s0 =	sor.u32 s1, s0  }
0xbd: {  	s0 =	sadd.s32 $0x8F2B, s0  }
0xbe: {  	[sflag:s0] =	ssyncadd.remote.s32 $0x1  }
0xbf: {  	_ =	sfence.sel $0xFFFF  }
0xc0: {  	[dreg:$0x0] =	wrdreg $0xFFFFFFFF;
	(pc) =	sbr.abs _section_cstart, $3  }
0xc1: {  	[dreg:$0x1] =	wrdreg $0xFFFFFFFF  }
0xc2: {  	_ =	task.clear_ibuf [dreg:s7], $0x2FFFF;
	_ =	strace $0x9FFFFFFF  }
0xc3: {  	(tm) =	ssettm $0x7FFFFFFF  }
tec
execute0_lowered:
.L_overlay_start_1:
0x0: {  	(tag) =	ssettag $0x1  }
0x1: {  	s4 =	rddreg [dreg:$0x0]  }
0x2: {  	s5 =	rddreg [dreg:$0x1]  }
0x3: {  	s2 =	rddreg [dreg:$0x2]  }
0x4: {  	s0 =	srdreg.scid;
	s1 =	rddreg [dreg:$0x3];
	s3 =	simm.s32 $0x0  }
0x5: {  	s13 =	simm.s32 $0x80;
	s14 =	simm.s32 $0x1400;
	s15 =	simm.s32 $0x7D  }
0x6: {  	s16 =	simm.s32 $0x2B70;
	s17 =	simm.s32 $0x42E0;
	s18 =	simm.s32 $0x5A50  }
0x7: {  	s19 =	simm.s32 $0x71C0;
	s6 =	sand.u32 $0x1, s0;
	s0 =	stileid.u32  }
0x8: {  	s20 =	simm.s32 $0x0;
	[smem:$0x7FF] =	sst s3;
	s7 =	smul.u32 $0x138800, s6  }
0x9: {  	s8 =	smul.u32 $0x13880, s0;
	s9 =	sshll.u32 s6, $0x4;
	_ =	strace $0x80000056  }
0xa: {  	s10 =	smul.u32 $0x7530, s0;
	s6 =	ssub.s32 $0x2, s6;
	s9 =	sor.u32 s0, s9  }
0xb: {  	s31 =	sshrl.u32 s6, $0x1;
	s7 =	sadd.s32 s8, s7;
	s29 =	smul.u32 $0x280, s9  }
0xc: {  	s11 =	sshrl.u32 s10, $0x3;
	s30 =	sadd.s32 s7, s4;
	s7 =	sshrl.u32 s7, $0x3  }
0xd: {  	s12 =	ssub.s32 s6, s31;
	s8 =	sadd.s32 s29, s4;
	s7 =	sadd.s32 s7, s4  }
0xe: {  	s4 =	sadd.s32 s5, s11;
	s5 =	sadd.s32 s10, s2;
	s9 =	sadd.s32 $0x7BDC00, s30  }
0xf: {  	s10 =	simm.s32 $0x8930;
	s11 =	simm.s32 $0x1;
	s6 =	sadd.s32 $0x544000, s8  }
0x10: {  	s7 =	sadd.s32 $0x5A800, s7;
	s8 =	smax.u32 s12, $0x1;
	s12 =	simm.s32 $0x30  }
.LBB2_1:
0x11: {  	[tilespmem:s10], [sflag:$0x1] =	stream.linear.gather [hbm4b:s4+s3], $0x7530, $0x38;
	[tilespmem:$0x17390] =	vst v63  }
0x12: {  	_ =	swait.ge [sflag:s11], $0x7530  }
0x13: {  	[sflag:s11] =	ssyncset.done $0x0  }
0x14: {  	[sflag:s11] =	ssyncadd.s32 $0xFFFF8AD0  }
0x15: {  	[spmem:s5] =	stream.linear.scatter [tilespmem:s10], [sflag:$0x1], $0x7530, $0x38;
	[tilespmem:$0x17390] =	vst v63  }
0x16: {  	_ =	swait.ge [sflag:s11], $0x7530  }
0x17: {  	[sflag:s11] =	ssyncset.done $0x0  }
0x18: {  	[sflag:s11] =	ssyncadd.s32 $0xFFFF8AD0  }
0x19: {  	[bflag:$0x0] =	sbarrier.arrive $0xFFFF  }
0x1a: {  	[tilespmem:s3], [sflag:$0x1] =	stream.linear.gather [hbm4b:s6+s3], $0x1400, $0x38;
	[tilespmem:$0x17390] =	vst v63  }
0x1b: {  	_ =	swait.ge [sflag:s11], $0x1400  }
0x1c: {  	[sflag:s11] =	ssyncset.done $0x0  }
0x1d: {  	[sflag:s11] =	ssyncadd.s32 $0xFFFFEC00  }
0x1e: {  	[tilespmem:s14], [sflag:$0x1] =	stream.strided.gather [hbm4b:s9+s12], $0x7530, s13, s12, $0x38;
	[tilespmem:$0x17390] =	vst v63  }
0x1f: {  	_ =	swait.ge [sflag:s11], $0x7530  }
0x20: {  	[sflag:s11] =	ssyncset.done $0x0  }
0x21: {  	s21 =	simm.s32 $0x0;
	[sflag:s11] =	ssyncadd.s32 $0xFFFF8AD0  }
0x22: {  	[spmem:s2] =	stream.indirect.scatter.add.f32 [tilespmem:s14], [sflag:$0x1], $0x30, s21, s15, $0xb8;
	[tilespmem:$0x17390] =	vst v63  }
0x23: {  	_ =	swait.ge [sflag:s11], $0x1770  }
0x24: {  	[sflag:s11] =	ssyncset.done $0x0  }
0x25: {  	s28 =	simm.s32 $0x80;
	[sflag:s11] =	ssyncadd.s32 $0xFFFFE890  }
0x26: {  	[spmem:s2] =	stream.indirect.scatter.add.f32 [tilespmem:s16], [sflag:$0x1], $0x30, s28, s15, $0xb8;
	[tilespmem:$0x17390] =	vst v63  }
0x27: {  	_ =	swait.ge [sflag:s11], $0x1770  }
0x28: {  	[sflag:s11] =	ssyncset.done $0x0  }
0x29: {  	s29 =	simm.s32 $0x100;
	[sflag:s11] =	ssyncadd.s32 $0xFFFFE890  }
0x2a: {  	[spmem:s2] =	stream.indirect.scatter.add.f32 [tilespmem:s17], [sflag:$0x1], $0x30, s29, s15, $0xb8;
	[tilespmem:$0x17390] =	vst v63  }
0x2b: {  	_ =	swait.ge [sflag:s11], $0x1770  }
0x2c: {  	[sflag:s11] =	ssyncset.done $0x0  }
0x2d: {  	s30 =	simm.s32 $0x180;
	[sflag:s11] =	ssyncadd.s32 $0xFFFFE890  }
0x2e: {  	[spmem:s2] =	stream.indirect.scatter.add.f32 [tilespmem:s18], [sflag:$0x1], $0x30, s30, s15, $0xb8;
	[tilespmem:$0x17390] =	vst v63  }
0x2f: {  	_ =	swait.ge [sflag:s11], $0x1770  }
0x30: {  	[sflag:s11] =	ssyncset.done $0x0  }
0x31: {  	s31 =	simm.s32 $0x200;
	[sflag:s11] =	ssyncadd.s32 $0xFFFFE890  }
0x32: {  	[spmem:s2] =	stream.indirect.scatter.add.f32 [tilespmem:s19], [sflag:$0x1], $0x30, s31, s15, $0xb8;
	[tilespmem:$0x17390] =	vst v63  }
0x33: {  	_ =	swait.ge [sflag:s11], $0x1770  }
0x34: {  	s22 =	smov.u32 s9;
	s21 =	simm.s32 $0xA00;
	[sflag:s11] =	ssyncset.done $0x0  }
.LBB2_2:
0x35: {  	p0 =	sne.s32 s21, $0x4600;
	[sflag:s11] =	ssyncadd.s32 $0xFFFFE890;
	s22 =	sadd.s32 $0x2710, s22  }
0x36: {  	[tilespmem:s14], [sflag:$0x1] =	stream.strided.gather [hbm4b:s22+s12], $0x7530, s13, s12, $0x38;
	[tilespmem:$0x17390] =	vst v63  }
0x37: {  	s23 =	smov.u32 s21;
	s21 =	sadd.s32 $0xA00, s21;
	_ =	swait.ge [sflag:s11], $0x7530  }
0x38: {  	[sflag:s11] =	ssyncset.done $0x0  }
0x39: {  	s23 =	sshra.s32 s23, $0x2;
	[sflag:s11] =	ssyncadd.s32 $0xFFFF8AD0  }
0x3a: {  	[spmem:s2] =	stream.indirect.scatter.add.f32 [tilespmem:s14], [sflag:$0x1], $0x30, s23, s15, $0xb8;
	[tilespmem:$0x17390] =	vst v63  }
0x3b: {  	_ =	swait.ge [sflag:s11], $0x1770  }
0x3c: {  	[sflag:s11] =	ssyncset.done $0x0  }
0x3d: {  	s24 =	sadd.s32 $0x80, s23;
	[sflag:s11] =	ssyncadd.s32 $0xFFFFE890  }
0x3e: {  	[spmem:s2] =	stream.indirect.scatter.add.f32 [tilespmem:s16], [sflag:$0x1], $0x30, s24, s15, $0xb8;
	[tilespmem:$0x17390] =	vst v63  }
0x3f: {  	_ =	swait.ge [sflag:s11], $0x1770  }
0x40: {  	[sflag:s11] =	ssyncset.done $0x0  }
0x41: {  	s24 =	sadd.s32 $0x100, s23;
	[sflag:s11] =	ssyncadd.s32 $0xFFFFE890  }
0x42: {  	[spmem:s2] =	stream.indirect.scatter.add.f32 [tilespmem:s17], [sflag:$0x1], $0x30, s24, s15, $0xb8;
	[tilespmem:$0x17390] =	vst v63  }
0x43: {  	_ =	swait.ge [sflag:s11], $0x1770  }
0x44: {  	[sflag:s11] =	ssyncset.done $0x0  }
0x45: {  	s24 =	sadd.s32 $0x180, s23;
	[sflag:s11] =	ssyncadd.s32 $0xFFFFE890  }
0x46: {  	[spmem:s2] =	stream.indirect.scatter.add.f32 [tilespmem:s18], [sflag:$0x1], $0x30, s24, s15, $0xb8;
	[tilespmem:$0x17390] =	vst v63  }
0x47: {  	_ =	swait.ge [sflag:s11], $0x1770  }
.Ltmp0:
0x48: {  	[sflag:s11] =	ssyncset.done $0x0;
	(pc) =	sbr.rel @p0 .LBB2_2-.Ltmp0, $4  }
0x49: {  	s23 =	sadd.s32 $0x200, s23;
	[sflag:s11] =	ssyncadd.s32 $0xFFFFE890  }
0x4a: {  	[spmem:s2] =	stream.indirect.scatter.add.f32 [tilespmem:s19], [sflag:$0x1], $0x30, s23, s15, $0xb8;
	[tilespmem:$0x17390] =	vst v63  }
0x4b: {  	_ =	swait.ge [sflag:s11], $0x1770  }
0x4c: {  	[sflag:s11] =	ssyncset.done $0x0  }
0x4d: {  	[sflag:s11] =	ssyncadd.s32 $0xFFFFE890  }
0x4e: {  	[bflag:$0x0] =	sbarrier.arrive $0xFFFF  }
0x4f: {  	[tilespmem:s10], [sflag:$0x1] =	stream.linear.gather [spmem:s5], $0x7530, $0x38;
	[tilespmem:$0x17390] =	vst v63  }
0x50: {  	s20 =	sadd.s32 $0x1, s20;
	_ =	swait.ge [sflag:s11], $0x7530  }
0x51: {  	p0 =	sne.s32 s20, s8;
	[sflag:s11] =	ssyncset.done $0x0  }
.Ltmp1:
0x52: {  	[sflag:s11] =	ssyncadd.s32 $0xFFFF8AD0;
	(pc) =	sbr.rel @p0 .LBB2_1-.Ltmp1, $4  }
0x53: {  	[hbm4b:s7+s12] =	stream.strided.scatter [tilespmem:s10], [sflag:$0x1], $0x7530, s13, s12, $0x38;
	[tilespmem:$0x17390] =	vst v63  }
0x54: {  	_ =	swait.ge [sflag:s11], $0x7530  }
0x55: {  	[sflag:s11] =	ssyncset.done $0x0  }
0x56: {  	[sflag:s11] =	ssyncadd.s32 $0xFFFF8AD0  }
0x57: {  	_ =	sfence.sel $0x180000  }
0x58: {  	[bflag:$0x0] =	sbarrier.arrive $0xFFFF  }
0x59: {  	p0 =	sne.s32 s0, $0x0;
	_ =	strace $0x90000056  }
0x5a: {  	s0 =	sadd.s32 @!p0 $0x100000, s1;
	[bflag:$0x2] =	sbarrier.arrive $0xFFFF  }
0x5b: {  	[sflag:s0] =	ssyncadd.tile.s32 @!p0 $0x1;
	_ =	shalt  }
.Lfunc_end2:
_tile_overlayer_lowered:
.L_overlay_start_2:
0x5c: {  	(tag) =	ssettag $0x2  }
0x5d: {  	s0 =	rddreg [dreg:$0x0];
	s2 =	stileid.u32  }
0x5e: {  	s1 =	rddreg [dreg:$0x1];
	p0 =	sne.s32 s2, $0x0  }
0x5f: {  	s3 =	rddreg [dreg:$0x2];
	[bflag:$0x3] =	sbarrier.arrive $0xFFFF;
	s2 =	simm.s32 @!p0 $0x1C01  }
0x60: {  	[timem:s3], [sflag:s2] =	dma.local @!p0 [hbm:s0], s1  }
0x61: {  	s0 =	simm.s32 @!p0 $0x1  }
0x62: {  	_ =	swait.ge @!p0 [sflag:s0], s1  }
0x63: {  	s1 =	ssub.s32 @!p0 $0x0, s1;
	[sflag:s0] =	ssyncset.done @!p0 $0x0  }
0x64: {  	[sflag:s0] =	ssyncadd.s32 @!p0 s1  }
0x65: {  	[bflag:$0x3] =	sbarrier.arrive $0xFFFF  }
0x66: {  	_ =	shalt  }

</sc_bundles>
